<compile_context>
chip_gen: v7x
topology: tpu7x:2x2x1
jax: 0.10.2.dev20260603
libtpu: 0.0.44.dev20260713+nightly
codegen_flags: <defaults>
</compile_context>

<pallas_src>
import functools

import jax
import jax.numpy as jnp
from jax import lax
from jax.experimental import pallas as pl
from jax.experimental.pallas import tpu as pltpu
from jax.experimental.pallas import tpu_sc as plsc

N = 10000
NPAD = 10112
E = 320000
CH = 128
CPT = E // CH
NC, NS = 2, 16
NW = NC * NS
KA, KB = 76, 80
NBUF = 4
STRIPE = NPAD // NS
BN_EPS = 1e-5
BLK = 2000



def _tile_chunks(cid, sid):
    wid = sid * NC + cid
    nch = jnp.where(wid < 15, KA, KB)
    base = jnp.where(wid < 15, wid * KA, 15 * KA + (wid - 15) * KB)
    return nch, base


def _sc_deg_body(edge_hbm, ones_hbm, zeros_hbm, out_hbm, dst_v, ones_v, acc):
    cid = lax.axis_index("c")
    sid = lax.axis_index("s")
    nch, base = _tile_chunks(cid, sid)
    pltpu.sync_copy(edge_hbm.at[1, pl.ds(base, KB)], dst_v)
    pltpu.sync_copy(ones_hbm, ones_v)
    pltpu.sync_copy(zeros_hbm, acc.at[pl.ds(sid * STRIPE, STRIPE)])
    plsc.subcore_barrier()

    def body(c, carry):
        pltpu.sync_copy(ones_v, acc.at[dst_v.at[c]], add=True)
        return carry

    lax.fori_loop(0, nch, body, 0)
    plsc.subcore_barrier()
    pltpu.sync_copy(acc.at[pl.ds(sid * STRIPE, STRIPE)],
                    out_hbm.at[cid, pl.ds(sid * STRIPE, STRIPE)])


def _sc_agg_body(nh, *refs):
    g_hbms = refs[:nh]
    (edge_hbm, zeros_hbm, out_hbm,
     src_v, dst_v, buf0, buf1, buf2, buf3,
     acc, sem0, sem1, sem2, sem3) = refs[nh:]
    cid = lax.axis_index("c")
    sid = lax.axis_index("s")
    nch, base = _tile_chunks(cid, sid)
    bufs = (buf0, buf1, buf2, buf3)
    sems = (sem0, sem1, sem2, sem3)
    pltpu.sync_copy(edge_hbm.at[0, pl.ds(base, KB)], src_v)
    pltpu.sync_copy(edge_hbm.at[1, pl.ds(base, KB)], dst_v)
    for h, g_hbm in enumerate(g_hbms):
        pltpu.sync_copy(zeros_hbm, acc.at[pl.ds(sid * STRIPE, STRIPE)])
        plsc.subcore_barrier()
        for b in range(NBUF):
            pltpu.async_copy(g_hbm.at[src_v.at[b]], bufs[b], sems[b])

        def body(t, carry):
            for b in range(NBUF):
                c = NBUF * t + b
                pltpu.make_async_copy(g_hbm.at[src_v.at[c]],
                                      bufs[b], sems[b]).wait()
                pltpu.sync_copy(bufs[b], acc.at[dst_v.at[c]], add=True)

                @pl.when(c + NBUF < nch)
                def _():
                    pltpu.async_copy(g_hbm.at[src_v.at[c + NBUF]],
                                     bufs[b], sems[b])
            return carry

        lax.fori_loop(0, nch // NBUF, body, 0)
        plsc.subcore_barrier()
        pltpu.sync_copy(acc.at[pl.ds(sid * STRIPE, STRIPE)],
                        out_hbm.at[h, cid, pl.ds(sid * STRIPE, STRIPE)])


def _make_mesh():
    return plsc.VectorSubcoreMesh(core_axis_name="c", subcore_axis_name="s")


def _sc_deg(edge3, ones16, zeros16):
    return pl.kernel(
        _sc_deg_body,
        out_type=jax.ShapeDtypeStruct((NC, NPAD, 16), jnp.float32),
        mesh=_make_mesh(),
        compiler_params=pltpu.CompilerParams(use_tc_tiling_on_sc=False),
        scratch_types=[
            pltpu.VMEM((KB, CH), jnp.int32),
            pltpu.VMEM((CH, 16), jnp.float32),
            pltpu.VMEM_SHARED((NPAD, 16), jnp.float32),
        ],
    )(edge3, ones16, zeros16)


def _sc_agg(gs, edge3, zeros):
    nh = len(gs)
    d = gs[0].shape[1]
    return pl.kernel(
        functools.partial(_sc_agg_body, nh),
        out_type=jax.ShapeDtypeStruct((nh, NC, NPAD, d), jnp.float32),
        mesh=_make_mesh(),
        compiler_params=pltpu.CompilerParams(use_tc_tiling_on_sc=False),
        scratch_types=[
            pltpu.VMEM((KB, CH), jnp.int32),
            pltpu.VMEM((KB, CH), jnp.int32),
            pltpu.VMEM((CH, d), jnp.float32),
            pltpu.VMEM((CH, d), jnp.float32),
            pltpu.VMEM((CH, d), jnp.float32),
            pltpu.VMEM((CH, d), jnp.float32),
            pltpu.VMEM_SHARED((NPAD, d), jnp.float32),
            pltpu.SemaphoreType.DMA,
            pltpu.SemaphoreType.DMA,
            pltpu.SemaphoreType.DMA,
            pltpu.SemaphoreType.DMA,
        ],
    )(*gs, edge3, zeros)



def _rows(d):
    return pl.BlockSpec((BLK, d), lambda i: (i, 0))


def _full(r, c):
    return pl.BlockSpec((r, c), lambda i: (0, 0))


def _degp_spec():
    return pl.BlockSpec((2, BLK, 16), lambda i: (0, i, 0))


def _dis_of(degp_ref):
    deg = degp_ref[0, :, 0:1] + degp_ref[1, :, 0:1] + 1.0
    return lax.rsqrt(jnp.maximum(deg, 1.0))


def _tc_a_body(x_ref, w_ref, degp_ref, gl_ref, gr_ref):
    dis = _dis_of(degp_ref)
    hw = jnp.dot(x_ref[...], w_ref[...], preferred_element_type=jnp.float32)
    g = hw * dis
    gl_ref[...] = g[:, :64]
    gr_ref[...] = g[:, 64:]


def _tc_a(x, w, degp):
    d_in, d_out = w.shape
    return pl.pallas_call(
        _tc_a_body,
        grid=(N // BLK,),
        in_specs=[_rows(d_in), _full(d_in, d_out), _degp_spec()],
        out_specs=[_rows(64), _rows(64)],
        out_shape=[jax.ShapeDtypeStruct((N, 64), jnp.float32),
                   jax.ShapeDtypeStruct((N, 64), jnp.float32)],
    )(x, w, degp)


def _tc_cb_body(a_ref, gl_ref, gr_ref, degp_ref, b_ref, gam_ref, bet_ref,
                w_ref, *rest):
    out_refs, pre_s, st_s = rest[:-2], rest[-2], rest[-1]
    p = pl.program_id(0)
    i = pl.program_id(1)

    @pl.when(p == 0)
    def _():
        dis = _dis_of(degp_ref)
        prel = (a_ref[0, 0] + a_ref[0, 1] + gl_ref[...]) * dis + b_ref[0:1, :64]
        prer = (a_ref[1, 0] + a_ref[1, 1] + gr_ref[...]) * dis + b_ref[0:1, 64:]
        pre = jnp.concatenate([prel, prer], axis=1)
        pre_s[pl.ds(i * BLK, BLK), :] = pre

        @pl.when(i == 0)
        def _():
            st_s[...] = jnp.zeros_like(st_s)
        s = jnp.sum(pre, axis=0, keepdims=True)
        sq = jnp.sum(pre * pre, axis=0, keepdims=True)
        pad = jnp.zeros((6, 128), jnp.float32)
        st_s[...] += jnp.concatenate([s, sq, pad], axis=0)
        for r in out_refs:
            r[...] = jnp.zeros_like(r)

    @pl.when(p == 1)
    def _():
        pre = pre_s[pl.ds(i * BLK, BLK), :]
        m = st_s[0:1, :] / N
        v = st_s[1:2, :] / N - m * m
        h = gam_ref[0:1, :] * (pre - m) * lax.rsqrt(v + BN_EPS) + bet_ref[0:1, :]
        h = jnp.maximum(h, 0.0)
        dis = _dis_of(degp_ref)
        g = jnp.dot(h, w_ref[...], preferred_element_type=jnp.float32) * dis
        if len(out_refs) == 1:
            out_refs[0][...] = g
        else:
            out_refs[0][...] = g[:, :64]
            out_refs[1][...] = g[:, 64:]


def _tc_cb(a, gl, gr, degp, b8, gam8, bet8, w):
    d_in, d_out = w.shape
    ph = lambda p, i: jnp.where(p == 0, i, 0)
    ph1 = lambda p, i: jnp.where(p == 1, i, 0)
    if d_out == 128:
        out_specs = [pl.BlockSpec((BLK, 64), lambda p, i: (ph1(p, i), 0)),
                     pl.BlockSpec((BLK, 64), lambda p, i: (ph1(p, i), 0))]
        out_shape = [jax.ShapeDtypeStruct((N, 64), jnp.float32),
                     jax.ShapeDtypeStruct((N, 64), jnp.float32)]
    else:
        out_specs = pl.BlockSpec((BLK, d_out), lambda p, i: (ph1(p, i), 0))
        out_shape = jax.ShapeDtypeStruct((N, d_out), jnp.float32)
    return pl.pallas_call(
        _tc_cb_body,
        grid=(2, N // BLK),
        in_specs=[pl.BlockSpec((2, 2, BLK, 64), lambda p, i: (0, 0, ph(p, i), 0)),
                  pl.BlockSpec((BLK, 64), lambda p, i: (ph(p, i), 0)),
                  pl.BlockSpec((BLK, 64), lambda p, i: (ph(p, i), 0)),
                  pl.BlockSpec((2, BLK, 16), lambda p, i: (0, i, 0)),
                  pl.BlockSpec((8, 128), lambda p, i: (0, 0)),
                  pl.BlockSpec((8, 128), lambda p, i: (0, 0)),
                  pl.BlockSpec((8, 128), lambda p, i: (0, 0)),
                  pl.BlockSpec((d_in, d_out), lambda p, i: (0, 0))],
        out_specs=out_specs,
        out_shape=out_shape,
        scratch_shapes=[pltpu.VMEM((N, 128), jnp.float32),
                        pltpu.VMEM((8, 128), jnp.float32)],
    )(a, gl, gr, degp, b8, gam8, bet8, w)


def _tc_final_body(a_ref, g_ref, degp_ref, b_ref, out_ref):
    dis = _dis_of(degp_ref)
    out_ref[...] = (a_ref[0, 0] + a_ref[0, 1] + g_ref[...]) * dis + b_ref[0:1, :]


def _tc_final(a, g, degp, b8):
    d = g.shape[1]
    return pl.pallas_call(
        _tc_final_body,
        grid=(N // BLK,),
        in_specs=[pl.BlockSpec((1, 2, BLK, d), lambda i: (0, 0, i, 0)),
                  _rows(d), _degp_spec(), _full(8, d)],
        out_specs=_rows(d),
        out_shape=jax.ShapeDtypeStruct((N, d), jnp.float32),
    )(a, g, degp, b8)



def _row8(v):
    return jnp.broadcast_to(v.reshape(1, -1), (8, v.shape[0]))


def kernel(x, edge_index, W1, b1, g1, be1, W2, b2, g2, be2, W3, b3):
    edge3 = edge_index.reshape(2, CPT, CH)
    zeros64 = jnp.zeros((STRIPE, 64), jnp.float32)
    zeros16 = jnp.zeros((STRIPE, 16), jnp.float32)
    ones16 = jnp.ones((CH, 16), jnp.float32)

    degp = _sc_deg(edge3, ones16, zeros16)

    gl, gr = _tc_a(x, W1, degp)
    a = _sc_agg((gl, gr), edge3, zeros64)
    gl, gr = _tc_cb(a, gl, gr, degp, _row8(b1), _row8(g1), _row8(be1), W2)
    a = _sc_agg((gl, gr), edge3, zeros64)
    gx = _tc_cb(a, gl, gr, degp, _row8(b2), _row8(g2), _row8(be2), W3)
    a = _sc_agg((gx,), edge3, zeros64)
    return _tc_final(a, gx, degp, _row8(b3))

# --- scband reference (transcript-rebuilt; emitter-appended) ---
"""Pipeline reference for scband-gcn-51402168598673 (READ-ONLY COPY).

The authoritative reference and input builder live on the scoring server;
editing this copy changes nothing except your own understanding.
"""

import jax, jax.numpy as jnp
import numpy as np

N = 10000
E = 320000
D_IN = 128
D_H = 128
D_OUT = 64


def setup_inputs(seed: int = 0) -> dict:
    key = jax.random.key(seed)
    ks = jax.random.split(key, 16)
    x = jax.random.normal(ks[0], (N, D_IN), dtype=jnp.float32)
    edge_index = jax.random.randint(ks[1], (2, E), 0, N, dtype=jnp.int32)
    def glorot(k, fan_in, fan_out):
        s = jnp.sqrt(6.0 / (fan_in + fan_out))
        return jax.random.uniform(k, (fan_in, fan_out), jnp.float32, -s, s)
    W1 = glorot(ks[2], D_IN, D_H)
    b1 = jnp.zeros((D_H,), jnp.float32)
    W2 = glorot(ks[3], D_H, D_H)
    b2 = jnp.zeros((D_H,), jnp.float32)
    W3 = glorot(ks[4], D_H, D_OUT)
    b3 = jnp.zeros((D_OUT,), jnp.float32)
    g1 = jnp.ones((D_H,), jnp.float32)
    be1 = jnp.zeros((D_H,), jnp.float32)
    g2 = jnp.ones((D_H,), jnp.float32)
    be2 = jnp.zeros((D_H,), jnp.float32)
    return {"x": x, "edge_index": edge_index, "W1": W1, "b1": b1, "g1": g1,
            "be1": be1, "W2": W2, "b2": b2, "g2": g2, "be2": be2,
            "W3": W3, "b3": b3}


def _build_graph(edge_index):
    # add self-loops (GCNConv default) and compute symmetric normalization
    sl = jnp.arange(N, dtype=edge_index.dtype)
    src = jnp.concatenate([edge_index[0], sl])
    dst = jnp.concatenate([edge_index[1], sl])
    deg = jnp.zeros((N,), jnp.float32).at[dst].add(1.0)
    dis = jax.lax.rsqrt(jnp.maximum(deg, 1.0))
    norm = dis[src] * dis[dst]
    return src, dst, norm


def _gcn_conv(h, src, dst, norm, W, b):
    h = h @ W
    msg = h[src] * norm[:, None]
    out = jax.ops.segment_sum(msg, dst, num_segments=N)
    return out + b


def _bn(h, gamma, beta, eps=1e-5):
    m = jnp.mean(h, axis=0)
    v = jnp.var(h, axis=0)
    return gamma * (h - m) * jax.lax.rsqrt(v + eps) + beta


def reference(x, edge_index, W1, b1, g1, be1, W2, b2, g2, be2, W3, b3):
    src, dst, norm = _build_graph(edge_index)
    h = _gcn_conv(x, src, dst, norm, W1, b1)
    h = jax.nn.relu(_bn(h, g1, be1))
    # dropout is identity in eval mode
    h = _gcn_conv(h, src, dst, norm, W2, b2)
    h = jax.nn.relu(_bn(h, g2, be2))
    out = _gcn_conv(h, src, dst, norm, W3, b3)
    return out

if __name__ == "__main__":
    import jax
    _d = setup_inputs()
    print(jax.jit(kernel)(*tuple(_d.values())))

</pallas_src>

<mosaic_0001>
#map = affine_map<(d0, d1) -> (0, 0)>
#map1 = affine_map<(d0, d1) -> (0, 0, 0)>
#map2 = affine_map<(d0, d1) -> (0, 0, 0, 0)>
module attributes {stable_mosaic.version = 14 : i64} {
  func.func @_sc_agg_body(%arg0: i32, %arg1: i32, %arg2: memref<10000x64xf32, #tpu.memory_space<hbm>>, %arg3: memref<10000x64xf32, #tpu.memory_space<hbm>>, %arg4: memref<2x2500x128xi32, #tpu.memory_space<hbm>>, %arg5: memref<632x64xf32, #tpu.memory_space<hbm>>, %arg6: memref<2x2x10112x64xf32, #tpu.memory_space<hbm>>, %arg7: memref<80x128xi32, #tpu.memory_space<vmem>>, %arg8: memref<80x128xi32, #tpu.memory_space<vmem>>, %arg9: memref<128x64xf32, #tpu.memory_space<vmem>>, %arg10: memref<128x64xf32, #tpu.memory_space<vmem>>, %arg11: memref<128x64xf32, #tpu.memory_space<vmem>>, %arg12: memref<128x64xf32, #tpu.memory_space<vmem>>, %arg13: memref<10112x64xf32, #tpu.memory_space<vmem_shared>>, %arg14: memref<!tpu.dma_semaphore, #tpu.memory_space<semaphore_mem>>, %arg15: memref<!tpu.dma_semaphore, #tpu.memory_space<semaphore_mem>>, %arg16: memref<!tpu.dma_semaphore, #tpu.memory_space<semaphore_mem>>, %arg17: memref<!tpu.dma_semaphore, #tpu.memory_space<semaphore_mem>>) attributes {dimension_semantics = [#tpu.dimension_semantics<core_parallel>, #tpu.dimension_semantics<subcore_parallel>], iteration_bounds = array<i64: 2, 16>, scalar_prefetch = 0 : i64, scratch_operands = 11 : i64, tpu.core_type = #tpu.core_type<sc_vector_subcore>, window_params = [{transform_indices = #map}, {transform_indices = #map}, {transform_indices = #map1}, {transform_indices = #map}, {transform_indices = #map2}]} {
    %mul3A = arith.constant 2 : i32
    %mul3A_0 = arith.muli %arg1, %mul3A : i32
    %add3A = arith.addi %mul3A_0, %arg0 : i32
    %lt3A = arith.constant 15 : i32
    %lt3A_1 = arith.cmpi slt, %add3A, %lt3A : i32
    %jit3A = arith.constant 76 : i32
    %jit3A_2 = arith.constant 80 : i32
    %select_n3A = arith.select %lt3A_1, %jit3A, %jit3A_2 : i32
    %lt3A_3 = arith.constant 15 : i32
    %lt3A_4 = arith.cmpi slt, %add3A, %lt3A_3 : i32
    %mul3A_5 = arith.constant 76 : i32
    %mul3A_6 = arith.muli %add3A, %mul3A_5 : i32
    %sub3A = arith.constant 15 : i32
    %sub3A_7 = arith.subi %add3A, %sub3A : i32
    %mul3A_8 = arith.constant 80 : i32
    %mul3A_9 = arith.muli %sub3A_7, %mul3A_8 : i32
    %add3A_10 = arith.constant 1140 : i32
    %add3A_11 = arith.addi %add3A_10, %mul3A_9 : i32
    %select_n3A_12 = arith.select %lt3A_4, %mul3A_6, %add3A_11 : i32
    %run_scoped3A = arith.constant 0 : i32
    "tpu.region"() ({
      %run_scoped3A_148 = tpu.sem_alloc : memref<!tpu.dma_semaphore, #tpu.memory_space<semaphore_mem>>
      %dma_start3A_149 = arith.constant 0 : i32
      %dma_start3A_150 = tpu.memref_slice %arg4[%run_scoped3A, %select_n3A_12, %dma_start3A_149] : memref<2x2500x128xi32, #tpu.memory_space<hbm>> -> memref<1x80x128xi32, #tpu.memory_space<hbm>>
      %dma_start3A_151 = tpu.memref_squeeze %dma_start3A_150 : memref<1x80x128xi32, #tpu.memory_space<hbm>> -> memref<80x128xi32, #tpu.memory_space<hbm>>
      %dma_start3A_152 = arith.constant 0 : i32
      %dma_start3A_153 = tpu.memref_slice %arg4[%run_scoped3A, %select_n3A_12, %dma_start3A_152] : memref<2x2500x128xi32, #tpu.memory_space<hbm>> -> memref<1x80x128xi32, #tpu.memory_space<hbm>>
      %dma_start3A_154 = tpu.memref_squeeze %dma_start3A_153 : memref<1x80x128xi32, #tpu.memory_space<hbm>> -> memref<80x128xi32, #tpu.memory_space<hbm>>
      tpu.enqueue_dma source(%dma_start3A_154 : memref<80x128xi32, #tpu.memory_space<hbm>>) target(%arg7 : memref<80x128xi32, #tpu.memory_space<vmem>>) target_semaphore(%run_scoped3A_148 : memref<!tpu.dma_semaphore, #tpu.memory_space<semaphore_mem>>)
      %dma_wait3A = arith.constant 0 : i32
      %dma_wait3A_155 = tpu.memref_slice %arg4[%run_scoped3A, %select_n3A_12, %dma_wait3A] : memref<2x2500x128xi32, #tpu.memory_space<hbm>> -> memref<1x80x128xi32, #tpu.memory_space<hbm>>
      %dma_wait3A_156 = tpu.memref_squeeze %dma_wait3A_155 : memref<1x80x128xi32, #tpu.memory_space<hbm>> -> memref<80x128xi32, #tpu.memory_space<hbm>>
      %dma_wait3A_157 = arith.constant 0 : i32
      %dma_wait3A_158 = tpu.memref_slice %arg4[%run_scoped3A, %select_n3A_12, %dma_wait3A_157] : memref<2x2500x128xi32, #tpu.memory_space<hbm>> -> memref<1x80x128xi32, #tpu.memory_space<hbm>>
      %dma_wait3A_159 = tpu.memref_squeeze %dma_wait3A_158 : memref<1x80x128xi32, #tpu.memory_space<hbm>> -> memref<80x128xi32, #tpu.memory_space<hbm>>
      tpu.wait_dma2 semaphore(%run_scoped3A_148 : memref<!tpu.dma_semaphore, #tpu.memory_space<semaphore_mem>>) src(%dma_wait3A_159 : memref<80x128xi32, #tpu.memory_space<hbm>>) dst(%arg7 : memref<80x128xi32, #tpu.memory_space<vmem>>)
      tpu.yield
    }) : () -> ()
    %run_scoped3A_13 = arith.constant 1 : i32
    "tpu.region"() ({
      %run_scoped3A_148 = tpu.sem_alloc : memref<!tpu.dma_semaphore, #tpu.memory_space<semaphore_mem>>
      %dma_start3A_149 = arith.constant 0 : i32
      %dma_start3A_150 = tpu.memref_slice %arg4[%run_scoped3A_13, %select_n3A_12, %dma_start3A_149] : memref<2x2500x128xi32, #tpu.memory_space<hbm>> -> memref<1x80x128xi32, #tpu.memory_space<hbm>>
      %dma_start3A_151 = tpu.memref_squeeze %dma_start3A_150 : memref<1x80x128xi32, #tpu.memory_space<hbm>> -> memref<80x128xi32, #tpu.memory_space<hbm>>
      %dma_start3A_152 = arith.constant 0 : i32
      %dma_start3A_153 = tpu.memref_slice %arg4[%run_scoped3A_13, %select_n3A_12, %dma_start3A_152] : memref<2x2500x128xi32, #tpu.memory_space<hbm>> -> memref<1x80x128xi32, #tpu.memory_space<hbm>>
      %dma_start3A_154 = tpu.memref_squeeze %dma_start3A_153 : memref<1x80x128xi32, #tpu.memory_space<hbm>> -> memref<80x128xi32, #tpu.memory_space<hbm>>
      tpu.enqueue_dma source(%dma_start3A_154 : memref<80x128xi32, #tpu.memory_space<hbm>>) target(%arg8 : memref<80x128xi32, #tpu.memory_space<vmem>>) target_semaphore(%run_scoped3A_148 : memref<!tpu.dma_semaphore, #tpu.memory_space<semaphore_mem>>)
      %dma_wait3A = arith.constant 0 : i32
      %dma_wait3A_155 = tpu.memref_slice %arg4[%run_scoped3A_13, %select_n3A_12, %dma_wait3A] : memref<2x2500x128xi32, #tpu.memory_space<hbm>> -> memref<1x80x128xi32, #tpu.memory_space<hbm>>
      %dma_wait3A_156 = tpu.memref_squeeze %dma_wait3A_155 : memref<1x80x128xi32, #tpu.memory_space<hbm>> -> memref<80x128xi32, #tpu.memory_space<hbm>>
      %dma_wait3A_157 = arith.constant 0 : i32
      %dma_wait3A_158 = tpu.memref_slice %arg4[%run_scoped3A_13, %select_n3A_12, %dma_wait3A_157] : memref<2x2500x128xi32, #tpu.memory_space<hbm>> -> memref<1x80x128xi32, #tpu.memory_space<hbm>>
      %dma_wait3A_159 = tpu.memref_squeeze %dma_wait3A_158 : memref<1x80x128xi32, #tpu.memory_space<hbm>> -> memref<80x128xi32, #tpu.memory_space<hbm>>
      tpu.wait_dma2 semaphore(%run_scoped3A_148 : memref<!tpu.dma_semaphore, #tpu.memory_space<semaphore_mem>>) src(%dma_wait3A_159 : memref<80x128xi32, #tpu.memory_space<hbm>>) dst(%arg8 : memref<80x128xi32, #tpu.memory_space<vmem>>)
      tpu.yield
    }) : () -> ()
    %mul3A_14 = arith.constant 632 : i32
    %mul3A_15 = arith.muli %arg1, %mul3A_14 : i32
    "tpu.region"() ({
      %run_scoped3A_148 = tpu.sem_alloc : memref<!tpu.dma_semaphore, #tpu.memory_space<semaphore_mem>>
      %dma_start3A_149 = arith.constant 0 : i32
      %dma_start3A_150 = tpu.memref_slice %arg13[%mul3A_15, %dma_start3A_149] : memref<10112x64xf32, #tpu.memory_space<vmem_shared>> -> memref<632x64xf32, #tpu.memory_space<vmem_shared>>
      tpu.enqueue_dma source(%arg5 : memref<632x64xf32, #tpu.memory_space<hbm>>) target(%dma_start3A_150 : memref<632x64xf32, #tpu.memory_space<vmem_shared>>) target_semaphore(%run_scoped3A_148 : memref<!tpu.dma_semaphore, #tpu.memory_space<semaphore_mem>>)
      %dma_wait3A = arith.constant 0 : i32
      %dma_wait3A_151 = tpu.memref_slice %arg13[%mul3A_15, %dma_wait3A] : memref<10112x64xf32, #tpu.memory_space<vmem_shared>> -> memref<632x64xf32, #tpu.memory_space<vmem_shared>>
      tpu.wait_dma2 semaphore(%run_scoped3A_148 : memref<!tpu.dma_semaphore, #tpu.memory_space<semaphore_mem>>) src(%arg5 : memref<632x64xf32, #tpu.memory_space<hbm>>) dst(%dma_wait3A_151 : memref<632x64xf32, #tpu.memory_space<vmem_shared>>)
      tpu.yield
    }) : () -> ()
    %barrier3A = arith.constant 0 : index
    tpu.barrier barrier_id(%barrier3A)
    %dma_start3A = arith.constant 0 : i32
    %dma_start3A_16 = arith.constant 0 : i32
    %dma_start3A_17 = tpu.memref_slice %arg7[%dma_start3A, %dma_start3A_16] : memref<80x128xi32, #tpu.memory_space<vmem>> -> memref<1x128xi32, #tpu.memory_space<vmem>>
    %dma_start3A_18 = tpu.memref_squeeze %dma_start3A_17 : memref<1x128xi32, #tpu.memory_space<vmem>> -> memref<128xi32, #tpu.memory_space<vmem>>
    %dma_start3A_19 = arith.constant 0 : i32
    %dma_start3A_20 = arith.constant 0 : i32
    %dma_start3A_21 = tpu.memref_slice %arg2[%dma_start3A_19, %dma_start3A_20] : memref<10000x64xf32, #tpu.memory_space<hbm>> -> memref<10000x64xf32, #tpu.memory_space<hbm>>
    tpu.enqueue_indirect_dma source(%dma_start3A_21 : memref<10000x64xf32, #tpu.memory_space<hbm>>) target(%arg9 : memref<128x64xf32, #tpu.memory_space<vmem>>) offsets(%dma_start3A_18 : memref<128xi32, #tpu.memory_space<vmem>>) semaphore(%arg14 : memref<!tpu.dma_semaphore, #tpu.memory_space<semaphore_mem>>)
    %dma_start3A_22 = arith.constant 1 : i32
    %dma_start3A_23 = arith.constant 0 : i32
    %dma_start3A_24 = tpu.memref_slice %arg7[%dma_start3A_22, %dma_start3A_23] : memref<80x128xi32, #tpu.memory_space<vmem>> -> memref<1x128xi32, #tpu.memory_space<vmem>>
    %dma_start3A_25 = tpu.memref_squeeze %dma_start3A_24 : memref<1x128xi32, #tpu.memory_space<vmem>> -> memref<128xi32, #tpu.memory_space<vmem>>
    %dma_start3A_26 = arith.constant 0 : i32
    %dma_start3A_27 = arith.constant 0 : i32
    %dma_start3A_28 = tpu.memref_slice %arg2[%dma_start3A_26, %dma_start3A_27] : memref<10000x64xf32, #tpu.memory_space<hbm>> -> memref<10000x64xf32, #tpu.memory_space<hbm>>
    tpu.enqueue_indirect_dma source(%dma_start3A_28 : memref<10000x64xf32, #tpu.memory_space<hbm>>) target(%arg10 : memref<128x64xf32, #tpu.memory_space<vmem>>) offsets(%dma_start3A_25 : memref<128xi32, #tpu.memory_space<vmem>>) semaphore(%arg15 : memref<!tpu.dma_semaphore, #tpu.memory_space<semaphore_mem>>)
    %dma_start3A_29 = arith.constant 2 : i32
    %dma_start3A_30 = arith.constant 0 : i32
    %dma_start3A_31 = tpu.memref_slice %arg7[%dma_start3A_29, %dma_start3A_30] : memref<80x128xi32, #tpu.memory_space<vmem>> -> memref<1x128xi32, #tpu.memory_space<vmem>>
    %dma_start3A_32 = tpu.memref_squeeze %dma_start3A_31 : memref<1x128xi32, #tpu.memory_space<vmem>> -> memref<128xi32, #tpu.memory_space<vmem>>
    %dma_start3A_33 = arith.constant 0 : i32
    %dma_start3A_34 = arith.constant 0 : i32
    %dma_start3A_35 = tpu.memref_slice %arg2[%dma_start3A_33, %dma_start3A_34] : memref<10000x64xf32, #tpu.memory_space<hbm>> -> memref<10000x64xf32, #tpu.memory_space<hbm>>
    tpu.enqueue_indirect_dma source(%dma_start3A_35 : memref<10000x64xf32, #tpu.memory_space<hbm>>) target(%arg11 : memref<128x64xf32, #tpu.memory_space<vmem>>) offsets(%dma_start3A_32 : memref<128xi32, #tpu.memory_space<vmem>>) semaphore(%arg16 : memref<!tpu.dma_semaphore, #tpu.memory_space<semaphore_mem>>)
    %dma_start3A_36 = arith.constant 3 : i32
    %dma_start3A_37 = arith.constant 0 : i32
    %dma_start3A_38 = tpu.memref_slice %arg7[%dma_start3A_36, %dma_start3A_37] : memref<80x128xi32, #tpu.memory_space<vmem>> -> memref<1x128xi32, #tpu.memory_space<vmem>>
    %dma_start3A_39 = tpu.memref_squeeze %dma_start3A_38 : memref<1x128xi32, #tpu.memory_space<vmem>> -> memref<128xi32, #tpu.memory_space<vmem>>
    %dma_start3A_40 = arith.constant 0 : i32
    %dma_start3A_41 = arith.constant 0 : i32
    %dma_start3A_42 = tpu.memref_slice %arg2[%dma_start3A_40, %dma_start3A_41] : memref<10000x64xf32, #tpu.memory_space<hbm>> -> memref<10000x64xf32, #tpu.memory_space<hbm>>
    tpu.enqueue_indirect_dma source(%dma_start3A_42 : memref<10000x64xf32, #tpu.memory_space<hbm>>) target(%arg12 : memref<128x64xf32, #tpu.memory_space<vmem>>) offsets(%dma_start3A_39 : memref<128xi32, #tpu.memory_space<vmem>>) semaphore(%arg17 : memref<!tpu.dma_semaphore, #tpu.memory_space<semaphore_mem>>)
    %jit3A_43 = arith.constant 4 : i32
    %div3A = arith.divsi %select_n3A, %jit3A_43 : i32
    %sign3A = arith.constant 0 : i32
    %sign3A_44 = arith.cmpi sgt, %select_n3A, %sign3A : i32
    %sign3A_45 = arith.extui %sign3A_44 : i1 to i32
    %sign3A_46 = arith.constant 0 : i32
    %sign3A_47 = arith.cmpi slt, %select_n3A, %sign3A_46 : i32
    %sign3A_48 = arith.extui %sign3A_47 : i1 to i32
    %sign3A_49 = arith.subi %sign3A_45, %sign3A_48 : i32
    %sign3A_50 = arith.constant 0 : i32
    %sign3A_51 = arith.cmpi sgt, %jit3A_43, %sign3A_50 : i32
    %sign3A_52 = arith.extui %sign3A_51 : i1 to i32
    %sign3A_53 = arith.constant 0 : i32
    %sign3A_54 = arith.cmpi slt, %jit3A_43, %sign3A_53 : i32
    %sign3A_55 = arith.extui %sign3A_54 : i1 to i32
    %sign3A_56 = arith.subi %sign3A_52, %sign3A_55 : i32
    %ne3A = arith.cmpi ne, %sign3A_49, %sign3A_56 : i32
    %rem3A = arith.remsi %select_n3A, %jit3A_43 : i32
    %ne3A_57 = arith.constant 0 : i32
    %ne3A_58 = arith.cmpi ne, %rem3A, %ne3A_57 : i32
    %and3A = arith.andi %ne3A, %ne3A_58 : i1
    %sub3A_59 = arith.constant 1 : i32
    %sub3A_60 = arith.subi %div3A, %sub3A_59 : i32
    %select_n3A_61 = arith.select %and3A, %sub3A_60, %div3A : i32
    %while3A = arith.constant 0 : i32
    %while3A_62 = arith.constant 0 : i32
    %while3A_63 = arith.subi %select_n3A_61, %while3A_62 : i32
    %while3A_64 = arith.addi %while3A_62, %while3A_63 : i32
    %while3A_65 = arith.constant 1 : i32
    %while3A_66 = arith.divsi %while3A_63, %while3A_65 : i32
    %while3A_67 = arith.muli %while3A_66, %while3A_65 : i32
    %while3A_68 = arith.addi %while3A_62, %while3A_67 : i32
    %while3A_69 = arith.constant 1 : i32
    scf.for %while3A_148 = %while3A_62 to %while3A_68 step %while3A_69  : i32 {
      %mul3A_149 = arith.constant 4 : i32
      %mul3A_150 = arith.muli %mul3A_149, %while3A_148 : i32
      %add3A_151 = arith.constant 0 : i32
      %add3A_152 = arith.addi %mul3A_150, %add3A_151 : i32
      %dma_wait3A = arith.constant 0 : i32
      %dma_wait3A_153 = tpu.memref_slice %arg7[%add3A_152, %dma_wait3A] : memref<80x128xi32, #tpu.memory_space<vmem>> -> memref<1x128xi32, #tpu.memory_space<vmem>>
      %dma_wait3A_154 = tpu.memref_squeeze %dma_wait3A_153 : memref<1x128xi32, #tpu.memory_space<vmem>> -> memref<128xi32, #tpu.memory_space<vmem>>
      %dma_wait3A_155 = arith.constant 0 : i32
      %dma_wait3A_156 = arith.constant 0 : i32
      %dma_wait3A_157 = tpu.memref_slice %arg2[%dma_wait3A_155, %dma_wait3A_156] : memref<10000x64xf32, #tpu.memory_space<hbm>> -> memref<10000x64xf32, #tpu.memory_space<hbm>>
      tpu.wait_indirect_dma semaphore(%arg14 : memref<!tpu.dma_semaphore, #tpu.memory_space<semaphore_mem>>) src(%dma_wait3A_157 : memref<10000x64xf32, #tpu.memory_space<hbm>>) dst(%arg9 : memref<128x64xf32, #tpu.memory_space<vmem>>)
      "tpu.region"() ({
        %run_scoped3A_210 = tpu.sem_alloc : memref<!tpu.dma_semaphore, #tpu.memory_space<semaphore_mem>>
        %dma_start3A_211 = arith.constant 0 : i32
        %dma_start3A_212 = tpu.memref_slice %arg8[%add3A_152, %dma_start3A_211] : memref<80x128xi32, #tpu.memory_space<vmem>> -> memref<1x128xi32, #tpu.memory_space<vmem>>
        %dma_start3A_213 = tpu.memref_squeeze %dma_start3A_212 : memref<1x128xi32, #tpu.memory_space<vmem>> -> memref<128xi32, #tpu.memory_space<vmem>>
        %dma_start3A_214 = arith.constant 0 : i32
        %dma_start3A_215 = arith.constant 0 : i32
        %dma_start3A_216 = tpu.memref_slice %arg13[%dma_start3A_214, %dma_start3A_215] : memref<10112x64xf32, #tpu.memory_space<vmem_shared>> -> memref<10112x64xf32, #tpu.memory_space<vmem_shared>>
        tpu.enqueue_indirect_dma source(%arg9 : memref<128x64xf32, #tpu.memory_space<vmem>>) target(%dma_start3A_216 : memref<10112x64xf32, #tpu.memory_space<vmem_shared>>) offsets(%dma_start3A_213 : memref<128xi32, #tpu.memory_space<vmem>>) semaphore(%run_scoped3A_210 : memref<!tpu.dma_semaphore, #tpu.memory_space<semaphore_mem>>) {add = true}
        %dma_wait3A_217 = arith.constant 0 : i32
        %dma_wait3A_218 = tpu.memref_slice %arg8[%add3A_152, %dma_wait3A_217] : memref<80x128xi32, #tpu.memory_space<vmem>> -> memref<1x128xi32, #tpu.memory_space<vmem>>
        %dma_wait3A_219 = tpu.memref_squeeze %dma_wait3A_218 : memref<1x128xi32, #tpu.memory_space<vmem>> -> memref<128xi32, #tpu.memory_space<vmem>>
        %dma_wait3A_220 = arith.constant 0 : i32
        %dma_wait3A_221 = arith.constant 0 : i32
        %dma_wait3A_222 = tpu.memref_slice %arg13[%dma_wait3A_220, %dma_wait3A_221] : memref<10112x64xf32, #tpu.memory_space<vmem_shared>> -> memref<10112x64xf32, #tpu.memory_space<vmem_shared>>
        tpu.wait_indirect_dma semaphore(%run_scoped3A_210 : memref<!tpu.dma_semaphore, #tpu.memory_space<semaphore_mem>>) src(%arg9 : memref<128x64xf32, #tpu.memory_space<vmem>>) dst(%dma_wait3A_222 : memref<10112x64xf32, #tpu.memory_space<vmem_shared>>)
        tpu.yield
      }) : () -> ()
      %add3A_158 = arith.constant 4 : i32
      %add3A_159 = arith.addi %add3A_152, %add3A_158 : i32
      %lt3A_160 = arith.cmpi slt, %add3A_159, %select_n3A : i32
      %convert_element_type3A = arith.extui %lt3A_160 : i1 to i32
      %cond3A = arith.constant 0 : i32
      %cond3A_161 = arith.cmpi ne, %convert_element_type3A, %cond3A : i32
      scf.if %cond3A_161 {
        %add3A_210 = arith.constant 4 : i32
        %add3A_211 = arith.addi %add3A_152, %add3A_210 : i32
        %dma_start3A_212 = arith.constant 0 : i32
        %dma_start3A_213 = tpu.memref_slice %arg7[%add3A_211, %dma_start3A_212] : memref<80x128xi32, #tpu.memory_space<vmem>> -> memref<1x128xi32, #tpu.memory_space<vmem>>
        %dma_start3A_214 = tpu.memref_squeeze %dma_start3A_213 : memref<1x128xi32, #tpu.memory_space<vmem>> -> memref<128xi32, #tpu.memory_space<vmem>>
        %dma_start3A_215 = arith.constant 0 : i32
        %dma_start3A_216 = arith.constant 0 : i32
        %dma_start3A_217 = tpu.memref_slice %arg2[%dma_start3A_215, %dma_start3A_216] : memref<10000x64xf32, #tpu.memory_space<hbm>> -> memref<10000x64xf32, #tpu.memory_space<hbm>>
        tpu.enqueue_indirect_dma source(%dma_start3A_217 : memref<10000x64xf32, #tpu.memory_space<hbm>>) target(%arg9 : memref<128x64xf32, #tpu.memory_space<vmem>>) offsets(%dma_start3A_214 : memref<128xi32, #tpu.memory_space<vmem>>) semaphore(%arg14 : memref<!tpu.dma_semaphore, #tpu.memory_space<semaphore_mem>>)
      } else {
      }
      %mul3A_162 = arith.constant 4 : i32
      %mul3A_163 = arith.muli %mul3A_162, %while3A_148 : i32
      %add3A_164 = arith.constant 1 : i32
      %add3A_165 = arith.addi %mul3A_163, %add3A_164 : i32
      %dma_wait3A_166 = arith.constant 0 : i32
      %dma_wait3A_167 = tpu.memref_slice %arg7[%add3A_165, %dma_wait3A_166] : memref<80x128xi32, #tpu.memory_space<vmem>> -> memref<1x128xi32, #tpu.memory_space<vmem>>
      %dma_wait3A_168 = tpu.memref_squeeze %dma_wait3A_167 : memref<1x128xi32, #tpu.memory_space<vmem>> -> memref<128xi32, #tpu.memory_space<vmem>>
      %dma_wait3A_169 = arith.constant 0 : i32
      %dma_wait3A_170 = arith.constant 0 : i32
      %dma_wait3A_171 = tpu.memref_slice %arg2[%dma_wait3A_169, %dma_wait3A_170] : memref<10000x64xf32, #tpu.memory_space<hbm>> -> memref<10000x64xf32, #tpu.memory_space<hbm>>
      tpu.wait_indirect_dma semaphore(%arg15 : memref<!tpu.dma_semaphore, #tpu.memory_space<semaphore_mem>>) src(%dma_wait3A_171 : memref<10000x64xf32, #tpu.memory_space<hbm>>) dst(%arg10 : memref<128x64xf32, #tpu.memory_space<vmem>>)
      "tpu.region"() ({
        %run_scoped3A_210 = tpu.sem_alloc : memref<!tpu.dma_semaphore, #tpu.memory_space<semaphore_mem>>
        %dma_start3A_211 = arith.constant 0 : i32
        %dma_start3A_212 = tpu.memref_slice %arg8[%add3A_165, %dma_start3A_211] : memref<80x128xi32, #tpu.memory_space<vmem>> -> memref<1x128xi32, #tpu.memory_space<vmem>>
        %dma_start3A_213 = tpu.memref_squeeze %dma_start3A_212 : memref<1x128xi32, #tpu.memory_space<vmem>> -> memref<128xi32, #tpu.memory_space<vmem>>
        %dma_start3A_214 = arith.constant 0 : i32
        %dma_start3A_215 = arith.constant 0 : i32
        %dma_start3A_216 = tpu.memref_slice %arg13[%dma_start3A_214, %dma_start3A_215] : memref<10112x64xf32, #tpu.memory_space<vmem_shared>> -> memref<10112x64xf32, #tpu.memory_space<vmem_shared>>
        tpu.enqueue_indirect_dma source(%arg10 : memref<128x64xf32, #tpu.memory_space<vmem>>) target(%dma_start3A_216 : memref<10112x64xf32, #tpu.memory_space<vmem_shared>>) offsets(%dma_start3A_213 : memref<128xi32, #tpu.memory_space<vmem>>) semaphore(%run_scoped3A_210 : memref<!tpu.dma_semaphore, #tpu.memory_space<semaphore_mem>>) {add = true}
        %dma_wait3A_217 = arith.constant 0 : i32
        %dma_wait3A_218 = tpu.memref_slice %arg8[%add3A_165, %dma_wait3A_217] : memref<80x128xi32, #tpu.memory_space<vmem>> -> memref<1x128xi32, #tpu.memory_space<vmem>>
        %dma_wait3A_219 = tpu.memref_squeeze %dma_wait3A_218 : memref<1x128xi32, #tpu.memory_space<vmem>> -> memref<128xi32, #tpu.memory_space<vmem>>
        %dma_wait3A_220 = arith.constant 0 : i32
        %dma_wait3A_221 = arith.constant 0 : i32
        %dma_wait3A_222 = tpu.memref_slice %arg13[%dma_wait3A_220, %dma_wait3A_221] : memref<10112x64xf32, #tpu.memory_space<vmem_shared>> -> memref<10112x64xf32, #tpu.memory_space<vmem_shared>>
        tpu.wait_indirect_dma semaphore(%run_scoped3A_210 : memref<!tpu.dma_semaphore, #tpu.memory_space<semaphore_mem>>) src(%arg10 : memref<128x64xf32, #tpu.memory_space<vmem>>) dst(%dma_wait3A_222 : memref<10112x64xf32, #tpu.memory_space<vmem_shared>>)
        tpu.yield
      }) : () -> ()
      %add3A_172 = arith.constant 4 : i32
      %add3A_173 = arith.addi %add3A_165, %add3A_172 : i32
      %lt3A_174 = arith.cmpi slt, %add3A_173, %select_n3A : i32
      %convert_element_type3A_175 = arith.extui %lt3A_174 : i1 to i32
      %cond3A_176 = arith.constant 0 : i32
      %cond3A_177 = arith.cmpi ne, %convert_element_type3A_175, %cond3A_176 : i32
      scf.if %cond3A_177 {
        %add3A_210 = arith.constant 4 : i32
        %add3A_211 = arith.addi %add3A_165, %add3A_210 : i32
        %dma_start3A_212 = arith.constant 0 : i32
        %dma_start3A_213 = tpu.memref_slice %arg7[%add3A_211, %dma_start3A_212] : memref<80x128xi32, #tpu.memory_space<vmem>> -> memref<1x128xi32, #tpu.memory_space<vmem>>
        %dma_start3A_214 = tpu.memref_squeeze %dma_start3A_213 : memref<1x128xi32, #tpu.memory_space<vmem>> -> memref<128xi32, #tpu.memory_space<vmem>>
        %dma_start3A_215 = arith.constant 0 : i32
        %dma_start3A_216 = arith.constant 0 : i32
        %dma_start3A_217 = tpu.memref_slice %arg2[%dma_start3A_215, %dma_start3A_216] : memref<10000x64xf32, #tpu.memory_space<hbm>> -> memref<10000x64xf32, #tpu.memory_space<hbm>>
        tpu.enqueue_indirect_dma source(%dma_start3A_217 : memref<10000x64xf32, #tpu.memory_space<hbm>>) target(%arg10 : memref<128x64xf32, #tpu.memory_space<vmem>>) offsets(%dma_start3A_214 : memref<128xi32, #tpu.memory_space<vmem>>) semaphore(%arg15 : memref<!tpu.dma_semaphore, #tpu.memory_space<semaphore_mem>>)
      } else {
      }
      %mul3A_178 = arith.constant 4 : i32
      %mul3A_179 = arith.muli %mul3A_178, %while3A_148 : i32
      %add3A_180 = arith.constant 2 : i32
      %add3A_181 = arith.addi %mul3A_179, %add3A_180 : i32
      %dma_wait3A_182 = arith.constant 0 : i32
      %dma_wait3A_183 = tpu.memref_slice %arg7[%add3A_181, %dma_wait3A_182] : memref<80x128xi32, #tpu.memory_space<vmem>> -> memref<1x128xi32, #tpu.memory_space<vmem>>
      %dma_wait3A_184 = tpu.memref_squeeze %dma_wait3A_183 : memref<1x128xi32, #tpu.memory_space<vmem>> -> memref<128xi32, #tpu.memory_space<vmem>>
      %dma_wait3A_185 = arith.constant 0 : i32
      %dma_wait3A_186 = arith.constant 0 : i32
      %dma_wait3A_187 = tpu.memref_slice %arg2[%dma_wait3A_185, %dma_wait3A_186] : memref<10000x64xf32, #tpu.memory_space<hbm>> -> memref<10000x64xf32, #tpu.memory_space<hbm>>
      tpu.wait_indirect_dma semaphore(%arg16 : memref<!tpu.dma_semaphore, #tpu.memory_space<semaphore_mem>>) src(%dma_wait3A_187 : memref<10000x64xf32, #tpu.memory_space<hbm>>) dst(%arg11 : memref<128x64xf32, #tpu.memory_space<vmem>>)
      "tpu.region"() ({
        %run_scoped3A_210 = tpu.sem_alloc : memref<!tpu.dma_semaphore, #tpu.memory_space<semaphore_mem>>
        %dma_start3A_211 = arith.constant 0 : i32
        %dma_start3A_212 = tpu.memref_slice %arg8[%add3A_181, %dma_start3A_211] : memref<80x128xi32, #tpu.memory_space<vmem>> -> memref<1x128xi32, #tpu.memory_space<vmem>>
        %dma_start3A_213 = tpu.memref_squeeze %dma_start3A_212 : memref<1x128xi32, #tpu.memory_space<vmem>> -> memref<128xi32, #tpu.memory_space<vmem>>
        %dma_start3A_214 = arith.constant 0 : i32
        %dma_start3A_215 = arith.constant 0 : i32
        %dma_start3A_216 = tpu.memref_slice %arg13[%dma_start3A_214, %dma_start3A_215] : memref<10112x64xf32, #tpu.memory_space<vmem_shared>> -> memref<10112x64xf32, #tpu.memory_space<vmem_shared>>
        tpu.enqueue_indirect_dma source(%arg11 : memref<128x64xf32, #tpu.memory_space<vmem>>) target(%dma_start3A_216 : memref<10112x64xf32, #tpu.memory_space<vmem_shared>>) offsets(%dma_start3A_213 : memref<128xi32, #tpu.memory_space<vmem>>) semaphore(%run_scoped3A_210 : memref<!tpu.dma_semaphore, #tpu.memory_space<semaphore_mem>>) {add = true}
        %dma_wait3A_217 = arith.constant 0 : i32
        %dma_wait3A_218 = tpu.memref_slice %arg8[%add3A_181, %dma_wait3A_217] : memref<80x128xi32, #tpu.memory_space<vmem>> -> memref<1x128xi32, #tpu.memory_space<vmem>>
        %dma_wait3A_219 = tpu.memref_squeeze %dma_wait3A_218 : memref<1x128xi32, #tpu.memory_space<vmem>> -> memref<128xi32, #tpu.memory_space<vmem>>
        %dma_wait3A_220 = arith.constant 0 : i32
        %dma_wait3A_221 = arith.constant 0 : i32
        %dma_wait3A_222 = tpu.memref_slice %arg13[%dma_wait3A_220, %dma_wait3A_221] : memref<10112x64xf32, #tpu.memory_space<vmem_shared>> -> memref<10112x64xf32, #tpu.memory_space<vmem_shared>>
        tpu.wait_indirect_dma semaphore(%run_scoped3A_210 : memref<!tpu.dma_semaphore, #tpu.memory_space<semaphore_mem>>) src(%arg11 : memref<128x64xf32, #tpu.memory_space<vmem>>) dst(%dma_wait3A_222 : memref<10112x64xf32, #tpu.memory_space<vmem_shared>>)
        tpu.yield
      }) : () -> ()
      %add3A_188 = arith.constant 4 : i32
      %add3A_189 = arith.addi %add3A_181, %add3A_188 : i32
      %lt3A_190 = arith.cmpi slt, %add3A_189, %select_n3A : i32
      %convert_element_type3A_191 = arith.extui %lt3A_190 : i1 to i32
      %cond3A_192 = arith.constant 0 : i32
      %cond3A_193 = arith.cmpi ne, %convert_element_type3A_191, %cond3A_192 : i32
      scf.if %cond3A_193 {
        %add3A_210 = arith.constant 4 : i32
        %add3A_211 = arith.addi %add3A_181, %add3A_210 : i32
        %dma_start3A_212 = arith.constant 0 : i32
        %dma_start3A_213 = tpu.memref_slice %arg7[%add3A_211, %dma_start3A_212] : memref<80x128xi32, #tpu.memory_space<vmem>> -> memref<1x128xi32, #tpu.memory_space<vmem>>
        %dma_start3A_214 = tpu.memref_squeeze %dma_start3A_213 : memref<1x128xi32, #tpu.memory_space<vmem>> -> memref<128xi32, #tpu.memory_space<vmem>>
        %dma_start3A_215 = arith.constant 0 : i32
        %dma_start3A_216 = arith.constant 0 : i32
        %dma_start3A_217 = tpu.memref_slice %arg2[%dma_start3A_215, %dma_start3A_216] : memref<10000x64xf32, #tpu.memory_space<hbm>> -> memref<10000x64xf32, #tpu.memory_space<hbm>>
        tpu.enqueue_indirect_dma source(%dma_start3A_217 : memref<10000x64xf32, #tpu.memory_space<hbm>>) target(%arg11 : memref<128x64xf32, #tpu.memory_space<vmem>>) offsets(%dma_start3A_214 : memref<128xi32, #tpu.memory_space<vmem>>) semaphore(%arg16 : memref<!tpu.dma_semaphore, #tpu.memory_space<semaphore_mem>>)
      } else {
      }
      %mul3A_194 = arith.constant 4 : i32
      %mul3A_195 = arith.muli %mul3A_194, %while3A_148 : i32
      %add3A_196 = arith.constant 3 : i32
      %add3A_197 = arith.addi %mul3A_195, %add3A_196 : i32
      %dma_wait3A_198 = arith.constant 0 : i32
      %dma_wait3A_199 = tpu.memref_slice %arg7[%add3A_197, %dma_wait3A_198] : memref<80x128xi32, #tpu.memory_space<vmem>> -> memref<1x128xi32, #tpu.memory_space<vmem>>
      %dma_wait3A_200 = tpu.memref_squeeze %dma_wait3A_199 : memref<1x128xi32, #tpu.memory_space<vmem>> -> memref<128xi32, #tpu.memory_space<vmem>>
      %dma_wait3A_201 = arith.constant 0 : i32
      %dma_wait3A_202 = arith.constant 0 : i32
      %dma_wait3A_203 = tpu.memref_slice %arg2[%dma_wait3A_201, %dma_wait3A_202] : memref<10000x64xf32, #tpu.memory_space<hbm>> -> memref<10000x64xf32, #tpu.memory_space<hbm>>
      tpu.wait_indirect_dma semaphore(%arg17 : memref<!tpu.dma_semaphore, #tpu.memory_space<semaphore_mem>>) src(%dma_wait3A_203 : memref<10000x64xf32, #tpu.memory_space<hbm>>) dst(%arg12 : memref<128x64xf32, #tpu.memory_space<vmem>>)
      "tpu.region"() ({
        %run_scoped3A_210 = tpu.sem_alloc : memref<!tpu.dma_semaphore, #tpu.memory_space<semaphore_mem>>
        %dma_start3A_211 = arith.constant 0 : i32
        %dma_start3A_212 = tpu.memref_slice %arg8[%add3A_197, %dma_start3A_211] : memref<80x128xi32, #tpu.memory_space<vmem>> -> memref<1x128xi32, #tpu.memory_space<vmem>>
        %dma_start3A_213 = tpu.memref_squeeze %dma_start3A_212 : memref<1x128xi32, #tpu.memory_space<vmem>> -> memref<128xi32, #tpu.memory_space<vmem>>
        %dma_start3A_214 = arith.constant 0 : i32
        %dma_start3A_215 = arith.constant 0 : i32
        %dma_start3A_216 = tpu.memref_slice %arg13[%dma_start3A_214, %dma_start3A_215] : memref<10112x64xf32, #tpu.memory_space<vmem_shared>> -> memref<10112x64xf32, #tpu.memory_space<vmem_shared>>
        tpu.enqueue_indirect_dma source(%arg12 : memref<128x64xf32, #tpu.memory_space<vmem>>) target(%dma_start3A_216 : memref<10112x64xf32, #tpu.memory_space<vmem_shared>>) offsets(%dma_start3A_213 : memref<128xi32, #tpu.memory_space<vmem>>) semaphore(%run_scoped3A_210 : memref<!tpu.dma_semaphore, #tpu.memory_space<semaphore_mem>>) {add = true}
        %dma_wait3A_217 = arith.constant 0 : i32
        %dma_wait3A_218 = tpu.memref_slice %arg8[%add3A_197, %dma_wait3A_217] : memref<80x128xi32, #tpu.memory_space<vmem>> -> memref<1x128xi32, #tpu.memory_space<vmem>>
        %dma_wait3A_219 = tpu.memref_squeeze %dma_wait3A_218 : memref<1x128xi32, #tpu.memory_space<vmem>> -> memref<128xi32, #tpu.memory_space<vmem>>
        %dma_wait3A_220 = arith.constant 0 : i32
        %dma_wait3A_221 = arith.constant 0 : i32
        %dma_wait3A_222 = tpu.memref_slice %arg13[%dma_wait3A_220, %dma_wait3A_221] : memref<10112x64xf32, #tpu.memory_space<vmem_shared>> -> memref<10112x64xf32, #tpu.memory_space<vmem_shared>>
        tpu.wait_indirect_dma semaphore(%run_scoped3A_210 : memref<!tpu.dma_semaphore, #tpu.memory_space<semaphore_mem>>) src(%arg12 : memref<128x64xf32, #tpu.memory_space<vmem>>) dst(%dma_wait3A_222 : memref<10112x64xf32, #tpu.memory_space<vmem_shared>>)
        tpu.yield
      }) : () -> ()
      %add3A_204 = arith.constant 4 : i32
      %add3A_205 = arith.addi %add3A_197, %add3A_204 : i32
      %lt3A_206 = arith.cmpi slt, %add3A_205, %select_n3A : i32
      %convert_element_type3A_207 = arith.extui %lt3A_206 : i1 to i32
      %cond3A_208 = arith.constant 0 : i32
      %cond3A_209 = arith.cmpi ne, %convert_element_type3A_207, %cond3A_208 : i32
      scf.if %cond3A_209 {
        %add3A_210 = arith.constant 4 : i32
        %add3A_211 = arith.addi %add3A_197, %add3A_210 : i32
        %dma_start3A_212 = arith.constant 0 : i32
        %dma_start3A_213 = tpu.memref_slice %arg7[%add3A_211, %dma_start3A_212] : memref<80x128xi32, #tpu.memory_space<vmem>> -> memref<1x128xi32, #tpu.memory_space<vmem>>
        %dma_start3A_214 = tpu.memref_squeeze %dma_start3A_213 : memref<1x128xi32, #tpu.memory_space<vmem>> -> memref<128xi32, #tpu.memory_space<vmem>>
        %dma_start3A_215 = arith.constant 0 : i32
        %dma_start3A_216 = arith.constant 0 : i32
        %dma_start3A_217 = tpu.memref_slice %arg2[%dma_start3A_215, %dma_start3A_216] : memref<10000x64xf32, #tpu.memory_space<hbm>> -> memref<10000x64xf32, #tpu.memory_space<hbm>>
        tpu.enqueue_indirect_dma source(%dma_start3A_217 : memref<10000x64xf32, #tpu.memory_space<hbm>>) target(%arg12 : memref<128x64xf32, #tpu.memory_space<vmem>>) offsets(%dma_start3A_214 : memref<128xi32, #tpu.memory_space<vmem>>) semaphore(%arg17 : memref<!tpu.dma_semaphore, #tpu.memory_space<semaphore_mem>>)
      } else {
      }
    }
    %while3A_70 = arith.constant 1 : i32
    scf.for %while3A_148 = %while3A_68 to %while3A_64 step %while3A_70  : i32 {
      %mul3A_149 = arith.constant 4 : i32
      %mul3A_150 = arith.muli %mul3A_149, %while3A_148 : i32
      %add3A_151 = arith.constant 0 : i32
      %add3A_152 = arith.addi %mul3A_150, %add3A_151 : i32
      %dma_wait3A = arith.constant 0 : i32
      %dma_wait3A_153 = tpu.memref_slice %arg7[%add3A_152, %dma_wait3A] : memref<80x128xi32, #tpu.memory_space<vmem>> -> memref<1x128xi32, #tpu.memory_space<vmem>>
      %dma_wait3A_154 = tpu.memref_squeeze %dma_wait3A_153 : memref<1x128xi32, #tpu.memory_space<vmem>> -> memref<128xi32, #tpu.memory_space<vmem>>
      %dma_wait3A_155 = arith.constant 0 : i32
      %dma_wait3A_156 = arith.constant 0 : i32
      %dma_wait3A_157 = tpu.memref_slice %arg2[%dma_wait3A_155, %dma_wait3A_156] : memref<10000x64xf32, #tpu.memory_space<hbm>> -> memref<10000x64xf32, #tpu.memory_space<hbm>>
      tpu.wait_indirect_dma semaphore(%arg14 : memref<!tpu.dma_semaphore, #tpu.memory_space<semaphore_mem>>) src(%dma_wait3A_157 : memref<10000x64xf32, #tpu.memory_space<hbm>>) dst(%arg9 : memref<128x64xf32, #tpu.memory_space<vmem>>)
      "tpu.region"() ({
        %run_scoped3A_210 = tpu.sem_alloc : memref<!tpu.dma_semaphore, #tpu.memory_space<semaphore_mem>>
        %dma_start3A_211 = arith.constant 0 : i32
        %dma_start3A_212 = tpu.memref_slice %arg8[%add3A_152, %dma_start3A_211] : memref<80x128xi32, #tpu.memory_space<vmem>> -> memref<1x128xi32, #tpu.memory_space<vmem>>
        %dma_start3A_213 = tpu.memref_squeeze %dma_start3A_212 : memref<1x128xi32, #tpu.memory_space<vmem>> -> memref<128xi32, #tpu.memory_space<vmem>>
        %dma_start3A_214 = arith.constant 0 : i32
        %dma_start3A_215 = arith.constant 0 : i32
        %dma_start3A_216 = tpu.memref_slice %arg13[%dma_start3A_214, %dma_start3A_215] : memref<10112x64xf32, #tpu.memory_space<vmem_shared>> -> memref<10112x64xf32, #tpu.memory_space<vmem_shared>>
        tpu.enqueue_indirect_dma source(%arg9 : memref<128x64xf32, #tpu.memory_space<vmem>>) target(%dma_start3A_216 : memref<10112x64xf32, #tpu.memory_space<vmem_shared>>) offsets(%dma_start3A_213 : memref<128xi32, #tpu.memory_space<vmem>>) semaphore(%run_scoped3A_210 : memref<!tpu.dma_semaphore, #tpu.memory_space<semaphore_mem>>) {add = true}
        %dma_wait3A_217 = arith.constant 0 : i32
        %dma_wait3A_218 = tpu.memref_slice %arg8[%add3A_152, %dma_wait3A_217] : memref<80x128xi32, #tpu.memory_space<vmem>> -> memref<1x128xi32, #tpu.memory_space<vmem>>
        %dma_wait3A_219 = tpu.memref_squeeze %dma_wait3A_218 : memref<1x128xi32, #tpu.memory_space<vmem>> -> memref<128xi32, #tpu.memory_space<vmem>>
        %dma_wait3A_220 = arith.constant 0 : i32
        %dma_wait3A_221 = arith.constant 0 : i32
        %dma_wait3A_222 = tpu.memref_slice %arg13[%dma_wait3A_220, %dma_wait3A_221] : memref<10112x64xf32, #tpu.memory_space<vmem_shared>> -> memref<10112x64xf32, #tpu.memory_space<vmem_shared>>
        tpu.wait_indirect_dma semaphore(%run_scoped3A_210 : memref<!tpu.dma_semaphore, #tpu.memory_space<semaphore_mem>>) src(%arg9 : memref<128x64xf32, #tpu.memory_space<vmem>>) dst(%dma_wait3A_222 : memref<10112x64xf32, #tpu.memory_space<vmem_shared>>)
        tpu.yield
      }) : () -> ()
      %add3A_158 = arith.constant 4 : i32
      %add3A_159 = arith.addi %add3A_152, %add3A_158 : i32
      %lt3A_160 = arith.cmpi slt, %add3A_159, %select_n3A : i32
      %convert_element_type3A = arith.extui %lt3A_160 : i1 to i32
      %cond3A = arith.constant 0 : i32
      %cond3A_161 = arith.cmpi ne, %convert_element_type3A, %cond3A : i32
      scf.if %cond3A_161 {
        %add3A_210 = arith.constant 4 : i32
        %add3A_211 = arith.addi %add3A_152, %add3A_210 : i32
        %dma_start3A_212 = arith.constant 0 : i32
        %dma_start3A_213 = tpu.memref_slice %arg7[%add3A_211, %dma_start3A_212] : memref<80x128xi32, #tpu.memory_space<vmem>> -> memref<1x128xi32, #tpu.memory_space<vmem>>
        %dma_start3A_214 = tpu.memref_squeeze %dma_start3A_213 : memref<1x128xi32, #tpu.memory_space<vmem>> -> memref<128xi32, #tpu.memory_space<vmem>>
        %dma_start3A_215 = arith.constant 0 : i32
        %dma_start3A_216 = arith.constant 0 : i32
        %dma_start3A_217 = tpu.memref_slice %arg2[%dma_start3A_215, %dma_start3A_216] : memref<10000x64xf32, #tpu.memory_space<hbm>> -> memref<10000x64xf32, #tpu.memory_space<hbm>>
        tpu.enqueue_indirect_dma source(%dma_start3A_217 : memref<10000x64xf32, #tpu.memory_space<hbm>>) target(%arg9 : memref<128x64xf32, #tpu.memory_space<vmem>>) offsets(%dma_start3A_214 : memref<128xi32, #tpu.memory_space<vmem>>) semaphore(%arg14 : memref<!tpu.dma_semaphore, #tpu.memory_space<semaphore_mem>>)
      } else {
      }
      %mul3A_162 = arith.constant 4 : i32
      %mul3A_163 = arith.muli %mul3A_162, %while3A_148 : i32
      %add3A_164 = arith.constant 1 : i32
      %add3A_165 = arith.addi %mul3A_163, %add3A_164 : i32
      %dma_wait3A_166 = arith.constant 0 : i32
      %dma_wait3A_167 = tpu.memref_slice %arg7[%add3A_165, %dma_wait3A_166] : memref<80x128xi32, #tpu.memory_space<vmem>> -> memref<1x128xi32, #tpu.memory_space<vmem>>
      %dma_wait3A_168 = tpu.memref_squeeze %dma_wait3A_167 : memref<1x128xi32, #tpu.memory_space<vmem>> -> memref<128xi32, #tpu.memory_space<vmem>>
      %dma_wait3A_169 = arith.constant 0 : i32
      %dma_wait3A_170 = arith.constant 0 : i32
      %dma_wait3A_171 = tpu.memref_slice %arg2[%dma_wait3A_169, %dma_wait3A_170] : memref<10000x64xf32, #tpu.memory_space<hbm>> -> memref<10000x64xf32, #tpu.memory_space<hbm>>
      tpu.wait_indirect_dma semaphore(%arg15 : memref<!tpu.dma_semaphore, #tpu.memory_space<semaphore_mem>>) src(%dma_wait3A_171 : memref<10000x64xf32, #tpu.memory_space<hbm>>) dst(%arg10 : memref<128x64xf32, #tpu.memory_space<vmem>>)
      "tpu.region"() ({
        %run_scoped3A_210 = tpu.sem_alloc : memref<!tpu.dma_semaphore, #tpu.memory_space<semaphore_mem>>
        %dma_start3A_211 = arith.constant 0 : i32
        %dma_start3A_212 = tpu.memref_slice %arg8[%add3A_165, %dma_start3A_211] : memref<80x128xi32, #tpu.memory_space<vmem>> -> memref<1x128xi32, #tpu.memory_space<vmem>>
        %dma_start3A_213 = tpu.memref_squeeze %dma_start3A_212 : memref<1x128xi32, #tpu.memory_space<vmem>> -> memref<128xi32, #tpu.memory_space<vmem>>
        %dma_start3A_214 = arith.constant 0 : i32
        %dma_start3A_215 = arith.constant 0 : i32
        %dma_start3A_216 = tpu.memref_slice %arg13[%dma_start3A_214, %dma_start3A_215] : memref<10112x64xf32, #tpu.memory_space<vmem_shared>> -> memref<10112x64xf32, #tpu.memory_space<vmem_shared>>
        tpu.enqueue_indirect_dma source(%arg10 : memref<128x64xf32, #tpu.memory_space<vmem>>) target(%dma_start3A_216 : memref<10112x64xf32, #tpu.memory_space<vmem_shared>>) offsets(%dma_start3A_213 : memref<128xi32, #tpu.memory_space<vmem>>) semaphore(%run_scoped3A_210 : memref<!tpu.dma_semaphore, #tpu.memory_space<semaphore_mem>>) {add = true}
        %dma_wait3A_217 = arith.constant 0 : i32
        %dma_wait3A_218 = tpu.memref_slice %arg8[%add3A_165, %dma_wait3A_217] : memref<80x128xi32, #tpu.memory_space<vmem>> -> memref<1x128xi32, #tpu.memory_space<vmem>>
        %dma_wait3A_219 = tpu.memref_squeeze %dma_wait3A_218 : memref<1x128xi32, #tpu.memory_space<vmem>> -> memref<128xi32, #tpu.memory_space<vmem>>
        %dma_wait3A_220 = arith.constant 0 : i32
        %dma_wait3A_221 = arith.constant 0 : i32
        %dma_wait3A_222 = tpu.memref_slice %arg13[%dma_wait3A_220, %dma_wait3A_221] : memref<10112x64xf32, #tpu.memory_space<vmem_shared>> -> memref<10112x64xf32, #tpu.memory_space<vmem_shared>>
        tpu.wait_indirect_dma semaphore(%run_scoped3A_210 : memref<!tpu.dma_semaphore, #tpu.memory_space<semaphore_mem>>) src(%arg10 : memref<128x64xf32, #tpu.memory_space<vmem>>) dst(%dma_wait3A_222 : memref<10112x64xf32, #tpu.memory_space<vmem_shared>>)
        tpu.yield
      }) : () -> ()
      %add3A_172 = arith.constant 4 : i32
      %add3A_173 = arith.addi %add3A_165, %add3A_172 : i32
      %lt3A_174 = arith.cmpi slt, %add3A_173, %select_n3A : i32
      %convert_element_type3A_175 = arith.extui %lt3A_174 : i1 to i32
      %cond3A_176 = arith.constant 0 : i32
      %cond3A_177 = arith.cmpi ne, %convert_element_type3A_175, %cond3A_176 : i32
      scf.if %cond3A_177 {
        %add3A_210 = arith.constant 4 : i32
        %add3A_211 = arith.addi %add3A_165, %add3A_210 : i32
        %dma_start3A_212 = arith.constant 0 : i32
        %dma_start3A_213 = tpu.memref_slice %arg7[%add3A_211, %dma_start3A_212] : memref<80x128xi32, #tpu.memory_space<vmem>> -> memref<1x128xi32, #tpu.memory_space<vmem>>
        %dma_start3A_214 = tpu.memref_squeeze %dma_start3A_213 : memref<1x128xi32, #tpu.memory_space<vmem>> -> memref<128xi32, #tpu.memory_space<vmem>>
        %dma_start3A_215 = arith.constant 0 : i32
        %dma_start3A_216 = arith.constant 0 : i32
        %dma_start3A_217 = tpu.memref_slice %arg2[%dma_start3A_215, %dma_start3A_216] : memref<10000x64xf32, #tpu.memory_space<hbm>> -> memref<10000x64xf32, #tpu.memory_space<hbm>>
        tpu.enqueue_indirect_dma source(%dma_start3A_217 : memref<10000x64xf32, #tpu.memory_space<hbm>>) target(%arg10 : memref<128x64xf32, #tpu.memory_space<vmem>>) offsets(%dma_start3A_214 : memref<128xi32, #tpu.memory_space<vmem>>) semaphore(%arg15 : memref<!tpu.dma_semaphore, #tpu.memory_space<semaphore_mem>>)
      } else {
      }
      %mul3A_178 = arith.constant 4 : i32
      %mul3A_179 = arith.muli %mul3A_178, %while3A_148 : i32
      %add3A_180 = arith.constant 2 : i32
      %add3A_181 = arith.addi %mul3A_179, %add3A_180 : i32
      %dma_wait3A_182 = arith.constant 0 : i32
      %dma_wait3A_183 = tpu.memref_slice %arg7[%add3A_181, %dma_wait3A_182] : memref<80x128xi32, #tpu.memory_space<vmem>> -> memref<1x128xi32, #tpu.memory_space<vmem>>
      %dma_wait3A_184 = tpu.memref_squeeze %dma_wait3A_183 : memref<1x128xi32, #tpu.memory_space<vmem>> -> memref<128xi32, #tpu.memory_space<vmem>>
      %dma_wait3A_185 = arith.constant 0 : i32
      %dma_wait3A_186 = arith.constant 0 : i32
      %dma_wait3A_187 = tpu.memref_slice %arg2[%dma_wait3A_185, %dma_wait3A_186] : memref<10000x64xf32, #tpu.memory_space<hbm>> -> memref<10000x64xf32, #tpu.memory_space<hbm>>
      tpu.wait_indirect_dma semaphore(%arg16 : memref<!tpu.dma_semaphore, #tpu.memory_space<semaphore_mem>>) src(%dma_wait3A_187 : memref<10000x64xf32, #tpu.memory_space<hbm>>) dst(%arg11 : memref<128x64xf32, #tpu.memory_space<vmem>>)
      "tpu.region"() ({
        %run_scoped3A_210 = tpu.sem_alloc : memref<!tpu.dma_semaphore, #tpu.memory_space<semaphore_mem>>
        %dma_start3A_211 = arith.constant 0 : i32
        %dma_start3A_212 = tpu.memref_slice %arg8[%add3A_181, %dma_start3A_211] : memref<80x128xi32, #tpu.memory_space<vmem>> -> memref<1x128xi32, #tpu.memory_space<vmem>>
        %dma_start3A_213 = tpu.memref_squeeze %dma_start3A_212 : memref<1x128xi32, #tpu.memory_space<vmem>> -> memref<128xi32, #tpu.memory_space<vmem>>
        %dma_start3A_214 = arith.constant 0 : i32
        %dma_start3A_215 = arith.constant 0 : i32
        %dma_start3A_216 = tpu.memref_slice %arg13[%dma_start3A_214, %dma_start3A_215] : memref<10112x64xf32, #tpu.memory_space<vmem_shared>> -> memref<10112x64xf32, #tpu.memory_space<vmem_shared>>
        tpu.enqueue_indirect_dma source(%arg11 : memref<128x64xf32, #tpu.memory_space<vmem>>) target(%dma_start3A_216 : memref<10112x64xf32, #tpu.memory_space<vmem_shared>>) offsets(%dma_start3A_213 : memref<128xi32, #tpu.memory_space<vmem>>) semaphore(%run_scoped3A_210 : memref<!tpu.dma_semaphore, #tpu.memory_space<semaphore_mem>>) {add = true}
        %dma_wait3A_217 = arith.constant 0 : i32
        %dma_wait3A_218 = tpu.memref_slice %arg8[%add3A_181, %dma_wait3A_217] : memref<80x128xi32, #tpu.memory_space<vmem>> -> memref<1x128xi32, #tpu.memory_space<vmem>>
        %dma_wait3A_219 = tpu.memref_squeeze %dma_wait3A_218 : memref<1x128xi32, #tpu.memory_space<vmem>> -> memref<128xi32, #tpu.memory_space<vmem>>
        %dma_wait3A_220 = arith.constant 0 : i32
        %dma_wait3A_221 = arith.constant 0 : i32
        %dma_wait3A_222 = tpu.memref_slice %arg13[%dma_wait3A_220, %dma_wait3A_221] : memref<10112x64xf32, #tpu.memory_space<vmem_shared>> -> memref<10112x64xf32, #tpu.memory_space<vmem_shared>>
        tpu.wait_indirect_dma semaphore(%run_scoped3A_210 : memref<!tpu.dma_semaphore, #tpu.memory_space<semaphore_mem>>) src(%arg11 : memref<128x64xf32, #tpu.memory_space<vmem>>) dst(%dma_wait3A_222 : memref<10112x64xf32, #tpu.memory_space<vmem_shared>>)
        tpu.yield
      }) : () -> ()
      %add3A_188 = arith.constant 4 : i32
      %add3A_189 = arith.addi %add3A_181, %add3A_188 : i32
      %lt3A_190 = arith.cmpi slt, %add3A_189, %select_n3A : i32
      %convert_element_type3A_191 = arith.extui %lt3A_190 : i1 to i32
      %cond3A_192 = arith.constant 0 : i32
      %cond3A_193 = arith.cmpi ne, %convert_element_type3A_191, %cond3A_192 : i32
      scf.if %cond3A_193 {
        %add3A_210 = arith.constant 4 : i32
        %add3A_211 = arith.addi %add3A_181, %add3A_210 : i32
        %dma_start3A_212 = arith.constant 0 : i32
        %dma_start3A_213 = tpu.memref_slice %arg7[%add3A_211, %dma_start3A_212] : memref<80x128xi32, #tpu.memory_space<vmem>> -> memref<1x128xi32, #tpu.memory_space<vmem>>
        %dma_start3A_214 = tpu.memref_squeeze %dma_start3A_213 : memref<1x128xi32, #tpu.memory_space<vmem>> -> memref<128xi32, #tpu.memory_space<vmem>>
        %dma_start3A_215 = arith.constant 0 : i32
        %dma_start3A_216 = arith.constant 0 : i32
        %dma_start3A_217 = tpu.memref_slice %arg2[%dma_start3A_215, %dma_start3A_216] : memref<10000x64xf32, #tpu.memory_space<hbm>> -> memref<10000x64xf32, #tpu.memory_space<hbm>>
        tpu.enqueue_indirect_dma source(%dma_start3A_217 : memref<10000x64xf32, #tpu.memory_space<hbm>>) target(%arg11 : memref<128x64xf32, #tpu.memory_space<vmem>>) offsets(%dma_start3A_214 : memref<128xi32, #tpu.memory_space<vmem>>) semaphore(%arg16 : memref<!tpu.dma_semaphore, #tpu.memory_space<semaphore_mem>>)
      } else {
      }
      %mul3A_194 = arith.constant 4 : i32
      %mul3A_195 = arith.muli %mul3A_194, %while3A_148 : i32
      %add3A_196 = arith.constant 3 : i32
      %add3A_197 = arith.addi %mul3A_195, %add3A_196 : i32
      %dma_wait3A_198 = arith.constant 0 : i32
      %dma_wait3A_199 = tpu.memref_slice %arg7[%add3A_197, %dma_wait3A_198] : memref<80x128xi32, #tpu.memory_space<vmem>> -> memref<1x128xi32, #tpu.memory_space<vmem>>
      %dma_wait3A_200 = tpu.memref_squeeze %dma_wait3A_199 : memref<1x128xi32, #tpu.memory_space<vmem>> -> memref<128xi32, #tpu.memory_space<vmem>>
      %dma_wait3A_201 = arith.constant 0 : i32
      %dma_wait3A_202 = arith.constant 0 : i32
      %dma_wait3A_203 = tpu.memref_slice %arg2[%dma_wait3A_201, %dma_wait3A_202] : memref<10000x64xf32, #tpu.memory_space<hbm>> -> memref<10000x64xf32, #tpu.memory_space<hbm>>
      tpu.wait_indirect_dma semaphore(%arg17 : memref<!tpu.dma_semaphore, #tpu.memory_space<semaphore_mem>>) src(%dma_wait3A_203 : memref<10000x64xf32, #tpu.memory_space<hbm>>) dst(%arg12 : memref<128x64xf32, #tpu.memory_space<vmem>>)
      "tpu.region"() ({
        %run_scoped3A_210 = tpu.sem_alloc : memref<!tpu.dma_semaphore, #tpu.memory_space<semaphore_mem>>
        %dma_start3A_211 = arith.constant 0 : i32
        %dma_start3A_212 = tpu.memref_slice %arg8[%add3A_197, %dma_start3A_211] : memref<80x128xi32, #tpu.memory_space<vmem>> -> memref<1x128xi32, #tpu.memory_space<vmem>>
        %dma_start3A_213 = tpu.memref_squeeze %dma_start3A_212 : memref<1x128xi32, #tpu.memory_space<vmem>> -> memref<128xi32, #tpu.memory_space<vmem>>
        %dma_start3A_214 = arith.constant 0 : i32
        %dma_start3A_215 = arith.constant 0 : i32
        %dma_start3A_216 = tpu.memref_slice %arg13[%dma_start3A_214, %dma_start3A_215] : memref<10112x64xf32, #tpu.memory_space<vmem_shared>> -> memref<10112x64xf32, #tpu.memory_space<vmem_shared>>
        tpu.enqueue_indirect_dma source(%arg12 : memref<128x64xf32, #tpu.memory_space<vmem>>) target(%dma_start3A_216 : memref<10112x64xf32, #tpu.memory_space<vmem_shared>>) offsets(%dma_start3A_213 : memref<128xi32, #tpu.memory_space<vmem>>) semaphore(%run_scoped3A_210 : memref<!tpu.dma_semaphore, #tpu.memory_space<semaphore_mem>>) {add = true}
        %dma_wait3A_217 = arith.constant 0 : i32
        %dma_wait3A_218 = tpu.memref_slice %arg8[%add3A_197, %dma_wait3A_217] : memref<80x128xi32, #tpu.memory_space<vmem>> -> memref<1x128xi32, #tpu.memory_space<vmem>>
        %dma_wait3A_219 = tpu.memref_squeeze %dma_wait3A_218 : memref<1x128xi32, #tpu.memory_space<vmem>> -> memref<128xi32, #tpu.memory_space<vmem>>
        %dma_wait3A_220 = arith.constant 0 : i32
        %dma_wait3A_221 = arith.constant 0 : i32
        %dma_wait3A_222 = tpu.memref_slice %arg13[%dma_wait3A_220, %dma_wait3A_221] : memref<10112x64xf32, #tpu.memory_space<vmem_shared>> -> memref<10112x64xf32, #tpu.memory_space<vmem_shared>>
        tpu.wait_indirect_dma semaphore(%run_scoped3A_210 : memref<!tpu.dma_semaphore, #tpu.memory_space<semaphore_mem>>) src(%arg12 : memref<128x64xf32, #tpu.memory_space<vmem>>) dst(%dma_wait3A_222 : memref<10112x64xf32, #tpu.memory_space<vmem_shared>>)
        tpu.yield
      }) : () -> ()
      %add3A_204 = arith.constant 4 : i32
      %add3A_205 = arith.addi %add3A_197, %add3A_204 : i32
      %lt3A_206 = arith.cmpi slt, %add3A_205, %select_n3A : i32
      %convert_element_type3A_207 = arith.extui %lt3A_206 : i1 to i32
      %cond3A_208 = arith.constant 0 : i32
      %cond3A_209 = arith.cmpi ne, %convert_element_type3A_207, %cond3A_208 : i32
      scf.if %cond3A_209 {
        %add3A_210 = arith.constant 4 : i32
        %add3A_211 = arith.addi %add3A_197, %add3A_210 : i32
        %dma_start3A_212 = arith.constant 0 : i32
        %dma_start3A_213 = tpu.memref_slice %arg7[%add3A_211, %dma_start3A_212] : memref<80x128xi32, #tpu.memory_space<vmem>> -> memref<1x128xi32, #tpu.memory_space<vmem>>
        %dma_start3A_214 = tpu.memref_squeeze %dma_start3A_213 : memref<1x128xi32, #tpu.memory_space<vmem>> -> memref<128xi32, #tpu.memory_space<vmem>>
        %dma_start3A_215 = arith.constant 0 : i32
        %dma_start3A_216 = arith.constant 0 : i32
        %dma_start3A_217 = tpu.memref_slice %arg2[%dma_start3A_215, %dma_start3A_216] : memref<10000x64xf32, #tpu.memory_space<hbm>> -> memref<10000x64xf32, #tpu.memory_space<hbm>>
        tpu.enqueue_indirect_dma source(%dma_start3A_217 : memref<10000x64xf32, #tpu.memory_space<hbm>>) target(%arg12 : memref<128x64xf32, #tpu.memory_space<vmem>>) offsets(%dma_start3A_214 : memref<128xi32, #tpu.memory_space<vmem>>) semaphore(%arg17 : memref<!tpu.dma_semaphore, #tpu.memory_space<semaphore_mem>>)
      } else {
      }
    }
    %barrier3A_71 = arith.constant 0 : index
    tpu.barrier barrier_id(%barrier3A_71)
    %mul3A_72 = arith.constant 632 : i32
    %mul3A_73 = arith.muli %arg1, %mul3A_72 : i32
    %mul3A_74 = arith.constant 632 : i32
    %mul3A_75 = arith.muli %arg1, %mul3A_74 : i32
    %run_scoped3A_76 = arith.constant 0 : i32
    "tpu.region"() ({
      %run_scoped3A_148 = tpu.sem_alloc : memref<!tpu.dma_semaphore, #tpu.memory_space<semaphore_mem>>
      %dma_start3A_149 = arith.constant 0 : i32
      %dma_start3A_150 = tpu.memref_slice %arg6[%run_scoped3A_76, %arg0, %mul3A_75, %dma_start3A_149] : memref<2x2x10112x64xf32, #tpu.memory_space<hbm>> -> memref<1x1x632x64xf32, #tpu.memory_space<hbm>>
      %dma_start3A_151 = tpu.memref_squeeze %dma_start3A_150 : memref<1x1x632x64xf32, #tpu.memory_space<hbm>> -> memref<632x64xf32, #tpu.memory_space<hbm>>
      %dma_start3A_152 = arith.constant 0 : i32
      %dma_start3A_153 = tpu.memref_slice %arg13[%mul3A_73, %dma_start3A_152] : memref<10112x64xf32, #tpu.memory_space<vmem_shared>> -> memref<632x64xf32, #tpu.memory_space<vmem_shared>>
      tpu.enqueue_dma source(%dma_start3A_153 : memref<632x64xf32, #tpu.memory_space<vmem_shared>>) target(%dma_start3A_151 : memref<632x64xf32, #tpu.memory_space<hbm>>) target_semaphore(%run_scoped3A_148 : memref<!tpu.dma_semaphore, #tpu.memory_space<semaphore_mem>>)
      %dma_wait3A = arith.constant 0 : i32
      %dma_wait3A_154 = tpu.memref_slice %arg6[%run_scoped3A_76, %arg0, %mul3A_75, %dma_wait3A] : memref<2x2x10112x64xf32, #tpu.memory_space<hbm>> -> memref<1x1x632x64xf32, #tpu.memory_space<hbm>>
      %dma_wait3A_155 = tpu.memref_squeeze %dma_wait3A_154 : memref<1x1x632x64xf32, #tpu.memory_space<hbm>> -> memref<632x64xf32, #tpu.memory_space<hbm>>
      %dma_wait3A_156 = arith.constant 0 : i32
      %dma_wait3A_157 = tpu.memref_slice %arg13[%mul3A_73, %dma_wait3A_156] : memref<10112x64xf32, #tpu.memory_space<vmem_shared>> -> memref<632x64xf32, #tpu.memory_space<vmem_shared>>
      tpu.wait_dma2 semaphore(%run_scoped3A_148 : memref<!tpu.dma_semaphore, #tpu.memory_space<semaphore_mem>>) src(%dma_wait3A_157 : memref<632x64xf32, #tpu.memory_space<vmem_shared>>) dst(%dma_wait3A_155 : memref<632x64xf32, #tpu.memory_space<hbm>>)
      tpu.yield
    }) : () -> ()
    %mul3A_77 = arith.constant 632 : i32
    %mul3A_78 = arith.muli %arg1, %mul3A_77 : i32
    "tpu.region"() ({
      %run_scoped3A_148 = tpu.sem_alloc : memref<!tpu.dma_semaphore, #tpu.memory_space<semaphore_mem>>
      %dma_start3A_149 = arith.constant 0 : i32
      %dma_start3A_150 = tpu.memref_slice %arg13[%mul3A_78, %dma_start3A_149] : memref<10112x64xf32, #tpu.memory_space<vmem_shared>> -> memref<632x64xf32, #tpu.memory_space<vmem_shared>>
      tpu.enqueue_dma source(%arg5 : memref<632x64xf32, #tpu.memory_space<hbm>>) target(%dma_start3A_150 : memref<632x64xf32, #tpu.memory_space<vmem_shared>>) target_semaphore(%run_scoped3A_148 : memref<!tpu.dma_semaphore, #tpu.memory_space<semaphore_mem>>)
      %dma_wait3A = arith.constant 0 : i32
      %dma_wait3A_151 = tpu.memref_slice %arg13[%mul3A_78, %dma_wait3A] : memref<10112x64xf32, #tpu.memory_space<vmem_shared>> -> memref<632x64xf32, #tpu.memory_space<vmem_shared>>
      tpu.wait_dma2 semaphore(%run_scoped3A_148 : memref<!tpu.dma_semaphore, #tpu.memory_space<semaphore_mem>>) src(%arg5 : memref<632x64xf32, #tpu.memory_space<hbm>>) dst(%dma_wait3A_151 : memref<632x64xf32, #tpu.memory_space<vmem_shared>>)
      tpu.yield
    }) : () -> ()
    %barrier3A_79 = arith.constant 0 : index
    tpu.barrier barrier_id(%barrier3A_79)
    %dma_start3A_80 = arith.constant 0 : i32
    %dma_start3A_81 = arith.constant 0 : i32
    %dma_start3A_82 = tpu.memref_slice %arg7[%dma_start3A_80, %dma_start3A_81] : memref<80x128xi32, #tpu.memory_space<vmem>> -> memref<1x128xi32, #tpu.memory_space<vmem>>
    %dma_start3A_83 = tpu.memref_squeeze %dma_start3A_82 : memref<1x128xi32, #tpu.memory_space<vmem>> -> memref<128xi32, #tpu.memory_space<vmem>>
    %dma_start3A_84 = arith.constant 0 : i32
    %dma_start3A_85 = arith.constant 0 : i32
    %dma_start3A_86 = tpu.memref_slice %arg3[%dma_start3A_84, %dma_start3A_85] : memref<10000x64xf32, #tpu.memory_space<hbm>> -> memref<10000x64xf32, #tpu.memory_space<hbm>>
    tpu.enqueue_indirect_dma source(%dma_start3A_86 : memref<10000x64xf32, #tpu.memory_space<hbm>>) target(%arg9 : memref<128x64xf32, #tpu.memory_space<vmem>>) offsets(%dma_start3A_83 : memref<128xi32, #tpu.memory_space<vmem>>) semaphore(%arg14 : memref<!tpu.dma_semaphore, #tpu.memory_space<semaphore_mem>>)
    %dma_start3A_87 = arith.constant 1 : i32
    %dma_start3A_88 = arith.constant 0 : i32
    %dma_start3A_89 = tpu.memref_slice %arg7[%dma_start3A_87, %dma_start3A_88] : memref<80x128xi32, #tpu.memory_space<vmem>> -> memref<1x128xi32, #tpu.memory_space<vmem>>
    %dma_start3A_90 = tpu.memref_squeeze %dma_start3A_89 : memref<1x128xi32, #tpu.memory_space<vmem>> -> memref<128xi32, #tpu.memory_space<vmem>>
    %dma_start3A_91 = arith.constant 0 : i32
    %dma_start3A_92 = arith.constant 0 : i32
    %dma_start3A_93 = tpu.memref_slice %arg3[%dma_start3A_91, %dma_start3A_92] : memref<10000x64xf32, #tpu.memory_space<hbm>> -> memref<10000x64xf32, #tpu.memory_space<hbm>>
    tpu.enqueue_indirect_dma source(%dma_start3A_93 : memref<10000x64xf32, #tpu.memory_space<hbm>>) target(%arg10 : memref<128x64xf32, #tpu.memory_space<vmem>>) offsets(%dma_start3A_90 : memref<128xi32, #tpu.memory_space<vmem>>) semaphore(%arg15 : memref<!tpu.dma_semaphore, #tpu.memory_space<semaphore_mem>>)
    %dma_start3A_94 = arith.constant 2 : i32
    %dma_start3A_95 = arith.constant 0 : i32
    %dma_start3A_96 = tpu.memref_slice %arg7[%dma_start3A_94, %dma_start3A_95] : memref<80x128xi32, #tpu.memory_space<vmem>> -> memref<1x128xi32, #tpu.memory_space<vmem>>
    %dma_start3A_97 = tpu.memref_squeeze %dma_start3A_96 : memref<1x128xi32, #tpu.memory_space<vmem>> -> memref<128xi32, #tpu.memory_space<vmem>>
    %dma_start3A_98 = arith.constant 0 : i32
    %dma_start3A_99 = arith.constant 0 : i32
    %dma_start3A_100 = tpu.memref_slice %arg3[%dma_start3A_98, %dma_start3A_99] : memref<10000x64xf32, #tpu.memory_space<hbm>> -> memref<10000x64xf32, #tpu.memory_space<hbm>>
    tpu.enqueue_indirect_dma source(%dma_start3A_100 : memref<10000x64xf32, #tpu.memory_space<hbm>>) target(%arg11 : memref<128x64xf32, #tpu.memory_space<vmem>>) offsets(%dma_start3A_97 : memref<128xi32, #tpu.memory_space<vmem>>) semaphore(%arg16 : memref<!tpu.dma_semaphore, #tpu.memory_space<semaphore_mem>>)
    %dma_start3A_101 = arith.constant 3 : i32
    %dma_start3A_102 = arith.constant 0 : i32
    %dma_start3A_103 = tpu.memref_slice %arg7[%dma_start3A_101, %dma_start3A_102] : memref<80x128xi32, #tpu.memory_space<vmem>> -> memref<1x128xi32, #tpu.memory_space<vmem>>
    %dma_start3A_104 = tpu.memref_squeeze %dma_start3A_103 : memref<1x128xi32, #tpu.memory_space<vmem>> -> memref<128xi32, #tpu.memory_space<vmem>>
    %dma_start3A_105 = arith.constant 0 : i32
    %dma_start3A_106 = arith.constant 0 : i32
    %dma_start3A_107 = tpu.memref_slice %arg3[%dma_start3A_105, %dma_start3A_106] : memref<10000x64xf32, #tpu.memory_space<hbm>> -> memref<10000x64xf32, #tpu.memory_space<hbm>>
    tpu.enqueue_indirect_dma source(%dma_start3A_107 : memref<10000x64xf32, #tpu.memory_space<hbm>>) target(%arg12 : memref<128x64xf32, #tpu.memory_space<vmem>>) offsets(%dma_start3A_104 : memref<128xi32, #tpu.memory_space<vmem>>) semaphore(%arg17 : memref<!tpu.dma_semaphore, #tpu.memory_space<semaphore_mem>>)
    %jit3A_108 = arith.constant 4 : i32
    %div3A_109 = arith.divsi %select_n3A, %jit3A_108 : i32
    %sign3A_110 = arith.constant 0 : i32
    %sign3A_111 = arith.cmpi sgt, %select_n3A, %sign3A_110 : i32
    %sign3A_112 = arith.extui %sign3A_111 : i1 to i32
    %sign3A_113 = arith.constant 0 : i32
    %sign3A_114 = arith.cmpi slt, %select_n3A, %sign3A_113 : i32
    %sign3A_115 = arith.extui %sign3A_114 : i1 to i32
    %sign3A_116 = arith.subi %sign3A_112, %sign3A_115 : i32
    %sign3A_117 = arith.constant 0 : i32
    %sign3A_118 = arith.cmpi sgt, %jit3A_108, %sign3A_117 : i32
    %sign3A_119 = arith.extui %sign3A_118 : i1 to i32
    %sign3A_120 = arith.constant 0 : i32
    %sign3A_121 = arith.cmpi slt, %jit3A_108, %sign3A_120 : i32
    %sign3A_122 = arith.extui %sign3A_121 : i1 to i32
    %sign3A_123 = arith.subi %sign3A_119, %sign3A_122 : i32
    %ne3A_124 = arith.cmpi ne, %sign3A_116, %sign3A_123 : i32
    %rem3A_125 = arith.remsi %select_n3A, %jit3A_108 : i32
    %ne3A_126 = arith.constant 0 : i32
    %ne3A_127 = arith.cmpi ne, %rem3A_125, %ne3A_126 : i32
    %and3A_128 = arith.andi %ne3A_124, %ne3A_127 : i1
    %sub3A_129 = arith.constant 1 : i32
    %sub3A_130 = arith.subi %div3A_109, %sub3A_129 : i32
    %select_n3A_131 = arith.select %and3A_128, %sub3A_130, %div3A_109 : i32
    %while3A_132 = arith.constant 0 : i32
    %while3A_133 = arith.constant 0 : i32
    %while3A_134 = arith.subi %select_n3A_131, %while3A_133 : i32
    %while3A_135 = arith.addi %while3A_133, %while3A_134 : i32
    %while3A_136 = arith.constant 1 : i32
    %while3A_137 = arith.divsi %while3A_134, %while3A_136 : i32
    %while3A_138 = arith.muli %while3A_137, %while3A_136 : i32
    %while3A_139 = arith.addi %while3A_133, %while3A_138 : i32
    %while3A_140 = arith.constant 1 : i32
    scf.for %while3A_148 = %while3A_133 to %while3A_139 step %while3A_140  : i32 {
      %mul3A_149 = arith.constant 4 : i32
      %mul3A_150 = arith.muli %mul3A_149, %while3A_148 : i32
      %add3A_151 = arith.constant 0 : i32
      %add3A_152 = arith.addi %mul3A_150, %add3A_151 : i32
      %dma_wait3A = arith.constant 0 : i32
      %dma_wait3A_153 = tpu.memref_slice %arg7[%add3A_152, %dma_wait3A] : memref<80x128xi32, #tpu.memory_space<vmem>> -> memref<1x128xi32, #tpu.memory_space<vmem>>
      %dma_wait3A_154 = tpu.memref_squeeze %dma_wait3A_153 : memref<1x128xi32, #tpu.memory_space<vmem>> -> memref<128xi32, #tpu.memory_space<vmem>>
      %dma_wait3A_155 = arith.constant 0 : i32
      %dma_wait3A_156 = arith.constant 0 : i32
      %dma_wait3A_157 = tpu.memref_slice %arg3[%dma_wait3A_155, %dma_wait3A_156] : memref<10000x64xf32, #tpu.memory_space<hbm>> -> memref<10000x64xf32, #tpu.memory_space<hbm>>
      tpu.wait_indirect_dma semaphore(%arg14 : memref<!tpu.dma_semaphore, #tpu.memory_space<semaphore_mem>>) src(%dma_wait3A_157 : memref<10000x64xf32, #tpu.memory_space<hbm>>) dst(%arg9 : memref<128x64xf32, #tpu.memory_space<vmem>>)
      "tpu.region"() ({
        %run_scoped3A_210 = tpu.sem_alloc : memref<!tpu.dma_semaphore, #tpu.memory_space<semaphore_mem>>
        %dma_start3A_211 = arith.constant 0 : i32
        %dma_start3A_212 = tpu.memref_slice %arg8[%add3A_152, %dma_start3A_211] : memref<80x128xi32, #tpu.memory_space<vmem>> -> memref<1x128xi32, #tpu.memory_space<vmem>>
        %dma_start3A_213 = tpu.memref_squeeze %dma_start3A_212 : memref<1x128xi32, #tpu.memory_space<vmem>> -> memref<128xi32, #tpu.memory_space<vmem>>
        %dma_start3A_214 = arith.constant 0 : i32
        %dma_start3A_215 = arith.constant 0 : i32
        %dma_start3A_216 = tpu.memref_slice %arg13[%dma_start3A_214, %dma_start3A_215] : memref<10112x64xf32, #tpu.memory_space<vmem_shared>> -> memref<10112x64xf32, #tpu.memory_space<vmem_shared>>
        tpu.enqueue_indirect_dma source(%arg9 : memref<128x64xf32, #tpu.memory_space<vmem>>) target(%dma_start3A_216 : memref<10112x64xf32, #tpu.memory_space<vmem_shared>>) offsets(%dma_start3A_213 : memref<128xi32, #tpu.memory_space<vmem>>) semaphore(%run_scoped3A_210 : memref<!tpu.dma_semaphore, #tpu.memory_space<semaphore_mem>>) {add = true}
        %dma_wait3A_217 = arith.constant 0 : i32
        %dma_wait3A_218 = tpu.memref_slice %arg8[%add3A_152, %dma_wait3A_217] : memref<80x128xi32, #tpu.memory_space<vmem>> -> memref<1x128xi32, #tpu.memory_space<vmem>>
        %dma_wait3A_219 = tpu.memref_squeeze %dma_wait3A_218 : memref<1x128xi32, #tpu.memory_space<vmem>> -> memref<128xi32, #tpu.memory_space<vmem>>
        %dma_wait3A_220 = arith.constant 0 : i32
        %dma_wait3A_221 = arith.constant 0 : i32
        %dma_wait3A_222 = tpu.memref_slice %arg13[%dma_wait3A_220, %dma_wait3A_221] : memref<10112x64xf32, #tpu.memory_space<vmem_shared>> -> memref<10112x64xf32, #tpu.memory_space<vmem_shared>>
        tpu.wait_indirect_dma semaphore(%run_scoped3A_210 : memref<!tpu.dma_semaphore, #tpu.memory_space<semaphore_mem>>) src(%arg9 : memref<128x64xf32, #tpu.memory_space<vmem>>) dst(%dma_wait3A_222 : memref<10112x64xf32, #tpu.memory_space<vmem_shared>>)
        tpu.yield
      }) : () -> ()
      %add3A_158 = arith.constant 4 : i32
      %add3A_159 = arith.addi %add3A_152, %add3A_158 : i32
      %lt3A_160 = arith.cmpi slt, %add3A_159, %select_n3A : i32
      %convert_element_type3A = arith.extui %lt3A_160 : i1 to i32
      %cond3A = arith.constant 0 : i32
      %cond3A_161 = arith.cmpi ne, %convert_element_type3A, %cond3A : i32
      scf.if %cond3A_161 {
        %add3A_210 = arith.constant 4 : i32
        %add3A_211 = arith.addi %add3A_152, %add3A_210 : i32
        %dma_start3A_212 = arith.constant 0 : i32
        %dma_start3A_213 = tpu.memref_slice %arg7[%add3A_211, %dma_start3A_212] : memref<80x128xi32, #tpu.memory_space<vmem>> -> memref<1x128xi32, #tpu.memory_space<vmem>>
        %dma_start3A_214 = tpu.memref_squeeze %dma_start3A_213 : memref<1x128xi32, #tpu.memory_space<vmem>> -> memref<128xi32, #tpu.memory_space<vmem>>
        %dma_start3A_215 = arith.constant 0 : i32
        %dma_start3A_216 = arith.constant 0 : i32
        %dma_start3A_217 = tpu.memref_slice %arg3[%dma_start3A_215, %dma_start3A_216] : memref<10000x64xf32, #tpu.memory_space<hbm>> -> memref<10000x64xf32, #tpu.memory_space<hbm>>
        tpu.enqueue_indirect_dma source(%dma_start3A_217 : memref<10000x64xf32, #tpu.memory_space<hbm>>) target(%arg9 : memref<128x64xf32, #tpu.memory_space<vmem>>) offsets(%dma_start3A_214 : memref<128xi32, #tpu.memory_space<vmem>>) semaphore(%arg14 : memref<!tpu.dma_semaphore, #tpu.memory_space<semaphore_mem>>)
      } else {
      }
      %mul3A_162 = arith.constant 4 : i32
      %mul3A_163 = arith.muli %mul3A_162, %while3A_148 : i32
      %add3A_164 = arith.constant 1 : i32
      %add3A_165 = arith.addi %mul3A_163, %add3A_164 : i32
      %dma_wait3A_166 = arith.constant 0 : i32
      %dma_wait3A_167 = tpu.memref_slice %arg7[%add3A_165, %dma_wait3A_166] : memref<80x128xi32, #tpu.memory_space<vmem>> -> memref<1x128xi32, #tpu.memory_space<vmem>>
      %dma_wait3A_168 = tpu.memref_squeeze %dma_wait3A_167 : memref<1x128xi32, #tpu.memory_space<vmem>> -> memref<128xi32, #tpu.memory_space<vmem>>
      %dma_wait3A_169 = arith.constant 0 : i32
      %dma_wait3A_170 = arith.constant 0 : i32
      %dma_wait3A_171 = tpu.memref_slice %arg3[%dma_wait3A_169, %dma_wait3A_170] : memref<10000x64xf32, #tpu.memory_space<hbm>> -> memref<10000x64xf32, #tpu.memory_space<hbm>>
      tpu.wait_indirect_dma semaphore(%arg15 : memref<!tpu.dma_semaphore, #tpu.memory_space<semaphore_mem>>) src(%dma_wait3A_171 : memref<10000x64xf32, #tpu.memory_space<hbm>>) dst(%arg10 : memref<128x64xf32, #tpu.memory_space<vmem>>)
      "tpu.region"() ({
        %run_scoped3A_210 = tpu.sem_alloc : memref<!tpu.dma_semaphore, #tpu.memory_space<semaphore_mem>>
        %dma_start3A_211 = arith.constant 0 : i32
        %dma_start3A_212 = tpu.memref_slice %arg8[%add3A_165, %dma_start3A_211] : memref<80x128xi32, #tpu.memory_space<vmem>> -> memref<1x128xi32, #tpu.memory_space<vmem>>
        %dma_start3A_213 = tpu.memref_squeeze %dma_start3A_212 : memref<1x128xi32, #tpu.memory_space<vmem>> -> memref<128xi32, #tpu.memory_space<vmem>>
        %dma_start3A_214 = arith.constant 0 : i32
        %dma_start3A_215 = arith.constant 0 : i32
        %dma_start3A_216 = tpu.memref_slice %arg13[%dma_start3A_214, %dma_start3A_215] : memref<10112x64xf32, #tpu.memory_space<vmem_shared>> -> memref<10112x64xf32, #tpu.memory_space<vmem_shared>>
        tpu.enqueue_indirect_dma source(%arg10 : memref<128x64xf32, #tpu.memory_space<vmem>>) target(%dma_start3A_216 : memref<10112x64xf32, #tpu.memory_space<vmem_shared>>) offsets(%dma_start3A_213 : memref<128xi32, #tpu.memory_space<vmem>>) semaphore(%run_scoped3A_210 : memref<!tpu.dma_semaphore, #tpu.memory_space<semaphore_mem>>) {add = true}
        %dma_wait3A_217 = arith.constant 0 : i32
        %dma_wait3A_218 = tpu.memref_slice %arg8[%add3A_165, %dma_wait3A_217] : memref<80x128xi32, #tpu.memory_space<vmem>> -> memref<1x128xi32, #tpu.memory_space<vmem>>
        %dma_wait3A_219 = tpu.memref_squeeze %dma_wait3A_218 : memref<1x128xi32, #tpu.memory_space<vmem>> -> memref<128xi32, #tpu.memory_space<vmem>>
        %dma_wait3A_220 = arith.constant 0 : i32
        %dma_wait3A_221 = arith.constant 0 : i32
        %dma_wait3A_222 = tpu.memref_slice %arg13[%dma_wait3A_220, %dma_wait3A_221] : memref<10112x64xf32, #tpu.memory_space<vmem_shared>> -> memref<10112x64xf32, #tpu.memory_space<vmem_shared>>
        tpu.wait_indirect_dma semaphore(%run_scoped3A_210 : memref<!tpu.dma_semaphore, #tpu.memory_space<semaphore_mem>>) src(%arg10 : memref<128x64xf32, #tpu.memory_space<vmem>>) dst(%dma_wait3A_222 : memref<10112x64xf32, #tpu.memory_space<vmem_shared>>)
        tpu.yield
      }) : () -> ()
      %add3A_172 = arith.constant 4 : i32
      %add3A_173 = arith.addi %add3A_165, %add3A_172 : i32
      %lt3A_174 = arith.cmpi slt, %add3A_173, %select_n3A : i32
      %convert_element_type3A_175 = arith.extui %lt3A_174 : i1 to i32
      %cond3A_176 = arith.constant 0 : i32
      %cond3A_177 = arith.cmpi ne, %convert_element_type3A_175, %cond3A_176 : i32
      scf.if %cond3A_177 {
        %add3A_210 = arith.constant 4 : i32
        %add3A_211 = arith.addi %add3A_165, %add3A_210 : i32
        %dma_start3A_212 = arith.constant 0 : i32
        %dma_start3A_213 = tpu.memref_slice %arg7[%add3A_211, %dma_start3A_212] : memref<80x128xi32, #tpu.memory_space<vmem>> -> memref<1x128xi32, #tpu.memory_space<vmem>>
        %dma_start3A_214 = tpu.memref_squeeze %dma_start3A_213 : memref<1x128xi32, #tpu.memory_space<vmem>> -> memref<128xi32, #tpu.memory_space<vmem>>
        %dma_start3A_215 = arith.constant 0 : i32
        %dma_start3A_216 = arith.constant 0 : i32
        %dma_start3A_217 = tpu.memref_slice %arg3[%dma_start3A_215, %dma_start3A_216] : memref<10000x64xf32, #tpu.memory_space<hbm>> -> memref<10000x64xf32, #tpu.memory_space<hbm>>
        tpu.enqueue_indirect_dma source(%dma_start3A_217 : memref<10000x64xf32, #tpu.memory_space<hbm>>) target(%arg10 : memref<128x64xf32, #tpu.memory_space<vmem>>) offsets(%dma_start3A_214 : memref<128xi32, #tpu.memory_space<vmem>>) semaphore(%arg15 : memref<!tpu.dma_semaphore, #tpu.memory_space<semaphore_mem>>)
      } else {
      }
      %mul3A_178 = arith.constant 4 : i32
      %mul3A_179 = arith.muli %mul3A_178, %while3A_148 : i32
      %add3A_180 = arith.constant 2 : i32
      %add3A_181 = arith.addi %mul3A_179, %add3A_180 : i32
      %dma_wait3A_182 = arith.constant 0 : i32
      %dma_wait3A_183 = tpu.memref_slice %arg7[%add3A_181, %dma_wait3A_182] : memref<80x128xi32, #tpu.memory_space<vmem>> -> memref<1x128xi32, #tpu.memory_space<vmem>>
      %dma_wait3A_184 = tpu.memref_squeeze %dma_wait3A_183 : memref<1x128xi32, #tpu.memory_space<vmem>> -> memref<128xi32, #tpu.memory_space<vmem>>
      %dma_wait3A_185 = arith.constant 0 : i32
      %dma_wait3A_186 = arith.constant 0 : i32
      %dma_wait3A_187 = tpu.memref_slice %arg3[%dma_wait3A_185, %dma_wait3A_186] : memref<10000x64xf32, #tpu.memory_space<hbm>> -> memref<10000x64xf32, #tpu.memory_space<hbm>>
      tpu.wait_indirect_dma semaphore(%arg16 : memref<!tpu.dma_semaphore, #tpu.memory_space<semaphore_mem>>) src(%dma_wait3A_187 : memref<10000x64xf32, #tpu.memory_space<hbm>>) dst(%arg11 : memref<128x64xf32, #tpu.memory_space<vmem>>)
      "tpu.region"() ({
        %run_scoped3A_210 = tpu.sem_alloc : memref<!tpu.dma_semaphore, #tpu.memory_space<semaphore_mem>>
        %dma_start3A_211 = arith.constant 0 : i32
        %dma_start3A_212 = tpu.memref_slice %arg8[%add3A_181, %dma_start3A_211] : memref<80x128xi32, #tpu.memory_space<vmem>> -> memref<1x128xi32, #tpu.memory_space<vmem>>
        %dma_start3A_213 = tpu.memref_squeeze %dma_start3A_212 : memref<1x128xi32, #tpu.memory_space<vmem>> -> memref<128xi32, #tpu.memory_space<vmem>>
        %dma_start3A_214 = arith.constant 0 : i32
        %dma_start3A_215 = arith.constant 0 : i32
        %dma_start3A_216 = tpu.memref_slice %arg13[%dma_start3A_214, %dma_start3A_215] : memref<10112x64xf32, #tpu.memory_space<vmem_shared>> -> memref<10112x64xf32, #tpu.memory_space<vmem_shared>>
        tpu.enqueue_indirect_dma source(%arg11 : memref<128x64xf32, #tpu.memory_space<vmem>>) target(%dma_start3A_216 : memref<10112x64xf32, #tpu.memory_space<vmem_shared>>) offsets(%dma_start3A_213 : memref<128xi32, #tpu.memory_space<vmem>>) semaphore(%run_scoped3A_210 : memref<!tpu.dma_semaphore, #tpu.memory_space<semaphore_mem>>) {add = true}
        %dma_wait3A_217 = arith.constant 0 : i32
        %dma_wait3A_218 = tpu.memref_slice %arg8[%add3A_181, %dma_wait3A_217] : memref<80x128xi32, #tpu.memory_space<vmem>> -> memref<1x128xi32, #tpu.memory_space<vmem>>
        %dma_wait3A_219 = tpu.memref_squeeze %dma_wait3A_218 : memref<1x128xi32, #tpu.memory_space<vmem>> -> memref<128xi32, #tpu.memory_space<vmem>>
        %dma_wait3A_220 = arith.constant 0 : i32
        %dma_wait3A_221 = arith.constant 0 : i32
        %dma_wait3A_222 = tpu.memref_slice %arg13[%dma_wait3A_220, %dma_wait3A_221] : memref<10112x64xf32, #tpu.memory_space<vmem_shared>> -> memref<10112x64xf32, #tpu.memory_space<vmem_shared>>
        tpu.wait_indirect_dma semaphore(%run_scoped3A_210 : memref<!tpu.dma_semaphore, #tpu.memory_space<semaphore_mem>>) src(%arg11 : memref<128x64xf32, #tpu.memory_space<vmem>>) dst(%dma_wait3A_222 : memref<10112x64xf32, #tpu.memory_space<vmem_shared>>)
        tpu.yield
      }) : () -> ()
      %add3A_188 = arith.constant 4 : i32
      %add3A_189 = arith.addi %add3A_181, %add3A_188 : i32
      %lt3A_190 = arith.cmpi slt, %add3A_189, %select_n3A : i32
      %convert_element_type3A_191 = arith.extui %lt3A_190 : i1 to i32
      %cond3A_192 = arith.constant 0 : i32
      %cond3A_193 = arith.cmpi ne, %convert_element_type3A_191, %cond3A_192 : i32
      scf.if %cond3A_193 {
        %add3A_210 = arith.constant 4 : i32
        %add3A_211 = arith.addi %add3A_181, %add3A_210 : i32
        %dma_start3A_212 = arith.constant 0 : i32
        %dma_start3A_213 = tpu.memref_slice %arg7[%add3A_211, %dma_start3A_212] : memref<80x128xi32, #tpu.memory_space<vmem>> -> memref<1x128xi32, #tpu.memory_space<vmem>>
        %dma_start3A_214 = tpu.memref_squeeze %dma_start3A_213 : memref<1x128xi32, #tpu.memory_space<vmem>> -> memref<128xi32, #tpu.memory_space<vmem>>
        %dma_start3A_215 = arith.constant 0 : i32
        %dma_start3A_216 = arith.constant 0 : i32
        %dma_start3A_217 = tpu.memref_slice %arg3[%dma_start3A_215, %dma_start3A_216] : memref<10000x64xf32, #tpu.memory_space<hbm>> -> memref<10000x64xf32, #tpu.memory_space<hbm>>
        tpu.enqueue_indirect_dma source(%dma_start3A_217 : memref<10000x64xf32, #tpu.memory_space<hbm>>) target(%arg11 : memref<128x64xf32, #tpu.memory_space<vmem>>) offsets(%dma_start3A_214 : memref<128xi32, #tpu.memory_space<vmem>>) semaphore(%arg16 : memref<!tpu.dma_semaphore, #tpu.memory_space<semaphore_mem>>)
      } else {
      }
      %mul3A_194 = arith.constant 4 : i32
      %mul3A_195 = arith.muli %mul3A_194, %while3A_148 : i32
      %add3A_196 = arith.constant 3 : i32
      %add3A_197 = arith.addi %mul3A_195, %add3A_196 : i32
      %dma_wait3A_198 = arith.constant 0 : i32
      %dma_wait3A_199 = tpu.memref_slice %arg7[%add3A_197, %dma_wait3A_198] : memref<80x128xi32, #tpu.memory_space<vmem>> -> memref<1x128xi32, #tpu.memory_space<vmem>>
      %dma_wait3A_200 = tpu.memref_squeeze %dma_wait3A_199 : memref<1x128xi32, #tpu.memory_space<vmem>> -> memref<128xi32, #tpu.memory_space<vmem>>
      %dma_wait3A_201 = arith.constant 0 : i32
      %dma_wait3A_202 = arith.constant 0 : i32
      %dma_wait3A_203 = tpu.memref_slice %arg3[%dma_wait3A_201, %dma_wait3A_202] : memref<10000x64xf32, #tpu.memory_space<hbm>> -> memref<10000x64xf32, #tpu.memory_space<hbm>>
      tpu.wait_indirect_dma semaphore(%arg17 : memref<!tpu.dma_semaphore, #tpu.memory_space<semaphore_mem>>) src(%dma_wait3A_203 : memref<10000x64xf32, #tpu.memory_space<hbm>>) dst(%arg12 : memref<128x64xf32, #tpu.memory_space<vmem>>)
      "tpu.region"() ({
        %run_scoped3A_210 = tpu.sem_alloc : memref<!tpu.dma_semaphore, #tpu.memory_space<semaphore_mem>>
        %dma_start3A_211 = arith.constant 0 : i32
        %dma_start3A_212 = tpu.memref_slice %arg8[%add3A_197, %dma_start3A_211] : memref<80x128xi32, #tpu.memory_space<vmem>> -> memref<1x128xi32, #tpu.memory_space<vmem>>
        %dma_start3A_213 = tpu.memref_squeeze %dma_start3A_212 : memref<1x128xi32, #tpu.memory_space<vmem>> -> memref<128xi32, #tpu.memory_space<vmem>>
        %dma_start3A_214 = arith.constant 0 : i32
        %dma_start3A_215 = arith.constant 0 : i32
        %dma_start3A_216 = tpu.memref_slice %arg13[%dma_start3A_214, %dma_start3A_215] : memref<10112x64xf32, #tpu.memory_space<vmem_shared>> -> memref<10112x64xf32, #tpu.memory_space<vmem_shared>>
        tpu.enqueue_indirect_dma source(%arg12 : memref<128x64xf32, #tpu.memory_space<vmem>>) target(%dma_start3A_216 : memref<10112x64xf32, #tpu.memory_space<vmem_shared>>) offsets(%dma_start3A_213 : memref<128xi32, #tpu.memory_space<vmem>>) semaphore(%run_scoped3A_210 : memref<!tpu.dma_semaphore, #tpu.memory_space<semaphore_mem>>) {add = true}
        %dma_wait3A_217 = arith.constant 0 : i32
        %dma_wait3A_218 = tpu.memref_slice %arg8[%add3A_197, %dma_wait3A_217] : memref<80x128xi32, #tpu.memory_space<vmem>> -> memref<1x128xi32, #tpu.memory_space<vmem>>
        %dma_wait3A_219 = tpu.memref_squeeze %dma_wait3A_218 : memref<1x128xi32, #tpu.memory_space<vmem>> -> memref<128xi32, #tpu.memory_space<vmem>>
        %dma_wait3A_220 = arith.constant 0 : i32
        %dma_wait3A_221 = arith.constant 0 : i32
        %dma_wait3A_222 = tpu.memref_slice %arg13[%dma_wait3A_220, %dma_wait3A_221] : memref<10112x64xf32, #tpu.memory_space<vmem_shared>> -> memref<10112x64xf32, #tpu.memory_space<vmem_shared>>
        tpu.wait_indirect_dma semaphore(%run_scoped3A_210 : memref<!tpu.dma_semaphore, #tpu.memory_space<semaphore_mem>>) src(%arg12 : memref<128x64xf32, #tpu.memory_space<vmem>>) dst(%dma_wait3A_222 : memref<10112x64xf32, #tpu.memory_space<vmem_shared>>)
        tpu.yield
      }) : () -> ()
      %add3A_204 = arith.constant 4 : i32
      %add3A_205 = arith.addi %add3A_197, %add3A_204 : i32
      %lt3A_206 = arith.cmpi slt, %add3A_205, %select_n3A : i32
      %convert_element_type3A_207 = arith.extui %lt3A_206 : i1 to i32
      %cond3A_208 = arith.constant 0 : i32
      %cond3A_209 = arith.cmpi ne, %convert_element_type3A_207, %cond3A_208 : i32
      scf.if %cond3A_209 {
        %add3A_210 = arith.constant 4 : i32
        %add3A_211 = arith.addi %add3A_197, %add3A_210 : i32
        %dma_start3A_212 = arith.constant 0 : i32
        %dma_start3A_213 = tpu.memref_slice %arg7[%add3A_211, %dma_start3A_212] : memref<80x128xi32, #tpu.memory_space<vmem>> -> memref<1x128xi32, #tpu.memory_space<vmem>>
        %dma_start3A_214 = tpu.memref_squeeze %dma_start3A_213 : memref<1x128xi32, #tpu.memory_space<vmem>> -> memref<128xi32, #tpu.memory_space<vmem>>
        %dma_start3A_215 = arith.constant 0 : i32
        %dma_start3A_216 = arith.constant 0 : i32
        %dma_start3A_217 = tpu.memref_slice %arg3[%dma_start3A_215, %dma_start3A_216] : memref<10000x64xf32, #tpu.memory_space<hbm>> -> memref<10000x64xf32, #tpu.memory_space<hbm>>
        tpu.enqueue_indirect_dma source(%dma_start3A_217 : memref<10000x64xf32, #tpu.memory_space<hbm>>) target(%arg12 : memref<128x64xf32, #tpu.memory_space<vmem>>) offsets(%dma_start3A_214 : memref<128xi32, #tpu.memory_space<vmem>>) semaphore(%arg17 : memref<!tpu.dma_semaphore, #tpu.memory_space<semaphore_mem>>)
      } else {
      }
    }
    %while3A_141 = arith.constant 1 : i32
    scf.for %while3A_148 = %while3A_139 to %while3A_135 step %while3A_141  : i32 {
      %mul3A_149 = arith.constant 4 : i32
      %mul3A_150 = arith.muli %mul3A_149, %while3A_148 : i32
      %add3A_151 = arith.constant 0 : i32
      %add3A_152 = arith.addi %mul3A_150, %add3A_151 : i32
      %dma_wait3A = arith.constant 0 : i32
      %dma_wait3A_153 = tpu.memref_slice %arg7[%add3A_152, %dma_wait3A] : memref<80x128xi32, #tpu.memory_space<vmem>> -> memref<1x128xi32, #tpu.memory_space<vmem>>
      %dma_wait3A_154 = tpu.memref_squeeze %dma_wait3A_153 : memref<1x128xi32, #tpu.memory_space<vmem>> -> memref<128xi32, #tpu.memory_space<vmem>>
      %dma_wait3A_155 = arith.constant 0 : i32
      %dma_wait3A_156 = arith.constant 0 : i32
      %dma_wait3A_157 = tpu.memref_slice %arg3[%dma_wait3A_155, %dma_wait3A_156] : memref<10000x64xf32, #tpu.memory_space<hbm>> -> memref<10000x64xf32, #tpu.memory_space<hbm>>
      tpu.wait_indirect_dma semaphore(%arg14 : memref<!tpu.dma_semaphore, #tpu.memory_space<semaphore_mem>>) src(%dma_wait3A_157 : memref<10000x64xf32, #tpu.memory_space<hbm>>) dst(%arg9 : memref<128x64xf32, #tpu.memory_space<vmem>>)
      "tpu.region"() ({
        %run_scoped3A_210 = tpu.sem_alloc : memref<!tpu.dma_semaphore, #tpu.memory_space<semaphore_mem>>
        %dma_start3A_211 = arith.constant 0 : i32
        %dma_start3A_212 = tpu.memref_slice %arg8[%add3A_152, %dma_start3A_211] : memref<80x128xi32, #tpu.memory_space<vmem>> -> memref<1x128xi32, #tpu.memory_space<vmem>>
        %dma_start3A_213 = tpu.memref_squeeze %dma_start3A_212 : memref<1x128xi32, #tpu.memory_space<vmem>> -> memref<128xi32, #tpu.memory_space<vmem>>
        %dma_start3A_214 = arith.constant 0 : i32
        %dma_start3A_215 = arith.constant 0 : i32
        %dma_start3A_216 = tpu.memref_slice %arg13[%dma_start3A_214, %dma_start3A_215] : memref<10112x64xf32, #tpu.memory_space<vmem_shared>> -> memref<10112x64xf32, #tpu.memory_space<vmem_shared>>
        tpu.enqueue_indirect_dma source(%arg9 : memref<128x64xf32, #tpu.memory_space<vmem>>) target(%dma_start3A_216 : memref<10112x64xf32, #tpu.memory_space<vmem_shared>>) offsets(%dma_start3A_213 : memref<128xi32, #tpu.memory_space<vmem>>) semaphore(%run_scoped3A_210 : memref<!tpu.dma_semaphore, #tpu.memory_space<semaphore_mem>>) {add = true}
        %dma_wait3A_217 = arith.constant 0 : i32
        %dma_wait3A_218 = tpu.memref_slice %arg8[%add3A_152, %dma_wait3A_217] : memref<80x128xi32, #tpu.memory_space<vmem>> -> memref<1x128xi32, #tpu.memory_space<vmem>>
        %dma_wait3A_219 = tpu.memref_squeeze %dma_wait3A_218 : memref<1x128xi32, #tpu.memory_space<vmem>> -> memref<128xi32, #tpu.memory_space<vmem>>
        %dma_wait3A_220 = arith.constant 0 : i32
        %dma_wait3A_221 = arith.constant 0 : i32
        %dma_wait3A_222 = tpu.memref_slice %arg13[%dma_wait3A_220, %dma_wait3A_221] : memref<10112x64xf32, #tpu.memory_space<vmem_shared>> -> memref<10112x64xf32, #tpu.memory_space<vmem_shared>>
        tpu.wait_indirect_dma semaphore(%run_scoped3A_210 : memref<!tpu.dma_semaphore, #tpu.memory_space<semaphore_mem>>) src(%arg9 : memref<128x64xf32, #tpu.memory_space<vmem>>) dst(%dma_wait3A_222 : memref<10112x64xf32, #tpu.memory_space<vmem_shared>>)
        tpu.yield
      }) : () -> ()
      %add3A_158 = arith.constant 4 : i32
      %add3A_159 = arith.addi %add3A_152, %add3A_158 : i32
      %lt3A_160 = arith.cmpi slt, %add3A_159, %select_n3A : i32
      %convert_element_type3A = arith.extui %lt3A_160 : i1 to i32
      %cond3A = arith.constant 0 : i32
      %cond3A_161 = arith.cmpi ne, %convert_element_type3A, %cond3A : i32
      scf.if %cond3A_161 {
        %add3A_210 = arith.constant 4 : i32
        %add3A_211 = arith.addi %add3A_152, %add3A_210 : i32
        %dma_start3A_212 = arith.constant 0 : i32
        %dma_start3A_213 = tpu.memref_slice %arg7[%add3A_211, %dma_start3A_212] : memref<80x128xi32, #tpu.memory_space<vmem>> -> memref<1x128xi32, #tpu.memory_space<vmem>>
        %dma_start3A_214 = tpu.memref_squeeze %dma_start3A_213 : memref<1x128xi32, #tpu.memory_space<vmem>> -> memref<128xi32, #tpu.memory_space<vmem>>
        %dma_start3A_215 = arith.constant 0 : i32
        %dma_start3A_216 = arith.constant 0 : i32
        %dma_start3A_217 = tpu.memref_slice %arg3[%dma_start3A_215, %dma_start3A_216] : memref<10000x64xf32, #tpu.memory_space<hbm>> -> memref<10000x64xf32, #tpu.memory_space<hbm>>
        tpu.enqueue_indirect_dma source(%dma_start3A_217 : memref<10000x64xf32, #tpu.memory_space<hbm>>) target(%arg9 : memref<128x64xf32, #tpu.memory_space<vmem>>) offsets(%dma_start3A_214 : memref<128xi32, #tpu.memory_space<vmem>>) semaphore(%arg14 : memref<!tpu.dma_semaphore, #tpu.memory_space<semaphore_mem>>)
      } else {
      }
      %mul3A_162 = arith.constant 4 : i32
      %mul3A_163 = arith.muli %mul3A_162, %while3A_148 : i32
      %add3A_164 = arith.constant 1 : i32
      %add3A_165 = arith.addi %mul3A_163, %add3A_164 : i32
      %dma_wait3A_166 = arith.constant 0 : i32
      %dma_wait3A_167 = tpu.memref_slice %arg7[%add3A_165, %dma_wait3A_166] : memref<80x128xi32, #tpu.memory_space<vmem>> -> memref<1x128xi32, #tpu.memory_space<vmem>>
      %dma_wait3A_168 = tpu.memref_squeeze %dma_wait3A_167 : memref<1x128xi32, #tpu.memory_space<vmem>> -> memref<128xi32, #tpu.memory_space<vmem>>
      %dma_wait3A_169 = arith.constant 0 : i32
      %dma_wait3A_170 = arith.constant 0 : i32
      %dma_wait3A_171 = tpu.memref_slice %arg3[%dma_wait3A_169, %dma_wait3A_170] : memref<10000x64xf32, #tpu.memory_space<hbm>> -> memref<10000x64xf32, #tpu.memory_space<hbm>>
      tpu.wait_indirect_dma semaphore(%arg15 : memref<!tpu.dma_semaphore, #tpu.memory_space<semaphore_mem>>) src(%dma_wait3A_171 : memref<10000x64xf32, #tpu.memory_space<hbm>>) dst(%arg10 : memref<128x64xf32, #tpu.memory_space<vmem>>)
      "tpu.region"() ({
        %run_scoped3A_210 = tpu.sem_alloc : memref<!tpu.dma_semaphore, #tpu.memory_space<semaphore_mem>>
        %dma_start3A_211 = arith.constant 0 : i32
        %dma_start3A_212 = tpu.memref_slice %arg8[%add3A_165, %dma_start3A_211] : memref<80x128xi32, #tpu.memory_space<vmem>> -> memref<1x128xi32, #tpu.memory_space<vmem>>
        %dma_start3A_213 = tpu.memref_squeeze %dma_start3A_212 : memref<1x128xi32, #tpu.memory_space<vmem>> -> memref<128xi32, #tpu.memory_space<vmem>>
        %dma_start3A_214 = arith.constant 0 : i32
        %dma_start3A_215 = arith.constant 0 : i32
        %dma_start3A_216 = tpu.memref_slice %arg13[%dma_start3A_214, %dma_start3A_215] : memref<10112x64xf32, #tpu.memory_space<vmem_shared>> -> memref<10112x64xf32, #tpu.memory_space<vmem_shared>>
        tpu.enqueue_indirect_dma source(%arg10 : memref<128x64xf32, #tpu.memory_space<vmem>>) target(%dma_start3A_216 : memref<10112x64xf32, #tpu.memory_space<vmem_shared>>) offsets(%dma_start3A_213 : memref<128xi32, #tpu.memory_space<vmem>>) semaphore(%run_scoped3A_210 : memref<!tpu.dma_semaphore, #tpu.memory_space<semaphore_mem>>) {add = true}
        %dma_wait3A_217 = arith.constant 0 : i32
        %dma_wait3A_218 = tpu.memref_slice %arg8[%add3A_165, %dma_wait3A_217] : memref<80x128xi32, #tpu.memory_space<vmem>> -> memref<1x128xi32, #tpu.memory_space<vmem>>
        %dma_wait3A_219 = tpu.memref_squeeze %dma_wait3A_218 : memref<1x128xi32, #tpu.memory_space<vmem>> -> memref<128xi32, #tpu.memory_space<vmem>>
        %dma_wait3A_220 = arith.constant 0 : i32
        %dma_wait3A_221 = arith.constant 0 : i32
        %dma_wait3A_222 = tpu.memref_slice %arg13[%dma_wait3A_220, %dma_wait3A_221] : memref<10112x64xf32, #tpu.memory_space<vmem_shared>> -> memref<10112x64xf32, #tpu.memory_space<vmem_shared>>
        tpu.wait_indirect_dma semaphore(%run_scoped3A_210 : memref<!tpu.dma_semaphore, #tpu.memory_space<semaphore_mem>>) src(%arg10 : memref<128x64xf32, #tpu.memory_space<vmem>>) dst(%dma_wait3A_222 : memref<10112x64xf32, #tpu.memory_space<vmem_shared>>)
        tpu.yield
      }) : () -> ()
      %add3A_172 = arith.constant 4 : i32
      %add3A_173 = arith.addi %add3A_165, %add3A_172 : i32
      %lt3A_174 = arith.cmpi slt, %add3A_173, %select_n3A : i32
      %convert_element_type3A_175 = arith.extui %lt3A_174 : i1 to i32
      %cond3A_176 = arith.constant 0 : i32
      %cond3A_177 = arith.cmpi ne, %convert_element_type3A_175, %cond3A_176 : i32
      scf.if %cond3A_177 {
        %add3A_210 = arith.constant 4 : i32
        %add3A_211 = arith.addi %add3A_165, %add3A_210 : i32
        %dma_start3A_212 = arith.constant 0 : i32
        %dma_start3A_213 = tpu.memref_slice %arg7[%add3A_211, %dma_start3A_212] : memref<80x128xi32, #tpu.memory_space<vmem>> -> memref<1x128xi32, #tpu.memory_space<vmem>>
        %dma_start3A_214 = tpu.memref_squeeze %dma_start3A_213 : memref<1x128xi32, #tpu.memory_space<vmem>> -> memref<128xi32, #tpu.memory_space<vmem>>
        %dma_start3A_215 = arith.constant 0 : i32
        %dma_start3A_216 = arith.constant 0 : i32
        %dma_start3A_217 = tpu.memref_slice %arg3[%dma_start3A_215, %dma_start3A_216] : memref<10000x64xf32, #tpu.memory_space<hbm>> -> memref<10000x64xf32, #tpu.memory_space<hbm>>
        tpu.enqueue_indirect_dma source(%dma_start3A_217 : memref<10000x64xf32, #tpu.memory_space<hbm>>) target(%arg10 : memref<128x64xf32, #tpu.memory_space<vmem>>) offsets(%dma_start3A_214 : memref<128xi32, #tpu.memory_space<vmem>>) semaphore(%arg15 : memref<!tpu.dma_semaphore, #tpu.memory_space<semaphore_mem>>)
      } else {
      }
      %mul3A_178 = arith.constant 4 : i32
      %mul3A_179 = arith.muli %mul3A_178, %while3A_148 : i32
      %add3A_180 = arith.constant 2 : i32
      %add3A_181 = arith.addi %mul3A_179, %add3A_180 : i32
      %dma_wait3A_182 = arith.constant 0 : i32
      %dma_wait3A_183 = tpu.memref_slice %arg7[%add3A_181, %dma_wait3A_182] : memref<80x128xi32, #tpu.memory_space<vmem>> -> memref<1x128xi32, #tpu.memory_space<vmem>>
      %dma_wait3A_184 = tpu.memref_squeeze %dma_wait3A_183 : memref<1x128xi32, #tpu.memory_space<vmem>> -> memref<128xi32, #tpu.memory_space<vmem>>
      %dma_wait3A_185 = arith.constant 0 : i32
      %dma_wait3A_186 = arith.constant 0 : i32
      %dma_wait3A_187 = tpu.memref_slice %arg3[%dma_wait3A_185, %dma_wait3A_186] : memref<10000x64xf32, #tpu.memory_space<hbm>> -> memref<10000x64xf32, #tpu.memory_space<hbm>>
      tpu.wait_indirect_dma semaphore(%arg16 : memref<!tpu.dma_semaphore, #tpu.memory_space<semaphore_mem>>) src(%dma_wait3A_187 : memref<10000x64xf32, #tpu.memory_space<hbm>>) dst(%arg11 : memref<128x64xf32, #tpu.memory_space<vmem>>)
      "tpu.region"() ({
        %run_scoped3A_210 = tpu.sem_alloc : memref<!tpu.dma_semaphore, #tpu.memory_space<semaphore_mem>>
        %dma_start3A_211 = arith.constant 0 : i32
        %dma_start3A_212 = tpu.memref_slice %arg8[%add3A_181, %dma_start3A_211] : memref<80x128xi32, #tpu.memory_space<vmem>> -> memref<1x128xi32, #tpu.memory_space<vmem>>
        %dma_start3A_213 = tpu.memref_squeeze %dma_start3A_212 : memref<1x128xi32, #tpu.memory_space<vmem>> -> memref<128xi32, #tpu.memory_space<vmem>>
        %dma_start3A_214 = arith.constant 0 : i32
        %dma_start3A_215 = arith.constant 0 : i32
        %dma_start3A_216 = tpu.memref_slice %arg13[%dma_start3A_214, %dma_start3A_215] : memref<10112x64xf32, #tpu.memory_space<vmem_shared>> -> memref<10112x64xf32, #tpu.memory_space<vmem_shared>>
        tpu.enqueue_indirect_dma source(%arg11 : memref<128x64xf32, #tpu.memory_space<vmem>>) target(%dma_start3A_216 : memref<10112x64xf32, #tpu.memory_space<vmem_shared>>) offsets(%dma_start3A_213 : memref<128xi32, #tpu.memory_space<vmem>>) semaphore(%run_scoped3A_210 : memref<!tpu.dma_semaphore, #tpu.memory_space<semaphore_mem>>) {add = true}
        %dma_wait3A_217 = arith.constant 0 : i32
        %dma_wait3A_218 = tpu.memref_slice %arg8[%add3A_181, %dma_wait3A_217] : memref<80x128xi32, #tpu.memory_space<vmem>> -> memref<1x128xi32, #tpu.memory_space<vmem>>
        %dma_wait3A_219 = tpu.memref_squeeze %dma_wait3A_218 : memref<1x128xi32, #tpu.memory_space<vmem>> -> memref<128xi32, #tpu.memory_space<vmem>>
        %dma_wait3A_220 = arith.constant 0 : i32
        %dma_wait3A_221 = arith.constant 0 : i32
        %dma_wait3A_222 = tpu.memref_slice %arg13[%dma_wait3A_220, %dma_wait3A_221] : memref<10112x64xf32, #tpu.memory_space<vmem_shared>> -> memref<10112x64xf32, #tpu.memory_space<vmem_shared>>
        tpu.wait_indirect_dma semaphore(%run_scoped3A_210 : memref<!tpu.dma_semaphore, #tpu.memory_space<semaphore_mem>>) src(%arg11 : memref<128x64xf32, #tpu.memory_space<vmem>>) dst(%dma_wait3A_222 : memref<10112x64xf32, #tpu.memory_space<vmem_shared>>)
        tpu.yield
      }) : () -> ()
      %add3A_188 = arith.constant 4 : i32
      %add3A_189 = arith.addi %add3A_181, %add3A_188 : i32
      %lt3A_190 = arith.cmpi slt, %add3A_189, %select_n3A : i32
      %convert_element_type3A_191 = arith.extui %lt3A_190 : i1 to i32
      %cond3A_192 = arith.constant 0 : i32
      %cond3A_193 = arith.cmpi ne, %convert_element_type3A_191, %cond3A_192 : i32
      scf.if %cond3A_193 {
        %add3A_210 = arith.constant 4 : i32
        %add3A_211 = arith.addi %add3A_181, %add3A_210 : i32
        %dma_start3A_212 = arith.constant 0 : i32
        %dma_start3A_213 = tpu.memref_slice %arg7[%add3A_211, %dma_start3A_212] : memref<80x128xi32, #tpu.memory_space<vmem>> -> memref<1x128xi32, #tpu.memory_space<vmem>>
        %dma_start3A_214 = tpu.memref_squeeze %dma_start3A_213 : memref<1x128xi32, #tpu.memory_space<vmem>> -> memref<128xi32, #tpu.memory_space<vmem>>
        %dma_start3A_215 = arith.constant 0 : i32
        %dma_start3A_216 = arith.constant 0 : i32
        %dma_start3A_217 = tpu.memref_slice %arg3[%dma_start3A_215, %dma_start3A_216] : memref<10000x64xf32, #tpu.memory_space<hbm>> -> memref<10000x64xf32, #tpu.memory_space<hbm>>
        tpu.enqueue_indirect_dma source(%dma_start3A_217 : memref<10000x64xf32, #tpu.memory_space<hbm>>) target(%arg11 : memref<128x64xf32, #tpu.memory_space<vmem>>) offsets(%dma_start3A_214 : memref<128xi32, #tpu.memory_space<vmem>>) semaphore(%arg16 : memref<!tpu.dma_semaphore, #tpu.memory_space<semaphore_mem>>)
      } else {
      }
      %mul3A_194 = arith.constant 4 : i32
      %mul3A_195 = arith.muli %mul3A_194, %while3A_148 : i32
      %add3A_196 = arith.constant 3 : i32
      %add3A_197 = arith.addi %mul3A_195, %add3A_196 : i32
      %dma_wait3A_198 = arith.constant 0 : i32
      %dma_wait3A_199 = tpu.memref_slice %arg7[%add3A_197, %dma_wait3A_198] : memref<80x128xi32, #tpu.memory_space<vmem>> -> memref<1x128xi32, #tpu.memory_space<vmem>>
      %dma_wait3A_200 = tpu.memref_squeeze %dma_wait3A_199 : memref<1x128xi32, #tpu.memory_space<vmem>> -> memref<128xi32, #tpu.memory_space<vmem>>
      %dma_wait3A_201 = arith.constant 0 : i32
      %dma_wait3A_202 = arith.constant 0 : i32
      %dma_wait3A_203 = tpu.memref_slice %arg3[%dma_wait3A_201, %dma_wait3A_202] : memref<10000x64xf32, #tpu.memory_space<hbm>> -> memref<10000x64xf32, #tpu.memory_space<hbm>>
      tpu.wait_indirect_dma semaphore(%arg17 : memref<!tpu.dma_semaphore, #tpu.memory_space<semaphore_mem>>) src(%dma_wait3A_203 : memref<10000x64xf32, #tpu.memory_space<hbm>>) dst(%arg12 : memref<128x64xf32, #tpu.memory_space<vmem>>)
      "tpu.region"() ({
        %run_scoped3A_210 = tpu.sem_alloc : memref<!tpu.dma_semaphore, #tpu.memory_space<semaphore_mem>>
        %dma_start3A_211 = arith.constant 0 : i32
        %dma_start3A_212 = tpu.memref_slice %arg8[%add3A_197, %dma_start3A_211] : memref<80x128xi32, #tpu.memory_space<vmem>> -> memref<1x128xi32, #tpu.memory_space<vmem>>
        %dma_start3A_213 = tpu.memref_squeeze %dma_start3A_212 : memref<1x128xi32, #tpu.memory_space<vmem>> -> memref<128xi32, #tpu.memory_space<vmem>>
        %dma_start3A_214 = arith.constant 0 : i32
        %dma_start3A_215 = arith.constant 0 : i32
        %dma_start3A_216 = tpu.memref_slice %arg13[%dma_start3A_214, %dma_start3A_215] : memref<10112x64xf32, #tpu.memory_space<vmem_shared>> -> memref<10112x64xf32, #tpu.memory_space<vmem_shared>>
        tpu.enqueue_indirect_dma source(%arg12 : memref<128x64xf32, #tpu.memory_space<vmem>>) target(%dma_start3A_216 : memref<10112x64xf32, #tpu.memory_space<vmem_shared>>) offsets(%dma_start3A_213 : memref<128xi32, #tpu.memory_space<vmem>>) semaphore(%run_scoped3A_210 : memref<!tpu.dma_semaphore, #tpu.memory_space<semaphore_mem>>) {add = true}
        %dma_wait3A_217 = arith.constant 0 : i32
        %dma_wait3A_218 = tpu.memref_slice %arg8[%add3A_197, %dma_wait3A_217] : memref<80x128xi32, #tpu.memory_space<vmem>> -> memref<1x128xi32, #tpu.memory_space<vmem>>
        %dma_wait3A_219 = tpu.memref_squeeze %dma_wait3A_218 : memref<1x128xi32, #tpu.memory_space<vmem>> -> memref<128xi32, #tpu.memory_space<vmem>>
        %dma_wait3A_220 = arith.constant 0 : i32
        %dma_wait3A_221 = arith.constant 0 : i32
        %dma_wait3A_222 = tpu.memref_slice %arg13[%dma_wait3A_220, %dma_wait3A_221] : memref<10112x64xf32, #tpu.memory_space<vmem_shared>> -> memref<10112x64xf32, #tpu.memory_space<vmem_shared>>
        tpu.wait_indirect_dma semaphore(%run_scoped3A_210 : memref<!tpu.dma_semaphore, #tpu.memory_space<semaphore_mem>>) src(%arg12 : memref<128x64xf32, #tpu.memory_space<vmem>>) dst(%dma_wait3A_222 : memref<10112x64xf32, #tpu.memory_space<vmem_shared>>)
        tpu.yield
      }) : () -> ()
      %add3A_204 = arith.constant 4 : i32
      %add3A_205 = arith.addi %add3A_197, %add3A_204 : i32
      %lt3A_206 = arith.cmpi slt, %add3A_205, %select_n3A : i32
      %convert_element_type3A_207 = arith.extui %lt3A_206 : i1 to i32
      %cond3A_208 = arith.constant 0 : i32
      %cond3A_209 = arith.cmpi ne, %convert_element_type3A_207, %cond3A_208 : i32
      scf.if %cond3A_209 {
        %add3A_210 = arith.constant 4 : i32
        %add3A_211 = arith.addi %add3A_197, %add3A_210 : i32
        %dma_start3A_212 = arith.constant 0 : i32
        %dma_start3A_213 = tpu.memref_slice %arg7[%add3A_211, %dma_start3A_212] : memref<80x128xi32, #tpu.memory_space<vmem>> -> memref<1x128xi32, #tpu.memory_space<vmem>>
        %dma_start3A_214 = tpu.memref_squeeze %dma_start3A_213 : memref<1x128xi32, #tpu.memory_space<vmem>> -> memref<128xi32, #tpu.memory_space<vmem>>
        %dma_start3A_215 = arith.constant 0 : i32
        %dma_start3A_216 = arith.constant 0 : i32
        %dma_start3A_217 = tpu.memref_slice %arg3[%dma_start3A_215, %dma_start3A_216] : memref<10000x64xf32, #tpu.memory_space<hbm>> -> memref<10000x64xf32, #tpu.memory_space<hbm>>
        tpu.enqueue_indirect_dma source(%dma_start3A_217 : memref<10000x64xf32, #tpu.memory_space<hbm>>) target(%arg12 : memref<128x64xf32, #tpu.memory_space<vmem>>) offsets(%dma_start3A_214 : memref<128xi32, #tpu.memory_space<vmem>>) semaphore(%arg17 : memref<!tpu.dma_semaphore, #tpu.memory_space<semaphore_mem>>)
      } else {
      }
    }
    %barrier3A_142 = arith.constant 0 : index
    tpu.barrier barrier_id(%barrier3A_142)
    %mul3A_143 = arith.constant 632 : i32
    %mul3A_144 = arith.muli %arg1, %mul3A_143 : i32
    %mul3A_145 = arith.constant 632 : i32
    %mul3A_146 = arith.muli %arg1, %mul3A_145 : i32
    %run_scoped3A_147 = arith.constant 1 : i32
    "tpu.region"() ({
      %run_scoped3A_148 = tpu.sem_alloc : memref<!tpu.dma_semaphore, #tpu.memory_space<semaphore_mem>>
      %dma_start3A_149 = arith.constant 0 : i32
      %dma_start3A_150 = tpu.memref_slice %arg6[%run_scoped3A_147, %arg0, %mul3A_146, %dma_start3A_149] : memref<2x2x10112x64xf32, #tpu.memory_space<hbm>> -> memref<1x1x632x64xf32, #tpu.memory_space<hbm>>
      %dma_start3A_151 = tpu.memref_squeeze %dma_start3A_150 : memref<1x1x632x64xf32, #tpu.memory_space<hbm>> -> memref<632x64xf32, #tpu.memory_space<hbm>>
      %dma_start3A_152 = arith.constant 0 : i32
      %dma_start3A_153 = tpu.memref_slice %arg13[%mul3A_144, %dma_start3A_152] : memref<10112x64xf32, #tpu.memory_space<vmem_shared>> -> memref<632x64xf32, #tpu.memory_space<vmem_shared>>
      tpu.enqueue_dma source(%dma_start3A_153 : memref<632x64xf32, #tpu.memory_space<vmem_shared>>) target(%dma_start3A_151 : memref<632x64xf32, #tpu.memory_space<hbm>>) target_semaphore(%run_scoped3A_148 : memref<!tpu.dma_semaphore, #tpu.memory_space<semaphore_mem>>)
      %dma_wait3A = arith.constant 0 : i32
      %dma_wait3A_154 = tpu.memref_slice %arg6[%run_scoped3A_147, %arg0, %mul3A_146, %dma_wait3A] : memref<2x2x10112x64xf32, #tpu.memory_space<hbm>> -> memref<1x1x632x64xf32, #tpu.memory_space<hbm>>
      %dma_wait3A_155 = tpu.memref_squeeze %dma_wait3A_154 : memref<1x1x632x64xf32, #tpu.memory_space<hbm>> -> memref<632x64xf32, #tpu.memory_space<hbm>>
      %dma_wait3A_156 = arith.constant 0 : i32
      %dma_wait3A_157 = tpu.memref_slice %arg13[%mul3A_144, %dma_wait3A_156] : memref<10112x64xf32, #tpu.memory_space<vmem_shared>> -> memref<632x64xf32, #tpu.memory_space<vmem_shared>>
      tpu.wait_dma2 semaphore(%run_scoped3A_148 : memref<!tpu.dma_semaphore, #tpu.memory_space<semaphore_mem>>) src(%dma_wait3A_157 : memref<632x64xf32, #tpu.memory_space<vmem_shared>>) dst(%dma_wait3A_155 : memref<632x64xf32, #tpu.memory_space<hbm>>)
      tpu.yield
    }) : () -> ()
    return
  }
}

#map = affine_map<(d0, d1) -> (0, 0)>
#map1 = affine_map<(d0, d1) -> (0, 0, 0)>
#map2 = affine_map<(d0, d1) -> (0, 0, 0, 0)>
module attributes {stable_mosaic.version = 14 : i64} {
  func.func @_sc_agg_body(%arg0: i32, %arg1: i32, %arg2: memref<10000x64xf32, #tpu.memory_space<hbm>>, %arg3: memref<10000x64xf32, #tpu.memory_space<hbm>>, %arg4: memref<2x2500x128xi32, #tpu.memory_space<hbm>>, %arg5: memref<632x64xf32, #tpu.memory_space<hbm>>, %arg6: memref<2x2x10112x64xf32, #tpu.memory_space<hbm>>, %arg7: memref<80x128xi32, #tpu.memory_space<vmem>>, %arg8: memref<80x128xi32, #tpu.memory_space<vmem>>, %arg9: memref<128x64xf32, #tpu.memory_space<vmem>>, %arg10: memref<128x64xf32, #tpu.memory_space<vmem>>, %arg11: memref<128x64xf32, #tpu.memory_space<vmem>>, %arg12: memref<128x64xf32, #tpu.memory_space<vmem>>, %arg13: memref<10112x64xf32, #tpu.memory_space<vmem_shared>>, %arg14: memref<!tpu.dma_semaphore, #tpu.memory_space<semaphore_mem>>, %arg15: memref<!tpu.dma_semaphore, #tpu.memory_space<semaphore_mem>>, %arg16: memref<!tpu.dma_semaphore, #tpu.memory_space<semaphore_mem>>, %arg17: memref<!tpu.dma_semaphore, #tpu.memory_space<semaphore_mem>>) attributes {dimension_semantics = [#tpu.dimension_semantics<core_parallel>, #tpu.dimension_semantics<subcore_parallel>], iteration_bounds = array<i64: 2, 16>, scalar_prefetch = 0 : i64, scratch_operands = 11 : i64, tpu.core_type = #tpu.core_type<sc_vector_subcore>, window_params = [{transform_indices = #map}, {transform_indices = #map}, {transform_indices = #map1}, {transform_indices = #map}, {transform_indices = #map2}]} {
    %mul3A = arith.constant 2 : i32
    %mul3A_0 = arith.muli %arg1, %mul3A : i32
    %add3A = arith.addi %mul3A_0, %arg0 : i32
    %lt3A = arith.constant 15 : i32
    %lt3A_1 = arith.cmpi slt, %add3A, %lt3A : i32
    %jit3A = arith.constant 76 : i32
    %jit3A_2 = arith.constant 80 : i32
    %select_n3A = arith.select %lt3A_1, %jit3A, %jit3A_2 : i32
    %lt3A_3 = arith.constant 15 : i32
    %lt3A_4 = arith.cmpi slt, %add3A, %lt3A_3 : i32
    %mul3A_5 = arith.constant 76 : i32
    %mul3A_6 = arith.muli %add3A, %mul3A_5 : i32
    %sub3A = arith.constant 15 : i32
    %sub3A_7 = arith.subi %add3A, %sub3A : i32
    %mul3A_8 = arith.constant 80 : i32
    %mul3A_9 = arith.muli %sub3A_7, %mul3A_8 : i32
    %add3A_10 = arith.constant 1140 : i32
    %add3A_11 = arith.addi %add3A_10, %mul3A_9 : i32
    %select_n3A_12 = arith.select %lt3A_4, %mul3A_6, %add3A_11 : i32
    %run_scoped3A = arith.constant 0 : i32
    "tpu.region"() ({
      %run_scoped3A_148 = tpu.sem_alloc : memref<!tpu.dma_semaphore, #tpu.memory_space<semaphore_mem>>
      %dma_start3A_149 = arith.constant 0 : i32
      %dma_start3A_150 = tpu.memref_slice %arg4[%run_scoped3A, %select_n3A_12, %dma_start3A_149] : memref<2x2500x128xi32, #tpu.memory_space<hbm>> -> memref<1x80x128xi32, #tpu.memory_space<hbm>>
      %dma_start3A_151 = tpu.memref_squeeze %dma_start3A_150 : memref<1x80x128xi32, #tpu.memory_space<hbm>> -> memref<80x128xi32, #tpu.memory_space<hbm>>
      %dma_start3A_152 = arith.constant 0 : i32
      %dma_start3A_153 = tpu.memref_slice %arg4[%run_scoped3A, %select_n3A_12, %dma_start3A_152] : memref<2x2500x128xi32, #tpu.memory_space<hbm>> -> memref<1x80x128xi32, #tpu.memory_space<hbm>>
      %dma_start3A_154 = tpu.memref_squeeze %dma_start3A_153 : memref<1x80x128xi32, #tpu.memory_space<hbm>> -> memref<80x128xi32, #tpu.memory_space<hbm>>
      tpu.enqueue_dma source(%dma_start3A_154 : memref<80x128xi32, #tpu.memory_space<hbm>>) target(%arg7 : memref<80x128xi32, #tpu.memory_space<vmem>>) target_semaphore(%run_scoped3A_148 : memref<!tpu.dma_semaphore, #tpu.memory_space<semaphore_mem>>)
      %dma_wait3A = arith.constant 0 : i32
      %dma_wait3A_155 = tpu.memref_slice %arg4[%run_scoped3A, %select_n3A_12, %dma_wait3A] : memref<2x2500x128xi32, #tpu.memory_space<hbm>> -> memref<1x80x128xi32, #tpu.memory_space<hbm>>
      %dma_wait3A_156 = tpu.memref_squeeze %dma_wait3A_155 : memref<1x80x128xi32, #tpu.memory_space<hbm>> -> memref<80x128xi32, #tpu.memory_space<hbm>>
      %dma_wait3A_157 = arith.constant 0 : i32
      %dma_wait3A_158 = tpu.memref_slice %arg4[%run_scoped3A, %select_n3A_12, %dma_wait3A_157] : memref<2x2500x128xi32, #tpu.memory_space<hbm>> -> memref<1x80x128xi32, #tpu.memory_space<hbm>>
      %dma_wait3A_159 = tpu.memref_squeeze %dma_wait3A_158 : memref<1x80x128xi32, #tpu.memory_space<hbm>> -> memref<80x128xi32, #tpu.memory_space<hbm>>
      tpu.wait_dma2 semaphore(%run_scoped3A_148 : memref<!tpu.dma_semaphore, #tpu.memory_space<semaphore_mem>>) src(%dma_wait3A_159 : memref<80x128xi32, #tpu.memory_space<hbm>>) dst(%arg7 : memref<80x128xi32, #tpu.memory_space<vmem>>)
      tpu.yield
    }) : () -> ()
    %run_scoped3A_13 = arith.constant 1 : i32
    "tpu.region"() ({
      %run_scoped3A_148 = tpu.sem_alloc : memref<!tpu.dma_semaphore, #tpu.memory_space<semaphore_mem>>
      %dma_start3A_149 = arith.constant 0 : i32
      %dma_start3A_150 = tpu.memref_slice %arg4[%run_scoped3A_13, %select_n3A_12, %dma_start3A_149] : memref<2x2500x128xi32, #tpu.memory_space<hbm>> -> memref<1x80x128xi32, #tpu.memory_space<hbm>>
      %dma_start3A_151 = tpu.memref_squeeze %dma_start3A_150 : memref<1x80x128xi32, #tpu.memory_space<hbm>> -> memref<80x128xi32, #tpu.memory_space<hbm>>
      %dma_start3A_152 = arith.constant 0 : i32
      %dma_start3A_153 = tpu.memref_slice %arg4[%run_scoped3A_13, %select_n3A_12, %dma_start3A_152] : memref<2x2500x128xi32, #tpu.memory_space<hbm>> -> memref<1x80x128xi32, #tpu.memory_space<hbm>>
      %dma_start3A_154 = tpu.memref_squeeze %dma_start3A_153 : memref<1x80x128xi32, #tpu.memory_space<hbm>> -> memref<80x128xi32, #tpu.memory_space<hbm>>
      tpu.enqueue_dma source(%dma_start3A_154 : memref<80x128xi32, #tpu.memory_space<hbm>>) target(%arg8 : memref<80x128xi32, #tpu.memory_space<vmem>>) target_semaphore(%run_scoped3A_148 : memref<!tpu.dma_semaphore, #tpu.memory_space<semaphore_mem>>)
      %dma_wait3A = arith.constant 0 : i32
      %dma_wait3A_155 = tpu.memref_slice %arg4[%run_scoped3A_13, %select_n3A_12, %dma_wait3A] : memref<2x2500x128xi32, #tpu.memory_space<hbm>> -> memref<1x80x128xi32, #tpu.memory_space<hbm>>
      %dma_wait3A_156 = tpu.memref_squeeze %dma_wait3A_155 : memref<1x80x128xi32, #tpu.memory_space<hbm>> -> memref<80x128xi32, #tpu.memory_space<hbm>>
      %dma_wait3A_157 = arith.constant 0 : i32
      %dma_wait3A_158 = tpu.memref_slice %arg4[%run_scoped3A_13, %select_n3A_12, %dma_wait3A_157] : memref<2x2500x128xi32, #tpu.memory_space<hbm>> -> memref<1x80x128xi32, #tpu.memory_space<hbm>>
      %dma_wait3A_159 = tpu.memref_squeeze %dma_wait3A_158 : memref<1x80x128xi32, #tpu.memory_space<hbm>> -> memref<80x128xi32, #tpu.memory_space<hbm>>
      tpu.wait_dma2 semaphore(%run_scoped3A_148 : memref<!tpu.dma_semaphore, #tpu.memory_space<semaphore_mem>>) src(%dma_wait3A_159 : memref<80x128xi32, #tpu.memory_space<hbm>>) dst(%arg8 : memref<80x128xi32, #tpu.memory_space<vmem>>)
      tpu.yield
    }) : () -> ()
    %mul3A_14 = arith.constant 632 : i32
    %mul3A_15 = arith.muli %arg1, %mul3A_14 : i32
    "tpu.region"() ({
      %run_scoped3A_148 = tpu.sem_alloc : memref<!tpu.dma_semaphore, #tpu.memory_space<semaphore_mem>>
      %dma_start3A_149 = arith.constant 0 : i32
      %dma_start3A_150 = tpu.memref_slice %arg13[%mul3A_15, %dma_start3A_149] : memref<10112x64xf32, #tpu.memory_space<vmem_shared>> -> memref<632x64xf32, #tpu.memory_space<vmem_shared>>
      tpu.enqueue_dma source(%arg5 : memref<632x64xf32, #tpu.memory_space<hbm>>) target(%dma_start3A_150 : memref<632x64xf32, #tpu.memory_space<vmem_shared>>) target_semaphore(%run_scoped3A_148 : memref<!tpu.dma_semaphore, #tpu.memory_space<semaphore_mem>>)
      %dma_wait3A = arith.constant 0 : i32
      %dma_wait3A_151 = tpu.memref_slice %arg13[%mul3A_15, %dma_wait3A] : memref<10112x64xf32, #tpu.memory_space<vmem_shared>> -> memref<632x64xf32, #tpu.memory_space<vmem_shared>>
      tpu.wait_dma2 semaphore(%run_scoped3A_148 : memref<!tpu.dma_semaphore, #tpu.memory_space<semaphore_mem>>) src(%arg5 : memref<632x64xf32, #tpu.memory_space<hbm>>) dst(%dma_wait3A_151 : memref<632x64xf32, #tpu.memory_space<vmem_shared>>)
      tpu.yield
    }) : () -> ()
    %barrier3A = arith.constant 0 : index
    tpu.barrier barrier_id(%barrier3A)
    %dma_start3A = arith.constant 0 : i32
    %dma_start3A_16 = arith.constant 0 : i32
    %dma_start3A_17 = tpu.memref_slice %arg7[%dma_start3A, %dma_start3A_16] : memref<80x128xi32, #tpu.memory_space<vmem>> -> memref<1x128xi32, #tpu.memory_space<vmem>>
    %dma_start3A_18 = tpu.memref_squeeze %dma_start3A_17 : memref<1x128xi32, #tpu.memory_space<vmem>> -> memref<128xi32, #tpu.memory_space<vmem>>
    %dma_start3A_19 = arith.constant 0 : i32
    %dma_start3A_20 = arith.constant 0 : i32
    %dma_start3A_21 = tpu.memref_slice %arg2[%dma_start3A_19, %dma_start3A_20] : memref<10000x64xf32, #tpu.memory_space<hbm>> -> memref<10000x64xf32, #tpu.memory_space<hbm>>
    tpu.enqueue_indirect_dma source(%dma_start3A_21 : memref<10000x64xf32, #tpu.memory_space<hbm>>) target(%arg9 : memref<128x64xf32, #tpu.memory_space<vmem>>) offsets(%dma_start3A_18 : memref<128xi32, #tpu.memory_space<vmem>>) semaphore(%arg14 : memref<!tpu.dma_semaphore, #tpu.memory_space<semaphore_mem>>)
    %dma_start3A_22 = arith.constant 1 : i32
    %dma_start3A_23 = arith.constant 0 : i32
    %dma_start3A_24 = tpu.memref_slice %arg7[%dma_start3A_22, %dma_start3A_23] : memref<80x128xi32, #tpu.memory_space<vmem>> -> memref<1x128xi32, #tpu.memory_space<vmem>>
    %dma_start3A_25 = tpu.memref_squeeze %dma_start3A_24 : memref<1x128xi32, #tpu.memory_space<vmem>> -> memref<128xi32, #tpu.memory_space<vmem>>
    %dma_start3A_26 = arith.constant 0 : i32
    %dma_start3A_27 = arith.constant 0 : i32
    %dma_start3A_28 = tpu.memref_slice %arg2[%dma_start3A_26, %dma_start3A_27] : memref<10000x64xf32, #tpu.memory_space<hbm>> -> memref<10000x64xf32, #tpu.memory_space<hbm>>
    tpu.enqueue_indirect_dma source(%dma_start3A_28 : memref<10000x64xf32, #tpu.memory_space<hbm>>) target(%arg10 : memref<128x64xf32, #tpu.memory_space<vmem>>) offsets(%dma_start3A_25 : memref<128xi32, #tpu.memory_space<vmem>>) semaphore(%arg15 : memref<!tpu.dma_semaphore, #tpu.memory_space<semaphore_mem>>)
    %dma_start3A_29 = arith.constant 2 : i32
    %dma_start3A_30 = arith.constant 0 : i32
    %dma_start3A_31 = tpu.memref_slice %arg7[%dma_start3A_29, %dma_start3A_30] : memref<80x128xi32, #tpu.memory_space<vmem>> -> memref<1x128xi32, #tpu.memory_space<vmem>>
    %dma_start3A_32 = tpu.memref_squeeze %dma_start3A_31 : memref<1x128xi32, #tpu.memory_space<vmem>> -> memref<128xi32, #tpu.memory_space<vmem>>
    %dma_start3A_33 = arith.constant 0 : i32
    %dma_start3A_34 = arith.constant 0 : i32
    %dma_start3A_35 = tpu.memref_slice %arg2[%dma_start3A_33, %dma_start3A_34] : memref<10000x64xf32, #tpu.memory_space<hbm>> -> memref<10000x64xf32, #tpu.memory_space<hbm>>
    tpu.enqueue_indirect_dma source(%dma_start3A_35 : memref<10000x64xf32, #tpu.memory_space<hbm>>) target(%arg11 : memref<128x64xf32, #tpu.memory_space<vmem>>) offsets(%dma_start3A_32 : memref<128xi32, #tpu.memory_space<vmem>>) semaphore(%arg16 : memref<!tpu.dma_semaphore, #tpu.memory_space<semaphore_mem>>)
    %dma_start3A_36 = arith.constant 3 : i32
    %dma_start3A_37 = arith.constant 0 : i32
    %dma_start3A_38 = tpu.memref_slice %arg7[%dma_start3A_36, %dma_start3A_37] : memref<80x128xi32, #tpu.memory_space<vmem>> -> memref<1x128xi32, #tpu.memory_space<vmem>>
    %dma_start3A_39 = tpu.memref_squeeze %dma_start3A_38 : memref<1x128xi32, #tpu.memory_space<vmem>> -> memref<128xi32, #tpu.memory_space<vmem>>
    %dma_start3A_40 = arith.constant 0 : i32
    %dma_start3A_41 = arith.constant 0 : i32
    %dma_start3A_42 = tpu.memref_slice %arg2[%dma_start3A_40, %dma_start3A_41] : memref<10000x64xf32, #tpu.memory_space<hbm>> -> memref<10000x64xf32, #tpu.memory_space<hbm>>
    tpu.enqueue_indirect_dma source(%dma_start3A_42 : memref<10000x64xf32, #tpu.memory_space<hbm>>) target(%arg12 : memref<128x64xf32, #tpu.memory_space<vmem>>) offsets(%dma_start3A_39 : memref<128xi32, #tpu.memory_space<vmem>>) semaphore(%arg17 : memref<!tpu.dma_semaphore, #tpu.memory_space<semaphore_mem>>)
    %jit3A_43 = arith.constant 4 : i32
    %div3A = arith.divsi %select_n3A, %jit3A_43 : i32
    %sign3A = arith.constant 0 : i32
    %sign3A_44 = arith.cmpi sgt, %select_n3A, %sign3A : i32
    %sign3A_45 = arith.extui %sign3A_44 : i1 to i32
    %sign3A_46 = arith.constant 0 : i32
    %sign3A_47 = arith.cmpi slt, %select_n3A, %sign3A_46 : i32
    %sign3A_48 = arith.extui %sign3A_47 : i1 to i32
    %sign3A_49 = arith.subi %sign3A_45, %sign3A_48 : i32
    %sign3A_50 = arith.constant 0 : i32
    %sign3A_51 = arith.cmpi sgt, %jit3A_43, %sign3A_50 : i32
    %sign3A_52 = arith.extui %sign3A_51 : i1 to i32
    %sign3A_53 = arith.constant 0 : i32
    %sign3A_54 = arith.cmpi slt, %jit3A_43, %sign3A_53 : i32
    %sign3A_55 = arith.extui %sign3A_54 : i1 to i32
    %sign3A_56 = arith.subi %sign3A_52, %sign3A_55 : i32
    %ne3A = arith.cmpi ne, %sign3A_49, %sign3A_56 : i32
    %rem3A = arith.remsi %select_n3A, %jit3A_43 : i32
    %ne3A_57 = arith.constant 0 : i32
    %ne3A_58 = arith.cmpi ne, %rem3A, %ne3A_57 : i32
    %and3A = arith.andi %ne3A, %ne3A_58 : i1
    %sub3A_59 = arith.constant 1 : i32
    %sub3A_60 = arith.subi %div3A, %sub3A_59 : i32
    %select_n3A_61 = arith.select %and3A, %sub3A_60, %div3A : i32
    %while3A = arith.constant 0 : i32
    %while3A_62 = arith.constant 0 : i32
    %while3A_63 = arith.subi %select_n3A_61, %while3A_62 : i32
    %while3A_64 = arith.addi %while3A_62, %while3A_63 : i32
    %while3A_65 = arith.constant 1 : i32
    %while3A_66 = arith.divsi %while3A_63, %while3A_65 : i32
    %while3A_67 = arith.muli %while3A_66, %while3A_65 : i32
    %while3A_68 = arith.addi %while3A_62, %while3A_67 : i32
    %while3A_69 = arith.constant 1 : i32
    scf.for %while3A_148 = %while3A_62 to %while3A_68 step %while3A_69  : i32 {
      %mul3A_149 = arith.constant 4 : i32
      %mul3A_150 = arith.muli %mul3A_149, %while3A_148 : i32
      %add3A_151 = arith.constant 0 : i32
      %add3A_152 = arith.addi %mul3A_150, %add3A_151 : i32
      %dma_wait3A = arith.constant 0 : i32
      %dma_wait3A_153 = tpu.memref_slice %arg7[%add3A_152, %dma_wait3A] : memref<80x128xi32, #tpu.memory_space<vmem>> -> memref<1x128xi32, #tpu.memory_space<vmem>>
      %dma_wait3A_154 = tpu.memref_squeeze %dma_wait3A_153 : memref<1x128xi32, #tpu.memory_space<vmem>> -> memref<128xi32, #tpu.memory_space<vmem>>
      %dma_wait3A_155 = arith.constant 0 : i32
      %dma_wait3A_156 = arith.constant 0 : i32
      %dma_wait3A_157 = tpu.memref_slice %arg2[%dma_wait3A_155, %dma_wait3A_156] : memref<10000x64xf32, #tpu.memory_space<hbm>> -> memref<10000x64xf32, #tpu.memory_space<hbm>>
      tpu.wait_indirect_dma semaphore(%arg14 : memref<!tpu.dma_semaphore, #tpu.memory_space<semaphore_mem>>) src(%dma_wait3A_157 : memref<10000x64xf32, #tpu.memory_space<hbm>>) dst(%arg9 : memref<128x64xf32, #tpu.memory_space<vmem>>)
      "tpu.region"() ({
        %run_scoped3A_210 = tpu.sem_alloc : memref<!tpu.dma_semaphore, #tpu.memory_space<semaphore_mem>>
        %dma_start3A_211 = arith.constant 0 : i32
        %dma_start3A_212 = tpu.memref_slice %arg8[%add3A_152, %dma_start3A_211] : memref<80x128xi32, #tpu.memory_space<vmem>> -> memref<1x128xi32, #tpu.memory_space<vmem>>
        %dma_start3A_213 = tpu.memref_squeeze %dma_start3A_212 : memref<1x128xi32, #tpu.memory_space<vmem>> -> memref<128xi32, #tpu.memory_space<vmem>>
        %dma_start3A_214 = arith.constant 0 : i32
        %dma_start3A_215 = arith.constant 0 : i32
        %dma_start3A_216 = tpu.memref_slice %arg13[%dma_start3A_214, %dma_start3A_215] : memref<10112x64xf32, #tpu.memory_space<vmem_shared>> -> memref<10112x64xf32, #tpu.memory_space<vmem_shared>>
        tpu.enqueue_indirect_dma source(%arg9 : memref<128x64xf32, #tpu.memory_space<vmem>>) target(%dma_start3A_216 : memref<10112x64xf32, #tpu.memory_space<vmem_shared>>) offsets(%dma_start3A_213 : memref<128xi32, #tpu.memory_space<vmem>>) semaphore(%run_scoped3A_210 : memref<!tpu.dma_semaphore, #tpu.memory_space<semaphore_mem>>) {add = true}
        %dma_wait3A_217 = arith.constant 0 : i32
        %dma_wait3A_218 = tpu.memref_slice %arg8[%add3A_152, %dma_wait3A_217] : memref<80x128xi32, #tpu.memory_space<vmem>> -> memref<1x128xi32, #tpu.memory_space<vmem>>
        %dma_wait3A_219 = tpu.memref_squeeze %dma_wait3A_218 : memref<1x128xi32, #tpu.memory_space<vmem>> -> memref<128xi32, #tpu.memory_space<vmem>>
        %dma_wait3A_220 = arith.constant 0 : i32
        %dma_wait3A_221 = arith.constant 0 : i32
        %dma_wait3A_222 = tpu.memref_slice %arg13[%dma_wait3A_220, %dma_wait3A_221] : memref<10112x64xf32, #tpu.memory_space<vmem_shared>> -> memref<10112x64xf32, #tpu.memory_space<vmem_shared>>
        tpu.wait_indirect_dma semaphore(%run_scoped3A_210 : memref<!tpu.dma_semaphore, #tpu.memory_space<semaphore_mem>>) src(%arg9 : memref<128x64xf32, #tpu.memory_space<vmem>>) dst(%dma_wait3A_222 : memref<10112x64xf32, #tpu.memory_space<vmem_shared>>)
        tpu.yield
      }) : () -> ()
      %add3A_158 = arith.constant 4 : i32
      %add3A_159 = arith.addi %add3A_152, %add3A_158 : i32
      %lt3A_160 = arith.cmpi slt, %add3A_159, %select_n3A : i32
      %convert_element_type3A = arith.extui %lt3A_160 : i1 to i32
      %cond3A = arith.constant 0 : i32
      %cond3A_161 = arith.cmpi ne, %convert_element_type3A, %cond3A : i32
      scf.if %cond3A_161 {
        %add3A_210 = arith.constant 4 : i32
        %add3A_211 = arith.addi %add3A_152, %add3A_210 : i32
        %dma_start3A_212 = arith.constant 0 : i32
        %dma_start3A_213 = tpu.memref_slice %arg7[%add3A_211, %dma_start3A_212] : memref<80x128xi32, #tpu.memory_space<vmem>> -> memref<1x128xi32, #tpu.memory_space<vmem>>
        %dma_start3A_214 = tpu.memref_squeeze %dma_start3A_213 : memref<1x128xi32, #tpu.memory_space<vmem>> -> memref<128xi32, #tpu.memory_space<vmem>>
        %dma_start3A_215 = arith.constant 0 : i32
        %dma_start3A_216 = arith.constant 0 : i32
        %dma_start3A_217 = tpu.memref_slice %arg2[%dma_start3A_215, %dma_start3A_216] : memref<10000x64xf32, #tpu.memory_space<hbm>> -> memref<10000x64xf32, #tpu.memory_space<hbm>>
        tpu.enqueue_indirect_dma source(%dma_start3A_217 : memref<10000x64xf32, #tpu.memory_space<hbm>>) target(%arg9 : memref<128x64xf32, #tpu.memory_space<vmem>>) offsets(%dma_start3A_214 : memref<128xi32, #tpu.memory_space<vmem>>) semaphore(%arg14 : memref<!tpu.dma_semaphore, #tpu.memory_space<semaphore_mem>>)
      } else {
      }
      %mul3A_162 = arith.constant 4 : i32
      %mul3A_163 = arith.muli %mul3A_162, %while3A_148 : i32
      %add3A_164 = arith.constant 1 : i32
      %add3A_165 = arith.addi %mul3A_163, %add3A_164 : i32
      %dma_wait3A_166 = arith.constant 0 : i32
      %dma_wait3A_167 = tpu.memref_slice %arg7[%add3A_165, %dma_wait3A_166] : memref<80x128xi32, #tpu.memory_space<vmem>> -> memref<1x128xi32, #tpu.memory_space<vmem>>
      %dma_wait3A_168 = tpu.memref_squeeze %dma_wait3A_167 : memref<1x128xi32, #tpu.memory_space<vmem>> -> memref<128xi32, #tpu.memory_space<vmem>>
      %dma_wait3A_169 = arith.constant 0 : i32
      %dma_wait3A_170 = arith.constant 0 : i32
      %dma_wait3A_171 = tpu.memref_slice %arg2[%dma_wait3A_169, %dma_wait3A_170] : memref<10000x64xf32, #tpu.memory_space<hbm>> -> memref<10000x64xf32, #tpu.memory_space<hbm>>
      tpu.wait_indirect_dma semaphore(%arg15 : memref<!tpu.dma_semaphore, #tpu.memory_space<semaphore_mem>>) src(%dma_wait3A_171 : memref<10000x64xf32, #tpu.memory_space<hbm>>) dst(%arg10 : memref<128x64xf32, #tpu.memory_space<vmem>>)
      "tpu.region"() ({
        %run_scoped3A_210 = tpu.sem_alloc : memref<!tpu.dma_semaphore, #tpu.memory_space<semaphore_mem>>
        %dma_start3A_211 = arith.constant 0 : i32
        %dma_start3A_212 = tpu.memref_slice %arg8[%add3A_165, %dma_start3A_211] : memref<80x128xi32, #tpu.memory_space<vmem>> -> memref<1x128xi32, #tpu.memory_space<vmem>>
        %dma_start3A_213 = tpu.memref_squeeze %dma_start3A_212 : memref<1x128xi32, #tpu.memory_space<vmem>> -> memref<128xi32, #tpu.memory_space<vmem>>
        %dma_start3A_214 = arith.constant 0 : i32
        %dma_start3A_215 = arith.constant 0 : i32
        %dma_start3A_216 = tpu.memref_slice %arg13[%dma_start3A_214, %dma_start3A_215] : memref<10112x64xf32, #tpu.memory_space<vmem_shared>> -> memref<10112x64xf32, #tpu.memory_space<vmem_shared>>
        tpu.enqueue_indirect_dma source(%arg10 : memref<128x64xf32, #tpu.memory_space<vmem>>) target(%dma_start3A_216 : memref<10112x64xf32, #tpu.memory_space<vmem_shared>>) offsets(%dma_start3A_213 : memref<128xi32, #tpu.memory_space<vmem>>) semaphore(%run_scoped3A_210 : memref<!tpu.dma_semaphore, #tpu.memory_space<semaphore_mem>>) {add = true}
        %dma_wait3A_217 = arith.constant 0 : i32
        %dma_wait3A_218 = tpu.memref_slice %arg8[%add3A_165, %dma_wait3A_217] : memref<80x128xi32, #tpu.memory_space<vmem>> -> memref<1x128xi32, #tpu.memory_space<vmem>>
        %dma_wait3A_219 = tpu.memref_squeeze %dma_wait3A_218 : memref<1x128xi32, #tpu.memory_space<vmem>> -> memref<128xi32, #tpu.memory_space<vmem>>
        %dma_wait3A_220 = arith.constant 0 : i32
        %dma_wait3A_221 = arith.constant 0 : i32
        %dma_wait3A_222 = tpu.memref_slice %arg13[%dma_wait3A_220, %dma_wait3A_221] : memref<10112x64xf32, #tpu.memory_space<vmem_shared>> -> memref<10112x64xf32, #tpu.memory_space<vmem_shared>>
        tpu.wait_indirect_dma semaphore(%run_scoped3A_210 : memref<!tpu.dma_semaphore, #tpu.memory_space<semaphore_mem>>) src(%arg10 : memref<128x64xf32, #tpu.memory_space<vmem>>) dst(%dma_wait3A_222 : memref<10112x64xf32, #tpu.memory_space<vmem_shared>>)
        tpu.yield
      }) : () -> ()
      %add3A_172 = arith.constant 4 : i32
      %add3A_173 = arith.addi %add3A_165, %add3A_172 : i32
      %lt3A_174 = arith.cmpi slt, %add3A_173, %select_n3A : i32
      %convert_element_type3A_175 = arith.extui %lt3A_174 : i1 to i32
      %cond3A_176 = arith.constant 0 : i32
      %cond3A_177 = arith.cmpi ne, %convert_element_type3A_175, %cond3A_176 : i32
      scf.if %cond3A_177 {
        %add3A_210 = arith.constant 4 : i32
        %add3A_211 = arith.addi %add3A_165, %add3A_210 : i32
        %dma_start3A_212 = arith.constant 0 : i32
        %dma_start3A_213 = tpu.memref_slice %arg7[%add3A_211, %dma_start3A_212] : memref<80x128xi32, #tpu.memory_space<vmem>> -> memref<1x128xi32, #tpu.memory_space<vmem>>
        %dma_start3A_214 = tpu.memref_squeeze %dma_start3A_213 : memref<1x128xi32, #tpu.memory_space<vmem>> -> memref<128xi32, #tpu.memory_space<vmem>>
        %dma_start3A_215 = arith.constant 0 : i32
        %dma_start3A_216 = arith.constant 0 : i32
        %dma_start3A_217 = tpu.memref_slice %arg2[%dma_start3A_215, %dma_start3A_216] : memref<10000x64xf32, #tpu.memory_space<hbm>> -> memref<10000x64xf32, #tpu.memory_space<hbm>>
        tpu.enqueue_indirect_dma source(%dma_start3A_217 : memref<10000x64xf32, #tpu.memory_space<hbm>>) target(%arg10 : memref<128x64xf32, #tpu.memory_space<vmem>>) offsets(%dma_start3A_214 : memref<128xi32, #tpu.memory_space<vmem>>) semaphore(%arg15 : memref<!tpu.dma_semaphore, #tpu.memory_space<semaphore_mem>>)
      } else {
      }
      %mul3A_178 = arith.constant 4 : i32
      %mul3A_179 = arith.muli %mul3A_178, %while3A_148 : i32
      %add3A_180 = arith.constant 2 : i32
      %add3A_181 = arith.addi %mul3A_179, %add3A_180 : i32
      %dma_wait3A_182 = arith.constant 0 : i32
      %dma_wait3A_183 = tpu.memref_slice %arg7[%add3A_181, %dma_wait3A_182] : memref<80x128xi32, #tpu.memory_space<vmem>> -> memref<1x128xi32, #tpu.memory_space<vmem>>
      %dma_wait3A_184 = tpu.memref_squeeze %dma_wait3A_183 : memref<1x128xi32, #tpu.memory_space<vmem>> -> memref<128xi32, #tpu.memory_space<vmem>>
      %dma_wait3A_185 = arith.constant 0 : i32
      %dma_wait3A_186 = arith.constant 0 : i32
      %dma_wait3A_187 = tpu.memref_slice %arg2[%dma_wait3A_185, %dma_wait3A_186] : memref<10000x64xf32, #tpu.memory_space<hbm>> -> memref<10000x64xf32, #tpu.memory_space<hbm>>
      tpu.wait_indirect_dma semaphore(%arg16 : memref<!tpu.dma_semaphore, #tpu.memory_space<semaphore_mem>>) src(%dma_wait3A_187 : memref<10000x64xf32, #tpu.memory_space<hbm>>) dst(%arg11 : memref<128x64xf32, #tpu.memory_space<vmem>>)
      "tpu.region"() ({
        %run_scoped3A_210 = tpu.sem_alloc : memref<!tpu.dma_semaphore, #tpu.memory_space<semaphore_mem>>
        %dma_start3A_211 = arith.constant 0 : i32
        %dma_start3A_212 = tpu.memref_slice %arg8[%add3A_181, %dma_start3A_211] : memref<80x128xi32, #tpu.memory_space<vmem>> -> memref<1x128xi32, #tpu.memory_space<vmem>>
        %dma_start3A_213 = tpu.memref_squeeze %dma_start3A_212 : memref<1x128xi32, #tpu.memory_space<vmem>> -> memref<128xi32, #tpu.memory_space<vmem>>
        %dma_start3A_214 = arith.constant 0 : i32
        %dma_start3A_215 = arith.constant 0 : i32
        %dma_start3A_216 = tpu.memref_slice %arg13[%dma_start3A_214, %dma_start3A_215] : memref<10112x64xf32, #tpu.memory_space<vmem_shared>> -> memref<10112x64xf32, #tpu.memory_space<vmem_shared>>
        tpu.enqueue_indirect_dma source(%arg11 : memref<128x64xf32, #tpu.memory_space<vmem>>) target(%dma_start3A_216 : memref<10112x64xf32, #tpu.memory_space<vmem_shared>>) offsets(%dma_start3A_213 : memref<128xi32, #tpu.memory_space<vmem>>) semaphore(%run_scoped3A_210 : memref<!tpu.dma_semaphore, #tpu.memory_space<semaphore_mem>>) {add = true}
        %dma_wait3A_217 = arith.constant 0 : i32
        %dma_wait3A_218 = tpu.memref_slice %arg8[%add3A_181, %dma_wait3A_217] : memref<80x128xi32, #tpu.memory_space<vmem>> -> memref<1x128xi32, #tpu.memory_space<vmem>>
        %dma_wait3A_219 = tpu.memref_squeeze %dma_wait3A_218 : memref<1x128xi32, #tpu.memory_space<vmem>> -> memref<128xi32, #tpu.memory_space<vmem>>
        %dma_wait3A_220 = arith.constant 0 : i32
        %dma_wait3A_221 = arith.constant 0 : i32
        %dma_wait3A_222 = tpu.memref_slice %arg13[%dma_wait3A_220, %dma_wait3A_221] : memref<10112x64xf32, #tpu.memory_space<vmem_shared>> -> memref<10112x64xf32, #tpu.memory_space<vmem_shared>>
        tpu.wait_indirect_dma semaphore(%run_scoped3A_210 : memref<!tpu.dma_semaphore, #tpu.memory_space<semaphore_mem>>) src(%arg11 : memref<128x64xf32, #tpu.memory_space<vmem>>) dst(%dma_wait3A_222 : memref<10112x64xf32, #tpu.memory_space<vmem_shared>>)
        tpu.yield
      }) : () -> ()
      %add3A_188 = arith.constant 4 : i32
      %add3A_189 = arith.addi %add3A_181, %add3A_188 : i32
      %lt3A_190 = arith.cmpi slt, %add3A_189, %select_n3A : i32
      %convert_element_type3A_191 = arith.extui %lt3A_190 : i1 to i32
      %cond3A_192 = arith.constant 0 : i32
      %cond3A_193 = arith.cmpi ne, %convert_element_type3A_191, %cond3A_192 : i32
      scf.if %cond3A_193 {
        %add3A_210 = arith.constant 4 : i32
        %add3A_211 = arith.addi %add3A_181, %add3A_210 : i32
        %dma_start3A_212 = arith.constant 0 : i32
        %dma_start3A_213 = tpu.memref_slice %arg7[%add3A_211, %dma_start3A_212] : memref<80x128xi32, #tpu.memory_space<vmem>> -> memref<1x128xi32, #tpu.memory_space<vmem>>
        %dma_start3A_214 = tpu.memref_squeeze %dma_start3A_213 : memref<1x128xi32, #tpu.memory_space<vmem>> -> memref<128xi32, #tpu.memory_space<vmem>>
        %dma_start3A_215 = arith.constant 0 : i32
        %dma_start3A_216 = arith.constant 0 : i32
        %dma_start3A_217 = tpu.memref_slice %arg2[%dma_start3A_215, %dma_start3A_216] : memref<10000x64xf32, #tpu.memory_space<hbm>> -> memref<10000x64xf32, #tpu.memory_space<hbm>>
        tpu.enqueue_indirect_dma source(%dma_start3A_217 : memref<10000x64xf32, #tpu.memory_space<hbm>>) target(%arg11 : memref<128x64xf32, #tpu.memory_space<vmem>>) offsets(%dma_start3A_214 : memref<128xi32, #tpu.memory_space<vmem>>) semaphore(%arg16 : memref<!tpu.dma_semaphore, #tpu.memory_space<semaphore_mem>>)
      } else {
      }
      %mul3A_194 = arith.constant 4 : i32
      %mul3A_195 = arith.muli %mul3A_194, %while3A_148 : i32
      %add3A_196 = arith.constant 3 : i32
      %add3A_197 = arith.addi %mul3A_195, %add3A_196 : i32
      %dma_wait3A_198 = arith.constant 0 : i32
      %dma_wait3A_199 = tpu.memref_slice %arg7[%add3A_197, %dma_wait3A_198] : memref<80x128xi32, #tpu.memory_space<vmem>> -> memref<1x128xi32, #tpu.memory_space<vmem>>
      %dma_wait3A_200 = tpu.memref_squeeze %dma_wait3A_199 : memref<1x128xi32, #tpu.memory_space<vmem>> -> memref<128xi32, #tpu.memory_space<vmem>>
      %dma_wait3A_201 = arith.constant 0 : i32
      %dma_wait3A_202 = arith.constant 0 : i32
      %dma_wait3A_203 = tpu.memref_slice %arg2[%dma_wait3A_201, %dma_wait3A_202] : memref<10000x64xf32, #tpu.memory_space<hbm>> -> memref<10000x64xf32, #tpu.memory_space<hbm>>
      tpu.wait_indirect_dma semaphore(%arg17 : memref<!tpu.dma_semaphore, #tpu.memory_space<semaphore_mem>>) src(%dma_wait3A_203 : memref<10000x64xf32, #tpu.memory_space<hbm>>) dst(%arg12 : memref<128x64xf32, #tpu.memory_space<vmem>>)
      "tpu.region"() ({
        %run_scoped3A_210 = tpu.sem_alloc : memref<!tpu.dma_semaphore, #tpu.memory_space<semaphore_mem>>
        %dma_start3A_211 = arith.constant 0 : i32
        %dma_start3A_212 = tpu.memref_slice %arg8[%add3A_197, %dma_start3A_211] : memref<80x128xi32, #tpu.memory_space<vmem>> -> memref<1x128xi32, #tpu.memory_space<vmem>>
        %dma_start3A_213 = tpu.memref_squeeze %dma_start3A_212 : memref<1x128xi32, #tpu.memory_space<vmem>> -> memref<128xi32, #tpu.memory_space<vmem>>
        %dma_start3A_214 = arith.constant 0 : i32
        %dma_start3A_215 = arith.constant 0 : i32
        %dma_start3A_216 = tpu.memref_slice %arg13[%dma_start3A_214, %dma_start3A_215] : memref<10112x64xf32, #tpu.memory_space<vmem_shared>> -> memref<10112x64xf32, #tpu.memory_space<vmem_shared>>
        tpu.enqueue_indirect_dma source(%arg12 : memref<128x64xf32, #tpu.memory_space<vmem>>) target(%dma_start3A_216 : memref<10112x64xf32, #tpu.memory_space<vmem_shared>>) offsets(%dma_start3A_213 : memref<128xi32, #tpu.memory_space<vmem>>) semaphore(%run_scoped3A_210 : memref<!tpu.dma_semaphore, #tpu.memory_space<semaphore_mem>>) {add = true}
        %dma_wait3A_217 = arith.constant 0 : i32
        %dma_wait3A_218 = tpu.memref_slice %arg8[%add3A_197, %dma_wait3A_217] : memref<80x128xi32, #tpu.memory_space<vmem>> -> memref<1x128xi32, #tpu.memory_space<vmem>>
        %dma_wait3A_219 = tpu.memref_squeeze %dma_wait3A_218 : memref<1x128xi32, #tpu.memory_space<vmem>> -> memref<128xi32, #tpu.memory_space<vmem>>
        %dma_wait3A_220 = arith.constant 0 : i32
        %dma_wait3A_221 = arith.constant 0 : i32
        %dma_wait3A_222 = tpu.memref_slice %arg13[%dma_wait3A_220, %dma_wait3A_221] : memref<10112x64xf32, #tpu.memory_space<vmem_shared>> -> memref<10112x64xf32, #tpu.memory_space<vmem_shared>>
        tpu.wait_indirect_dma semaphore(%run_scoped3A_210 : memref<!tpu.dma_semaphore, #tpu.memory_space<semaphore_mem>>) src(%arg12 : memref<128x64xf32, #tpu.memory_space<vmem>>) dst(%dma_wait3A_222 : memref<10112x64xf32, #tpu.memory_space<vmem_shared>>)
        tpu.yield
      }) : () -> ()
      %add3A_204 = arith.constant 4 : i32
      %add3A_205 = arith.addi %add3A_197, %add3A_204 : i32
      %lt3A_206 = arith.cmpi slt, %add3A_205, %select_n3A : i32
      %convert_element_type3A_207 = arith.extui %lt3A_206 : i1 to i32
      %cond3A_208 = arith.constant 0 : i32
      %cond3A_209 = arith.cmpi ne, %convert_element_type3A_207, %cond3A_208 : i32
      scf.if %cond3A_209 {
        %add3A_210 = arith.constant 4 : i32
        %add3A_211 = arith.addi %add3A_197, %add3A_210 : i32
        %dma_start3A_212 = arith.constant 0 : i32
        %dma_start3A_213 = tpu.memref_slice %arg7[%add3A_211, %dma_start3A_212] : memref<80x128xi32, #tpu.memory_space<vmem>> -> memref<1x128xi32, #tpu.memory_space<vmem>>
        %dma_start3A_214 = tpu.memref_squeeze %dma_start3A_213 : memref<1x128xi32, #tpu.memory_space<vmem>> -> memref<128xi32, #tpu.memory_space<vmem>>
        %dma_start3A_215 = arith.constant 0 : i32
        %dma_start3A_216 = arith.constant 0 : i32
        %dma_start3A_217 = tpu.memref_slice %arg2[%dma_start3A_215, %dma_start3A_216] : memref<10000x64xf32, #tpu.memory_space<hbm>> -> memref<10000x64xf32, #tpu.memory_space<hbm>>
        tpu.enqueue_indirect_dma source(%dma_start3A_217 : memref<10000x64xf32, #tpu.memory_space<hbm>>) target(%arg12 : memref<128x64xf32, #tpu.memory_space<vmem>>) offsets(%dma_start3A_214 : memref<128xi32, #tpu.memory_space<vmem>>) semaphore(%arg17 : memref<!tpu.dma_semaphore, #tpu.memory_space<semaphore_mem>>)
      } else {
      }
    }
    %while3A_70 = arith.constant 1 : i32
    scf.for %while3A_148 = %while3A_68 to %while3A_64 step %while3A_70  : i32 {
      %mul3A_149 = arith.constant 4 : i32
      %mul3A_150 = arith.muli %mul3A_149, %while3A_148 : i32
      %add3A_151 = arith.constant 0 : i32
      %add3A_152 = arith.addi %mul3A_150, %add3A_151 : i32
      %dma_wait3A = arith.constant 0 : i32
      %dma_wait3A_153 = tpu.memref_slice %arg7[%add3A_152, %dma_wait3A] : memref<80x128xi32, #tpu.memory_space<vmem>> -> memref<1x128xi32, #tpu.memory_space<vmem>>
      %dma_wait3A_154 = tpu.memref_squeeze %dma_wait3A_153 : memref<1x128xi32, #tpu.memory_space<vmem>> -> memref<128xi32, #tpu.memory_space<vmem>>
      %dma_wait3A_155 = arith.constant 0 : i32
      %dma_wait3A_156 = arith.constant 0 : i32
      %dma_wait3A_157 = tpu.memref_slice %arg2[%dma_wait3A_155, %dma_wait3A_156] : memref<10000x64xf32, #tpu.memory_space<hbm>> -> memref<10000x64xf32, #tpu.memory_space<hbm>>
      tpu.wait_indirect_dma semaphore(%arg14 : memref<!tpu.dma_semaphore, #tpu.memory_space<semaphore_mem>>) src(%dma_wait3A_157 : memref<10000x64xf32, #tpu.memory_space<hbm>>) dst(%arg9 : memref<128x64xf32, #tpu.memory_space<vmem>>)
      "tpu.region"() ({
        %run_scoped3A_210 = tpu.sem_alloc : memref<!tpu.dma_semaphore, #tpu.memory_space<semaphore_mem>>
        %dma_start3A_211 = arith.constant 0 : i32
        %dma_start3A_212 = tpu.memref_slice %arg8[%add3A_152, %dma_start3A_211] : memref<80x128xi32, #tpu.memory_space<vmem>> -> memref<1x128xi32, #tpu.memory_space<vmem>>
        %dma_start3A_213 = tpu.memref_squeeze %dma_start3A_212 : memref<1x128xi32, #tpu.memory_space<vmem>> -> memref<128xi32, #tpu.memory_space<vmem>>
        %dma_start3A_214 = arith.constant 0 : i32
        %dma_start3A_215 = arith.constant 0 : i32
        %dma_start3A_216 = tpu.memref_slice %arg13[%dma_start3A_214, %dma_start3A_215] : memref<10112x64xf32, #tpu.memory_space<vmem_shared>> -> memref<10112x64xf32, #tpu.memory_space<vmem_shared>>
        tpu.enqueue_indirect_dma source(%arg9 : memref<128x64xf32, #tpu.memory_space<vmem>>) target(%dma_start3A_216 : memref<10112x64xf32, #tpu.memory_space<vmem_shared>>) offsets(%dma_start3A_213 : memref<128xi32, #tpu.memory_space<vmem>>) semaphore(%run_scoped3A_210 : memref<!tpu.dma_semaphore, #tpu.memory_space<semaphore_mem>>) {add = true}
        %dma_wait3A_217 = arith.constant 0 : i32
        %dma_wait3A_218 = tpu.memref_slice %arg8[%add3A_152, %dma_wait3A_217] : memref<80x128xi32, #tpu.memory_space<vmem>> -> memref<1x128xi32, #tpu.memory_space<vmem>>
        %dma_wait3A_219 = tpu.memref_squeeze %dma_wait3A_218 : memref<1x128xi32, #tpu.memory_space<vmem>> -> memref<128xi32, #tpu.memory_space<vmem>>
        %dma_wait3A_220 = arith.constant 0 : i32
        %dma_wait3A_221 = arith.constant 0 : i32
        %dma_wait3A_222 = tpu.memref_slice %arg13[%dma_wait3A_220, %dma_wait3A_221] : memref<10112x64xf32, #tpu.memory_space<vmem_shared>> -> memref<10112x64xf32, #tpu.memory_space<vmem_shared>>
        tpu.wait_indirect_dma semaphore(%run_scoped3A_210 : memref<!tpu.dma_semaphore, #tpu.memory_space<semaphore_mem>>) src(%arg9 : memref<128x64xf32, #tpu.memory_space<vmem>>) dst(%dma_wait3A_222 : memref<10112x64xf32, #tpu.memory_space<vmem_shared>>)
        tpu.yield
      }) : () -> ()
      %add3A_158 = arith.constant 4 : i32
      %add3A_159 = arith.addi %add3A_152, %add3A_158 : i32
      %lt3A_160 = arith.cmpi slt, %add3A_159, %select_n3A : i32
      %convert_element_type3A = arith.extui %lt3A_160 : i1 to i32
      %cond3A = arith.constant 0 : i32
      %cond3A_161 = arith.cmpi ne, %convert_element_type3A, %cond3A : i32
      scf.if %cond3A_161 {
        %add3A_210 = arith.constant 4 : i32
        %add3A_211 = arith.addi %add3A_152, %add3A_210 : i32
        %dma_start3A_212 = arith.constant 0 : i32
        %dma_start3A_213 = tpu.memref_slice %arg7[%add3A_211, %dma_start3A_212] : memref<80x128xi32, #tpu.memory_space<vmem>> -> memref<1x128xi32, #tpu.memory_space<vmem>>
        %dma_start3A_214 = tpu.memref_squeeze %dma_start3A_213 : memref<1x128xi32, #tpu.memory_space<vmem>> -> memref<128xi32, #tpu.memory_space<vmem>>
        %dma_start3A_215 = arith.constant 0 : i32
        %dma_start3A_216 = arith.constant 0 : i32
        %dma_start3A_217 = tpu.memref_slice %arg2[%dma_start3A_215, %dma_start3A_216] : memref<10000x64xf32, #tpu.memory_space<hbm>> -> memref<10000x64xf32, #tpu.memory_space<hbm>>
        tpu.enqueue_indirect_dma source(%dma_start3A_217 : memref<10000x64xf32, #tpu.memory_space<hbm>>) target(%arg9 : memref<128x64xf32, #tpu.memory_space<vmem>>) offsets(%dma_start3A_214 : memref<128xi32, #tpu.memory_space<vmem>>) semaphore(%arg14 : memref<!tpu.dma_semaphore, #tpu.memory_space<semaphore_mem>>)
      } else {
      }
      %mul3A_162 = arith.constant 4 : i32
      %mul3A_163 = arith.muli %mul3A_162, %while3A_148 : i32
      %add3A_164 = arith.constant 1 : i32
      %add3A_165 = arith.addi %mul3A_163, %add3A_164 : i32
      %dma_wait3A_166 = arith.constant 0 : i32
      %dma_wait3A_167 = tpu.memref_slice %arg7[%add3A_165, %dma_wait3A_166] : memref<80x128xi32, #tpu.memory_space<vmem>> -> memref<1x128xi32, #tpu.memory_space<vmem>>
      %dma_wait3A_168 = tpu.memref_squeeze %dma_wait3A_167 : memref<1x128xi32, #tpu.memory_space<vmem>> -> memref<128xi32, #tpu.memory_space<vmem>>
      %dma_wait3A_169 = arith.constant 0 : i32
      %dma_wait3A_170 = arith.constant 0 : i32
      %dma_wait3A_171 = tpu.memref_slice %arg2[%dma_wait3A_169, %dma_wait3A_170] : memref<10000x64xf32, #tpu.memory_space<hbm>> -> memref<10000x64xf32, #tpu.memory_space<hbm>>
      tpu.wait_indirect_dma semaphore(%arg15 : memref<!tpu.dma_semaphore, #tpu.memory_space<semaphore_mem>>) src(%dma_wait3A_171 : memref<10000x64xf32, #tpu.memory_space<hbm>>) dst(%arg10 : memref<128x64xf32, #tpu.memory_space<vmem>>)
      "tpu.region"() ({
        %run_scoped3A_210 = tpu.sem_alloc : memref<!tpu.dma_semaphore, #tpu.memory_space<semaphore_mem>>
        %dma_start3A_211 = arith.constant 0 : i32
        %dma_start3A_212 = tpu.memref_slice %arg8[%add3A_165, %dma_start3A_211] : memref<80x128xi32, #tpu.memory_space<vmem>> -> memref<1x128xi32, #tpu.memory_space<vmem>>
        %dma_start3A_213 = tpu.memref_squeeze %dma_start3A_212 : memref<1x128xi32, #tpu.memory_space<vmem>> -> memref<128xi32, #tpu.memory_space<vmem>>
        %dma_start3A_214 = arith.constant 0 : i32
        %dma_start3A_215 = arith.constant 0 : i32
        %dma_start3A_216 = tpu.memref_slice %arg13[%dma_start3A_214, %dma_start3A_215] : memref<10112x64xf32, #tpu.memory_space<vmem_shared>> -> memref<10112x64xf32, #tpu.memory_space<vmem_shared>>
        tpu.enqueue_indirect_dma source(%arg10 : memref<128x64xf32, #tpu.memory_space<vmem>>) target(%dma_start3A_216 : memref<10112x64xf32, #tpu.memory_space<vmem_shared>>) offsets(%dma_start3A_213 : memref<128xi32, #tpu.memory_space<vmem>>) semaphore(%run_scoped3A_210 : memref<!tpu.dma_semaphore, #tpu.memory_space<semaphore_mem>>) {add = true}
        %dma_wait3A_217 = arith.constant 0 : i32
        %dma_wait3A_218 = tpu.memref_slice %arg8[%add3A_165, %dma_wait3A_217] : memref<80x128xi32, #tpu.memory_space<vmem>> -> memref<1x128xi32, #tpu.memory_space<vmem>>
        %dma_wait3A_219 = tpu.memref_squeeze %dma_wait3A_218 : memref<1x128xi32, #tpu.memory_space<vmem>> -> memref<128xi32, #tpu.memory_space<vmem>>
        %dma_wait3A_220 = arith.constant 0 : i32
        %dma_wait3A_221 = arith.constant 0 : i32
        %dma_wait3A_222 = tpu.memref_slice %arg13[%dma_wait3A_220, %dma_wait3A_221] : memref<10112x64xf32, #tpu.memory_space<vmem_shared>> -> memref<10112x64xf32, #tpu.memory_space<vmem_shared>>
        tpu.wait_indirect_dma semaphore(%run_scoped3A_210 : memref<!tpu.dma_semaphore, #tpu.memory_space<semaphore_mem>>) src(%arg10 : memref<128x64xf32, #tpu.memory_space<vmem>>) dst(%dma_wait3A_222 : memref<10112x64xf32, #tpu.memory_space<vmem_shared>>)
        tpu.yield
      }) : () -> ()
      %add3A_172 = arith.constant 4 : i32
      %add3A_173 = arith.addi %add3A_165, %add3A_172 : i32
      %lt3A_174 = arith.cmpi slt, %add3A_173, %select_n3A : i32
      %convert_element_type3A_175 = arith.extui %lt3A_174 : i1 to i32
      %cond3A_176 = arith.constant 0 : i32
      %cond3A_177 = arith.cmpi ne, %convert_element_type3A_175, %cond3A_176 : i32
      scf.if %cond3A_177 {
        %add3A_210 = arith.constant 4 : i32
        %add3A_211 = arith.addi %add3A_165, %add3A_210 : i32
        %dma_start3A_212 = arith.constant 0 : i32
        %dma_start3A_213 = tpu.memref_slice %arg7[%add3A_211, %dma_start3A_212] : memref<80x128xi32, #tpu.memory_space<vmem>> -> memref<1x128xi32, #tpu.memory_space<vmem>>
        %dma_start3A_214 = tpu.memref_squeeze %dma_start3A_213 : memref<1x128xi32, #tpu.memory_space<vmem>> -> memref<128xi32, #tpu.memory_space<vmem>>
        %dma_start3A_215 = arith.constant 0 : i32
        %dma_start3A_216 = arith.constant 0 : i32
        %dma_start3A_217 = tpu.memref_slice %arg2[%dma_start3A_215, %dma_start3A_216] : memref<10000x64xf32, #tpu.memory_space<hbm>> -> memref<10000x64xf32, #tpu.memory_space<hbm>>
        tpu.enqueue_indirect_dma source(%dma_start3A_217 : memref<10000x64xf32, #tpu.memory_space<hbm>>) target(%arg10 : memref<128x64xf32, #tpu.memory_space<vmem>>) offsets(%dma_start3A_214 : memref<128xi32, #tpu.memory_space<vmem>>) semaphore(%arg15 : memref<!tpu.dma_semaphore, #tpu.memory_space<semaphore_mem>>)
      } else {
      }
      %mul3A_178 = arith.constant 4 : i32
      %mul3A_179 = arith.muli %mul3A_178, %while3A_148 : i32
      %add3A_180 = arith.constant 2 : i32
      %add3A_181 = arith.addi %mul3A_179, %add3A_180 : i32
      %dma_wait3A_182 = arith.constant 0 : i32
      %dma_wait3A_183 = tpu.memref_slice %arg7[%add3A_181, %dma_wait3A_182] : memref<80x128xi32, #tpu.memory_space<vmem>> -> memref<1x128xi32, #tpu.memory_space<vmem>>
      %dma_wait3A_184 = tpu.memref_squeeze %dma_wait3A_183 : memref<1x128xi32, #tpu.memory_space<vmem>> -> memref<128xi32, #tpu.memory_space<vmem>>
      %dma_wait3A_185 = arith.constant 0 : i32
      %dma_wait3A_186 = arith.constant 0 : i32
      %dma_wait3A_187 = tpu.memref_slice %arg2[%dma_wait3A_185, %dma_wait3A_186] : memref<10000x64xf32, #tpu.memory_space<hbm>> -> memref<10000x64xf32, #tpu.memory_space<hbm>>
      tpu.wait_indirect_dma semaphore(%arg16 : memref<!tpu.dma_semaphore, #tpu.memory_space<semaphore_mem>>) src(%dma_wait3A_187 : memref<10000x64xf32, #tpu.memory_space<hbm>>) dst(%arg11 : memref<128x64xf32, #tpu.memory_space<vmem>>)
      "tpu.region"() ({
        %run_scoped3A_210 = tpu.sem_alloc : memref<!tpu.dma_semaphore, #tpu.memory_space<semaphore_mem>>
        %dma_start3A_211 = arith.constant 0 : i32
        %dma_start3A_212 = tpu.memref_slice %arg8[%add3A_181, %dma_start3A_211] : memref<80x128xi32, #tpu.memory_space<vmem>> -> memref<1x128xi32, #tpu.memory_space<vmem>>
        %dma_start3A_213 = tpu.memref_squeeze %dma_start3A_212 : memref<1x128xi32, #tpu.memory_space<vmem>> -> memref<128xi32, #tpu.memory_space<vmem>>
        %dma_start3A_214 = arith.constant 0 : i32
        %dma_start3A_215 = arith.constant 0 : i32
        %dma_start3A_216 = tpu.memref_slice %arg13[%dma_start3A_214, %dma_start3A_215] : memref<10112x64xf32, #tpu.memory_space<vmem_shared>> -> memref<10112x64xf32, #tpu.memory_space<vmem_shared>>
        tpu.enqueue_indirect_dma source(%arg11 : memref<128x64xf32, #tpu.memory_space<vmem>>) target(%dma_start3A_216 : memref<10112x64xf32, #tpu.memory_space<vmem_shared>>) offsets(%dma_start3A_213 : memref<128xi32, #tpu.memory_space<vmem>>) semaphore(%run_scoped3A_210 : memref<!tpu.dma_semaphore, #tpu.memory_space<semaphore_mem>>) {add = true}
        %dma_wait3A_217 = arith.constant 0 : i32
        %dma_wait3A_218 = tpu.memref_slice %arg8[%add3A_181, %dma_wait3A_217] : memref<80x128xi32, #tpu.memory_space<vmem>> -> memref<1x128xi32, #tpu.memory_space<vmem>>
        %dma_wait3A_219 = tpu.memref_squeeze %dma_wait3A_218 : memref<1x128xi32, #tpu.memory_space<vmem>> -> memref<128xi32, #tpu.memory_space<vmem>>
        %dma_wait3A_220 = arith.constant 0 : i32
        %dma_wait3A_221 = arith.constant 0 : i32
        %dma_wait3A_222 = tpu.memref_slice %arg13[%dma_wait3A_220, %dma_wait3A_221] : memref<10112x64xf32, #tpu.memory_space<vmem_shared>> -> memref<10112x64xf32, #tpu.memory_space<vmem_shared>>
        tpu.wait_indirect_dma semaphore(%run_scoped3A_210 : memref<!tpu.dma_semaphore, #tpu.memory_space<semaphore_mem>>) src(%arg11 : memref<128x64xf32, #tpu.memory_space<vmem>>) dst(%dma_wait3A_222 : memref<10112x64xf32, #tpu.memory_space<vmem_shared>>)
        tpu.yield
      }) : () -> ()
      %add3A_188 = arith.constant 4 : i32
      %add3A_189 = arith.addi %add3A_181, %add3A_188 : i32
      %lt3A_190 = arith.cmpi slt, %add3A_189, %select_n3A : i32
      %convert_element_type3A_191 = arith.extui %lt3A_190 : i1 to i32
      %cond3A_192 = arith.constant 0 : i32
      %cond3A_193 = arith.cmpi ne, %convert_element_type3A_191, %cond3A_192 : i32
      scf.if %cond3A_193 {
        %add3A_210 = arith.constant 4 : i32
        %add3A_211 = arith.addi %add3A_181, %add3A_210 : i32
        %dma_start3A_212 = arith.constant 0 : i32
        %dma_start3A_213 = tpu.memref_slice %arg7[%add3A_211, %dma_start3A_212] : memref<80x128xi32, #tpu.memory_space<vmem>> -> memref<1x128xi32, #tpu.memory_space<vmem>>
        %dma_start3A_214 = tpu.memref_squeeze %dma_start3A_213 : memref<1x128xi32, #tpu.memory_space<vmem>> -> memref<128xi32, #tpu.memory_space<vmem>>
        %dma_start3A_215 = arith.constant 0 : i32
        %dma_start3A_216 = arith.constant 0 : i32
        %dma_start3A_217 = tpu.memref_slice %arg2[%dma_start3A_215, %dma_start3A_216] : memref<10000x64xf32, #tpu.memory_space<hbm>> -> memref<10000x64xf32, #tpu.memory_space<hbm>>
        tpu.enqueue_indirect_dma source(%dma_start3A_217 : memref<10000x64xf32, #tpu.memory_space<hbm>>) target(%arg11 : memref<128x64xf32, #tpu.memory_space<vmem>>) offsets(%dma_start3A_214 : memref<128xi32, #tpu.memory_space<vmem>>) semaphore(%arg16 : memref<!tpu.dma_semaphore, #tpu.memory_space<semaphore_mem>>)
      } else {
      }
      %mul3A_194 = arith.constant 4 : i32
      %mul3A_195 = arith.muli %mul3A_194, %while3A_148 : i32
      %add3A_196 = arith.constant 3 : i32
      %add3A_197 = arith.addi %mul3A_195, %add3A_196 : i32
      %dma_wait3A_198 = arith.constant 0 : i32
      %dma_wait3A_199 = tpu.memref_slice %arg7[%add3A_197, %dma_wait3A_198] : memref<80x128xi32, #tpu.memory_space<vmem>> -> memref<1x128xi32, #tpu.memory_space<vmem>>
      %dma_wait3A_200 = tpu.memref_squeeze %dma_wait3A_199 : memref<1x128xi32, #tpu.memory_space<vmem>> -> memref<128xi32, #tpu.memory_space<vmem>>
      %dma_wait3A_201 = arith.constant 0 : i32
      %dma_wait3A_202 = arith.constant 0 : i32
      %dma_wait3A_203 = tpu.memref_slice %arg2[%dma_wait3A_201, %dma_wait3A_202] : memref<10000x64xf32, #tpu.memory_space<hbm>> -> memref<10000x64xf32, #tpu.memory_space<hbm>>
      tpu.wait_indirect_dma semaphore(%arg17 : memref<!tpu.dma_semaphore, #tpu.memory_space<semaphore_mem>>) src(%dma_wait3A_203 : memref<10000x64xf32, #tpu.memory_space<hbm>>) dst(%arg12 : memref<128x64xf32, #tpu.memory_space<vmem>>)
      "tpu.region"() ({
        %run_scoped3A_210 = tpu.sem_alloc : memref<!tpu.dma_semaphore, #tpu.memory_space<semaphore_mem>>
        %dma_start3A_211 = arith.constant 0 : i32
        %dma_start3A_212 = tpu.memref_slice %arg8[%add3A_197, %dma_start3A_211] : memref<80x128xi32, #tpu.memory_space<vmem>> -> memref<1x128xi32, #tpu.memory_space<vmem>>
        %dma_start3A_213 = tpu.memref_squeeze %dma_start3A_212 : memref<1x128xi32, #tpu.memory_space<vmem>> -> memref<128xi32, #tpu.memory_space<vmem>>
        %dma_start3A_214 = arith.constant 0 : i32
        %dma_start3A_215 = arith.constant 0 : i32
        %dma_start3A_216 = tpu.memref_slice %arg13[%dma_start3A_214, %dma_start3A_215] : memref<10112x64xf32, #tpu.memory_space<vmem_shared>> -> memref<10112x64xf32, #tpu.memory_space<vmem_shared>>
        tpu.enqueue_indirect_dma source(%arg12 : memref<128x64xf32, #tpu.memory_space<vmem>>) target(%dma_start3A_216 : memref<10112x64xf32, #tpu.memory_space<vmem_shared>>) offsets(%dma_start3A_213 : memref<128xi32, #tpu.memory_space<vmem>>) semaphore(%run_scoped3A_210 : memref<!tpu.dma_semaphore, #tpu.memory_space<semaphore_mem>>) {add = true}
        %dma_wait3A_217 = arith.constant 0 : i32
        %dma_wait3A_218 = tpu.memref_slice %arg8[%add3A_197, %dma_wait3A_217] : memref<80x128xi32, #tpu.memory_space<vmem>> -> memref<1x128xi32, #tpu.memory_space<vmem>>
        %dma_wait3A_219 = tpu.memref_squeeze %dma_wait3A_218 : memref<1x128xi32, #tpu.memory_space<vmem>> -> memref<128xi32, #tpu.memory_space<vmem>>
        %dma_wait3A_220 = arith.constant 0 : i32
        %dma_wait3A_221 = arith.constant 0 : i32
        %dma_wait3A_222 = tpu.memref_slice %arg13[%dma_wait3A_220, %dma_wait3A_221] : memref<10112x64xf32, #tpu.memory_space<vmem_shared>> -> memref<10112x64xf32, #tpu.memory_space<vmem_shared>>
        tpu.wait_indirect_dma semaphore(%run_scoped3A_210 : memref<!tpu.dma_semaphore, #tpu.memory_space<semaphore_mem>>) src(%arg12 : memref<128x64xf32, #tpu.memory_space<vmem>>) dst(%dma_wait3A_222 : memref<10112x64xf32, #tpu.memory_space<vmem_shared>>)
        tpu.yield
      }) : () -> ()
      %add3A_204 = arith.constant 4 : i32
      %add3A_205 = arith.addi %add3A_197, %add3A_204 : i32
      %lt3A_206 = arith.cmpi slt, %add3A_205, %select_n3A : i32
      %convert_element_type3A_207 = arith.extui %lt3A_206 : i1 to i32
      %cond3A_208 = arith.constant 0 : i32
      %cond3A_209 = arith.cmpi ne, %convert_element_type3A_207, %cond3A_208 : i32
      scf.if %cond3A_209 {
        %add3A_210 = arith.constant 4 : i32
        %add3A_211 = arith.addi %add3A_197, %add3A_210 : i32
        %dma_start3A_212 = arith.constant 0 : i32
        %dma_start3A_213 = tpu.memref_slice %arg7[%add3A_211, %dma_start3A_212] : memref<80x128xi32, #tpu.memory_space<vmem>> -> memref<1x128xi32, #tpu.memory_space<vmem>>
        %dma_start3A_214 = tpu.memref_squeeze %dma_start3A_213 : memref<1x128xi32, #tpu.memory_space<vmem>> -> memref<128xi32, #tpu.memory_space<vmem>>
        %dma_start3A_215 = arith.constant 0 : i32
        %dma_start3A_216 = arith.constant 0 : i32
        %dma_start3A_217 = tpu.memref_slice %arg2[%dma_start3A_215, %dma_start3A_216] : memref<10000x64xf32, #tpu.memory_space<hbm>> -> memref<10000x64xf32, #tpu.memory_space<hbm>>
        tpu.enqueue_indirect_dma source(%dma_start3A_217 : memref<10000x64xf32, #tpu.memory_space<hbm>>) target(%arg12 : memref<128x64xf32, #tpu.memory_space<vmem>>) offsets(%dma_start3A_214 : memref<128xi32, #tpu.memory_space<vmem>>) semaphore(%arg17 : memref<!tpu.dma_semaphore, #tpu.memory_space<semaphore_mem>>)
      } else {
      }
    }
    %barrier3A_71 = arith.constant 0 : index
    tpu.barrier barrier_id(%barrier3A_71)
    %mul3A_72 = arith.constant 632 : i32
    %mul3A_73 = arith.muli %arg1, %mul3A_72 : i32
    %mul3A_74 = arith.constant 632 : i32
    %mul3A_75 = arith.muli %arg1, %mul3A_74 : i32
    %run_scoped3A_76 = arith.constant 0 : i32
    "tpu.region"() ({
      %run_scoped3A_148 = tpu.sem_alloc : memref<!tpu.dma_semaphore, #tpu.memory_space<semaphore_mem>>
      %dma_start3A_149 = arith.constant 0 : i32
      %dma_start3A_150 = tpu.memref_slice %arg6[%run_scoped3A_76, %arg0, %mul3A_75, %dma_start3A_149] : memref<2x2x10112x64xf32, #tpu.memory_space<hbm>> -> memref<1x1x632x64xf32, #tpu.memory_space<hbm>>
      %dma_start3A_151 = tpu.memref_squeeze %dma_start3A_150 : memref<1x1x632x64xf32, #tpu.memory_space<hbm>> -> memref<632x64xf32, #tpu.memory_space<hbm>>
      %dma_start3A_152 = arith.constant 0 : i32
      %dma_start3A_153 = tpu.memref_slice %arg13[%mul3A_73, %dma_start3A_152] : memref<10112x64xf32, #tpu.memory_space<vmem_shared>> -> memref<632x64xf32, #tpu.memory_space<vmem_shared>>
      tpu.enqueue_dma source(%dma_start3A_153 : memref<632x64xf32, #tpu.memory_space<vmem_shared>>) target(%dma_start3A_151 : memref<632x64xf32, #tpu.memory_space<hbm>>) target_semaphore(%run_scoped3A_148 : memref<!tpu.dma_semaphore, #tpu.memory_space<semaphore_mem>>)
      %dma_wait3A = arith.constant 0 : i32
      %dma_wait3A_154 = tpu.memref_slice %arg6[%run_scoped3A_76, %arg0, %mul3A_75, %dma_wait3A] : memref<2x2x10112x64xf32, #tpu.memory_space<hbm>> -> memref<1x1x632x64xf32, #tpu.memory_space<hbm>>
      %dma_wait3A_155 = tpu.memref_squeeze %dma_wait3A_154 : memref<1x1x632x64xf32, #tpu.memory_space<hbm>> -> memref<632x64xf32, #tpu.memory_space<hbm>>
      %dma_wait3A_156 = arith.constant 0 : i32
      %dma_wait3A_157 = tpu.memref_slice %arg13[%mul3A_73, %dma_wait3A_156] : memref<10112x64xf32, #tpu.memory_space<vmem_shared>> -> memref<632x64xf32, #tpu.memory_space<vmem_shared>>
      tpu.wait_dma2 semaphore(%run_scoped3A_148 : memref<!tpu.dma_semaphore, #tpu.memory_space<semaphore_mem>>) src(%dma_wait3A_157 : memref<632x64xf32, #tpu.memory_space<vmem_shared>>) dst(%dma_wait3A_155 : memref<632x64xf32, #tpu.memory_space<hbm>>)
      tpu.yield
    }) : () -> ()
    %mul3A_77 = arith.constant 632 : i32
    %mul3A_78 = arith.muli %arg1, %mul3A_77 : i32
    "tpu.region"() ({
      %run_scoped3A_148 = tpu.sem_alloc : memref<!tpu.dma_semaphore, #tpu.memory_space<semaphore_mem>>
      %dma_start3A_149 = arith.constant 0 : i32
      %dma_start3A_150 = tpu.memref_slice %arg13[%mul3A_78, %dma_start3A_149] : memref<10112x64xf32, #tpu.memory_space<vmem_shared>> -> memref<632x64xf32, #tpu.memory_space<vmem_shared>>
      tpu.enqueue_dma source(%arg5 : memref<632x64xf32, #tpu.memory_space<hbm>>) target(%dma_start3A_150 : memref<632x64xf32, #tpu.memory_space<vmem_shared>>) target_semaphore(%run_scoped3A_148 : memref<!tpu.dma_semaphore, #tpu.memory_space<semaphore_mem>>)
      %dma_wait3A = arith.constant 0 : i32
      %dma_wait3A_151 = tpu.memref_slice %arg13[%mul3A_78, %dma_wait3A] : memref<10112x64xf32, #tpu.memory_space<vmem_shared>> -> memref<632x64xf32, #tpu.memory_space<vmem_shared>>
      tpu.wait_dma2 semaphore(%run_scoped3A_148 : memref<!tpu.dma_semaphore, #tpu.memory_space<semaphore_mem>>) src(%arg5 : memref<632x64xf32, #tpu.memory_space<hbm>>) dst(%dma_wait3A_151 : memref<632x64xf32, #tpu.memory_space<vmem_shared>>)
      tpu.yield
    }) : () -> ()
    %barrier3A_79 = arith.constant 0 : index
    tpu.barrier barrier_id(%barrier3A_79)
    %dma_start3A_80 = arith.constant 0 : i32
    %dma_start3A_81 = arith.constant 0 : i32
    %dma_start3A_82 = tpu.memref_slice %arg7[%dma_start3A_80, %dma_start3A_81] : memref<80x128xi32, #tpu.memory_space<vmem>> -> memref<1x128xi32, #tpu.memory_space<vmem>>
    %dma_start3A_83 = tpu.memref_squeeze %dma_start3A_82 : memref<1x128xi32, #tpu.memory_space<vmem>> -> memref<128xi32, #tpu.memory_space<vmem>>
    %dma_start3A_84 = arith.constant 0 : i32
    %dma_start3A_85 = arith.constant 0 : i32
    %dma_start3A_86 = tpu.memref_slice %arg3[%dma_start3A_84, %dma_start3A_85] : memref<10000x64xf32, #tpu.memory_space<hbm>> -> memref<10000x64xf32, #tpu.memory_space<hbm>>
    tpu.enqueue_indirect_dma source(%dma_start3A_86 : memref<10000x64xf32, #tpu.memory_space<hbm>>) target(%arg9 : memref<128x64xf32, #tpu.memory_space<vmem>>) offsets(%dma_start3A_83 : memref<128xi32, #tpu.memory_space<vmem>>) semaphore(%arg14 : memref<!tpu.dma_semaphore, #tpu.memory_space<semaphore_mem>>)
    %dma_start3A_87 = arith.constant 1 : i32
    %dma_start3A_88 = arith.constant 0 : i32
    %dma_start3A_89 = tpu.memref_slice %arg7[%dma_start3A_87, %dma_start3A_88] : memref<80x128xi32, #tpu.memory_space<vmem>> -> memref<1x128xi32, #tpu.memory_space<vmem>>
    %dma_start3A_90 = tpu.memref_squeeze %dma_start3A_89 : memref<1x128xi32, #tpu.memory_space<vmem>> -> memref<128xi32, #tpu.memory_space<vmem>>
    %dma_start3A_91 = arith.constant 0 : i32
    %dma_start3A_92 = arith.constant 0 : i32
    %dma_start3A_93 = tpu.memref_slice %arg3[%dma_start3A_91, %dma_start3A_92] : memref<10000x64xf32, #tpu.memory_space<hbm>> -> memref<10000x64xf32, #tpu.memory_space<hbm>>
    tpu.enqueue_indirect_dma source(%dma_start3A_93 : memref<10000x64xf32, #tpu.memory_space<hbm>>) target(%arg10 : memref<128x64xf32, #tpu.memory_space<vmem>>) offsets(%dma_start3A_90 : memref<128xi32, #tpu.memory_space<vmem>>) semaphore(%arg15 : memref<!tpu.dma_semaphore, #tpu.memory_space<semaphore_mem>>)
    %dma_start3A_94 = arith.constant 2 : i32
    %dma_start3A_95 = arith.constant 0 : i32
    %dma_start3A_96 = tpu.memref_slice %arg7[%dma_start3A_94, %dma_start3A_95] : memref<80x128xi32, #tpu.memory_space<vmem>> -> memref<1x128xi32, #tpu.memory_space<vmem>>
    %dma_start3A_97 = tpu.memref_squeeze %dma_start3A_96 : memref<1x128xi32, #tpu.memory_space<vmem>> -> memref<128xi32, #tpu.memory_space<vmem>>
    %dma_start3A_98 = arith.constant 0 : i32
    %dma_start3A_99 = arith.constant 0 : i32
    %dma_start3A_100 = tpu.memref_slice %arg3[%dma_start3A_98, %dma_start3A_99] : memref<10000x64xf32, #tpu.memory_space<hbm>> -> memref<10000x64xf32, #tpu.memory_space<hbm>>
    tpu.enqueue_indirect_dma source(%dma_start3A_100 : memref<10000x64xf32, #tpu.memory_space<hbm>>) target(%arg11 : memref<128x64xf32, #tpu.memory_space<vmem>>) offsets(%dma_start3A_97 : memref<128xi32, #tpu.memory_space<vmem>>) semaphore(%arg16 : memref<!tpu.dma_semaphore, #tpu.memory_space<semaphore_mem>>)
    %dma_start3A_101 = arith.constant 3 : i32
    %dma_start3A_102 = arith.constant 0 : i32
    %dma_start3A_103 = tpu.memref_slice %arg7[%dma_start3A_101, %dma_start3A_102] : memref<80x128xi32, #tpu.memory_space<vmem>> -> memref<1x128xi32, #tpu.memory_space<vmem>>
    %dma_start3A_104 = tpu.memref_squeeze %dma_start3A_103 : memref<1x128xi32, #tpu.memory_space<vmem>> -> memref<128xi32, #tpu.memory_space<vmem>>
    %dma_start3A_105 = arith.constant 0 : i32
    %dma_start3A_106 = arith.constant 0 : i32
    %dma_start3A_107 = tpu.memref_slice %arg3[%dma_start3A_105, %dma_start3A_106] : memref<10000x64xf32, #tpu.memory_space<hbm>> -> memref<10000x64xf32, #tpu.memory_space<hbm>>
    tpu.enqueue_indirect_dma source(%dma_start3A_107 : memref<10000x64xf32, #tpu.memory_space<hbm>>) target(%arg12 : memref<128x64xf32, #tpu.memory_space<vmem>>) offsets(%dma_start3A_104 : memref<128xi32, #tpu.memory_space<vmem>>) semaphore(%arg17 : memref<!tpu.dma_semaphore, #tpu.memory_space<semaphore_mem>>)
    %jit3A_108 = arith.constant 4 : i32
    %div3A_109 = arith.divsi %select_n3A, %jit3A_108 : i32
    %sign3A_110 = arith.constant 0 : i32
    %sign3A_111 = arith.cmpi sgt, %select_n3A, %sign3A_110 : i32
    %sign3A_112 = arith.extui %sign3A_111 : i1 to i32
    %sign3A_113 = arith.constant 0 : i32
    %sign3A_114 = arith.cmpi slt, %select_n3A, %sign3A_113 : i32
    %sign3A_115 = arith.extui %sign3A_114 : i1 to i32
    %sign3A_116 = arith.subi %sign3A_112, %sign3A_115 : i32
    %sign3A_117 = arith.constant 0 : i32
    %sign3A_118 = arith.cmpi sgt, %jit3A_108, %sign3A_117 : i32
    %sign3A_119 = arith.extui %sign3A_118 : i1 to i32
    %sign3A_120 = arith.constant 0 : i32
    %sign3A_121 = arith.cmpi slt, %jit3A_108, %sign3A_120 : i32
    %sign3A_122 = arith.extui %sign3A_121 : i1 to i32
    %sign3A_123 = arith.subi %sign3A_119, %sign3A_122 : i32
    %ne3A_124 = arith.cmpi ne, %sign3A_116, %sign3A_123 : i32
    %rem3A_125 = arith.remsi %select_n3A, %jit3A_108 : i32
    %ne3A_126 = arith.constant 0 : i32
    %ne3A_127 = arith.cmpi ne, %rem3A_125, %ne3A_126 : i32
    %and3A_128 = arith.andi %ne3A_124, %ne3A_127 : i1
    %sub3A_129 = arith.constant 1 : i32
    %sub3A_130 = arith.subi %div3A_109, %sub3A_129 : i32
    %select_n3A_131 = arith.select %and3A_128, %sub3A_130, %div3A_109 : i32
    %while3A_132 = arith.constant 0 : i32
    %while3A_133 = arith.constant 0 : i32
    %while3A_134 = arith.subi %select_n3A_131, %while3A_133 : i32
    %while3A_135 = arith.addi %while3A_133, %while3A_134 : i32
    %while3A_136 = arith.constant 1 : i32
    %while3A_137 = arith.divsi %while3A_134, %while3A_136 : i32
    %while3A_138 = arith.muli %while3A_137, %while3A_136 : i32
    %while3A_139 = arith.addi %while3A_133, %while3A_138 : i32
    %while3A_140 = arith.constant 1 : i32
    scf.for %while3A_148 = %while3A_133 to %while3A_139 step %while3A_140  : i32 {
      %mul3A_149 = arith.constant 4 : i32
      %mul3A_150 = arith.muli %mul3A_149, %while3A_148 : i32
      %add3A_151 = arith.constant 0 : i32
      %add3A_152 = arith.addi %mul3A_150, %add3A_151 : i32
      %dma_wait3A = arith.constant 0 : i32
      %dma_wait3A_153 = tpu.memref_slice %arg7[%add3A_152, %dma_wait3A] : memref<80x128xi32, #tpu.memory_space<vmem>> -> memref<1x128xi32, #tpu.memory_space<vmem>>
      %dma_wait3A_154 = tpu.memref_squeeze %dma_wait3A_153 : memref<1x128xi32, #tpu.memory_space<vmem>> -> memref<128xi32, #tpu.memory_space<vmem>>
      %dma_wait3A_155 = arith.constant 0 : i32
      %dma_wait3A_156 = arith.constant 0 : i32
      %dma_wait3A_157 = tpu.memref_slice %arg3[%dma_wait3A_155, %dma_wait3A_156] : memref<10000x64xf32, #tpu.memory_space<hbm>> -> memref<10000x64xf32, #tpu.memory_space<hbm>>
      tpu.wait_indirect_dma semaphore(%arg14 : memref<!tpu.dma_semaphore, #tpu.memory_space<semaphore_mem>>) src(%dma_wait3A_157 : memref<10000x64xf32, #tpu.memory_space<hbm>>) dst(%arg9 : memref<128x64xf32, #tpu.memory_space<vmem>>)
      "tpu.region"() ({
        %run_scoped3A_210 = tpu.sem_alloc : memref<!tpu.dma_semaphore, #tpu.memory_space<semaphore_mem>>
        %dma_start3A_211 = arith.constant 0 : i32
        %dma_start3A_212 = tpu.memref_slice %arg8[%add3A_152, %dma_start3A_211] : memref<80x128xi32, #tpu.memory_space<vmem>> -> memref<1x128xi32, #tpu.memory_space<vmem>>
        %dma_start3A_213 = tpu.memref_squeeze %dma_start3A_212 : memref<1x128xi32, #tpu.memory_space<vmem>> -> memref<128xi32, #tpu.memory_space<vmem>>
        %dma_start3A_214 = arith.constant 0 : i32
        %dma_start3A_215 = arith.constant 0 : i32
        %dma_start3A_216 = tpu.memref_slice %arg13[%dma_start3A_214, %dma_start3A_215] : memref<10112x64xf32, #tpu.memory_space<vmem_shared>> -> memref<10112x64xf32, #tpu.memory_space<vmem_shared>>
        tpu.enqueue_indirect_dma source(%arg9 : memref<128x64xf32, #tpu.memory_space<vmem>>) target(%dma_start3A_216 : memref<10112x64xf32, #tpu.memory_space<vmem_shared>>) offsets(%dma_start3A_213 : memref<128xi32, #tpu.memory_space<vmem>>) semaphore(%run_scoped3A_210 : memref<!tpu.dma_semaphore, #tpu.memory_space<semaphore_mem>>) {add = true}
        %dma_wait3A_217 = arith.constant 0 : i32
        %dma_wait3A_218 = tpu.memref_slice %arg8[%add3A_152, %dma_wait3A_217] : memref<80x128xi32, #tpu.memory_space<vmem>> -> memref<1x128xi32, #tpu.memory_space<vmem>>
        %dma_wait3A_219 = tpu.memref_squeeze %dma_wait3A_218 : memref<1x128xi32, #tpu.memory_space<vmem>> -> memref<128xi32, #tpu.memory_space<vmem>>
        %dma_wait3A_220 = arith.constant 0 : i32
        %dma_wait3A_221 = arith.constant 0 : i32
        %dma_wait3A_222 = tpu.memref_slice %arg13[%dma_wait3A_220, %dma_wait3A_221] : memref<10112x64xf32, #tpu.memory_space<vmem_shared>> -> memref<10112x64xf32, #tpu.memory_space<vmem_shared>>
        tpu.wait_indirect_dma semaphore(%run_scoped3A_210 : memref<!tpu.dma_semaphore, #tpu.memory_space<semaphore_mem>>) src(%arg9 : memref<128x64xf32, #tpu.memory_space<vmem>>) dst(%dma_wait3A_222 : memref<10112x64xf32, #tpu.memory_space<vmem_shared>>)
        tpu.yield
      }) : () -> ()
      %add3A_158 = arith.constant 4 : i32
      %add3A_159 = arith.addi %add3A_152, %add3A_158 : i32
      %lt3A_160 = arith.cmpi slt, %add3A_159, %select_n3A : i32
      %convert_element_type3A = arith.extui %lt3A_160 : i1 to i32
      %cond3A = arith.constant 0 : i32
      %cond3A_161 = arith.cmpi ne, %convert_element_type3A, %cond3A : i32
      scf.if %cond3A_161 {
        %add3A_210 = arith.constant 4 : i32
        %add3A_211 = arith.addi %add3A_152, %add3A_210 : i32
        %dma_start3A_212 = arith.constant 0 : i32
        %dma_start3A_213 = tpu.memref_slice %arg7[%add3A_211, %dma_start3A_212] : memref<80x128xi32, #tpu.memory_space<vmem>> -> memref<1x128xi32, #tpu.memory_space<vmem>>
        %dma_start3A_214 = tpu.memref_squeeze %dma_start3A_213 : memref<1x128xi32, #tpu.memory_space<vmem>> -> memref<128xi32, #tpu.memory_space<vmem>>
        %dma_start3A_215 = arith.constant 0 : i32
        %dma_start3A_216 = arith.constant 0 : i32
        %dma_start3A_217 = tpu.memref_slice %arg3[%dma_start3A_215, %dma_start3A_216] : memref<10000x64xf32, #tpu.memory_space<hbm>> -> memref<10000x64xf32, #tpu.memory_space<hbm>>
        tpu.enqueue_indirect_dma source(%dma_start3A_217 : memref<10000x64xf32, #tpu.memory_space<hbm>>) target(%arg9 : memref<128x64xf32, #tpu.memory_space<vmem>>) offsets(%dma_start3A_214 : memref<128xi32, #tpu.memory_space<vmem>>) semaphore(%arg14 : memref<!tpu.dma_semaphore, #tpu.memory_space<semaphore_mem>>)
      } else {
      }
      %mul3A_162 = arith.constant 4 : i32
      %mul3A_163 = arith.muli %mul3A_162, %while3A_148 : i32
      %add3A_164 = arith.constant 1 : i32
      %add3A_165 = arith.addi %mul3A_163, %add3A_164 : i32
      %dma_wait3A_166 = arith.constant 0 : i32
      %dma_wait3A_167 = tpu.memref_slice %arg7[%add3A_165, %dma_wait3A_166] : memref<80x128xi32, #tpu.memory_space<vmem>> -> memref<1x128xi32, #tpu.memory_space<vmem>>
      %dma_wait3A_168 = tpu.memref_squeeze %dma_wait3A_167 : memref<1x128xi32, #tpu.memory_space<vmem>> -> memref<128xi32, #tpu.memory_space<vmem>>
      %dma_wait3A_169 = arith.constant 0 : i32
      %dma_wait3A_170 = arith.constant 0 : i32
      %dma_wait3A_171 = tpu.memref_slice %arg3[%dma_wait3A_169, %dma_wait3A_170] : memref<10000x64xf32, #tpu.memory_space<hbm>> -> memref<10000x64xf32, #tpu.memory_space<hbm>>
      tpu.wait_indirect_dma semaphore(%arg15 : memref<!tpu.dma_semaphore, #tpu.memory_space<semaphore_mem>>) src(%dma_wait3A_171 : memref<10000x64xf32, #tpu.memory_space<hbm>>) dst(%arg10 : memref<128x64xf32, #tpu.memory_space<vmem>>)
      "tpu.region"() ({
        %run_scoped3A_210 = tpu.sem_alloc : memref<!tpu.dma_semaphore, #tpu.memory_space<semaphore_mem>>
        %dma_start3A_211 = arith.constant 0 : i32
        %dma_start3A_212 = tpu.memref_slice %arg8[%add3A_165, %dma_start3A_211] : memref<80x128xi32, #tpu.memory_space<vmem>> -> memref<1x128xi32, #tpu.memory_space<vmem>>
        %dma_start3A_213 = tpu.memref_squeeze %dma_start3A_212 : memref<1x128xi32, #tpu.memory_space<vmem>> -> memref<128xi32, #tpu.memory_space<vmem>>
        %dma_start3A_214 = arith.constant 0 : i32
        %dma_start3A_215 = arith.constant 0 : i32
        %dma_start3A_216 = tpu.memref_slice %arg13[%dma_start3A_214, %dma_start3A_215] : memref<10112x64xf32, #tpu.memory_space<vmem_shared>> -> memref<10112x64xf32, #tpu.memory_space<vmem_shared>>
        tpu.enqueue_indirect_dma source(%arg10 : memref<128x64xf32, #tpu.memory_space<vmem>>) target(%dma_start3A_216 : memref<10112x64xf32, #tpu.memory_space<vmem_shared>>) offsets(%dma_start3A_213 : memref<128xi32, #tpu.memory_space<vmem>>) semaphore(%run_scoped3A_210 : memref<!tpu.dma_semaphore, #tpu.memory_space<semaphore_mem>>) {add = true}
        %dma_wait3A_217 = arith.constant 0 : i32
        %dma_wait3A_218 = tpu.memref_slice %arg8[%add3A_165, %dma_wait3A_217] : memref<80x128xi32, #tpu.memory_space<vmem>> -> memref<1x128xi32, #tpu.memory_space<vmem>>
        %dma_wait3A_219 = tpu.memref_squeeze %dma_wait3A_218 : memref<1x128xi32, #tpu.memory_space<vmem>> -> memref<128xi32, #tpu.memory_space<vmem>>
        %dma_wait3A_220 = arith.constant 0 : i32
        %dma_wait3A_221 = arith.constant 0 : i32
        %dma_wait3A_222 = tpu.memref_slice %arg13[%dma_wait3A_220, %dma_wait3A_221] : memref<10112x64xf32, #tpu.memory_space<vmem_shared>> -> memref<10112x64xf32, #tpu.memory_space<vmem_shared>>
        tpu.wait_indirect_dma semaphore(%run_scoped3A_210 : memref<!tpu.dma_semaphore, #tpu.memory_space<semaphore_mem>>) src(%arg10 : memref<128x64xf32, #tpu.memory_space<vmem>>) dst(%dma_wait3A_222 : memref<10112x64xf32, #tpu.memory_space<vmem_shared>>)
        tpu.yield
      }) : () -> ()
      %add3A_172 = arith.constant 4 : i32
      %add3A_173 = arith.addi %add3A_165, %add3A_172 : i32
      %lt3A_174 = arith.cmpi slt, %add3A_173, %select_n3A : i32
      %convert_element_type3A_175 = arith.extui %lt3A_174 : i1 to i32
      %cond3A_176 = arith.constant 0 : i32
      %cond3A_177 = arith.cmpi ne, %convert_element_type3A_175, %cond3A_176 : i32
      scf.if %cond3A_177 {
        %add3A_210 = arith.constant 4 : i32
        %add3A_211 = arith.addi %add3A_165, %add3A_210 : i32
        %dma_start3A_212 = arith.constant 0 : i32
        %dma_start3A_213 = tpu.memref_slice %arg7[%add3A_211, %dma_start3A_212] : memref<80x128xi32, #tpu.memory_space<vmem>> -> memref<1x128xi32, #tpu.memory_space<vmem>>
        %dma_start3A_214 = tpu.memref_squeeze %dma_start3A_213 : memref<1x128xi32, #tpu.memory_space<vmem>> -> memref<128xi32, #tpu.memory_space<vmem>>
        %dma_start3A_215 = arith.constant 0 : i32
        %dma_start3A_216 = arith.constant 0 : i32
        %dma_start3A_217 = tpu.memref_slice %arg3[%dma_start3A_215, %dma_start3A_216] : memref<10000x64xf32, #tpu.memory_space<hbm>> -> memref<10000x64xf32, #tpu.memory_space<hbm>>
        tpu.enqueue_indirect_dma source(%dma_start3A_217 : memref<10000x64xf32, #tpu.memory_space<hbm>>) target(%arg10 : memref<128x64xf32, #tpu.memory_space<vmem>>) offsets(%dma_start3A_214 : memref<128xi32, #tpu.memory_space<vmem>>) semaphore(%arg15 : memref<!tpu.dma_semaphore, #tpu.memory_space<semaphore_mem>>)
      } else {
      }
      %mul3A_178 = arith.constant 4 : i32
      %mul3A_179 = arith.muli %mul3A_178, %while3A_148 : i32
      %add3A_180 = arith.constant 2 : i32
      %add3A_181 = arith.addi %mul3A_179, %add3A_180 : i32
      %dma_wait3A_182 = arith.constant 0 : i32
      %dma_wait3A_183 = tpu.memref_slice %arg7[%add3A_181, %dma_wait3A_182] : memref<80x128xi32, #tpu.memory_space<vmem>> -> memref<1x128xi32, #tpu.memory_space<vmem>>
      %dma_wait3A_184 = tpu.memref_squeeze %dma_wait3A_183 : memref<1x128xi32, #tpu.memory_space<vmem>> -> memref<128xi32, #tpu.memory_space<vmem>>
      %dma_wait3A_185 = arith.constant 0 : i32
      %dma_wait3A_186 = arith.constant 0 : i32
      %dma_wait3A_187 = tpu.memref_slice %arg3[%dma_wait3A_185, %dma_wait3A_186] : memref<10000x64xf32, #tpu.memory_space<hbm>> -> memref<10000x64xf32, #tpu.memory_space<hbm>>
      tpu.wait_indirect_dma semaphore(%arg16 : memref<!tpu.dma_semaphore, #tpu.memory_space<semaphore_mem>>) src(%dma_wait3A_187 : memref<10000x64xf32, #tpu.memory_space<hbm>>) dst(%arg11 : memref<128x64xf32, #tpu.memory_space<vmem>>)
      "tpu.region"() ({
        %run_scoped3A_210 = tpu.sem_alloc : memref<!tpu.dma_semaphore, #tpu.memory_space<semaphore_mem>>
        %dma_start3A_211 = arith.constant 0 : i32
        %dma_start3A_212 = tpu.memref_slice %arg8[%add3A_181, %dma_start3A_211] : memref<80x128xi32, #tpu.memory_space<vmem>> -> memref<1x128xi32, #tpu.memory_space<vmem>>
        %dma_start3A_213 = tpu.memref_squeeze %dma_start3A_212 : memref<1x128xi32, #tpu.memory_space<vmem>> -> memref<128xi32, #tpu.memory_space<vmem>>
        %dma_start3A_214 = arith.constant 0 : i32
        %dma_start3A_215 = arith.constant 0 : i32
        %dma_start3A_216 = tpu.memref_slice %arg13[%dma_start3A_214, %dma_start3A_215] : memref<10112x64xf32, #tpu.memory_space<vmem_shared>> -> memref<10112x64xf32, #tpu.memory_space<vmem_shared>>
        tpu.enqueue_indirect_dma source(%arg11 : memref<128x64xf32, #tpu.memory_space<vmem>>) target(%dma_start3A_216 : memref<10112x64xf32, #tpu.memory_space<vmem_shared>>) offsets(%dma_start3A_213 : memref<128xi32, #tpu.memory_space<vmem>>) semaphore(%run_scoped3A_210 : memref<!tpu.dma_semaphore, #tpu.memory_space<semaphore_mem>>) {add = true}
        %dma_wait3A_217 = arith.constant 0 : i32
        %dma_wait3A_218 = tpu.memref_slice %arg8[%add3A_181, %dma_wait3A_217] : memref<80x128xi32, #tpu.memory_space<vmem>> -> memref<1x128xi32, #tpu.memory_space<vmem>>
        %dma_wait3A_219 = tpu.memref_squeeze %dma_wait3A_218 : memref<1x128xi32, #tpu.memory_space<vmem>> -> memref<128xi32, #tpu.memory_space<vmem>>
        %dma_wait3A_220 = arith.constant 0 : i32
        %dma_wait3A_221 = arith.constant 0 : i32
        %dma_wait3A_222 = tpu.memref_slice %arg13[%dma_wait3A_220, %dma_wait3A_221] : memref<10112x64xf32, #tpu.memory_space<vmem_shared>> -> memref<10112x64xf32, #tpu.memory_space<vmem_shared>>
        tpu.wait_indirect_dma semaphore(%run_scoped3A_210 : memref<!tpu.dma_semaphore, #tpu.memory_space<semaphore_mem>>) src(%arg11 : memref<128x64xf32, #tpu.memory_space<vmem>>) dst(%dma_wait3A_222 : memref<10112x64xf32, #tpu.memory_space<vmem_shared>>)
        tpu.yield
      }) : () -> ()
      %add3A_188 = arith.constant 4 : i32
      %add3A_189 = arith.addi %add3A_181, %add3A_188 : i32
      %lt3A_190 = arith.cmpi slt, %add3A_189, %select_n3A : i32
      %convert_element_type3A_191 = arith.extui %lt3A_190 : i1 to i32
      %cond3A_192 = arith.constant 0 : i32
      %cond3A_193 = arith.cmpi ne, %convert_element_type3A_191, %cond3A_192 : i32
      scf.if %cond3A_193 {
        %add3A_210 = arith.constant 4 : i32
        %add3A_211 = arith.addi %add3A_181, %add3A_210 : i32
        %dma_start3A_212 = arith.constant 0 : i32
        %dma_start3A_213 = tpu.memref_slice %arg7[%add3A_211, %dma_start3A_212] : memref<80x128xi32, #tpu.memory_space<vmem>> -> memref<1x128xi32, #tpu.memory_space<vmem>>
        %dma_start3A_214 = tpu.memref_squeeze %dma_start3A_213 : memref<1x128xi32, #tpu.memory_space<vmem>> -> memref<128xi32, #tpu.memory_space<vmem>>
        %dma_start3A_215 = arith.constant 0 : i32
        %dma_start3A_216 = arith.constant 0 : i32
        %dma_start3A_217 = tpu.memref_slice %arg3[%dma_start3A_215, %dma_start3A_216] : memref<10000x64xf32, #tpu.memory_space<hbm>> -> memref<10000x64xf32, #tpu.memory_space<hbm>>
        tpu.enqueue_indirect_dma source(%dma_start3A_217 : memref<10000x64xf32, #tpu.memory_space<hbm>>) target(%arg11 : memref<128x64xf32, #tpu.memory_space<vmem>>) offsets(%dma_start3A_214 : memref<128xi32, #tpu.memory_space<vmem>>) semaphore(%arg16 : memref<!tpu.dma_semaphore, #tpu.memory_space<semaphore_mem>>)
      } else {
      }
      %mul3A_194 = arith.constant 4 : i32
      %mul3A_195 = arith.muli %mul3A_194, %while3A_148 : i32
      %add3A_196 = arith.constant 3 : i32
      %add3A_197 = arith.addi %mul3A_195, %add3A_196 : i32
      %dma_wait3A_198 = arith.constant 0 : i32
      %dma_wait3A_199 = tpu.memref_slice %arg7[%add3A_197, %dma_wait3A_198] : memref<80x128xi32, #tpu.memory_space<vmem>> -> memref<1x128xi32, #tpu.memory_space<vmem>>
      %dma_wait3A_200 = tpu.memref_squeeze %dma_wait3A_199 : memref<1x128xi32, #tpu.memory_space<vmem>> -> memref<128xi32, #tpu.memory_space<vmem>>
      %dma_wait3A_201 = arith.constant 0 : i32
      %dma_wait3A_202 = arith.constant 0 : i32
      %dma_wait3A_203 = tpu.memref_slice %arg3[%dma_wait3A_201, %dma_wait3A_202] : memref<10000x64xf32, #tpu.memory_space<hbm>> -> memref<10000x64xf32, #tpu.memory_space<hbm>>
      tpu.wait_indirect_dma semaphore(%arg17 : memref<!tpu.dma_semaphore, #tpu.memory_space<semaphore_mem>>) src(%dma_wait3A_203 : memref<10000x64xf32, #tpu.memory_space<hbm>>) dst(%arg12 : memref<128x64xf32, #tpu.memory_space<vmem>>)
      "tpu.region"() ({
        %run_scoped3A_210 = tpu.sem_alloc : memref<!tpu.dma_semaphore, #tpu.memory_space<semaphore_mem>>
        %dma_start3A_211 = arith.constant 0 : i32
        %dma_start3A_212 = tpu.memref_slice %arg8[%add3A_197, %dma_start3A_211] : memref<80x128xi32, #tpu.memory_space<vmem>> -> memref<1x128xi32, #tpu.memory_space<vmem>>
        %dma_start3A_213 = tpu.memref_squeeze %dma_start3A_212 : memref<1x128xi32, #tpu.memory_space<vmem>> -> memref<128xi32, #tpu.memory_space<vmem>>
        %dma_start3A_214 = arith.constant 0 : i32
        %dma_start3A_215 = arith.constant 0 : i32
        %dma_start3A_216 = tpu.memref_slice %arg13[%dma_start3A_214, %dma_start3A_215] : memref<10112x64xf32, #tpu.memory_space<vmem_shared>> -> memref<10112x64xf32, #tpu.memory_space<vmem_shared>>
        tpu.enqueue_indirect_dma source(%arg12 : memref<128x64xf32, #tpu.memory_space<vmem>>) target(%dma_start3A_216 : memref<10112x64xf32, #tpu.memory_space<vmem_shared>>) offsets(%dma_start3A_213 : memref<128xi32, #tpu.memory_space<vmem>>) semaphore(%run_scoped3A_210 : memref<!tpu.dma_semaphore, #tpu.memory_space<semaphore_mem>>) {add = true}
        %dma_wait3A_217 = arith.constant 0 : i32
        %dma_wait3A_218 = tpu.memref_slice %arg8[%add3A_197, %dma_wait3A_217] : memref<80x128xi32, #tpu.memory_space<vmem>> -> memref<1x128xi32, #tpu.memory_space<vmem>>
        %dma_wait3A_219 = tpu.memref_squeeze %dma_wait3A_218 : memref<1x128xi32, #tpu.memory_space<vmem>> -> memref<128xi32, #tpu.memory_space<vmem>>
        %dma_wait3A_220 = arith.constant 0 : i32
        %dma_wait3A_221 = arith.constant 0 : i32
        %dma_wait3A_222 = tpu.memref_slice %arg13[%dma_wait3A_220, %dma_wait3A_221] : memref<10112x64xf32, #tpu.memory_space<vmem_shared>> -> memref<10112x64xf32, #tpu.memory_space<vmem_shared>>
        tpu.wait_indirect_dma semaphore(%run_scoped3A_210 : memref<!tpu.dma_semaphore, #tpu.memory_space<semaphore_mem>>) src(%arg12 : memref<128x64xf32, #tpu.memory_space<vmem>>) dst(%dma_wait3A_222 : memref<10112x64xf32, #tpu.memory_space<vmem_shared>>)
        tpu.yield
      }) : () -> ()
      %add3A_204 = arith.constant 4 : i32
      %add3A_205 = arith.addi %add3A_197, %add3A_204 : i32
      %lt3A_206 = arith.cmpi slt, %add3A_205, %select_n3A : i32
      %convert_element_type3A_207 = arith.extui %lt3A_206 : i1 to i32
      %cond3A_208 = arith.constant 0 : i32
      %cond3A_209 = arith.cmpi ne, %convert_element_type3A_207, %cond3A_208 : i32
      scf.if %cond3A_209 {
        %add3A_210 = arith.constant 4 : i32
        %add3A_211 = arith.addi %add3A_197, %add3A_210 : i32
        %dma_start3A_212 = arith.constant 0 : i32
        %dma_start3A_213 = tpu.memref_slice %arg7[%add3A_211, %dma_start3A_212] : memref<80x128xi32, #tpu.memory_space<vmem>> -> memref<1x128xi32, #tpu.memory_space<vmem>>
        %dma_start3A_214 = tpu.memref_squeeze %dma_start3A_213 : memref<1x128xi32, #tpu.memory_space<vmem>> -> memref<128xi32, #tpu.memory_space<vmem>>
        %dma_start3A_215 = arith.constant 0 : i32
        %dma_start3A_216 = arith.constant 0 : i32
        %dma_start3A_217 = tpu.memref_slice %arg3[%dma_start3A_215, %dma_start3A_216] : memref<10000x64xf32, #tpu.memory_space<hbm>> -> memref<10000x64xf32, #tpu.memory_space<hbm>>
        tpu.enqueue_indirect_dma source(%dma_start3A_217 : memref<10000x64xf32, #tpu.memory_space<hbm>>) target(%arg12 : memref<128x64xf32, #tpu.memory_space<vmem>>) offsets(%dma_start3A_214 : memref<128xi32, #tpu.memory_space<vmem>>) semaphore(%arg17 : memref<!tpu.dma_semaphore, #tpu.memory_space<semaphore_mem>>)
      } else {
      }
    }
    %while3A_141 = arith.constant 1 : i32
    scf.for %while3A_148 = %while3A_139 to %while3A_135 step %while3A_141  : i32 {
      %mul3A_149 = arith.constant 4 : i32
      %mul3A_150 = arith.muli %mul3A_149, %while3A_148 : i32
      %add3A_151 = arith.constant 0 : i32
      %add3A_152 = arith.addi %mul3A_150, %add3A_151 : i32
      %dma_wait3A = arith.constant 0 : i32
      %dma_wait3A_153 = tpu.memref_slice %arg7[%add3A_152, %dma_wait3A] : memref<80x128xi32, #tpu.memory_space<vmem>> -> memref<1x128xi32, #tpu.memory_space<vmem>>
      %dma_wait3A_154 = tpu.memref_squeeze %dma_wait3A_153 : memref<1x128xi32, #tpu.memory_space<vmem>> -> memref<128xi32, #tpu.memory_space<vmem>>
      %dma_wait3A_155 = arith.constant 0 : i32
      %dma_wait3A_156 = arith.constant 0 : i32
      %dma_wait3A_157 = tpu.memref_slice %arg3[%dma_wait3A_155, %dma_wait3A_156] : memref<10000x64xf32, #tpu.memory_space<hbm>> -> memref<10000x64xf32, #tpu.memory_space<hbm>>
      tpu.wait_indirect_dma semaphore(%arg14 : memref<!tpu.dma_semaphore, #tpu.memory_space<semaphore_mem>>) src(%dma_wait3A_157 : memref<10000x64xf32, #tpu.memory_space<hbm>>) dst(%arg9 : memref<128x64xf32, #tpu.memory_space<vmem>>)
      "tpu.region"() ({
        %run_scoped3A_210 = tpu.sem_alloc : memref<!tpu.dma_semaphore, #tpu.memory_space<semaphore_mem>>
        %dma_start3A_211 = arith.constant 0 : i32
        %dma_start3A_212 = tpu.memref_slice %arg8[%add3A_152, %dma_start3A_211] : memref<80x128xi32, #tpu.memory_space<vmem>> -> memref<1x128xi32, #tpu.memory_space<vmem>>
        %dma_start3A_213 = tpu.memref_squeeze %dma_start3A_212 : memref<1x128xi32, #tpu.memory_space<vmem>> -> memref<128xi32, #tpu.memory_space<vmem>>
        %dma_start3A_214 = arith.constant 0 : i32
        %dma_start3A_215 = arith.constant 0 : i32
        %dma_start3A_216 = tpu.memref_slice %arg13[%dma_start3A_214, %dma_start3A_215] : memref<10112x64xf32, #tpu.memory_space<vmem_shared>> -> memref<10112x64xf32, #tpu.memory_space<vmem_shared>>
        tpu.enqueue_indirect_dma source(%arg9 : memref<128x64xf32, #tpu.memory_space<vmem>>) target(%dma_start3A_216 : memref<10112x64xf32, #tpu.memory_space<vmem_shared>>) offsets(%dma_start3A_213 : memref<128xi32, #tpu.memory_space<vmem>>) semaphore(%run_scoped3A_210 : memref<!tpu.dma_semaphore, #tpu.memory_space<semaphore_mem>>) {add = true}
        %dma_wait3A_217 = arith.constant 0 : i32
        %dma_wait3A_218 = tpu.memref_slice %arg8[%add3A_152, %dma_wait3A_217] : memref<80x128xi32, #tpu.memory_space<vmem>> -> memref<1x128xi32, #tpu.memory_space<vmem>>
        %dma_wait3A_219 = tpu.memref_squeeze %dma_wait3A_218 : memref<1x128xi32, #tpu.memory_space<vmem>> -> memref<128xi32, #tpu.memory_space<vmem>>
        %dma_wait3A_220 = arith.constant 0 : i32
        %dma_wait3A_221 = arith.constant 0 : i32
        %dma_wait3A_222 = tpu.memref_slice %arg13[%dma_wait3A_220, %dma_wait3A_221] : memref<10112x64xf32, #tpu.memory_space<vmem_shared>> -> memref<10112x64xf32, #tpu.memory_space<vmem_shared>>
        tpu.wait_indirect_dma semaphore(%run_scoped3A_210 : memref<!tpu.dma_semaphore, #tpu.memory_space<semaphore_mem>>) src(%arg9 : memref<128x64xf32, #tpu.memory_space<vmem>>) dst(%dma_wait3A_222 : memref<10112x64xf32, #tpu.memory_space<vmem_shared>>)
        tpu.yield
      }) : () -> ()
      %add3A_158 = arith.constant 4 : i32
      %add3A_159 = arith.addi %add3A_152, %add3A_158 : i32
      %lt3A_160 = arith.cmpi slt, %add3A_159, %select_n3A : i32
      %convert_element_type3A = arith.extui %lt3A_160 : i1 to i32
      %cond3A = arith.constant 0 : i32
      %cond3A_161 = arith.cmpi ne, %convert_element_type3A, %cond3A : i32
      scf.if %cond3A_161 {
        %add3A_210 = arith.constant 4 : i32
        %add3A_211 = arith.addi %add3A_152, %add3A_210 : i32
        %dma_start3A_212 = arith.constant 0 : i32
        %dma_start3A_213 = tpu.memref_slice %arg7[%add3A_211, %dma_start3A_212] : memref<80x128xi32, #tpu.memory_space<vmem>> -> memref<1x128xi32, #tpu.memory_space<vmem>>
        %dma_start3A_214 = tpu.memref_squeeze %dma_start3A_213 : memref<1x128xi32, #tpu.memory_space<vmem>> -> memref<128xi32, #tpu.memory_space<vmem>>
        %dma_start3A_215 = arith.constant 0 : i32
        %dma_start3A_216 = arith.constant 0 : i32
        %dma_start3A_217 = tpu.memref_slice %arg3[%dma_start3A_215, %dma_start3A_216] : memref<10000x64xf32, #tpu.memory_space<hbm>> -> memref<10000x64xf32, #tpu.memory_space<hbm>>
        tpu.enqueue_indirect_dma source(%dma_start3A_217 : memref<10000x64xf32, #tpu.memory_space<hbm>>) target(%arg9 : memref<128x64xf32, #tpu.memory_space<vmem>>) offsets(%dma_start3A_214 : memref<128xi32, #tpu.memory_space<vmem>>) semaphore(%arg14 : memref<!tpu.dma_semaphore, #tpu.memory_space<semaphore_mem>>)
      } else {
      }
      %mul3A_162 = arith.constant 4 : i32
      %mul3A_163 = arith.muli %mul3A_162, %while3A_148 : i32
      %add3A_164 = arith.constant 1 : i32
      %add3A_165 = arith.addi %mul3A_163, %add3A_164 : i32
      %dma_wait3A_166 = arith.constant 0 : i32
      %dma_wait3A_167 = tpu.memref_slice %arg7[%add3A_165, %dma_wait3A_166] : memref<80x128xi32, #tpu.memory_space<vmem>> -> memref<1x128xi32, #tpu.memory_space<vmem>>
      %dma_wait3A_168 = tpu.memref_squeeze %dma_wait3A_167 : memref<1x128xi32, #tpu.memory_space<vmem>> -> memref<128xi32, #tpu.memory_space<vmem>>
      %dma_wait3A_169 = arith.constant 0 : i32
      %dma_wait3A_170 = arith.constant 0 : i32
      %dma_wait3A_171 = tpu.memref_slice %arg3[%dma_wait3A_169, %dma_wait3A_170] : memref<10000x64xf32, #tpu.memory_space<hbm>> -> memref<10000x64xf32, #tpu.memory_space<hbm>>
      tpu.wait_indirect_dma semaphore(%arg15 : memref<!tpu.dma_semaphore, #tpu.memory_space<semaphore_mem>>) src(%dma_wait3A_171 : memref<10000x64xf32, #tpu.memory_space<hbm>>) dst(%arg10 : memref<128x64xf32, #tpu.memory_space<vmem>>)
      "tpu.region"() ({
        %run_scoped3A_210 = tpu.sem_alloc : memref<!tpu.dma_semaphore, #tpu.memory_space<semaphore_mem>>
        %dma_start3A_211 = arith.constant 0 : i32
        %dma_start3A_212 = tpu.memref_slice %arg8[%add3A_165, %dma_start3A_211] : memref<80x128xi32, #tpu.memory_space<vmem>> -> memref<1x128xi32, #tpu.memory_space<vmem>>
        %dma_start3A_213 = tpu.memref_squeeze %dma_start3A_212 : memref<1x128xi32, #tpu.memory_space<vmem>> -> memref<128xi32, #tpu.memory_space<vmem>>
        %dma_start3A_214 = arith.constant 0 : i32
        %dma_start3A_215 = arith.constant 0 : i32
        %dma_start3A_216 = tpu.memref_slice %arg13[%dma_start3A_214, %dma_start3A_215] : memref<10112x64xf32, #tpu.memory_space<vmem_shared>> -> memref<10112x64xf32, #tpu.memory_space<vmem_shared>>
        tpu.enqueue_indirect_dma source(%arg10 : memref<128x64xf32, #tpu.memory_space<vmem>>) target(%dma_start3A_216 : memref<10112x64xf32, #tpu.memory_space<vmem_shared>>) offsets(%dma_start3A_213 : memref<128xi32, #tpu.memory_space<vmem>>) semaphore(%run_scoped3A_210 : memref<!tpu.dma_semaphore, #tpu.memory_space<semaphore_mem>>) {add = true}
        %dma_wait3A_217 = arith.constant 0 : i32
        %dma_wait3A_218 = tpu.memref_slice %arg8[%add3A_165, %dma_wait3A_217] : memref<80x128xi32, #tpu.memory_space<vmem>> -> memref<1x128xi32, #tpu.memory_space<vmem>>
        %dma_wait3A_219 = tpu.memref_squeeze %dma_wait3A_218 : memref<1x128xi32, #tpu.memory_space<vmem>> -> memref<128xi32, #tpu.memory_space<vmem>>
        %dma_wait3A_220 = arith.constant 0 : i32
        %dma_wait3A_221 = arith.constant 0 : i32
        %dma_wait3A_222 = tpu.memref_slice %arg13[%dma_wait3A_220, %dma_wait3A_221] : memref<10112x64xf32, #tpu.memory_space<vmem_shared>> -> memref<10112x64xf32, #tpu.memory_space<vmem_shared>>
        tpu.wait_indirect_dma semaphore(%run_scoped3A_210 : memref<!tpu.dma_semaphore, #tpu.memory_space<semaphore_mem>>) src(%arg10 : memref<128x64xf32, #tpu.memory_space<vmem>>) dst(%dma_wait3A_222 : memref<10112x64xf32, #tpu.memory_space<vmem_shared>>)
        tpu.yield
      }) : () -> ()
      %add3A_172 = arith.constant 4 : i32
      %add3A_173 = arith.addi %add3A_165, %add3A_172 : i32
      %lt3A_174 = arith.cmpi slt, %add3A_173, %select_n3A : i32
      %convert_element_type3A_175 = arith.extui %lt3A_174 : i1 to i32
      %cond3A_176 = arith.constant 0 : i32
      %cond3A_177 = arith.cmpi ne, %convert_element_type3A_175, %cond3A_176 : i32
      scf.if %cond3A_177 {
        %add3A_210 = arith.constant 4 : i32
        %add3A_211 = arith.addi %add3A_165, %add3A_210 : i32
        %dma_start3A_212 = arith.constant 0 : i32
        %dma_start3A_213 = tpu.memref_slice %arg7[%add3A_211, %dma_start3A_212] : memref<80x128xi32, #tpu.memory_space<vmem>> -> memref<1x128xi32, #tpu.memory_space<vmem>>
        %dma_start3A_214 = tpu.memref_squeeze %dma_start3A_213 : memref<1x128xi32, #tpu.memory_space<vmem>> -> memref<128xi32, #tpu.memory_space<vmem>>
        %dma_start3A_215 = arith.constant 0 : i32
        %dma_start3A_216 = arith.constant 0 : i32
        %dma_start3A_217 = tpu.memref_slice %arg3[%dma_start3A_215, %dma_start3A_216] : memref<10000x64xf32, #tpu.memory_space<hbm>> -> memref<10000x64xf32, #tpu.memory_space<hbm>>
        tpu.enqueue_indirect_dma source(%dma_start3A_217 : memref<10000x64xf32, #tpu.memory_space<hbm>>) target(%arg10 : memref<128x64xf32, #tpu.memory_space<vmem>>) offsets(%dma_start3A_214 : memref<128xi32, #tpu.memory_space<vmem>>) semaphore(%arg15 : memref<!tpu.dma_semaphore, #tpu.memory_space<semaphore_mem>>)
      } else {
      }
      %mul3A_178 = arith.constant 4 : i32
      %mul3A_179 = arith.muli %mul3A_178, %while3A_148 : i32
      %add3A_180 = arith.constant 2 : i32
      %add3A_181 = arith.addi %mul3A_179, %add3A_180 : i32
      %dma_wait3A_182 = arith.constant 0 : i32
      %dma_wait3A_183 = tpu.memref_slice %arg7[%add3A_181, %dma_wait3A_182] : memref<80x128xi32, #tpu.memory_space<vmem>> -> memref<1x128xi32, #tpu.memory_space<vmem>>
      %dma_wait3A_184 = tpu.memref_squeeze %dma_wait3A_183 : memref<1x128xi32, #tpu.memory_space<vmem>> -> memref<128xi32, #tpu.memory_space<vmem>>
      %dma_wait3A_185 = arith.constant 0 : i32
      %dma_wait3A_186 = arith.constant 0 : i32
      %dma_wait3A_187 = tpu.memref_slice %arg3[%dma_wait3A_185, %dma_wait3A_186] : memref<10000x64xf32, #tpu.memory_space<hbm>> -> memref<10000x64xf32, #tpu.memory_space<hbm>>
      tpu.wait_indirect_dma semaphore(%arg16 : memref<!tpu.dma_semaphore, #tpu.memory_space<semaphore_mem>>) src(%dma_wait3A_187 : memref<10000x64xf32, #tpu.memory_space<hbm>>) dst(%arg11 : memref<128x64xf32, #tpu.memory_space<vmem>>)
      "tpu.region"() ({
        %run_scoped3A_210 = tpu.sem_alloc : memref<!tpu.dma_semaphore, #tpu.memory_space<semaphore_mem>>
        %dma_start3A_211 = arith.constant 0 : i32
        %dma_start3A_212 = tpu.memref_slice %arg8[%add3A_181, %dma_start3A_211] : memref<80x128xi32, #tpu.memory_space<vmem>> -> memref<1x128xi32, #tpu.memory_space<vmem>>
        %dma_start3A_213 = tpu.memref_squeeze %dma_start3A_212 : memref<1x128xi32, #tpu.memory_space<vmem>> -> memref<128xi32, #tpu.memory_space<vmem>>
        %dma_start3A_214 = arith.constant 0 : i32
        %dma_start3A_215 = arith.constant 0 : i32
        %dma_start3A_216 = tpu.memref_slice %arg13[%dma_start3A_214, %dma_start3A_215] : memref<10112x64xf32, #tpu.memory_space<vmem_shared>> -> memref<10112x64xf32, #tpu.memory_space<vmem_shared>>
        tpu.enqueue_indirect_dma source(%arg11 : memref<128x64xf32, #tpu.memory_space<vmem>>) target(%dma_start3A_216 : memref<10112x64xf32, #tpu.memory_space<vmem_shared>>) offsets(%dma_start3A_213 : memref<128xi32, #tpu.memory_space<vmem>>) semaphore(%run_scoped3A_210 : memref<!tpu.dma_semaphore, #tpu.memory_space<semaphore_mem>>) {add = true}
        %dma_wait3A_217 = arith.constant 0 : i32
        %dma_wait3A_218 = tpu.memref_slice %arg8[%add3A_181, %dma_wait3A_217] : memref<80x128xi32, #tpu.memory_space<vmem>> -> memref<1x128xi32, #tpu.memory_space<vmem>>
        %dma_wait3A_219 = tpu.memref_squeeze %dma_wait3A_218 : memref<1x128xi32, #tpu.memory_space<vmem>> -> memref<128xi32, #tpu.memory_space<vmem>>
        %dma_wait3A_220 = arith.constant 0 : i32
        %dma_wait3A_221 = arith.constant 0 : i32
        %dma_wait3A_222 = tpu.memref_slice %arg13[%dma_wait3A_220, %dma_wait3A_221] : memref<10112x64xf32, #tpu.memory_space<vmem_shared>> -> memref<10112x64xf32, #tpu.memory_space<vmem_shared>>
        tpu.wait_indirect_dma semaphore(%run_scoped3A_210 : memref<!tpu.dma_semaphore, #tpu.memory_space<semaphore_mem>>) src(%arg11 : memref<128x64xf32, #tpu.memory_space<vmem>>) dst(%dma_wait3A_222 : memref<10112x64xf32, #tpu.memory_space<vmem_shared>>)
        tpu.yield
      }) : () -> ()
      %add3A_188 = arith.constant 4 : i32
      %add3A_189 = arith.addi %add3A_181, %add3A_188 : i32
      %lt3A_190 = arith.cmpi slt, %add3A_189, %select_n3A : i32
      %convert_element_type3A_191 = arith.extui %lt3A_190 : i1 to i32
      %cond3A_192 = arith.constant 0 : i32
      %cond3A_193 = arith.cmpi ne, %convert_element_type3A_191, %cond3A_192 : i32
      scf.if %cond3A_193 {
        %add3A_210 = arith.constant 4 : i32
        %add3A_211 = arith.addi %add3A_181, %add3A_210 : i32
        %dma_start3A_212 = arith.constant 0 : i32
        %dma_start3A_213 = tpu.memref_slice %arg7[%add3A_211, %dma_start3A_212] : memref<80x128xi32, #tpu.memory_space<vmem>> -> memref<1x128xi32, #tpu.memory_space<vmem>>
        %dma_start3A_214 = tpu.memref_squeeze %dma_start3A_213 : memref<1x128xi32, #tpu.memory_space<vmem>> -> memref<128xi32, #tpu.memory_space<vmem>>
        %dma_start3A_215 = arith.constant 0 : i32
        %dma_start3A_216 = arith.constant 0 : i32
        %dma_start3A_217 = tpu.memref_slice %arg3[%dma_start3A_215, %dma_start3A_216] : memref<10000x64xf32, #tpu.memory_space<hbm>> -> memref<10000x64xf32, #tpu.memory_space<hbm>>
        tpu.enqueue_indirect_dma source(%dma_start3A_217 : memref<10000x64xf32, #tpu.memory_space<hbm>>) target(%arg11 : memref<128x64xf32, #tpu.memory_space<vmem>>) offsets(%dma_start3A_214 : memref<128xi32, #tpu.memory_space<vmem>>) semaphore(%arg16 : memref<!tpu.dma_semaphore, #tpu.memory_space<semaphore_mem>>)
      } else {
      }
      %mul3A_194 = arith.constant 4 : i32
      %mul3A_195 = arith.muli %mul3A_194, %while3A_148 : i32
      %add3A_196 = arith.constant 3 : i32
      %add3A_197 = arith.addi %mul3A_195, %add3A_196 : i32
      %dma_wait3A_198 = arith.constant 0 : i32
      %dma_wait3A_199 = tpu.memref_slice %arg7[%add3A_197, %dma_wait3A_198] : memref<80x128xi32, #tpu.memory_space<vmem>> -> memref<1x128xi32, #tpu.memory_space<vmem>>
      %dma_wait3A_200 = tpu.memref_squeeze %dma_wait3A_199 : memref<1x128xi32, #tpu.memory_space<vmem>> -> memref<128xi32, #tpu.memory_space<vmem>>
      %dma_wait3A_201 = arith.constant 0 : i32
      %dma_wait3A_202 = arith.constant 0 : i32
      %dma_wait3A_203 = tpu.memref_slice %arg3[%dma_wait3A_201, %dma_wait3A_202] : memref<10000x64xf32, #tpu.memory_space<hbm>> -> memref<10000x64xf32, #tpu.memory_space<hbm>>
      tpu.wait_indirect_dma semaphore(%arg17 : memref<!tpu.dma_semaphore, #tpu.memory_space<semaphore_mem>>) src(%dma_wait3A_203 : memref<10000x64xf32, #tpu.memory_space<hbm>>) dst(%arg12 : memref<128x64xf32, #tpu.memory_space<vmem>>)
      "tpu.region"() ({
        %run_scoped3A_210 = tpu.sem_alloc : memref<!tpu.dma_semaphore, #tpu.memory_space<semaphore_mem>>
        %dma_start3A_211 = arith.constant 0 : i32
        %dma_start3A_212 = tpu.memref_slice %arg8[%add3A_197, %dma_start3A_211] : memref<80x128xi32, #tpu.memory_space<vmem>> -> memref<1x128xi32, #tpu.memory_space<vmem>>
        %dma_start3A_213 = tpu.memref_squeeze %dma_start3A_212 : memref<1x128xi32, #tpu.memory_space<vmem>> -> memref<128xi32, #tpu.memory_space<vmem>>
        %dma_start3A_214 = arith.constant 0 : i32
        %dma_start3A_215 = arith.constant 0 : i32
        %dma_start3A_216 = tpu.memref_slice %arg13[%dma_start3A_214, %dma_start3A_215] : memref<10112x64xf32, #tpu.memory_space<vmem_shared>> -> memref<10112x64xf32, #tpu.memory_space<vmem_shared>>
        tpu.enqueue_indirect_dma source(%arg12 : memref<128x64xf32, #tpu.memory_space<vmem>>) target(%dma_start3A_216 : memref<10112x64xf32, #tpu.memory_space<vmem_shared>>) offsets(%dma_start3A_213 : memref<128xi32, #tpu.memory_space<vmem>>) semaphore(%run_scoped3A_210 : memref<!tpu.dma_semaphore, #tpu.memory_space<semaphore_mem>>) {add = true}
        %dma_wait3A_217 = arith.constant 0 : i32
        %dma_wait3A_218 = tpu.memref_slice %arg8[%add3A_197, %dma_wait3A_217] : memref<80x128xi32, #tpu.memory_space<vmem>> -> memref<1x128xi32, #tpu.memory_space<vmem>>
        %dma_wait3A_219 = tpu.memref_squeeze %dma_wait3A_218 : memref<1x128xi32, #tpu.memory_space<vmem>> -> memref<128xi32, #tpu.memory_space<vmem>>
        %dma_wait3A_220 = arith.constant 0 : i32
        %dma_wait3A_221 = arith.constant 0 : i32
        %dma_wait3A_222 = tpu.memref_slice %arg13[%dma_wait3A_220, %dma_wait3A_221] : memref<10112x64xf32, #tpu.memory_space<vmem_shared>> -> memref<10112x64xf32, #tpu.memory_space<vmem_shared>>
        tpu.wait_indirect_dma semaphore(%run_scoped3A_210 : memref<!tpu.dma_semaphore, #tpu.memory_space<semaphore_mem>>) src(%arg12 : memref<128x64xf32, #tpu.memory_space<vmem>>) dst(%dma_wait3A_222 : memref<10112x64xf32, #tpu.memory_space<vmem_shared>>)
        tpu.yield
      }) : () -> ()
      %add3A_204 = arith.constant 4 : i32
      %add3A_205 = arith.addi %add3A_197, %add3A_204 : i32
      %lt3A_206 = arith.cmpi slt, %add3A_205, %select_n3A : i32
      %convert_element_type3A_207 = arith.extui %lt3A_206 : i1 to i32
      %cond3A_208 = arith.constant 0 : i32
      %cond3A_209 = arith.cmpi ne, %convert_element_type3A_207, %cond3A_208 : i32
      scf.if %cond3A_209 {
        %add3A_210 = arith.constant 4 : i32
        %add3A_211 = arith.addi %add3A_197, %add3A_210 : i32
        %dma_start3A_212 = arith.constant 0 : i32
        %dma_start3A_213 = tpu.memref_slice %arg7[%add3A_211, %dma_start3A_212] : memref<80x128xi32, #tpu.memory_space<vmem>> -> memref<1x128xi32, #tpu.memory_space<vmem>>
        %dma_start3A_214 = tpu.memref_squeeze %dma_start3A_213 : memref<1x128xi32, #tpu.memory_space<vmem>> -> memref<128xi32, #tpu.memory_space<vmem>>
        %dma_start3A_215 = arith.constant 0 : i32
        %dma_start3A_216 = arith.constant 0 : i32
        %dma_start3A_217 = tpu.memref_slice %arg3[%dma_start3A_215, %dma_start3A_216] : memref<10000x64xf32, #tpu.memory_space<hbm>> -> memref<10000x64xf32, #tpu.memory_space<hbm>>
        tpu.enqueue_indirect_dma source(%dma_start3A_217 : memref<10000x64xf32, #tpu.memory_space<hbm>>) target(%arg12 : memref<128x64xf32, #tpu.memory_space<vmem>>) offsets(%dma_start3A_214 : memref<128xi32, #tpu.memory_space<vmem>>) semaphore(%arg17 : memref<!tpu.dma_semaphore, #tpu.memory_space<semaphore_mem>>)
      } else {
      }
    }
    %barrier3A_142 = arith.constant 0 : index
    tpu.barrier barrier_id(%barrier3A_142)
    %mul3A_143 = arith.constant 632 : i32
    %mul3A_144 = arith.muli %arg1, %mul3A_143 : i32
    %mul3A_145 = arith.constant 632 : i32
    %mul3A_146 = arith.muli %arg1, %mul3A_145 : i32
    %run_scoped3A_147 = arith.constant 1 : i32
    "tpu.region"() ({
      %run_scoped3A_148 = tpu.sem_alloc : memref<!tpu.dma_semaphore, #tpu.memory_space<semaphore_mem>>
      %dma_start3A_149 = arith.constant 0 : i32
      %dma_start3A_150 = tpu.memref_slice %arg6[%run_scoped3A_147, %arg0, %mul3A_146, %dma_start3A_149] : memref<2x2x10112x64xf32, #tpu.memory_space<hbm>> -> memref<1x1x632x64xf32, #tpu.memory_space<hbm>>
      %dma_start3A_151 = tpu.memref_squeeze %dma_start3A_150 : memref<1x1x632x64xf32, #tpu.memory_space<hbm>> -> memref<632x64xf32, #tpu.memory_space<hbm>>
      %dma_start3A_152 = arith.constant 0 : i32
      %dma_start3A_153 = tpu.memref_slice %arg13[%mul3A_144, %dma_start3A_152] : memref<10112x64xf32, #tpu.memory_space<vmem_shared>> -> memref<632x64xf32, #tpu.memory_space<vmem_shared>>
      tpu.enqueue_dma source(%dma_start3A_153 : memref<632x64xf32, #tpu.memory_space<vmem_shared>>) target(%dma_start3A_151 : memref<632x64xf32, #tpu.memory_space<hbm>>) target_semaphore(%run_scoped3A_148 : memref<!tpu.dma_semaphore, #tpu.memory_space<semaphore_mem>>)
      %dma_wait3A = arith.constant 0 : i32
      %dma_wait3A_154 = tpu.memref_slice %arg6[%run_scoped3A_147, %arg0, %mul3A_146, %dma_wait3A] : memref<2x2x10112x64xf32, #tpu.memory_space<hbm>> -> memref<1x1x632x64xf32, #tpu.memory_space<hbm>>
      %dma_wait3A_155 = tpu.memref_squeeze %dma_wait3A_154 : memref<1x1x632x64xf32, #tpu.memory_space<hbm>> -> memref<632x64xf32, #tpu.memory_space<hbm>>
      %dma_wait3A_156 = arith.constant 0 : i32
      %dma_wait3A_157 = tpu.memref_slice %arg13[%mul3A_144, %dma_wait3A_156] : memref<10112x64xf32, #tpu.memory_space<vmem_shared>> -> memref<632x64xf32, #tpu.memory_space<vmem_shared>>
      tpu.wait_dma2 semaphore(%run_scoped3A_148 : memref<!tpu.dma_semaphore, #tpu.memory_space<semaphore_mem>>) src(%dma_wait3A_157 : memref<632x64xf32, #tpu.memory_space<vmem_shared>>) dst(%dma_wait3A_155 : memref<632x64xf32, #tpu.memory_space<hbm>>)
      tpu.yield
    }) : () -> ()
    return
  }
}

#map = affine_map<(d0, d1) -> (0, 0, 0)>
#map1 = affine_map<(d0, d1) -> (0, 0)>
module attributes {stable_mosaic.version = 14 : i64} {
  func.func @_sc_deg_body(%arg0: i32, %arg1: i32, %arg2: memref<2x2500x128xi32, #tpu.memory_space<hbm>>, %arg3: memref<128x16xf32, #tpu.memory_space<hbm>>, %arg4: memref<632x16xf32, #tpu.memory_space<hbm>>, %arg5: memref<2x10112x16xf32, #tpu.memory_space<hbm>>, %arg6: memref<80x128xi32, #tpu.memory_space<vmem>>, %arg7: memref<128x16xf32, #tpu.memory_space<vmem>>, %arg8: memref<10112x16xf32, #tpu.memory_space<vmem_shared>>) attributes {dimension_semantics = [#tpu.dimension_semantics<core_parallel>, #tpu.dimension_semantics<subcore_parallel>], iteration_bounds = array<i64: 2, 16>, scalar_prefetch = 0 : i64, scratch_operands = 3 : i64, tpu.core_type = #tpu.core_type<sc_vector_subcore>, window_params = [{transform_indices = #map}, {transform_indices = #map1}, {transform_indices = #map1}, {transform_indices = #map}]} {
    %mul3A = arith.constant 2 : i32
    %mul3A_0 = arith.muli %arg1, %mul3A : i32
    %add3A = arith.addi %mul3A_0, %arg0 : i32
    %lt3A = arith.constant 15 : i32
    %lt3A_1 = arith.cmpi slt, %add3A, %lt3A : i32
    %jit3A = arith.constant 76 : i32
    %jit3A_2 = arith.constant 80 : i32
    %select_n3A = arith.select %lt3A_1, %jit3A, %jit3A_2 : i32
    %lt3A_3 = arith.constant 15 : i32
    %lt3A_4 = arith.cmpi slt, %add3A, %lt3A_3 : i32
    %mul3A_5 = arith.constant 76 : i32
    %mul3A_6 = arith.muli %add3A, %mul3A_5 : i32
    %sub3A = arith.constant 15 : i32
    %sub3A_7 = arith.subi %add3A, %sub3A : i32
    %mul3A_8 = arith.constant 80 : i32
    %mul3A_9 = arith.muli %sub3A_7, %mul3A_8 : i32
    %add3A_10 = arith.constant 1140 : i32
    %add3A_11 = arith.addi %add3A_10, %mul3A_9 : i32
    %select_n3A_12 = arith.select %lt3A_4, %mul3A_6, %add3A_11 : i32
    %run_scoped3A = arith.constant 1 : i32
    "tpu.region"() ({
      %run_scoped3A_29 = tpu.sem_alloc : memref<!tpu.dma_semaphore, #tpu.memory_space<semaphore_mem>>
      %dma_start3A = arith.constant 0 : i32
      %dma_start3A_30 = tpu.memref_slice %arg2[%run_scoped3A, %select_n3A_12, %dma_start3A] : memref<2x2500x128xi32, #tpu.memory_space<hbm>> -> memref<1x80x128xi32, #tpu.memory_space<hbm>>
      %dma_start3A_31 = tpu.memref_squeeze %dma_start3A_30 : memref<1x80x128xi32, #tpu.memory_space<hbm>> -> memref<80x128xi32, #tpu.memory_space<hbm>>
      %dma_start3A_32 = arith.constant 0 : i32
      %dma_start3A_33 = tpu.memref_slice %arg2[%run_scoped3A, %select_n3A_12, %dma_start3A_32] : memref<2x2500x128xi32, #tpu.memory_space<hbm>> -> memref<1x80x128xi32, #tpu.memory_space<hbm>>
      %dma_start3A_34 = tpu.memref_squeeze %dma_start3A_33 : memref<1x80x128xi32, #tpu.memory_space<hbm>> -> memref<80x128xi32, #tpu.memory_space<hbm>>
      tpu.enqueue_dma source(%dma_start3A_34 : memref<80x128xi32, #tpu.memory_space<hbm>>) target(%arg6 : memref<80x128xi32, #tpu.memory_space<vmem>>) target_semaphore(%run_scoped3A_29 : memref<!tpu.dma_semaphore, #tpu.memory_space<semaphore_mem>>)
      %dma_wait3A = arith.constant 0 : i32
      %dma_wait3A_35 = tpu.memref_slice %arg2[%run_scoped3A, %select_n3A_12, %dma_wait3A] : memref<2x2500x128xi32, #tpu.memory_space<hbm>> -> memref<1x80x128xi32, #tpu.memory_space<hbm>>
      %dma_wait3A_36 = tpu.memref_squeeze %dma_wait3A_35 : memref<1x80x128xi32, #tpu.memory_space<hbm>> -> memref<80x128xi32, #tpu.memory_space<hbm>>
      %dma_wait3A_37 = arith.constant 0 : i32
      %dma_wait3A_38 = tpu.memref_slice %arg2[%run_scoped3A, %select_n3A_12, %dma_wait3A_37] : memref<2x2500x128xi32, #tpu.memory_space<hbm>> -> memref<1x80x128xi32, #tpu.memory_space<hbm>>
      %dma_wait3A_39 = tpu.memref_squeeze %dma_wait3A_38 : memref<1x80x128xi32, #tpu.memory_space<hbm>> -> memref<80x128xi32, #tpu.memory_space<hbm>>
      tpu.wait_dma2 semaphore(%run_scoped3A_29 : memref<!tpu.dma_semaphore, #tpu.memory_space<semaphore_mem>>) src(%dma_wait3A_39 : memref<80x128xi32, #tpu.memory_space<hbm>>) dst(%arg6 : memref<80x128xi32, #tpu.memory_space<vmem>>)
      tpu.yield
    }) : () -> ()
    "tpu.region"() ({
      %run_scoped3A_29 = tpu.sem_alloc : memref<!tpu.dma_semaphore, #tpu.memory_space<semaphore_mem>>
      tpu.enqueue_dma source(%arg3 : memref<128x16xf32, #tpu.memory_space<hbm>>) target(%arg7 : memref<128x16xf32, #tpu.memory_space<vmem>>) target_semaphore(%run_scoped3A_29 : memref<!tpu.dma_semaphore, #tpu.memory_space<semaphore_mem>>)
      tpu.wait_dma2 semaphore(%run_scoped3A_29 : memref<!tpu.dma_semaphore, #tpu.memory_space<semaphore_mem>>) src(%arg3 : memref<128x16xf32, #tpu.memory_space<hbm>>) dst(%arg7 : memref<128x16xf32, #tpu.memory_space<vmem>>)
      tpu.yield
    }) : () -> ()
    %mul3A_13 = arith.constant 632 : i32
    %mul3A_14 = arith.muli %arg1, %mul3A_13 : i32
    "tpu.region"() ({
      %run_scoped3A_29 = tpu.sem_alloc : memref<!tpu.dma_semaphore, #tpu.memory_space<semaphore_mem>>
      %dma_start3A = arith.constant 0 : i32
      %dma_start3A_30 = tpu.memref_slice %arg8[%mul3A_14, %dma_start3A] : memref<10112x16xf32, #tpu.memory_space<vmem_shared>> -> memref<632x16xf32, #tpu.memory_space<vmem_shared>>
      tpu.enqueue_dma source(%arg4 : memref<632x16xf32, #tpu.memory_space<hbm>>) target(%dma_start3A_30 : memref<632x16xf32, #tpu.memory_space<vmem_shared>>) target_semaphore(%run_scoped3A_29 : memref<!tpu.dma_semaphore, #tpu.memory_space<semaphore_mem>>)
      %dma_wait3A = arith.constant 0 : i32
      %dma_wait3A_31 = tpu.memref_slice %arg8[%mul3A_14, %dma_wait3A] : memref<10112x16xf32, #tpu.memory_space<vmem_shared>> -> memref<632x16xf32, #tpu.memory_space<vmem_shared>>
      tpu.wait_dma2 semaphore(%run_scoped3A_29 : memref<!tpu.dma_semaphore, #tpu.memory_space<semaphore_mem>>) src(%arg4 : memref<632x16xf32, #tpu.memory_space<hbm>>) dst(%dma_wait3A_31 : memref<632x16xf32, #tpu.memory_space<vmem_shared>>)
      tpu.yield
    }) : () -> ()
    %barrier3A = arith.constant 0 : index
    tpu.barrier barrier_id(%barrier3A)
    %while3A = arith.constant 0 : i32
    %while3A_15 = arith.constant 0 : i32
    %while3A_16 = arith.subi %select_n3A, %while3A_15 : i32
    %while3A_17 = arith.addi %while3A_15, %while3A_16 : i32
    %while3A_18 = arith.constant 1 : i32
    %while3A_19 = arith.divsi %while3A_16, %while3A_18 : i32
    %while3A_20 = arith.muli %while3A_19, %while3A_18 : i32
    %while3A_21 = arith.addi %while3A_15, %while3A_20 : i32
    %while3A_22 = arith.constant 1 : i32
    scf.for %while3A_29 = %while3A_15 to %while3A_21 step %while3A_22  : i32 {
      "tpu.region"() ({
        %run_scoped3A_30 = tpu.sem_alloc : memref<!tpu.dma_semaphore, #tpu.memory_space<semaphore_mem>>
        %dma_start3A = arith.constant 0 : i32
        %dma_start3A_31 = tpu.memref_slice %arg6[%while3A_29, %dma_start3A] : memref<80x128xi32, #tpu.memory_space<vmem>> -> memref<1x128xi32, #tpu.memory_space<vmem>>
        %dma_start3A_32 = tpu.memref_squeeze %dma_start3A_31 : memref<1x128xi32, #tpu.memory_space<vmem>> -> memref<128xi32, #tpu.memory_space<vmem>>
        %dma_start3A_33 = arith.constant 0 : i32
        %dma_start3A_34 = arith.constant 0 : i32
        %dma_start3A_35 = tpu.memref_slice %arg8[%dma_start3A_33, %dma_start3A_34] : memref<10112x16xf32, #tpu.memory_space<vmem_shared>> -> memref<10112x16xf32, #tpu.memory_space<vmem_shared>>
        tpu.enqueue_indirect_dma source(%arg7 : memref<128x16xf32, #tpu.memory_space<vmem>>) target(%dma_start3A_35 : memref<10112x16xf32, #tpu.memory_space<vmem_shared>>) offsets(%dma_start3A_32 : memref<128xi32, #tpu.memory_space<vmem>>) semaphore(%run_scoped3A_30 : memref<!tpu.dma_semaphore, #tpu.memory_space<semaphore_mem>>) {add = true}
        %dma_wait3A = arith.constant 0 : i32
        %dma_wait3A_36 = tpu.memref_slice %arg6[%while3A_29, %dma_wait3A] : memref<80x128xi32, #tpu.memory_space<vmem>> -> memref<1x128xi32, #tpu.memory_space<vmem>>
        %dma_wait3A_37 = tpu.memref_squeeze %dma_wait3A_36 : memref<1x128xi32, #tpu.memory_space<vmem>> -> memref<128xi32, #tpu.memory_space<vmem>>
        %dma_wait3A_38 = arith.constant 0 : i32
        %dma_wait3A_39 = arith.constant 0 : i32
        %dma_wait3A_40 = tpu.memref_slice %arg8[%dma_wait3A_38, %dma_wait3A_39] : memref<10112x16xf32, #tpu.memory_space<vmem_shared>> -> memref<10112x16xf32, #tpu.memory_space<vmem_shared>>
        tpu.wait_indirect_dma semaphore(%run_scoped3A_30 : memref<!tpu.dma_semaphore, #tpu.memory_space<semaphore_mem>>) src(%arg7 : memref<128x16xf32, #tpu.memory_space<vmem>>) dst(%dma_wait3A_40 : memref<10112x16xf32, #tpu.memory_space<vmem_shared>>)
        tpu.yield
      }) : () -> ()
    }
    %while3A_23 = arith.constant 1 : i32
    scf.for %while3A_29 = %while3A_21 to %while3A_17 step %while3A_23  : i32 {
      "tpu.region"() ({
        %run_scoped3A_30 = tpu.sem_alloc : memref<!tpu.dma_semaphore, #tpu.memory_space<semaphore_mem>>
        %dma_start3A = arith.constant 0 : i32
        %dma_start3A_31 = tpu.memref_slice %arg6[%while3A_29, %dma_start3A] : memref<80x128xi32, #tpu.memory_space<vmem>> -> memref<1x128xi32, #tpu.memory_space<vmem>>
        %dma_start3A_32 = tpu.memref_squeeze %dma_start3A_31 : memref<1x128xi32, #tpu.memory_space<vmem>> -> memref<128xi32, #tpu.memory_space<vmem>>
        %dma_start3A_33 = arith.constant 0 : i32
        %dma_start3A_34 = arith.constant 0 : i32
        %dma_start3A_35 = tpu.memref_slice %arg8[%dma_start3A_33, %dma_start3A_34] : memref<10112x16xf32, #tpu.memory_space<vmem_shared>> -> memref<10112x16xf32, #tpu.memory_space<vmem_shared>>
        tpu.enqueue_indirect_dma source(%arg7 : memref<128x16xf32, #tpu.memory_space<vmem>>) target(%dma_start3A_35 : memref<10112x16xf32, #tpu.memory_space<vmem_shared>>) offsets(%dma_start3A_32 : memref<128xi32, #tpu.memory_space<vmem>>) semaphore(%run_scoped3A_30 : memref<!tpu.dma_semaphore, #tpu.memory_space<semaphore_mem>>) {add = true}
        %dma_wait3A = arith.constant 0 : i32
        %dma_wait3A_36 = tpu.memref_slice %arg6[%while3A_29, %dma_wait3A] : memref<80x128xi32, #tpu.memory_space<vmem>> -> memref<1x128xi32, #tpu.memory_space<vmem>>
        %dma_wait3A_37 = tpu.memref_squeeze %dma_wait3A_36 : memref<1x128xi32, #tpu.memory_space<vmem>> -> memref<128xi32, #tpu.memory_space<vmem>>
        %dma_wait3A_38 = arith.constant 0 : i32
        %dma_wait3A_39 = arith.constant 0 : i32
        %dma_wait3A_40 = tpu.memref_slice %arg8[%dma_wait3A_38, %dma_wait3A_39] : memref<10112x16xf32, #tpu.memory_space<vmem_shared>> -> memref<10112x16xf32, #tpu.memory_space<vmem_shared>>
        tpu.wait_indirect_dma semaphore(%run_scoped3A_30 : memref<!tpu.dma_semaphore, #tpu.memory_space<semaphore_mem>>) src(%arg7 : memref<128x16xf32, #tpu.memory_space<vmem>>) dst(%dma_wait3A_40 : memref<10112x16xf32, #tpu.memory_space<vmem_shared>>)
        tpu.yield
      }) : () -> ()
    }
    %barrier3A_24 = arith.constant 0 : index
    tpu.barrier barrier_id(%barrier3A_24)
    %mul3A_25 = arith.constant 632 : i32
    %mul3A_26 = arith.muli %arg1, %mul3A_25 : i32
    %mul3A_27 = arith.constant 632 : i32
    %mul3A_28 = arith.muli %arg1, %mul3A_27 : i32
    "tpu.region"() ({
      %run_scoped3A_29 = tpu.sem_alloc : memref<!tpu.dma_semaphore, #tpu.memory_space<semaphore_mem>>
      %dma_start3A = arith.constant 0 : i32
      %dma_start3A_30 = tpu.memref_slice %arg5[%arg0, %mul3A_28, %dma_start3A] : memref<2x10112x16xf32, #tpu.memory_space<hbm>> -> memref<1x632x16xf32, #tpu.memory_space<hbm>>
      %dma_start3A_31 = tpu.memref_squeeze %dma_start3A_30 : memref<1x632x16xf32, #tpu.memory_space<hbm>> -> memref<632x16xf32, #tpu.memory_space<hbm>>
      %dma_start3A_32 = arith.constant 0 : i32
      %dma_start3A_33 = tpu.memref_slice %arg8[%mul3A_26, %dma_start3A_32] : memref<10112x16xf32, #tpu.memory_space<vmem_shared>> -> memref<632x16xf32, #tpu.memory_space<vmem_shared>>
      tpu.enqueue_dma source(%dma_start3A_33 : memref<632x16xf32, #tpu.memory_space<vmem_shared>>) target(%dma_start3A_31 : memref<632x16xf32, #tpu.memory_space<hbm>>) target_semaphore(%run_scoped3A_29 : memref<!tpu.dma_semaphore, #tpu.memory_space<semaphore_mem>>)
      %dma_wait3A = arith.constant 0 : i32
      %dma_wait3A_34 = tpu.memref_slice %arg5[%arg0, %mul3A_28, %dma_wait3A] : memref<2x10112x16xf32, #tpu.memory_space<hbm>> -> memref<1x632x16xf32, #tpu.memory_space<hbm>>
      %dma_wait3A_35 = tpu.memref_squeeze %dma_wait3A_34 : memref<1x632x16xf32, #tpu.memory_space<hbm>> -> memref<632x16xf32, #tpu.memory_space<hbm>>
      %dma_wait3A_36 = arith.constant 0 : i32
      %dma_wait3A_37 = tpu.memref_slice %arg8[%mul3A_26, %dma_wait3A_36] : memref<10112x16xf32, #tpu.memory_space<vmem_shared>> -> memref<632x16xf32, #tpu.memory_space<vmem_shared>>
      tpu.wait_dma2 semaphore(%run_scoped3A_29 : memref<!tpu.dma_semaphore, #tpu.memory_space<semaphore_mem>>) src(%dma_wait3A_37 : memref<632x16xf32, #tpu.memory_space<vmem_shared>>) dst(%dma_wait3A_35 : memref<632x16xf32, #tpu.memory_space<hbm>>)
      tpu.yield
    }) : () -> ()
    return
  }
}

#map = affine_map<(d0, d1) -> (0, 0)>
#map1 = affine_map<(d0, d1) -> (0, 0, 0)>
#map2 = affine_map<(d0, d1) -> (0, 0, 0, 0)>
module attributes {stable_mosaic.version = 14 : i64} {
  func.func @_sc_agg_body(%arg0: i32, %arg1: i32, %arg2: memref<10000x64xf32, #tpu.memory_space<hbm>>, %arg3: memref<2x2500x128xi32, #tpu.memory_space<hbm>>, %arg4: memref<632x64xf32, #tpu.memory_space<hbm>>, %arg5: memref<1x2x10112x64xf32, #tpu.memory_space<hbm>>, %arg6: memref<80x128xi32, #tpu.memory_space<vmem>>, %arg7: memref<80x128xi32, #tpu.memory_space<vmem>>, %arg8: memref<128x64xf32, #tpu.memory_space<vmem>>, %arg9: memref<128x64xf32, #tpu.memory_space<vmem>>, %arg10: memref<128x64xf32, #tpu.memory_space<vmem>>, %arg11: memref<128x64xf32, #tpu.memory_space<vmem>>, %arg12: memref<10112x64xf32, #tpu.memory_space<vmem_shared>>, %arg13: memref<!tpu.dma_semaphore, #tpu.memory_space<semaphore_mem>>, %arg14: memref<!tpu.dma_semaphore, #tpu.memory_space<semaphore_mem>>, %arg15: memref<!tpu.dma_semaphore, #tpu.memory_space<semaphore_mem>>, %arg16: memref<!tpu.dma_semaphore, #tpu.memory_space<semaphore_mem>>) attributes {dimension_semantics = [#tpu.dimension_semantics<core_parallel>, #tpu.dimension_semantics<subcore_parallel>], iteration_bounds = array<i64: 2, 16>, scalar_prefetch = 0 : i64, scratch_operands = 11 : i64, tpu.core_type = #tpu.core_type<sc_vector_subcore>, window_params = [{transform_indices = #map}, {transform_indices = #map1}, {transform_indices = #map}, {transform_indices = #map2}]} {
    %mul3A = arith.constant 2 : i32
    %mul3A_0 = arith.muli %arg1, %mul3A : i32
    %add3A = arith.addi %mul3A_0, %arg0 : i32
    %lt3A = arith.constant 15 : i32
    %lt3A_1 = arith.cmpi slt, %add3A, %lt3A : i32
    %jit3A = arith.constant 76 : i32
    %jit3A_2 = arith.constant 80 : i32
    %select_n3A = arith.select %lt3A_1, %jit3A, %jit3A_2 : i32
    %lt3A_3 = arith.constant 15 : i32
    %lt3A_4 = arith.cmpi slt, %add3A, %lt3A_3 : i32
    %mul3A_5 = arith.constant 76 : i32
    %mul3A_6 = arith.muli %add3A, %mul3A_5 : i32
    %sub3A = arith.constant 15 : i32
    %sub3A_7 = arith.subi %add3A, %sub3A : i32
    %mul3A_8 = arith.constant 80 : i32
    %mul3A_9 = arith.muli %sub3A_7, %mul3A_8 : i32
    %add3A_10 = arith.constant 1140 : i32
    %add3A_11 = arith.addi %add3A_10, %mul3A_9 : i32
    %select_n3A_12 = arith.select %lt3A_4, %mul3A_6, %add3A_11 : i32
    %run_scoped3A = arith.constant 0 : i32
    "tpu.region"() ({
      %run_scoped3A_77 = tpu.sem_alloc : memref<!tpu.dma_semaphore, #tpu.memory_space<semaphore_mem>>
      %dma_start3A_78 = arith.constant 0 : i32
      %dma_start3A_79 = tpu.memref_slice %arg3[%run_scoped3A, %select_n3A_12, %dma_start3A_78] : memref<2x2500x128xi32, #tpu.memory_space<hbm>> -> memref<1x80x128xi32, #tpu.memory_space<hbm>>
      %dma_start3A_80 = tpu.memref_squeeze %dma_start3A_79 : memref<1x80x128xi32, #tpu.memory_space<hbm>> -> memref<80x128xi32, #tpu.memory_space<hbm>>
      %dma_start3A_81 = arith.constant 0 : i32
      %dma_start3A_82 = tpu.memref_slice %arg3[%run_scoped3A, %select_n3A_12, %dma_start3A_81] : memref<2x2500x128xi32, #tpu.memory_space<hbm>> -> memref<1x80x128xi32, #tpu.memory_space<hbm>>
      %dma_start3A_83 = tpu.memref_squeeze %dma_start3A_82 : memref<1x80x128xi32, #tpu.memory_space<hbm>> -> memref<80x128xi32, #tpu.memory_space<hbm>>
      tpu.enqueue_dma source(%dma_start3A_83 : memref<80x128xi32, #tpu.memory_space<hbm>>) target(%arg6 : memref<80x128xi32, #tpu.memory_space<vmem>>) target_semaphore(%run_scoped3A_77 : memref<!tpu.dma_semaphore, #tpu.memory_space<semaphore_mem>>)
      %dma_wait3A = arith.constant 0 : i32
      %dma_wait3A_84 = tpu.memref_slice %arg3[%run_scoped3A, %select_n3A_12, %dma_wait3A] : memref<2x2500x128xi32, #tpu.memory_space<hbm>> -> memref<1x80x128xi32, #tpu.memory_space<hbm>>
      %dma_wait3A_85 = tpu.memref_squeeze %dma_wait3A_84 : memref<1x80x128xi32, #tpu.memory_space<hbm>> -> memref<80x128xi32, #tpu.memory_space<hbm>>
      %dma_wait3A_86 = arith.constant 0 : i32
      %dma_wait3A_87 = tpu.memref_slice %arg3[%run_scoped3A, %select_n3A_12, %dma_wait3A_86] : memref<2x2500x128xi32, #tpu.memory_space<hbm>> -> memref<1x80x128xi32, #tpu.memory_space<hbm>>
      %dma_wait3A_88 = tpu.memref_squeeze %dma_wait3A_87 : memref<1x80x128xi32, #tpu.memory_space<hbm>> -> memref<80x128xi32, #tpu.memory_space<hbm>>
      tpu.wait_dma2 semaphore(%run_scoped3A_77 : memref<!tpu.dma_semaphore, #tpu.memory_space<semaphore_mem>>) src(%dma_wait3A_88 : memref<80x128xi32, #tpu.memory_space<hbm>>) dst(%arg6 : memref<80x128xi32, #tpu.memory_space<vmem>>)
      tpu.yield
    }) : () -> ()
    %run_scoped3A_13 = arith.constant 1 : i32
    "tpu.region"() ({
      %run_scoped3A_77 = tpu.sem_alloc : memref<!tpu.dma_semaphore, #tpu.memory_space<semaphore_mem>>
      %dma_start3A_78 = arith.constant 0 : i32
      %dma_start3A_79 = tpu.memref_slice %arg3[%run_scoped3A_13, %select_n3A_12, %dma_start3A_78] : memref<2x2500x128xi32, #tpu.memory_space<hbm>> -> memref<1x80x128xi32, #tpu.memory_space<hbm>>
      %dma_start3A_80 = tpu.memref_squeeze %dma_start3A_79 : memref<1x80x128xi32, #tpu.memory_space<hbm>> -> memref<80x128xi32, #tpu.memory_space<hbm>>
      %dma_start3A_81 = arith.constant 0 : i32
      %dma_start3A_82 = tpu.memref_slice %arg3[%run_scoped3A_13, %select_n3A_12, %dma_start3A_81] : memref<2x2500x128xi32, #tpu.memory_space<hbm>> -> memref<1x80x128xi32, #tpu.memory_space<hbm>>
      %dma_start3A_83 = tpu.memref_squeeze %dma_start3A_82 : memref<1x80x128xi32, #tpu.memory_space<hbm>> -> memref<80x128xi32, #tpu.memory_space<hbm>>
      tpu.enqueue_dma source(%dma_start3A_83 : memref<80x128xi32, #tpu.memory_space<hbm>>) target(%arg7 : memref<80x128xi32, #tpu.memory_space<vmem>>) target_semaphore(%run_scoped3A_77 : memref<!tpu.dma_semaphore, #tpu.memory_space<semaphore_mem>>)
      %dma_wait3A = arith.constant 0 : i32
      %dma_wait3A_84 = tpu.memref_slice %arg3[%run_scoped3A_13, %select_n3A_12, %dma_wait3A] : memref<2x2500x128xi32, #tpu.memory_space<hbm>> -> memref<1x80x128xi32, #tpu.memory_space<hbm>>
      %dma_wait3A_85 = tpu.memref_squeeze %dma_wait3A_84 : memref<1x80x128xi32, #tpu.memory_space<hbm>> -> memref<80x128xi32, #tpu.memory_space<hbm>>
      %dma_wait3A_86 = arith.constant 0 : i32
      %dma_wait3A_87 = tpu.memref_slice %arg3[%run_scoped3A_13, %select_n3A_12, %dma_wait3A_86] : memref<2x2500x128xi32, #tpu.memory_space<hbm>> -> memref<1x80x128xi32, #tpu.memory_space<hbm>>
      %dma_wait3A_88 = tpu.memref_squeeze %dma_wait3A_87 : memref<1x80x128xi32, #tpu.memory_space<hbm>> -> memref<80x128xi32, #tpu.memory_space<hbm>>
      tpu.wait_dma2 semaphore(%run_scoped3A_77 : memref<!tpu.dma_semaphore, #tpu.memory_space<semaphore_mem>>) src(%dma_wait3A_88 : memref<80x128xi32, #tpu.memory_space<hbm>>) dst(%arg7 : memref<80x128xi32, #tpu.memory_space<vmem>>)
      tpu.yield
    }) : () -> ()
    %mul3A_14 = arith.constant 632 : i32
    %mul3A_15 = arith.muli %arg1, %mul3A_14 : i32
    "tpu.region"() ({
      %run_scoped3A_77 = tpu.sem_alloc : memref<!tpu.dma_semaphore, #tpu.memory_space<semaphore_mem>>
      %dma_start3A_78 = arith.constant 0 : i32
      %dma_start3A_79 = tpu.memref_slice %arg12[%mul3A_15, %dma_start3A_78] : memref<10112x64xf32, #tpu.memory_space<vmem_shared>> -> memref<632x64xf32, #tpu.memory_space<vmem_shared>>
      tpu.enqueue_dma source(%arg4 : memref<632x64xf32, #tpu.memory_space<hbm>>) target(%dma_start3A_79 : memref<632x64xf32, #tpu.memory_space<vmem_shared>>) target_semaphore(%run_scoped3A_77 : memref<!tpu.dma_semaphore, #tpu.memory_space<semaphore_mem>>)
      %dma_wait3A = arith.constant 0 : i32
      %dma_wait3A_80 = tpu.memref_slice %arg12[%mul3A_15, %dma_wait3A] : memref<10112x64xf32, #tpu.memory_space<vmem_shared>> -> memref<632x64xf32, #tpu.memory_space<vmem_shared>>
      tpu.wait_dma2 semaphore(%run_scoped3A_77 : memref<!tpu.dma_semaphore, #tpu.memory_space<semaphore_mem>>) src(%arg4 : memref<632x64xf32, #tpu.memory_space<hbm>>) dst(%dma_wait3A_80 : memref<632x64xf32, #tpu.memory_space<vmem_shared>>)
      tpu.yield
    }) : () -> ()
    %barrier3A = arith.constant 0 : index
    tpu.barrier barrier_id(%barrier3A)
    %dma_start3A = arith.constant 0 : i32
    %dma_start3A_16 = arith.constant 0 : i32
    %dma_start3A_17 = tpu.memref_slice %arg6[%dma_start3A, %dma_start3A_16] : memref<80x128xi32, #tpu.memory_space<vmem>> -> memref<1x128xi32, #tpu.memory_space<vmem>>
    %dma_start3A_18 = tpu.memref_squeeze %dma_start3A_17 : memref<1x128xi32, #tpu.memory_space<vmem>> -> memref<128xi32, #tpu.memory_space<vmem>>
    %dma_start3A_19 = arith.constant 0 : i32
    %dma_start3A_20 = arith.constant 0 : i32
    %dma_start3A_21 = tpu.memref_slice %arg2[%dma_start3A_19, %dma_start3A_20] : memref<10000x64xf32, #tpu.memory_space<hbm>> -> memref<10000x64xf32, #tpu.memory_space<hbm>>
    tpu.enqueue_indirect_dma source(%dma_start3A_21 : memref<10000x64xf32, #tpu.memory_space<hbm>>) target(%arg8 : memref<128x64xf32, #tpu.memory_space<vmem>>) offsets(%dma_start3A_18 : memref<128xi32, #tpu.memory_space<vmem>>) semaphore(%arg13 : memref<!tpu.dma_semaphore, #tpu.memory_space<semaphore_mem>>)
    %dma_start3A_22 = arith.constant 1 : i32
    %dma_start3A_23 = arith.constant 0 : i32
    %dma_start3A_24 = tpu.memref_slice %arg6[%dma_start3A_22, %dma_start3A_23] : memref<80x128xi32, #tpu.memory_space<vmem>> -> memref<1x128xi32, #tpu.memory_space<vmem>>
    %dma_start3A_25 = tpu.memref_squeeze %dma_start3A_24 : memref<1x128xi32, #tpu.memory_space<vmem>> -> memref<128xi32, #tpu.memory_space<vmem>>
    %dma_start3A_26 = arith.constant 0 : i32
    %dma_start3A_27 = arith.constant 0 : i32
    %dma_start3A_28 = tpu.memref_slice %arg2[%dma_start3A_26, %dma_start3A_27] : memref<10000x64xf32, #tpu.memory_space<hbm>> -> memref<10000x64xf32, #tpu.memory_space<hbm>>
    tpu.enqueue_indirect_dma source(%dma_start3A_28 : memref<10000x64xf32, #tpu.memory_space<hbm>>) target(%arg9 : memref<128x64xf32, #tpu.memory_space<vmem>>) offsets(%dma_start3A_25 : memref<128xi32, #tpu.memory_space<vmem>>) semaphore(%arg14 : memref<!tpu.dma_semaphore, #tpu.memory_space<semaphore_mem>>)
    %dma_start3A_29 = arith.constant 2 : i32
    %dma_start3A_30 = arith.constant 0 : i32
    %dma_start3A_31 = tpu.memref_slice %arg6[%dma_start3A_29, %dma_start3A_30] : memref<80x128xi32, #tpu.memory_space<vmem>> -> memref<1x128xi32, #tpu.memory_space<vmem>>
    %dma_start3A_32 = tpu.memref_squeeze %dma_start3A_31 : memref<1x128xi32, #tpu.memory_space<vmem>> -> memref<128xi32, #tpu.memory_space<vmem>>
    %dma_start3A_33 = arith.constant 0 : i32
    %dma_start3A_34 = arith.constant 0 : i32
    %dma_start3A_35 = tpu.memref_slice %arg2[%dma_start3A_33, %dma_start3A_34] : memref<10000x64xf32, #tpu.memory_space<hbm>> -> memref<10000x64xf32, #tpu.memory_space<hbm>>
    tpu.enqueue_indirect_dma source(%dma_start3A_35 : memref<10000x64xf32, #tpu.memory_space<hbm>>) target(%arg10 : memref<128x64xf32, #tpu.memory_space<vmem>>) offsets(%dma_start3A_32 : memref<128xi32, #tpu.memory_space<vmem>>) semaphore(%arg15 : memref<!tpu.dma_semaphore, #tpu.memory_space<semaphore_mem>>)
    %dma_start3A_36 = arith.constant 3 : i32
    %dma_start3A_37 = arith.constant 0 : i32
    %dma_start3A_38 = tpu.memref_slice %arg6[%dma_start3A_36, %dma_start3A_37] : memref<80x128xi32, #tpu.memory_space<vmem>> -> memref<1x128xi32, #tpu.memory_space<vmem>>
    %dma_start3A_39 = tpu.memref_squeeze %dma_start3A_38 : memref<1x128xi32, #tpu.memory_space<vmem>> -> memref<128xi32, #tpu.memory_space<vmem>>
    %dma_start3A_40 = arith.constant 0 : i32
    %dma_start3A_41 = arith.constant 0 : i32
    %dma_start3A_42 = tpu.memref_slice %arg2[%dma_start3A_40, %dma_start3A_41] : memref<10000x64xf32, #tpu.memory_space<hbm>> -> memref<10000x64xf32, #tpu.memory_space<hbm>>
    tpu.enqueue_indirect_dma source(%dma_start3A_42 : memref<10000x64xf32, #tpu.memory_space<hbm>>) target(%arg11 : memref<128x64xf32, #tpu.memory_space<vmem>>) offsets(%dma_start3A_39 : memref<128xi32, #tpu.memory_space<vmem>>) semaphore(%arg16 : memref<!tpu.dma_semaphore, #tpu.memory_space<semaphore_mem>>)
    %jit3A_43 = arith.constant 4 : i32
    %div3A = arith.divsi %select_n3A, %jit3A_43 : i32
    %sign3A = arith.constant 0 : i32
    %sign3A_44 = arith.cmpi sgt, %select_n3A, %sign3A : i32
    %sign3A_45 = arith.extui %sign3A_44 : i1 to i32
    %sign3A_46 = arith.constant 0 : i32
    %sign3A_47 = arith.cmpi slt, %select_n3A, %sign3A_46 : i32
    %sign3A_48 = arith.extui %sign3A_47 : i1 to i32
    %sign3A_49 = arith.subi %sign3A_45, %sign3A_48 : i32
    %sign3A_50 = arith.constant 0 : i32
    %sign3A_51 = arith.cmpi sgt, %jit3A_43, %sign3A_50 : i32
    %sign3A_52 = arith.extui %sign3A_51 : i1 to i32
    %sign3A_53 = arith.constant 0 : i32
    %sign3A_54 = arith.cmpi slt, %jit3A_43, %sign3A_53 : i32
    %sign3A_55 = arith.extui %sign3A_54 : i1 to i32
    %sign3A_56 = arith.subi %sign3A_52, %sign3A_55 : i32
    %ne3A = arith.cmpi ne, %sign3A_49, %sign3A_56 : i32
    %rem3A = arith.remsi %select_n3A, %jit3A_43 : i32
    %ne3A_57 = arith.constant 0 : i32
    %ne3A_58 = arith.cmpi ne, %rem3A, %ne3A_57 : i32
    %and3A = arith.andi %ne3A, %ne3A_58 : i1
    %sub3A_59 = arith.constant 1 : i32
    %sub3A_60 = arith.subi %div3A, %sub3A_59 : i32
    %select_n3A_61 = arith.select %and3A, %sub3A_60, %div3A : i32
    %while3A = arith.constant 0 : i32
    %while3A_62 = arith.constant 0 : i32
    %while3A_63 = arith.subi %select_n3A_61, %while3A_62 : i32
    %while3A_64 = arith.addi %while3A_62, %while3A_63 : i32
    %while3A_65 = arith.constant 1 : i32
    %while3A_66 = arith.divsi %while3A_63, %while3A_65 : i32
    %while3A_67 = arith.muli %while3A_66, %while3A_65 : i32
    %while3A_68 = arith.addi %while3A_62, %while3A_67 : i32
    %while3A_69 = arith.constant 1 : i32
    scf.for %while3A_77 = %while3A_62 to %while3A_68 step %while3A_69  : i32 {
      %mul3A_78 = arith.constant 4 : i32
      %mul3A_79 = arith.muli %mul3A_78, %while3A_77 : i32
      %add3A_80 = arith.constant 0 : i32
      %add3A_81 = arith.addi %mul3A_79, %add3A_80 : i32
      %dma_wait3A = arith.constant 0 : i32
      %dma_wait3A_82 = tpu.memref_slice %arg6[%add3A_81, %dma_wait3A] : memref<80x128xi32, #tpu.memory_space<vmem>> -> memref<1x128xi32, #tpu.memory_space<vmem>>
      %dma_wait3A_83 = tpu.memref_squeeze %dma_wait3A_82 : memref<1x128xi32, #tpu.memory_space<vmem>> -> memref<128xi32, #tpu.memory_space<vmem>>
      %dma_wait3A_84 = arith.constant 0 : i32
      %dma_wait3A_85 = arith.constant 0 : i32
      %dma_wait3A_86 = tpu.memref_slice %arg2[%dma_wait3A_84, %dma_wait3A_85] : memref<10000x64xf32, #tpu.memory_space<hbm>> -> memref<10000x64xf32, #tpu.memory_space<hbm>>
      tpu.wait_indirect_dma semaphore(%arg13 : memref<!tpu.dma_semaphore, #tpu.memory_space<semaphore_mem>>) src(%dma_wait3A_86 : memref<10000x64xf32, #tpu.memory_space<hbm>>) dst(%arg8 : memref<128x64xf32, #tpu.memory_space<vmem>>)
      "tpu.region"() ({
        %run_scoped3A_139 = tpu.sem_alloc : memref<!tpu.dma_semaphore, #tpu.memory_space<semaphore_mem>>
        %dma_start3A_140 = arith.constant 0 : i32
        %dma_start3A_141 = tpu.memref_slice %arg7[%add3A_81, %dma_start3A_140] : memref<80x128xi32, #tpu.memory_space<vmem>> -> memref<1x128xi32, #tpu.memory_space<vmem>>
        %dma_start3A_142 = tpu.memref_squeeze %dma_start3A_141 : memref<1x128xi32, #tpu.memory_space<vmem>> -> memref<128xi32, #tpu.memory_space<vmem>>
        %dma_start3A_143 = arith.constant 0 : i32
        %dma_start3A_144 = arith.constant 0 : i32
        %dma_start3A_145 = tpu.memref_slice %arg12[%dma_start3A_143, %dma_start3A_144] : memref<10112x64xf32, #tpu.memory_space<vmem_shared>> -> memref<10112x64xf32, #tpu.memory_space<vmem_shared>>
        tpu.enqueue_indirect_dma source(%arg8 : memref<128x64xf32, #tpu.memory_space<vmem>>) target(%dma_start3A_145 : memref<10112x64xf32, #tpu.memory_space<vmem_shared>>) offsets(%dma_start3A_142 : memref<128xi32, #tpu.memory_space<vmem>>) semaphore(%run_scoped3A_139 : memref<!tpu.dma_semaphore, #tpu.memory_space<semaphore_mem>>) {add = true}
        %dma_wait3A_146 = arith.constant 0 : i32
        %dma_wait3A_147 = tpu.memref_slice %arg7[%add3A_81, %dma_wait3A_146] : memref<80x128xi32, #tpu.memory_space<vmem>> -> memref<1x128xi32, #tpu.memory_space<vmem>>
        %dma_wait3A_148 = tpu.memref_squeeze %dma_wait3A_147 : memref<1x128xi32, #tpu.memory_space<vmem>> -> memref<128xi32, #tpu.memory_space<vmem>>
        %dma_wait3A_149 = arith.constant 0 : i32
        %dma_wait3A_150 = arith.constant 0 : i32
        %dma_wait3A_151 = tpu.memref_slice %arg12[%dma_wait3A_149, %dma_wait3A_150] : memref<10112x64xf32, #tpu.memory_space<vmem_shared>> -> memref<10112x64xf32, #tpu.memory_space<vmem_shared>>
        tpu.wait_indirect_dma semaphore(%run_scoped3A_139 : memref<!tpu.dma_semaphore, #tpu.memory_space<semaphore_mem>>) src(%arg8 : memref<128x64xf32, #tpu.memory_space<vmem>>) dst(%dma_wait3A_151 : memref<10112x64xf32, #tpu.memory_space<vmem_shared>>)
        tpu.yield
      }) : () -> ()
      %add3A_87 = arith.constant 4 : i32
      %add3A_88 = arith.addi %add3A_81, %add3A_87 : i32
      %lt3A_89 = arith.cmpi slt, %add3A_88, %select_n3A : i32
      %convert_element_type3A = arith.extui %lt3A_89 : i1 to i32
      %cond3A = arith.constant 0 : i32
      %cond3A_90 = arith.cmpi ne, %convert_element_type3A, %cond3A : i32
      scf.if %cond3A_90 {
        %add3A_139 = arith.constant 4 : i32
        %add3A_140 = arith.addi %add3A_81, %add3A_139 : i32
        %dma_start3A_141 = arith.constant 0 : i32
        %dma_start3A_142 = tpu.memref_slice %arg6[%add3A_140, %dma_start3A_141] : memref<80x128xi32, #tpu.memory_space<vmem>> -> memref<1x128xi32, #tpu.memory_space<vmem>>
        %dma_start3A_143 = tpu.memref_squeeze %dma_start3A_142 : memref<1x128xi32, #tpu.memory_space<vmem>> -> memref<128xi32, #tpu.memory_space<vmem>>
        %dma_start3A_144 = arith.constant 0 : i32
        %dma_start3A_145 = arith.constant 0 : i32
        %dma_start3A_146 = tpu.memref_slice %arg2[%dma_start3A_144, %dma_start3A_145] : memref<10000x64xf32, #tpu.memory_space<hbm>> -> memref<10000x64xf32, #tpu.memory_space<hbm>>
        tpu.enqueue_indirect_dma source(%dma_start3A_146 : memref<10000x64xf32, #tpu.memory_space<hbm>>) target(%arg8 : memref<128x64xf32, #tpu.memory_space<vmem>>) offsets(%dma_start3A_143 : memref<128xi32, #tpu.memory_space<vmem>>) semaphore(%arg13 : memref<!tpu.dma_semaphore, #tpu.memory_space<semaphore_mem>>)
      } else {
      }
      %mul3A_91 = arith.constant 4 : i32
      %mul3A_92 = arith.muli %mul3A_91, %while3A_77 : i32
      %add3A_93 = arith.constant 1 : i32
      %add3A_94 = arith.addi %mul3A_92, %add3A_93 : i32
      %dma_wait3A_95 = arith.constant 0 : i32
      %dma_wait3A_96 = tpu.memref_slice %arg6[%add3A_94, %dma_wait3A_95] : memref<80x128xi32, #tpu.memory_space<vmem>> -> memref<1x128xi32, #tpu.memory_space<vmem>>
      %dma_wait3A_97 = tpu.memref_squeeze %dma_wait3A_96 : memref<1x128xi32, #tpu.memory_space<vmem>> -> memref<128xi32, #tpu.memory_space<vmem>>
      %dma_wait3A_98 = arith.constant 0 : i32
      %dma_wait3A_99 = arith.constant 0 : i32
      %dma_wait3A_100 = tpu.memref_slice %arg2[%dma_wait3A_98, %dma_wait3A_99] : memref<10000x64xf32, #tpu.memory_space<hbm>> -> memref<10000x64xf32, #tpu.memory_space<hbm>>
      tpu.wait_indirect_dma semaphore(%arg14 : memref<!tpu.dma_semaphore, #tpu.memory_space<semaphore_mem>>) src(%dma_wait3A_100 : memref<10000x64xf32, #tpu.memory_space<hbm>>) dst(%arg9 : memref<128x64xf32, #tpu.memory_space<vmem>>)
      "tpu.region"() ({
        %run_scoped3A_139 = tpu.sem_alloc : memref<!tpu.dma_semaphore, #tpu.memory_space<semaphore_mem>>
        %dma_start3A_140 = arith.constant 0 : i32
        %dma_start3A_141 = tpu.memref_slice %arg7[%add3A_94, %dma_start3A_140] : memref<80x128xi32, #tpu.memory_space<vmem>> -> memref<1x128xi32, #tpu.memory_space<vmem>>
        %dma_start3A_142 = tpu.memref_squeeze %dma_start3A_141 : memref<1x128xi32, #tpu.memory_space<vmem>> -> memref<128xi32, #tpu.memory_space<vmem>>
        %dma_start3A_143 = arith.constant 0 : i32
        %dma_start3A_144 = arith.constant 0 : i32
        %dma_start3A_145 = tpu.memref_slice %arg12[%dma_start3A_143, %dma_start3A_144] : memref<10112x64xf32, #tpu.memory_space<vmem_shared>> -> memref<10112x64xf32, #tpu.memory_space<vmem_shared>>
        tpu.enqueue_indirect_dma source(%arg9 : memref<128x64xf32, #tpu.memory_space<vmem>>) target(%dma_start3A_145 : memref<10112x64xf32, #tpu.memory_space<vmem_shared>>) offsets(%dma_start3A_142 : memref<128xi32, #tpu.memory_space<vmem>>) semaphore(%run_scoped3A_139 : memref<!tpu.dma_semaphore, #tpu.memory_space<semaphore_mem>>) {add = true}
        %dma_wait3A_146 = arith.constant 0 : i32
        %dma_wait3A_147 = tpu.memref_slice %arg7[%add3A_94, %dma_wait3A_146] : memref<80x128xi32, #tpu.memory_space<vmem>> -> memref<1x128xi32, #tpu.memory_space<vmem>>
        %dma_wait3A_148 = tpu.memref_squeeze %dma_wait3A_147 : memref<1x128xi32, #tpu.memory_space<vmem>> -> memref<128xi32, #tpu.memory_space<vmem>>
        %dma_wait3A_149 = arith.constant 0 : i32
        %dma_wait3A_150 = arith.constant 0 : i32
        %dma_wait3A_151 = tpu.memref_slice %arg12[%dma_wait3A_149, %dma_wait3A_150] : memref<10112x64xf32, #tpu.memory_space<vmem_shared>> -> memref<10112x64xf32, #tpu.memory_space<vmem_shared>>
        tpu.wait_indirect_dma semaphore(%run_scoped3A_139 : memref<!tpu.dma_semaphore, #tpu.memory_space<semaphore_mem>>) src(%arg9 : memref<128x64xf32, #tpu.memory_space<vmem>>) dst(%dma_wait3A_151 : memref<10112x64xf32, #tpu.memory_space<vmem_shared>>)
        tpu.yield
      }) : () -> ()
      %add3A_101 = arith.constant 4 : i32
      %add3A_102 = arith.addi %add3A_94, %add3A_101 : i32
      %lt3A_103 = arith.cmpi slt, %add3A_102, %select_n3A : i32
      %convert_element_type3A_104 = arith.extui %lt3A_103 : i1 to i32
      %cond3A_105 = arith.constant 0 : i32
      %cond3A_106 = arith.cmpi ne, %convert_element_type3A_104, %cond3A_105 : i32
      scf.if %cond3A_106 {
        %add3A_139 = arith.constant 4 : i32
        %add3A_140 = arith.addi %add3A_94, %add3A_139 : i32
        %dma_start3A_141 = arith.constant 0 : i32
        %dma_start3A_142 = tpu.memref_slice %arg6[%add3A_140, %dma_start3A_141] : memref<80x128xi32, #tpu.memory_space<vmem>> -> memref<1x128xi32, #tpu.memory_space<vmem>>
        %dma_start3A_143 = tpu.memref_squeeze %dma_start3A_142 : memref<1x128xi32, #tpu.memory_space<vmem>> -> memref<128xi32, #tpu.memory_space<vmem>>
        %dma_start3A_144 = arith.constant 0 : i32
        %dma_start3A_145 = arith.constant 0 : i32
        %dma_start3A_146 = tpu.memref_slice %arg2[%dma_start3A_144, %dma_start3A_145] : memref<10000x64xf32, #tpu.memory_space<hbm>> -> memref<10000x64xf32, #tpu.memory_space<hbm>>
        tpu.enqueue_indirect_dma source(%dma_start3A_146 : memref<10000x64xf32, #tpu.memory_space<hbm>>) target(%arg9 : memref<128x64xf32, #tpu.memory_space<vmem>>) offsets(%dma_start3A_143 : memref<128xi32, #tpu.memory_space<vmem>>) semaphore(%arg14 : memref<!tpu.dma_semaphore, #tpu.memory_space<semaphore_mem>>)
      } else {
      }
      %mul3A_107 = arith.constant 4 : i32
      %mul3A_108 = arith.muli %mul3A_107, %while3A_77 : i32
      %add3A_109 = arith.constant 2 : i32
      %add3A_110 = arith.addi %mul3A_108, %add3A_109 : i32
      %dma_wait3A_111 = arith.constant 0 : i32
      %dma_wait3A_112 = tpu.memref_slice %arg6[%add3A_110, %dma_wait3A_111] : memref<80x128xi32, #tpu.memory_space<vmem>> -> memref<1x128xi32, #tpu.memory_space<vmem>>
      %dma_wait3A_113 = tpu.memref_squeeze %dma_wait3A_112 : memref<1x128xi32, #tpu.memory_space<vmem>> -> memref<128xi32, #tpu.memory_space<vmem>>
      %dma_wait3A_114 = arith.constant 0 : i32
      %dma_wait3A_115 = arith.constant 0 : i32
      %dma_wait3A_116 = tpu.memref_slice %arg2[%dma_wait3A_114, %dma_wait3A_115] : memref<10000x64xf32, #tpu.memory_space<hbm>> -> memref<10000x64xf32, #tpu.memory_space<hbm>>
      tpu.wait_indirect_dma semaphore(%arg15 : memref<!tpu.dma_semaphore, #tpu.memory_space<semaphore_mem>>) src(%dma_wait3A_116 : memref<10000x64xf32, #tpu.memory_space<hbm>>) dst(%arg10 : memref<128x64xf32, #tpu.memory_space<vmem>>)
      "tpu.region"() ({
        %run_scoped3A_139 = tpu.sem_alloc : memref<!tpu.dma_semaphore, #tpu.memory_space<semaphore_mem>>
        %dma_start3A_140 = arith.constant 0 : i32
        %dma_start3A_141 = tpu.memref_slice %arg7[%add3A_110, %dma_start3A_140] : memref<80x128xi32, #tpu.memory_space<vmem>> -> memref<1x128xi32, #tpu.memory_space<vmem>>
        %dma_start3A_142 = tpu.memref_squeeze %dma_start3A_141 : memref<1x128xi32, #tpu.memory_space<vmem>> -> memref<128xi32, #tpu.memory_space<vmem>>
        %dma_start3A_143 = arith.constant 0 : i32
        %dma_start3A_144 = arith.constant 0 : i32
        %dma_start3A_145 = tpu.memref_slice %arg12[%dma_start3A_143, %dma_start3A_144] : memref<10112x64xf32, #tpu.memory_space<vmem_shared>> -> memref<10112x64xf32, #tpu.memory_space<vmem_shared>>
        tpu.enqueue_indirect_dma source(%arg10 : memref<128x64xf32, #tpu.memory_space<vmem>>) target(%dma_start3A_145 : memref<10112x64xf32, #tpu.memory_space<vmem_shared>>) offsets(%dma_start3A_142 : memref<128xi32, #tpu.memory_space<vmem>>) semaphore(%run_scoped3A_139 : memref<!tpu.dma_semaphore, #tpu.memory_space<semaphore_mem>>) {add = true}
        %dma_wait3A_146 = arith.constant 0 : i32
        %dma_wait3A_147 = tpu.memref_slice %arg7[%add3A_110, %dma_wait3A_146] : memref<80x128xi32, #tpu.memory_space<vmem>> -> memref<1x128xi32, #tpu.memory_space<vmem>>
        %dma_wait3A_148 = tpu.memref_squeeze %dma_wait3A_147 : memref<1x128xi32, #tpu.memory_space<vmem>> -> memref<128xi32, #tpu.memory_space<vmem>>
        %dma_wait3A_149 = arith.constant 0 : i32
        %dma_wait3A_150 = arith.constant 0 : i32
        %dma_wait3A_151 = tpu.memref_slice %arg12[%dma_wait3A_149, %dma_wait3A_150] : memref<10112x64xf32, #tpu.memory_space<vmem_shared>> -> memref<10112x64xf32, #tpu.memory_space<vmem_shared>>
        tpu.wait_indirect_dma semaphore(%run_scoped3A_139 : memref<!tpu.dma_semaphore, #tpu.memory_space<semaphore_mem>>) src(%arg10 : memref<128x64xf32, #tpu.memory_space<vmem>>) dst(%dma_wait3A_151 : memref<10112x64xf32, #tpu.memory_space<vmem_shared>>)
        tpu.yield
      }) : () -> ()
      %add3A_117 = arith.constant 4 : i32
      %add3A_118 = arith.addi %add3A_110, %add3A_117 : i32
      %lt3A_119 = arith.cmpi slt, %add3A_118, %select_n3A : i32
      %convert_element_type3A_120 = arith.extui %lt3A_119 : i1 to i32
      %cond3A_121 = arith.constant 0 : i32
      %cond3A_122 = arith.cmpi ne, %convert_element_type3A_120, %cond3A_121 : i32
      scf.if %cond3A_122 {
        %add3A_139 = arith.constant 4 : i32
        %add3A_140 = arith.addi %add3A_110, %add3A_139 : i32
        %dma_start3A_141 = arith.constant 0 : i32
        %dma_start3A_142 = tpu.memref_slice %arg6[%add3A_140, %dma_start3A_141] : memref<80x128xi32, #tpu.memory_space<vmem>> -> memref<1x128xi32, #tpu.memory_space<vmem>>
        %dma_start3A_143 = tpu.memref_squeeze %dma_start3A_142 : memref<1x128xi32, #tpu.memory_space<vmem>> -> memref<128xi32, #tpu.memory_space<vmem>>
        %dma_start3A_144 = arith.constant 0 : i32
        %dma_start3A_145 = arith.constant 0 : i32
        %dma_start3A_146 = tpu.memref_slice %arg2[%dma_start3A_144, %dma_start3A_145] : memref<10000x64xf32, #tpu.memory_space<hbm>> -> memref<10000x64xf32, #tpu.memory_space<hbm>>
        tpu.enqueue_indirect_dma source(%dma_start3A_146 : memref<10000x64xf32, #tpu.memory_space<hbm>>) target(%arg10 : memref<128x64xf32, #tpu.memory_space<vmem>>) offsets(%dma_start3A_143 : memref<128xi32, #tpu.memory_space<vmem>>) semaphore(%arg15 : memref<!tpu.dma_semaphore, #tpu.memory_space<semaphore_mem>>)
      } else {
      }
      %mul3A_123 = arith.constant 4 : i32
      %mul3A_124 = arith.muli %mul3A_123, %while3A_77 : i32
      %add3A_125 = arith.constant 3 : i32
      %add3A_126 = arith.addi %mul3A_124, %add3A_125 : i32
      %dma_wait3A_127 = arith.constant 0 : i32
      %dma_wait3A_128 = tpu.memref_slice %arg6[%add3A_126, %dma_wait3A_127] : memref<80x128xi32, #tpu.memory_space<vmem>> -> memref<1x128xi32, #tpu.memory_space<vmem>>
      %dma_wait3A_129 = tpu.memref_squeeze %dma_wait3A_128 : memref<1x128xi32, #tpu.memory_space<vmem>> -> memref<128xi32, #tpu.memory_space<vmem>>
      %dma_wait3A_130 = arith.constant 0 : i32
      %dma_wait3A_131 = arith.constant 0 : i32
      %dma_wait3A_132 = tpu.memref_slice %arg2[%dma_wait3A_130, %dma_wait3A_131] : memref<10000x64xf32, #tpu.memory_space<hbm>> -> memref<10000x64xf32, #tpu.memory_space<hbm>>
      tpu.wait_indirect_dma semaphore(%arg16 : memref<!tpu.dma_semaphore, #tpu.memory_space<semaphore_mem>>) src(%dma_wait3A_132 : memref<10000x64xf32, #tpu.memory_space<hbm>>) dst(%arg11 : memref<128x64xf32, #tpu.memory_space<vmem>>)
      "tpu.region"() ({
        %run_scoped3A_139 = tpu.sem_alloc : memref<!tpu.dma_semaphore, #tpu.memory_space<semaphore_mem>>
        %dma_start3A_140 = arith.constant 0 : i32
        %dma_start3A_141 = tpu.memref_slice %arg7[%add3A_126, %dma_start3A_140] : memref<80x128xi32, #tpu.memory_space<vmem>> -> memref<1x128xi32, #tpu.memory_space<vmem>>
        %dma_start3A_142 = tpu.memref_squeeze %dma_start3A_141 : memref<1x128xi32, #tpu.memory_space<vmem>> -> memref<128xi32, #tpu.memory_space<vmem>>
        %dma_start3A_143 = arith.constant 0 : i32
        %dma_start3A_144 = arith.constant 0 : i32
        %dma_start3A_145 = tpu.memref_slice %arg12[%dma_start3A_143, %dma_start3A_144] : memref<10112x64xf32, #tpu.memory_space<vmem_shared>> -> memref<10112x64xf32, #tpu.memory_space<vmem_shared>>
        tpu.enqueue_indirect_dma source(%arg11 : memref<128x64xf32, #tpu.memory_space<vmem>>) target(%dma_start3A_145 : memref<10112x64xf32, #tpu.memory_space<vmem_shared>>) offsets(%dma_start3A_142 : memref<128xi32, #tpu.memory_space<vmem>>) semaphore(%run_scoped3A_139 : memref<!tpu.dma_semaphore, #tpu.memory_space<semaphore_mem>>) {add = true}
        %dma_wait3A_146 = arith.constant 0 : i32
        %dma_wait3A_147 = tpu.memref_slice %arg7[%add3A_126, %dma_wait3A_146] : memref<80x128xi32, #tpu.memory_space<vmem>> -> memref<1x128xi32, #tpu.memory_space<vmem>>
        %dma_wait3A_148 = tpu.memref_squeeze %dma_wait3A_147 : memref<1x128xi32, #tpu.memory_space<vmem>> -> memref<128xi32, #tpu.memory_space<vmem>>
        %dma_wait3A_149 = arith.constant 0 : i32
        %dma_wait3A_150 = arith.constant 0 : i32
        %dma_wait3A_151 = tpu.memref_slice %arg12[%dma_wait3A_149, %dma_wait3A_150] : memref<10112x64xf32, #tpu.memory_space<vmem_shared>> -> memref<10112x64xf32, #tpu.memory_space<vmem_shared>>
        tpu.wait_indirect_dma semaphore(%run_scoped3A_139 : memref<!tpu.dma_semaphore, #tpu.memory_space<semaphore_mem>>) src(%arg11 : memref<128x64xf32, #tpu.memory_space<vmem>>) dst(%dma_wait3A_151 : memref<10112x64xf32, #tpu.memory_space<vmem_shared>>)
        tpu.yield
      }) : () -> ()
      %add3A_133 = arith.constant 4 : i32
      %add3A_134 = arith.addi %add3A_126, %add3A_133 : i32
      %lt3A_135 = arith.cmpi slt, %add3A_134, %select_n3A : i32
      %convert_element_type3A_136 = arith.extui %lt3A_135 : i1 to i32
      %cond3A_137 = arith.constant 0 : i32
      %cond3A_138 = arith.cmpi ne, %convert_element_type3A_136, %cond3A_137 : i32
      scf.if %cond3A_138 {
        %add3A_139 = arith.constant 4 : i32
        %add3A_140 = arith.addi %add3A_126, %add3A_139 : i32
        %dma_start3A_141 = arith.constant 0 : i32
        %dma_start3A_142 = tpu.memref_slice %arg6[%add3A_140, %dma_start3A_141] : memref<80x128xi32, #tpu.memory_space<vmem>> -> memref<1x128xi32, #tpu.memory_space<vmem>>
        %dma_start3A_143 = tpu.memref_squeeze %dma_start3A_142 : memref<1x128xi32, #tpu.memory_space<vmem>> -> memref<128xi32, #tpu.memory_space<vmem>>
        %dma_start3A_144 = arith.constant 0 : i32
        %dma_start3A_145 = arith.constant 0 : i32
        %dma_start3A_146 = tpu.memref_slice %arg2[%dma_start3A_144, %dma_start3A_145] : memref<10000x64xf32, #tpu.memory_space<hbm>> -> memref<10000x64xf32, #tpu.memory_space<hbm>>
        tpu.enqueue_indirect_dma source(%dma_start3A_146 : memref<10000x64xf32, #tpu.memory_space<hbm>>) target(%arg11 : memref<128x64xf32, #tpu.memory_space<vmem>>) offsets(%dma_start3A_143 : memref<128xi32, #tpu.memory_space<vmem>>) semaphore(%arg16 : memref<!tpu.dma_semaphore, #tpu.memory_space<semaphore_mem>>)
      } else {
      }
    }
    %while3A_70 = arith.constant 1 : i32
    scf.for %while3A_77 = %while3A_68 to %while3A_64 step %while3A_70  : i32 {
      %mul3A_78 = arith.constant 4 : i32
      %mul3A_79 = arith.muli %mul3A_78, %while3A_77 : i32
      %add3A_80 = arith.constant 0 : i32
      %add3A_81 = arith.addi %mul3A_79, %add3A_80 : i32
      %dma_wait3A = arith.constant 0 : i32
      %dma_wait3A_82 = tpu.memref_slice %arg6[%add3A_81, %dma_wait3A] : memref<80x128xi32, #tpu.memory_space<vmem>> -> memref<1x128xi32, #tpu.memory_space<vmem>>
      %dma_wait3A_83 = tpu.memref_squeeze %dma_wait3A_82 : memref<1x128xi32, #tpu.memory_space<vmem>> -> memref<128xi32, #tpu.memory_space<vmem>>
      %dma_wait3A_84 = arith.constant 0 : i32
      %dma_wait3A_85 = arith.constant 0 : i32
      %dma_wait3A_86 = tpu.memref_slice %arg2[%dma_wait3A_84, %dma_wait3A_85] : memref<10000x64xf32, #tpu.memory_space<hbm>> -> memref<10000x64xf32, #tpu.memory_space<hbm>>
      tpu.wait_indirect_dma semaphore(%arg13 : memref<!tpu.dma_semaphore, #tpu.memory_space<semaphore_mem>>) src(%dma_wait3A_86 : memref<10000x64xf32, #tpu.memory_space<hbm>>) dst(%arg8 : memref<128x64xf32, #tpu.memory_space<vmem>>)
      "tpu.region"() ({
        %run_scoped3A_139 = tpu.sem_alloc : memref<!tpu.dma_semaphore, #tpu.memory_space<semaphore_mem>>
        %dma_start3A_140 = arith.constant 0 : i32
        %dma_start3A_141 = tpu.memref_slice %arg7[%add3A_81, %dma_start3A_140] : memref<80x128xi32, #tpu.memory_space<vmem>> -> memref<1x128xi32, #tpu.memory_space<vmem>>
        %dma_start3A_142 = tpu.memref_squeeze %dma_start3A_141 : memref<1x128xi32, #tpu.memory_space<vmem>> -> memref<128xi32, #tpu.memory_space<vmem>>
        %dma_start3A_143 = arith.constant 0 : i32
        %dma_start3A_144 = arith.constant 0 : i32
        %dma_start3A_145 = tpu.memref_slice %arg12[%dma_start3A_143, %dma_start3A_144] : memref<10112x64xf32, #tpu.memory_space<vmem_shared>> -> memref<10112x64xf32, #tpu.memory_space<vmem_shared>>
        tpu.enqueue_indirect_dma source(%arg8 : memref<128x64xf32, #tpu.memory_space<vmem>>) target(%dma_start3A_145 : memref<10112x64xf32, #tpu.memory_space<vmem_shared>>) offsets(%dma_start3A_142 : memref<128xi32, #tpu.memory_space<vmem>>) semaphore(%run_scoped3A_139 : memref<!tpu.dma_semaphore, #tpu.memory_space<semaphore_mem>>) {add = true}
        %dma_wait3A_146 = arith.constant 0 : i32
        %dma_wait3A_147 = tpu.memref_slice %arg7[%add3A_81, %dma_wait3A_146] : memref<80x128xi32, #tpu.memory_space<vmem>> -> memref<1x128xi32, #tpu.memory_space<vmem>>
        %dma_wait3A_148 = tpu.memref_squeeze %dma_wait3A_147 : memref<1x128xi32, #tpu.memory_space<vmem>> -> memref<128xi32, #tpu.memory_space<vmem>>
        %dma_wait3A_149 = arith.constant 0 : i32
        %dma_wait3A_150 = arith.constant 0 : i32
        %dma_wait3A_151 = tpu.memref_slice %arg12[%dma_wait3A_149, %dma_wait3A_150] : memref<10112x64xf32, #tpu.memory_space<vmem_shared>> -> memref<10112x64xf32, #tpu.memory_space<vmem_shared>>
        tpu.wait_indirect_dma semaphore(%run_scoped3A_139 : memref<!tpu.dma_semaphore, #tpu.memory_space<semaphore_mem>>) src(%arg8 : memref<128x64xf32, #tpu.memory_space<vmem>>) dst(%dma_wait3A_151 : memref<10112x64xf32, #tpu.memory_space<vmem_shared>>)
        tpu.yield
      }) : () -> ()
      %add3A_87 = arith.constant 4 : i32
      %add3A_88 = arith.addi %add3A_81, %add3A_87 : i32
      %lt3A_89 = arith.cmpi slt, %add3A_88, %select_n3A : i32
      %convert_element_type3A = arith.extui %lt3A_89 : i1 to i32
      %cond3A = arith.constant 0 : i32
      %cond3A_90 = arith.cmpi ne, %convert_element_type3A, %cond3A : i32
      scf.if %cond3A_90 {
        %add3A_139 = arith.constant 4 : i32
        %add3A_140 = arith.addi %add3A_81, %add3A_139 : i32
        %dma_start3A_141 = arith.constant 0 : i32
        %dma_start3A_142 = tpu.memref_slice %arg6[%add3A_140, %dma_start3A_141] : memref<80x128xi32, #tpu.memory_space<vmem>> -> memref<1x128xi32, #tpu.memory_space<vmem>>
        %dma_start3A_143 = tpu.memref_squeeze %dma_start3A_142 : memref<1x128xi32, #tpu.memory_space<vmem>> -> memref<128xi32, #tpu.memory_space<vmem>>
        %dma_start3A_144 = arith.constant 0 : i32
        %dma_start3A_145 = arith.constant 0 : i32
        %dma_start3A_146 = tpu.memref_slice %arg2[%dma_start3A_144, %dma_start3A_145] : memref<10000x64xf32, #tpu.memory_space<hbm>> -> memref<10000x64xf32, #tpu.memory_space<hbm>>
        tpu.enqueue_indirect_dma source(%dma_start3A_146 : memref<10000x64xf32, #tpu.memory_space<hbm>>) target(%arg8 : memref<128x64xf32, #tpu.memory_space<vmem>>) offsets(%dma_start3A_143 : memref<128xi32, #tpu.memory_space<vmem>>) semaphore(%arg13 : memref<!tpu.dma_semaphore, #tpu.memory_space<semaphore_mem>>)
      } else {
      }
      %mul3A_91 = arith.constant 4 : i32
      %mul3A_92 = arith.muli %mul3A_91, %while3A_77 : i32
      %add3A_93 = arith.constant 1 : i32
      %add3A_94 = arith.addi %mul3A_92, %add3A_93 : i32
      %dma_wait3A_95 = arith.constant 0 : i32
      %dma_wait3A_96 = tpu.memref_slice %arg6[%add3A_94, %dma_wait3A_95] : memref<80x128xi32, #tpu.memory_space<vmem>> -> memref<1x128xi32, #tpu.memory_space<vmem>>
      %dma_wait3A_97 = tpu.memref_squeeze %dma_wait3A_96 : memref<1x128xi32, #tpu.memory_space<vmem>> -> memref<128xi32, #tpu.memory_space<vmem>>
      %dma_wait3A_98 = arith.constant 0 : i32
      %dma_wait3A_99 = arith.constant 0 : i32
      %dma_wait3A_100 = tpu.memref_slice %arg2[%dma_wait3A_98, %dma_wait3A_99] : memref<10000x64xf32, #tpu.memory_space<hbm>> -> memref<10000x64xf32, #tpu.memory_space<hbm>>
      tpu.wait_indirect_dma semaphore(%arg14 : memref<!tpu.dma_semaphore, #tpu.memory_space<semaphore_mem>>) src(%dma_wait3A_100 : memref<10000x64xf32, #tpu.memory_space<hbm>>) dst(%arg9 : memref<128x64xf32, #tpu.memory_space<vmem>>)
      "tpu.region"() ({
        %run_scoped3A_139 = tpu.sem_alloc : memref<!tpu.dma_semaphore, #tpu.memory_space<semaphore_mem>>
        %dma_start3A_140 = arith.constant 0 : i32
        %dma_start3A_141 = tpu.memref_slice %arg7[%add3A_94, %dma_start3A_140] : memref<80x128xi32, #tpu.memory_space<vmem>> -> memref<1x128xi32, #tpu.memory_space<vmem>>
        %dma_start3A_142 = tpu.memref_squeeze %dma_start3A_141 : memref<1x128xi32, #tpu.memory_space<vmem>> -> memref<128xi32, #tpu.memory_space<vmem>>
        %dma_start3A_143 = arith.constant 0 : i32
        %dma_start3A_144 = arith.constant 0 : i32
        %dma_start3A_145 = tpu.memref_slice %arg12[%dma_start3A_143, %dma_start3A_144] : memref<10112x64xf32, #tpu.memory_space<vmem_shared>> -> memref<10112x64xf32, #tpu.memory_space<vmem_shared>>
        tpu.enqueue_indirect_dma source(%arg9 : memref<128x64xf32, #tpu.memory_space<vmem>>) target(%dma_start3A_145 : memref<10112x64xf32, #tpu.memory_space<vmem_shared>>) offsets(%dma_start3A_142 : memref<128xi32, #tpu.memory_space<vmem>>) semaphore(%run_scoped3A_139 : memref<!tpu.dma_semaphore, #tpu.memory_space<semaphore_mem>>) {add = true}
        %dma_wait3A_146 = arith.constant 0 : i32
        %dma_wait3A_147 = tpu.memref_slice %arg7[%add3A_94, %dma_wait3A_146] : memref<80x128xi32, #tpu.memory_space<vmem>> -> memref<1x128xi32, #tpu.memory_space<vmem>>
        %dma_wait3A_148 = tpu.memref_squeeze %dma_wait3A_147 : memref<1x128xi32, #tpu.memory_space<vmem>> -> memref<128xi32, #tpu.memory_space<vmem>>
        %dma_wait3A_149 = arith.constant 0 : i32
        %dma_wait3A_150 = arith.constant 0 : i32
        %dma_wait3A_151 = tpu.memref_slice %arg12[%dma_wait3A_149, %dma_wait3A_150] : memref<10112x64xf32, #tpu.memory_space<vmem_shared>> -> memref<10112x64xf32, #tpu.memory_space<vmem_shared>>
        tpu.wait_indirect_dma semaphore(%run_scoped3A_139 : memref<!tpu.dma_semaphore, #tpu.memory_space<semaphore_mem>>) src(%arg9 : memref<128x64xf32, #tpu.memory_space<vmem>>) dst(%dma_wait3A_151 : memref<10112x64xf32, #tpu.memory_space<vmem_shared>>)
        tpu.yield
      }) : () -> ()
      %add3A_101 = arith.constant 4 : i32
      %add3A_102 = arith.addi %add3A_94, %add3A_101 : i32
      %lt3A_103 = arith.cmpi slt, %add3A_102, %select_n3A : i32
      %convert_element_type3A_104 = arith.extui %lt3A_103 : i1 to i32
      %cond3A_105 = arith.constant 0 : i32
      %cond3A_106 = arith.cmpi ne, %convert_element_type3A_104, %cond3A_105 : i32
      scf.if %cond3A_106 {
        %add3A_139 = arith.constant 4 : i32
        %add3A_140 = arith.addi %add3A_94, %add3A_139 : i32
        %dma_start3A_141 = arith.constant 0 : i32
        %dma_start3A_142 = tpu.memref_slice %arg6[%add3A_140, %dma_start3A_141] : memref<80x128xi32, #tpu.memory_space<vmem>> -> memref<1x128xi32, #tpu.memory_space<vmem>>
        %dma_start3A_143 = tpu.memref_squeeze %dma_start3A_142 : memref<1x128xi32, #tpu.memory_space<vmem>> -> memref<128xi32, #tpu.memory_space<vmem>>
        %dma_start3A_144 = arith.constant 0 : i32
        %dma_start3A_145 = arith.constant 0 : i32
        %dma_start3A_146 = tpu.memref_slice %arg2[%dma_start3A_144, %dma_start3A_145] : memref<10000x64xf32, #tpu.memory_space<hbm>> -> memref<10000x64xf32, #tpu.memory_space<hbm>>
        tpu.enqueue_indirect_dma source(%dma_start3A_146 : memref<10000x64xf32, #tpu.memory_space<hbm>>) target(%arg9 : memref<128x64xf32, #tpu.memory_space<vmem>>) offsets(%dma_start3A_143 : memref<128xi32, #tpu.memory_space<vmem>>) semaphore(%arg14 : memref<!tpu.dma_semaphore, #tpu.memory_space<semaphore_mem>>)
      } else {
      }
      %mul3A_107 = arith.constant 4 : i32
      %mul3A_108 = arith.muli %mul3A_107, %while3A_77 : i32
      %add3A_109 = arith.constant 2 : i32
      %add3A_110 = arith.addi %mul3A_108, %add3A_109 : i32
      %dma_wait3A_111 = arith.constant 0 : i32
      %dma_wait3A_112 = tpu.memref_slice %arg6[%add3A_110, %dma_wait3A_111] : memref<80x128xi32, #tpu.memory_space<vmem>> -> memref<1x128xi32, #tpu.memory_space<vmem>>
      %dma_wait3A_113 = tpu.memref_squeeze %dma_wait3A_112 : memref<1x128xi32, #tpu.memory_space<vmem>> -> memref<128xi32, #tpu.memory_space<vmem>>
      %dma_wait3A_114 = arith.constant 0 : i32
      %dma_wait3A_115 = arith.constant 0 : i32
      %dma_wait3A_116 = tpu.memref_slice %arg2[%dma_wait3A_114, %dma_wait3A_115] : memref<10000x64xf32, #tpu.memory_space<hbm>> -> memref<10000x64xf32, #tpu.memory_space<hbm>>
      tpu.wait_indirect_dma semaphore(%arg15 : memref<!tpu.dma_semaphore, #tpu.memory_space<semaphore_mem>>) src(%dma_wait3A_116 : memref<10000x64xf32, #tpu.memory_space<hbm>>) dst(%arg10 : memref<128x64xf32, #tpu.memory_space<vmem>>)
      "tpu.region"() ({
        %run_scoped3A_139 = tpu.sem_alloc : memref<!tpu.dma_semaphore, #tpu.memory_space<semaphore_mem>>
        %dma_start3A_140 = arith.constant 0 : i32
        %dma_start3A_141 = tpu.memref_slice %arg7[%add3A_110, %dma_start3A_140] : memref<80x128xi32, #tpu.memory_space<vmem>> -> memref<1x128xi32, #tpu.memory_space<vmem>>
        %dma_start3A_142 = tpu.memref_squeeze %dma_start3A_141 : memref<1x128xi32, #tpu.memory_space<vmem>> -> memref<128xi32, #tpu.memory_space<vmem>>
        %dma_start3A_143 = arith.constant 0 : i32
        %dma_start3A_144 = arith.constant 0 : i32
        %dma_start3A_145 = tpu.memref_slice %arg12[%dma_start3A_143, %dma_start3A_144] : memref<10112x64xf32, #tpu.memory_space<vmem_shared>> -> memref<10112x64xf32, #tpu.memory_space<vmem_shared>>
        tpu.enqueue_indirect_dma source(%arg10 : memref<128x64xf32, #tpu.memory_space<vmem>>) target(%dma_start3A_145 : memref<10112x64xf32, #tpu.memory_space<vmem_shared>>) offsets(%dma_start3A_142 : memref<128xi32, #tpu.memory_space<vmem>>) semaphore(%run_scoped3A_139 : memref<!tpu.dma_semaphore, #tpu.memory_space<semaphore_mem>>) {add = true}
        %dma_wait3A_146 = arith.constant 0 : i32
        %dma_wait3A_147 = tpu.memref_slice %arg7[%add3A_110, %dma_wait3A_146] : memref<80x128xi32, #tpu.memory_space<vmem>> -> memref<1x128xi32, #tpu.memory_space<vmem>>
        %dma_wait3A_148 = tpu.memref_squeeze %dma_wait3A_147 : memref<1x128xi32, #tpu.memory_space<vmem>> -> memref<128xi32, #tpu.memory_space<vmem>>
        %dma_wait3A_149 = arith.constant 0 : i32
        %dma_wait3A_150 = arith.constant 0 : i32
        %dma_wait3A_151 = tpu.memref_slice %arg12[%dma_wait3A_149, %dma_wait3A_150] : memref<10112x64xf32, #tpu.memory_space<vmem_shared>> -> memref<10112x64xf32, #tpu.memory_space<vmem_shared>>
        tpu.wait_indirect_dma semaphore(%run_scoped3A_139 : memref<!tpu.dma_semaphore, #tpu.memory_space<semaphore_mem>>) src(%arg10 : memref<128x64xf32, #tpu.memory_space<vmem>>) dst(%dma_wait3A_151 : memref<10112x64xf32, #tpu.memory_space<vmem_shared>>)
        tpu.yield
      }) : () -> ()
      %add3A_117 = arith.constant 4 : i32
      %add3A_118 = arith.addi %add3A_110, %add3A_117 : i32
      %lt3A_119 = arith.cmpi slt, %add3A_118, %select_n3A : i32
      %convert_element_type3A_120 = arith.extui %lt3A_119 : i1 to i32
      %cond3A_121 = arith.constant 0 : i32
      %cond3A_122 = arith.cmpi ne, %convert_element_type3A_120, %cond3A_121 : i32
      scf.if %cond3A_122 {
        %add3A_139 = arith.constant 4 : i32
        %add3A_140 = arith.addi %add3A_110, %add3A_139 : i32
        %dma_start3A_141 = arith.constant 0 : i32
        %dma_start3A_142 = tpu.memref_slice %arg6[%add3A_140, %dma_start3A_141] : memref<80x128xi32, #tpu.memory_space<vmem>> -> memref<1x128xi32, #tpu.memory_space<vmem>>
        %dma_start3A_143 = tpu.memref_squeeze %dma_start3A_142 : memref<1x128xi32, #tpu.memory_space<vmem>> -> memref<128xi32, #tpu.memory_space<vmem>>
        %dma_start3A_144 = arith.constant 0 : i32
        %dma_start3A_145 = arith.constant 0 : i32
        %dma_start3A_146 = tpu.memref_slice %arg2[%dma_start3A_144, %dma_start3A_145] : memref<10000x64xf32, #tpu.memory_space<hbm>> -> memref<10000x64xf32, #tpu.memory_space<hbm>>
        tpu.enqueue_indirect_dma source(%dma_start3A_146 : memref<10000x64xf32, #tpu.memory_space<hbm>>) target(%arg10 : memref<128x64xf32, #tpu.memory_space<vmem>>) offsets(%dma_start3A_143 : memref<128xi32, #tpu.memory_space<vmem>>) semaphore(%arg15 : memref<!tpu.dma_semaphore, #tpu.memory_space<semaphore_mem>>)
      } else {
      }
      %mul3A_123 = arith.constant 4 : i32
      %mul3A_124 = arith.muli %mul3A_123, %while3A_77 : i32
      %add3A_125 = arith.constant 3 : i32
      %add3A_126 = arith.addi %mul3A_124, %add3A_125 : i32
      %dma_wait3A_127 = arith.constant 0 : i32
      %dma_wait3A_128 = tpu.memref_slice %arg6[%add3A_126, %dma_wait3A_127] : memref<80x128xi32, #tpu.memory_space<vmem>> -> memref<1x128xi32, #tpu.memory_space<vmem>>
      %dma_wait3A_129 = tpu.memref_squeeze %dma_wait3A_128 : memref<1x128xi32, #tpu.memory_space<vmem>> -> memref<128xi32, #tpu.memory_space<vmem>>
      %dma_wait3A_130 = arith.constant 0 : i32
      %dma_wait3A_131 = arith.constant 0 : i32
      %dma_wait3A_132 = tpu.memref_slice %arg2[%dma_wait3A_130, %dma_wait3A_131] : memref<10000x64xf32, #tpu.memory_space<hbm>> -> memref<10000x64xf32, #tpu.memory_space<hbm>>
      tpu.wait_indirect_dma semaphore(%arg16 : memref<!tpu.dma_semaphore, #tpu.memory_space<semaphore_mem>>) src(%dma_wait3A_132 : memref<10000x64xf32, #tpu.memory_space<hbm>>) dst(%arg11 : memref<128x64xf32, #tpu.memory_space<vmem>>)
      "tpu.region"() ({
        %run_scoped3A_139 = tpu.sem_alloc : memref<!tpu.dma_semaphore, #tpu.memory_space<semaphore_mem>>
        %dma_start3A_140 = arith.constant 0 : i32
        %dma_start3A_141 = tpu.memref_slice %arg7[%add3A_126, %dma_start3A_140] : memref<80x128xi32, #tpu.memory_space<vmem>> -> memref<1x128xi32, #tpu.memory_space<vmem>>
        %dma_start3A_142 = tpu.memref_squeeze %dma_start3A_141 : memref<1x128xi32, #tpu.memory_space<vmem>> -> memref<128xi32, #tpu.memory_space<vmem>>
        %dma_start3A_143 = arith.constant 0 : i32
        %dma_start3A_144 = arith.constant 0 : i32
        %dma_start3A_145 = tpu.memref_slice %arg12[%dma_start3A_143, %dma_start3A_144] : memref<10112x64xf32, #tpu.memory_space<vmem_shared>> -> memref<10112x64xf32, #tpu.memory_space<vmem_shared>>
        tpu.enqueue_indirect_dma source(%arg11 : memref<128x64xf32, #tpu.memory_space<vmem>>) target(%dma_start3A_145 : memref<10112x64xf32, #tpu.memory_space<vmem_shared>>) offsets(%dma_start3A_142 : memref<128xi32, #tpu.memory_space<vmem>>) semaphore(%run_scoped3A_139 : memref<!tpu.dma_semaphore, #tpu.memory_space<semaphore_mem>>) {add = true}
        %dma_wait3A_146 = arith.constant 0 : i32
        %dma_wait3A_147 = tpu.memref_slice %arg7[%add3A_126, %dma_wait3A_146] : memref<80x128xi32, #tpu.memory_space<vmem>> -> memref<1x128xi32, #tpu.memory_space<vmem>>
        %dma_wait3A_148 = tpu.memref_squeeze %dma_wait3A_147 : memref<1x128xi32, #tpu.memory_space<vmem>> -> memref<128xi32, #tpu.memory_space<vmem>>
        %dma_wait3A_149 = arith.constant 0 : i32
        %dma_wait3A_150 = arith.constant 0 : i32
        %dma_wait3A_151 = tpu.memref_slice %arg12[%dma_wait3A_149, %dma_wait3A_150] : memref<10112x64xf32, #tpu.memory_space<vmem_shared>> -> memref<10112x64xf32, #tpu.memory_space<vmem_shared>>
        tpu.wait_indirect_dma semaphore(%run_scoped3A_139 : memref<!tpu.dma_semaphore, #tpu.memory_space<semaphore_mem>>) src(%arg11 : memref<128x64xf32, #tpu.memory_space<vmem>>) dst(%dma_wait3A_151 : memref<10112x64xf32, #tpu.memory_space<vmem_shared>>)
        tpu.yield
      }) : () -> ()
      %add3A_133 = arith.constant 4 : i32
      %add3A_134 = arith.addi %add3A_126, %add3A_133 : i32
      %lt3A_135 = arith.cmpi slt, %add3A_134, %select_n3A : i32
      %convert_element_type3A_136 = arith.extui %lt3A_135 : i1 to i32
      %cond3A_137 = arith.constant 0 : i32
      %cond3A_138 = arith.cmpi ne, %convert_element_type3A_136, %cond3A_137 : i32
      scf.if %cond3A_138 {
        %add3A_139 = arith.constant 4 : i32
        %add3A_140 = arith.addi %add3A_126, %add3A_139 : i32
        %dma_start3A_141 = arith.constant 0 : i32
        %dma_start3A_142 = tpu.memref_slice %arg6[%add3A_140, %dma_start3A_141] : memref<80x128xi32, #tpu.memory_space<vmem>> -> memref<1x128xi32, #tpu.memory_space<vmem>>
        %dma_start3A_143 = tpu.memref_squeeze %dma_start3A_142 : memref<1x128xi32, #tpu.memory_space<vmem>> -> memref<128xi32, #tpu.memory_space<vmem>>
        %dma_start3A_144 = arith.constant 0 : i32
        %dma_start3A_145 = arith.constant 0 : i32
        %dma_start3A_146 = tpu.memref_slice %arg2[%dma_start3A_144, %dma_start3A_145] : memref<10000x64xf32, #tpu.memory_space<hbm>> -> memref<10000x64xf32, #tpu.memory_space<hbm>>
        tpu.enqueue_indirect_dma source(%dma_start3A_146 : memref<10000x64xf32, #tpu.memory_space<hbm>>) target(%arg11 : memref<128x64xf32, #tpu.memory_space<vmem>>) offsets(%dma_start3A_143 : memref<128xi32, #tpu.memory_space<vmem>>) semaphore(%arg16 : memref<!tpu.dma_semaphore, #tpu.memory_space<semaphore_mem>>)
      } else {
      }
    }
    %barrier3A_71 = arith.constant 0 : index
    tpu.barrier barrier_id(%barrier3A_71)
    %mul3A_72 = arith.constant 632 : i32
    %mul3A_73 = arith.muli %arg1, %mul3A_72 : i32
    %mul3A_74 = arith.constant 632 : i32
    %mul3A_75 = arith.muli %arg1, %mul3A_74 : i32
    %run_scoped3A_76 = arith.constant 0 : i32
    "tpu.region"() ({
      %run_scoped3A_77 = tpu.sem_alloc : memref<!tpu.dma_semaphore, #tpu.memory_space<semaphore_mem>>
      %dma_start3A_78 = arith.constant 0 : i32
      %dma_start3A_79 = tpu.memref_slice %arg5[%run_scoped3A_76, %arg0, %mul3A_75, %dma_start3A_78] : memref<1x2x10112x64xf32, #tpu.memory_space<hbm>> -> memref<1x1x632x64xf32, #tpu.memory_space<hbm>>
      %dma_start3A_80 = tpu.memref_squeeze %dma_start3A_79 : memref<1x1x632x64xf32, #tpu.memory_space<hbm>> -> memref<632x64xf32, #tpu.memory_space<hbm>>
      %dma_start3A_81 = arith.constant 0 : i32
      %dma_start3A_82 = tpu.memref_slice %arg12[%mul3A_73, %dma_start3A_81] : memref<10112x64xf32, #tpu.memory_space<vmem_shared>> -> memref<632x64xf32, #tpu.memory_space<vmem_shared>>
      tpu.enqueue_dma source(%dma_start3A_82 : memref<632x64xf32, #tpu.memory_space<vmem_shared>>) target(%dma_start3A_80 : memref<632x64xf32, #tpu.memory_space<hbm>>) target_semaphore(%run_scoped3A_77 : memref<!tpu.dma_semaphore, #tpu.memory_space<semaphore_mem>>)
      %dma_wait3A = arith.constant 0 : i32
      %dma_wait3A_83 = tpu.memref_slice %arg5[%run_scoped3A_76, %arg0, %mul3A_75, %dma_wait3A] : memref<1x2x10112x64xf32, #tpu.memory_space<hbm>> -> memref<1x1x632x64xf32, #tpu.memory_space<hbm>>
      %dma_wait3A_84 = tpu.memref_squeeze %dma_wait3A_83 : memref<1x1x632x64xf32, #tpu.memory_space<hbm>> -> memref<632x64xf32, #tpu.memory_space<hbm>>
      %dma_wait3A_85 = arith.constant 0 : i32
      %dma_wait3A_86 = tpu.memref_slice %arg12[%mul3A_73, %dma_wait3A_85] : memref<10112x64xf32, #tpu.memory_space<vmem_shared>> -> memref<632x64xf32, #tpu.memory_space<vmem_shared>>
      tpu.wait_dma2 semaphore(%run_scoped3A_77 : memref<!tpu.dma_semaphore, #tpu.memory_space<semaphore_mem>>) src(%dma_wait3A_86 : memref<632x64xf32, #tpu.memory_space<vmem_shared>>) dst(%dma_wait3A_84 : memref<632x64xf32, #tpu.memory_space<hbm>>)
      tpu.yield
    }) : () -> ()
    return
  }
}

module attributes {stable_mosaic.version = 14 : i64} {
  func.func @_tc_a_body(%arg0: i32, %arg1: memref<2000x128xf32, #tpu.memory_space<vmem>>, %arg2: memref<128x128xf32, #tpu.memory_space<vmem>>, %arg3: memref<2x2000x16xf32, #tpu.memory_space<vmem>>, %arg4: memref<2000x64xf32, #tpu.memory_space<vmem>>, %arg5: memref<2000x64xf32, #tpu.memory_space<vmem>>) attributes {dimension_semantics = [#tpu.dimension_semantics<arbitrary>], iteration_bounds = array<i64: 5>, scalar_prefetch = 0 : i64, scratch_operands = 0 : i64, tpu.core_type = #tpu.core_type<tc>, window_params = [{transform_indices = @transform_0, window_bounds = array<i64: 2000, 128>}, {pipeline_mode = #tpu.pipeline_mode<synchronous>, transform_indices = @transform_1, window_bounds = array<i64: 128, 128>}, {transform_indices = @transform_2, window_bounds = array<i64: 2, 2000, 16>}, {transform_indices = @transform_3, window_bounds = array<i64: 2000, 64>}, {transform_indices = @transform_4, window_bounds = array<i64: 2000, 64>}]} {
    %get3A = arith.constant 0 : index
    %get3A_0 = arith.constant 0 : index
    %get3A_1 = arith.constant 0 : index
    %get3A_2 = vector.load %arg3[%get3A, %get3A_0, %get3A_1] : memref<2x2000x16xf32, #tpu.memory_space<vmem>>, vector<1x2000x1xf32>
    %get3A_3 = vector.shape_cast %get3A_2 : vector<1x2000x1xf32> to vector<2000x1xf32>
    %get3A_4 = arith.constant 1 : index
    %get3A_5 = arith.constant 0 : index
    %get3A_6 = arith.constant 0 : index
    %get3A_7 = vector.load %arg3[%get3A_4, %get3A_5, %get3A_6] : memref<2x2000x16xf32, #tpu.memory_space<vmem>>, vector<1x2000x1xf32>
    %get3A_8 = vector.shape_cast %get3A_7 : vector<1x2000x1xf32> to vector<2000x1xf32>
    %add3A = arith.addf %get3A_3, %get3A_8 : vector<2000x1xf32>
    %add3A_9 = arith.constant 1.000000e+00 : f32
    %add3A_10 = vector.broadcast %add3A_9 : f32 to vector<2000x1xf32>
    %add3A_11 = arith.addf %add3A, %add3A_10 : vector<2000x1xf32>
    %max3A = arith.constant 1.000000e+00 : f32
    %max3A_12 = vector.broadcast %max3A : f32 to vector<2000x1xf32>
    %max3A_13 = arith.maximumf %add3A_11, %max3A_12 : vector<2000x1xf32>
    %rsqrt3A = math.rsqrt %max3A_13 : vector<2000x1xf32>
    %get3A_14 = arith.constant 0 : index
    %get3A_15 = arith.constant 0 : index
    %get3A_16 = vector.load %arg1[%get3A_14, %get3A_15] : memref<2000x128xf32, #tpu.memory_space<vmem>>, vector<2000x128xf32>
    %get3A_17 = arith.constant 0 : index
    %get3A_18 = arith.constant 0 : index
    %get3A_19 = vector.load %arg2[%get3A_17, %get3A_18] : memref<128x128xf32, #tpu.memory_space<vmem>>, vector<128x128xf32>
    %dot_general3A = arith.constant dense<0.000000e+00> : vector<2000x128xf32>
    %dot_general3A_20 = tpu.matmul %get3A_16, %get3A_19, %dot_general3A {dimension_numbers = #tpu.dot_dimension_numbers<[1], [0], [0], [1], [0, 0, 1, 1], [], []>, transpose_lhs_hint = false} : vector<2000x128xf32>, vector<128x128xf32>, vector<2000x128xf32> -> vector<2000x128xf32>
    %mul3A = vector.broadcast %rsqrt3A : vector<2000x1xf32> to vector<2000x128xf32>
    %mul3A_21 = arith.mulf %dot_general3A_20, %mul3A : vector<2000x128xf32>
    %slice3A = vector.extract_strided_slice %mul3A_21 {offsets = [0, 0], sizes = [2000, 64], strides = [1, 1]} : vector<2000x128xf32> to vector<2000x64xf32>
    %swap3A = arith.constant 0 : index
    %swap3A_22 = arith.constant 0 : index
    %swap3A_23 = vector.load %arg4[%swap3A, %swap3A_22] : memref<2000x64xf32, #tpu.memory_space<vmem>>, vector<2000x64xf32>
    tpu.vector_store %arg4[%swap3A, %swap3A_22], %slice3A {strides = array<i32>} : memref<2000x64xf32, #tpu.memory_space<vmem>>, vector<2000x64xf32>,
    %slice3A_24 = vector.extract_strided_slice %mul3A_21 {offsets = [0, 64], sizes = [2000, 64], strides = [1, 1]} : vector<2000x128xf32> to vector<2000x64xf32>
    %swap3A_25 = arith.constant 0 : index
    %swap3A_26 = arith.constant 0 : index
    %swap3A_27 = vector.load %arg5[%swap3A_25, %swap3A_26] : memref<2000x64xf32, #tpu.memory_space<vmem>>, vector<2000x64xf32>
    tpu.vector_store %arg5[%swap3A_25, %swap3A_26], %slice3A_24 {strides = array<i32>} : memref<2000x64xf32, #tpu.memory_space<vmem>>, vector<2000x64xf32>,
    return
  }
  func.func @transform_0(%arg0: i32) -> (i32, i32) {
    %c0_i32 = arith.constant 0 : i32
    %c0_i32_0 = arith.constant 0 : i32
    return %arg0, %c0_i32 : i32, i32
  }
  func.func @transform_1(%arg0: i32) -> (i32, i32) {
    %c0_i32 = arith.constant 0 : i32
    %c0_i32_0 = arith.constant 0 : i32
    %c0_i32_1 = arith.constant 0 : i32
    return %c0_i32, %c0_i32_0 : i32, i32
  }
  func.func @transform_2(%arg0: i32) -> (i32, i32, i32) {
    %c0_i32 = arith.constant 0 : i32
    %c0_i32_0 = arith.constant 0 : i32
    %c0_i32_1 = arith.constant 0 : i32
    return %c0_i32, %arg0, %c0_i32_0 : i32, i32, i32
  }
  func.func @transform_3(%arg0: i32) -> (i32, i32) {
    %c0_i32 = arith.constant 0 : i32
    %c0_i32_0 = arith.constant 0 : i32
    return %arg0, %c0_i32 : i32, i32
  }
  func.func @transform_4(%arg0: i32) -> (i32, i32) {
    %c0_i32 = arith.constant 0 : i32
    %c0_i32_0 = arith.constant 0 : i32
    return %arg0, %c0_i32 : i32, i32
  }
}

module attributes {stable_mosaic.version = 14 : i64} {
  func.func @_tc_cb_body(%arg0: i32, %arg1: i32, %arg2: memref<2x2x2000x64xf32, #tpu.memory_space<vmem>>, %arg3: memref<2000x64xf32, #tpu.memory_space<vmem>>, %arg4: memref<2000x64xf32, #tpu.memory_space<vmem>>, %arg5: memref<2x2000x16xf32, #tpu.memory_space<vmem>>, %arg6: memref<8x128xf32, #tpu.memory_space<vmem>>, %arg7: memref<8x128xf32, #tpu.memory_space<vmem>>, %arg8: memref<8x128xf32, #tpu.memory_space<vmem>>, %arg9: memref<128x128xf32, #tpu.memory_space<vmem>>, %arg10: memref<2000x64xf32, #tpu.memory_space<vmem>>, %arg11: memref<2000x64xf32, #tpu.memory_space<vmem>>, %arg12: memref<10000x128xf32, #tpu.memory_space<vmem>>, %arg13: memref<8x128xf32, #tpu.memory_space<vmem>>) attributes {dimension_semantics = [#tpu.dimension_semantics<arbitrary>, #tpu.dimension_semantics<arbitrary>], iteration_bounds = array<i64: 2, 5>, scalar_prefetch = 0 : i64, scratch_operands = 2 : i64, tpu.core_type = #tpu.core_type<tc>, window_params = [{transform_indices = @transform_0, window_bounds = array<i64: 2, 2, 2000, 64>}, {transform_indices = @transform_1, window_bounds = array<i64: 2000, 64>}, {transform_indices = @transform_2, window_bounds = array<i64: 2000, 64>}, {transform_indices = @transform_3, window_bounds = array<i64: 2, 2000, 16>}, {pipeline_mode = #tpu.pipeline_mode<synchronous>, transform_indices = @transform_4, window_bounds = array<i64: 8, 128>}, {pipeline_mode = #tpu.pipeline_mode<synchronous>, transform_indices = @transform_5, window_bounds = array<i64: 8, 128>}, {pipeline_mode = #tpu.pipeline_mode<synchronous>, transform_indices = @transform_6, window_bounds = array<i64: 8, 128>}, {pipeline_mode = #tpu.pipeline_mode<synchronous>, transform_indices = @transform_7, window_bounds = array<i64: 128, 128>}, {transform_indices = @transform_8, window_bounds = array<i64: 2000, 64>}, {transform_indices = @transform_9, window_bounds = array<i64: 2000, 64>}]} {
    %eq3A = arith.constant 0 : i32
    %eq3A_0 = arith.cmpi eq, %arg0, %eq3A : i32
    %convert_element_type3A = arith.extui %eq3A_0 : i1 to i32
    %cond3A = arith.constant 0 : i32
    %cond3A_1 = arith.cmpi ne, %convert_element_type3A, %cond3A : i32
    scf.if %cond3A_1 {
      %get3A = arith.constant 0 : index
      %get3A_7 = arith.constant 0 : index
      %get3A_8 = arith.constant 0 : index
      %get3A_9 = vector.load %arg5[%get3A, %get3A_7, %get3A_8] : memref<2x2000x16xf32, #tpu.memory_space<vmem>>, vector<1x2000x1xf32>
      %get3A_10 = vector.shape_cast %get3A_9 : vector<1x2000x1xf32> to vector<2000x1xf32>
      %get3A_11 = arith.constant 1 : index
      %get3A_12 = arith.constant 0 : index
      %get3A_13 = arith.constant 0 : index
      %get3A_14 = vector.load %arg5[%get3A_11, %get3A_12, %get3A_13] : memref<2x2000x16xf32, #tpu.memory_space<vmem>>, vector<1x2000x1xf32>
      %get3A_15 = vector.shape_cast %get3A_14 : vector<1x2000x1xf32> to vector<2000x1xf32>
      %add3A = arith.addf %get3A_10, %get3A_15 : vector<2000x1xf32>
      %add3A_16 = arith.constant 1.000000e+00 : f32
      %add3A_17 = vector.broadcast %add3A_16 : f32 to vector<2000x1xf32>
      %add3A_18 = arith.addf %add3A, %add3A_17 : vector<2000x1xf32>
      %max3A = arith.constant 1.000000e+00 : f32
      %max3A_19 = vector.broadcast %max3A : f32 to vector<2000x1xf32>
      %max3A_20 = arith.maximumf %add3A_18, %max3A_19 : vector<2000x1xf32>
      %rsqrt3A = math.rsqrt %max3A_20 : vector<2000x1xf32>
      %get3A_21 = arith.constant 0 : index
      %get3A_22 = arith.constant 0 : index
      %get3A_23 = arith.constant 0 : index
      %get3A_24 = arith.constant 0 : index
      %get3A_25 = vector.load %arg2[%get3A_21, %get3A_22, %get3A_23, %get3A_24] : memref<2x2x2000x64xf32, #tpu.memory_space<vmem>>, vector<1x1x2000x64xf32>
      %get3A_26 = vector.shape_cast %get3A_25 : vector<1x1x2000x64xf32> to vector<2000x64xf32>
      %get3A_27 = arith.constant 0 : index
      %get3A_28 = arith.constant 1 : index
      %get3A_29 = arith.constant 0 : index
      %get3A_30 = arith.constant 0 : index
      %get3A_31 = vector.load %arg2[%get3A_27, %get3A_28, %get3A_29, %get3A_30] : memref<2x2x2000x64xf32, #tpu.memory_space<vmem>>, vector<1x1x2000x64xf32>
      %get3A_32 = vector.shape_cast %get3A_31 : vector<1x1x2000x64xf32> to vector<2000x64xf32>
      %add3A_33 = arith.addf %get3A_26, %get3A_32 : vector<2000x64xf32>
      %get3A_34 = arith.constant 0 : index
      %get3A_35 = arith.constant 0 : index
      %get3A_36 = vector.load %arg3[%get3A_34, %get3A_35] : memref<2000x64xf32, #tpu.memory_space<vmem>>, vector<2000x64xf32>
      %add3A_37 = arith.addf %add3A_33, %get3A_36 : vector<2000x64xf32>
      %mul3A = vector.broadcast %rsqrt3A : vector<2000x1xf32> to vector<2000x64xf32>
      %mul3A_38 = arith.mulf %add3A_37, %mul3A : vector<2000x64xf32>
      %get3A_39 = arith.constant 0 : index
      %get3A_40 = arith.constant 0 : index
      %get3A_41 = vector.load %arg6[%get3A_39, %get3A_40] : memref<8x128xf32, #tpu.memory_space<vmem>>, vector<1x64xf32>
      %add3A_42 = vector.broadcast %get3A_41 : vector<1x64xf32> to vector<2000x64xf32>
      %add3A_43 = arith.addf %mul3A_38, %add3A_42 : vector<2000x64xf32>
      %get3A_44 = arith.constant 1 : index
      %get3A_45 = arith.constant 0 : index
      %get3A_46 = arith.constant 0 : index
      %get3A_47 = arith.constant 0 : index
      %get3A_48 = vector.load %arg2[%get3A_44, %get3A_45, %get3A_46, %get3A_47] : memref<2x2x2000x64xf32, #tpu.memory_space<vmem>>, vector<1x1x2000x64xf32>
      %get3A_49 = vector.shape_cast %get3A_48 : vector<1x1x2000x64xf32> to vector<2000x64xf32>
      %get3A_50 = arith.constant 1 : index
      %get3A_51 = arith.constant 1 : index
      %get3A_52 = arith.constant 0 : index
      %get3A_53 = arith.constant 0 : index
      %get3A_54 = vector.load %arg2[%get3A_50, %get3A_51, %get3A_52, %get3A_53] : memref<2x2x2000x64xf32, #tpu.memory_space<vmem>>, vector<1x1x2000x64xf32>
      %get3A_55 = vector.shape_cast %get3A_54 : vector<1x1x2000x64xf32> to vector<2000x64xf32>
      %add3A_56 = arith.addf %get3A_49, %get3A_55 : vector<2000x64xf32>
      %get3A_57 = arith.constant 0 : index
      %get3A_58 = arith.constant 0 : index
      %get3A_59 = vector.load %arg4[%get3A_57, %get3A_58] : memref<2000x64xf32, #tpu.memory_space<vmem>>, vector<2000x64xf32>
      %add3A_60 = arith.addf %add3A_56, %get3A_59 : vector<2000x64xf32>
      %mul3A_61 = vector.broadcast %rsqrt3A : vector<2000x1xf32> to vector<2000x64xf32>
      %mul3A_62 = arith.mulf %add3A_60, %mul3A_61 : vector<2000x64xf32>
      %get3A_63 = arith.constant 0 : index
      %get3A_64 = arith.constant 64 : index
      %get3A_65 = vector.load %arg6[%get3A_63, %get3A_64] : memref<8x128xf32, #tpu.memory_space<vmem>>, vector<1x64xf32>
      %add3A_66 = vector.broadcast %get3A_65 : vector<1x64xf32> to vector<2000x64xf32>
      %add3A_67 = arith.addf %mul3A_62, %add3A_66 : vector<2000x64xf32>
      %concatenate3A = tpu.concatenate %add3A_43, %add3A_67 in 1 : vector<2000x64xf32>, vector<2000x64xf32> -> vector<2000x128xf32>
      %mul3A_68 = arith.constant 2000 : i32
      %mul3A_69 = arith.muli %arg1, %mul3A_68 : i32
      %swap3A = arith.index_cast %mul3A_69 : i32 to index
      %swap3A_70 = arith.constant 0 : index
      %swap3A_71 = vector.load %arg12[%swap3A, %swap3A_70] : memref<10000x128xf32, #tpu.memory_space<vmem>>, vector<2000x128xf32>
      tpu.vector_store %arg12[%swap3A, %swap3A_70], %concatenate3A {strides = array<i32>} : memref<10000x128xf32, #tpu.memory_space<vmem>>, vector<2000x128xf32>,
      %eq3A_72 = arith.constant 0 : i32
      %eq3A_73 = arith.cmpi eq, %arg1, %eq3A_72 : i32
      %convert_element_type3A_74 = arith.extui %eq3A_73 : i1 to i32
      %cond3A_75 = arith.constant 0 : i32
      %cond3A_76 = arith.cmpi ne, %convert_element_type3A_74, %cond3A_75 : i32
      scf.if %cond3A_76 {
        %broadcast_in_dim3A_102 = arith.constant 0.000000e+00 : f32
        %broadcast_in_dim3A_103 = vector.broadcast %broadcast_in_dim3A_102 : f32 to vector<8x128xf32>
        %swap3A_104 = arith.constant 0 : index
        %swap3A_105 = arith.constant 0 : index
        %swap3A_106 = vector.load %arg13[%swap3A_104, %swap3A_105] : memref<8x128xf32, #tpu.memory_space<vmem>>, vector<8x128xf32>
        tpu.vector_store %arg13[%swap3A_104, %swap3A_105], %broadcast_in_dim3A_103 {strides = array<i32>} : memref<8x128xf32, #tpu.memory_space<vmem>>, vector<8x128xf32>,
      } else {
      }
      %reduce_sum3A = arith.constant dense<0.000000e+00> : vector<128xf32>
      %reduce_sum3A_77 = vector.multi_reduction <add>, %concatenate3A, %reduce_sum3A [0] : vector<2000x128xf32> to vector<128xf32>
      %broadcast_in_dim3A = vector.shape_cast %reduce_sum3A_77 : vector<128xf32> to vector<1x128xf32>
      %mul3A_78 = arith.mulf %concatenate3A, %concatenate3A : vector<2000x128xf32>
      %reduce_sum3A_79 = arith.constant dense<0.000000e+00> : vector<128xf32>
      %reduce_sum3A_80 = vector.multi_reduction <add>, %mul3A_78, %reduce_sum3A_79 [0] : vector<2000x128xf32> to vector<128xf32>
      %broadcast_in_dim3A_81 = vector.shape_cast %reduce_sum3A_80 : vector<128xf32> to vector<1x128xf32>
      %broadcast_in_dim3A_82 = arith.constant 0.000000e+00 : f32
      %broadcast_in_dim3A_83 = vector.broadcast %broadcast_in_dim3A_82 : f32 to vector<6x128xf32>
      %get3A_84 = arith.constant 0 : index
      %get3A_85 = arith.constant 0 : index
      %get3A_86 = vector.load %arg13[%get3A_84, %get3A_85] : memref<8x128xf32, #tpu.memory_space<vmem>>, vector<8x128xf32>
      %concatenate3A_87 = tpu.concatenate %broadcast_in_dim3A, %broadcast_in_dim3A_81, %broadcast_in_dim3A_83 in 0 : vector<1x128xf32>, vector<1x128xf32>, vector<6x128xf32> -> vector<8x128xf32>
      %add3A_88 = arith.addf %get3A_86, %concatenate3A_87 : vector<8x128xf32>
      %swap3A_89 = arith.constant 0 : index
      %swap3A_90 = arith.constant 0 : index
      %swap3A_91 = vector.load %arg13[%swap3A_89, %swap3A_90] : memref<8x128xf32, #tpu.memory_space<vmem>>, vector<8x128xf32>
      tpu.vector_store %arg13[%swap3A_89, %swap3A_90], %add3A_88 {strides = array<i32>} : memref<8x128xf32, #tpu.memory_space<vmem>>, vector<8x128xf32>,
      %broadcast_in_dim3A_92 = arith.constant 0.000000e+00 : f32
      %broadcast_in_dim3A_93 = vector.broadcast %broadcast_in_dim3A_92 : f32 to vector<2000x64xf32>
      %swap3A_94 = arith.constant 0 : index
      %swap3A_95 = arith.constant 0 : index
      %swap3A_96 = vector.load %arg10[%swap3A_94, %swap3A_95] : memref<2000x64xf32, #tpu.memory_space<vmem>>, vector<2000x64xf32>
      tpu.vector_store %arg10[%swap3A_94, %swap3A_95], %broadcast_in_dim3A_93 {strides = array<i32>} : memref<2000x64xf32, #tpu.memory_space<vmem>>, vector<2000x64xf32>,
      %broadcast_in_dim3A_97 = arith.constant 0.000000e+00 : f32
      %broadcast_in_dim3A_98 = vector.broadcast %broadcast_in_dim3A_97 : f32 to vector<2000x64xf32>
      %swap3A_99 = arith.constant 0 : index
      %swap3A_100 = arith.constant 0 : index
      %swap3A_101 = vector.load %arg11[%swap3A_99, %swap3A_100] : memref<2000x64xf32, #tpu.memory_space<vmem>>, vector<2000x64xf32>
      tpu.vector_store %arg11[%swap3A_99, %swap3A_100], %broadcast_in_dim3A_98 {strides = array<i32>} : memref<2000x64xf32, #tpu.memory_space<vmem>>, vector<2000x64xf32>,
    } else {
    }
    %eq3A_2 = arith.constant 1 : i32
    %eq3A_3 = arith.cmpi eq, %arg0, %eq3A_2 : i32
    %convert_element_type3A_4 = arith.extui %eq3A_3 : i1 to i32
    %cond3A_5 = arith.constant 0 : i32
    %cond3A_6 = arith.cmpi ne, %convert_element_type3A_4, %cond3A_5 : i32
    scf.if %cond3A_6 {
      %mul3A = arith.constant 2000 : i32
      %mul3A_7 = arith.muli %arg1, %mul3A : i32
      %get3A = arith.index_cast %mul3A_7 : i32 to index
      %get3A_8 = arith.constant 0 : index
      %get3A_9 = vector.load %arg12[%get3A, %get3A_8] : memref<10000x128xf32, #tpu.memory_space<vmem>>, vector<2000x128xf32>
      %get3A_10 = arith.constant 0 : index
      %get3A_11 = arith.constant 0 : index
      %get3A_12 = vector.load %arg13[%get3A_10, %get3A_11] : memref<8x128xf32, #tpu.memory_space<vmem>>, vector<1x128xf32>
      %div3A = arith.constant 1.000000e+04 : f32
      %div3A_13 = vector.broadcast %div3A : f32 to vector<1x128xf32>
      %div3A_14 = arith.divf %get3A_12, %div3A_13 : vector<1x128xf32>
      %get3A_15 = arith.constant 1 : index
      %get3A_16 = arith.constant 0 : index
      %get3A_17 = vector.load %arg13[%get3A_15, %get3A_16] : memref<8x128xf32, #tpu.memory_space<vmem>>, vector<1x128xf32>
      %div3A_18 = arith.constant 1.000000e+04 : f32
      %div3A_19 = vector.broadcast %div3A_18 : f32 to vector<1x128xf32>
      %div3A_20 = arith.divf %get3A_17, %div3A_19 : vector<1x128xf32>
      %mul3A_21 = arith.mulf %div3A_14, %div3A_14 : vector<1x128xf32>
      %sub3A = arith.subf %div3A_20, %mul3A_21 : vector<1x128xf32>
      %get3A_22 = arith.constant 0 : index
      %get3A_23 = arith.constant 0 : index
      %get3A_24 = vector.load %arg7[%get3A_22, %get3A_23] : memref<8x128xf32, #tpu.memory_space<vmem>>, vector<1x128xf32>
      %sub3A_25 = vector.broadcast %div3A_14 : vector<1x128xf32> to vector<2000x128xf32>
      %sub3A_26 = arith.subf %get3A_9, %sub3A_25 : vector<2000x128xf32>
      %mul3A_27 = vector.broadcast %get3A_24 : vector<1x128xf32> to vector<2000x128xf32>
      %mul3A_28 = arith.mulf %mul3A_27, %sub3A_26 : vector<2000x128xf32>
      %add3A = arith.constant 9.99999974E-6 : f32
      %add3A_29 = vector.broadcast %add3A : f32 to vector<1x128xf32>
      %add3A_30 = arith.addf %sub3A, %add3A_29 : vector<1x128xf32>
      %rsqrt3A = math.rsqrt %add3A_30 : vector<1x128xf32>
      %mul3A_31 = vector.broadcast %rsqrt3A : vector<1x128xf32> to vector<2000x128xf32>
      %mul3A_32 = arith.mulf %mul3A_28, %mul3A_31 : vector<2000x128xf32>
      %get3A_33 = arith.constant 0 : index
      %get3A_34 = arith.constant 0 : index
      %get3A_35 = vector.load %arg8[%get3A_33, %get3A_34] : memref<8x128xf32, #tpu.memory_space<vmem>>, vector<1x128xf32>
      %add3A_36 = vector.broadcast %get3A_35 : vector<1x128xf32> to vector<2000x128xf32>
      %add3A_37 = arith.addf %mul3A_32, %add3A_36 : vector<2000x128xf32>
      %max3A = arith.constant 0.000000e+00 : f32
      %max3A_38 = vector.broadcast %max3A : f32 to vector<2000x128xf32>
      %max3A_39 = arith.maximumf %add3A_37, %max3A_38 : vector<2000x128xf32>
      %get3A_40 = arith.constant 0 : index
      %get3A_41 = arith.constant 0 : index
      %get3A_42 = arith.constant 0 : index
      %get3A_43 = vector.load %arg5[%get3A_40, %get3A_41, %get3A_42] : memref<2x2000x16xf32, #tpu.memory_space<vmem>>, vector<1x2000x1xf32>
      %get3A_44 = vector.shape_cast %get3A_43 : vector<1x2000x1xf32> to vector<2000x1xf32>
      %get3A_45 = arith.constant 1 : index
      %get3A_46 = arith.constant 0 : index
      %get3A_47 = arith.constant 0 : index
      %get3A_48 = vector.load %arg5[%get3A_45, %get3A_46, %get3A_47] : memref<2x2000x16xf32, #tpu.memory_space<vmem>>, vector<1x2000x1xf32>
      %get3A_49 = vector.shape_cast %get3A_48 : vector<1x2000x1xf32> to vector<2000x1xf32>
      %add3A_50 = arith.addf %get3A_44, %get3A_49 : vector<2000x1xf32>
      %add3A_51 = arith.constant 1.000000e+00 : f32
      %add3A_52 = vector.broadcast %add3A_51 : f32 to vector<2000x1xf32>
      %add3A_53 = arith.addf %add3A_50, %add3A_52 : vector<2000x1xf32>
      %max3A_54 = arith.constant 1.000000e+00 : f32
      %max3A_55 = vector.broadcast %max3A_54 : f32 to vector<2000x1xf32>
      %max3A_56 = arith.maximumf %add3A_53, %max3A_55 : vector<2000x1xf32>
      %rsqrt3A_57 = math.rsqrt %max3A_56 : vector<2000x1xf32>
      %get3A_58 = arith.constant 0 : index
      %get3A_59 = arith.constant 0 : index
      %get3A_60 = vector.load %arg9[%get3A_58, %get3A_59] : memref<128x128xf32, #tpu.memory_space<vmem>>, vector<128x128xf32>
      %dot_general3A = arith.constant dense<0.000000e+00> : vector<2000x128xf32>
      %dot_general3A_61 = tpu.matmul %max3A_39, %get3A_60, %dot_general3A {dimension_numbers = #tpu.dot_dimension_numbers<[1], [0], [0], [1], [0, 0, 1, 1], [], []>, transpose_lhs_hint = false} : vector<2000x128xf32>, vector<128x128xf32>, vector<2000x128xf32> -> vector<2000x128xf32>
      %mul3A_62 = vector.broadcast %rsqrt3A_57 : vector<2000x1xf32> to vector<2000x128xf32>
      %mul3A_63 = arith.mulf %dot_general3A_61, %mul3A_62 : vector<2000x128xf32>
      %slice3A = vector.extract_strided_slice %mul3A_63 {offsets = [0, 0], sizes = [2000, 64], strides = [1, 1]} : vector<2000x128xf32> to vector<2000x64xf32>
      %swap3A = arith.constant 0 : index
      %swap3A_64 = arith.constant 0 : index
      %swap3A_65 = vector.load %arg10[%swap3A, %swap3A_64] : memref<2000x64xf32, #tpu.memory_space<vmem>>, vector<2000x64xf32>
      tpu.vector_store %arg10[%swap3A, %swap3A_64], %slice3A {strides = array<i32>} : memref<2000x64xf32, #tpu.memory_space<vmem>>, vector<2000x64xf32>,
      %slice3A_66 = vector.extract_strided_slice %mul3A_63 {offsets = [0, 64], sizes = [2000, 64], strides = [1, 1]} : vector<2000x128xf32> to vector<2000x64xf32>
      %swap3A_67 = arith.constant 0 : index
      %swap3A_68 = arith.constant 0 : index
      %swap3A_69 = vector.load %arg11[%swap3A_67, %swap3A_68] : memref<2000x64xf32, #tpu.memory_space<vmem>>, vector<2000x64xf32>
      tpu.vector_store %arg11[%swap3A_67, %swap3A_68], %slice3A_66 {strides = array<i32>} : memref<2000x64xf32, #tpu.memory_space<vmem>>, vector<2000x64xf32>,
    } else {
    }
    return
  }
  func.func @transform_0(%arg0: i32, %arg1: i32) -> (i32, i32, i32, i32) {
    %eq3A = arith.constant 0 : i32
    %eq3A_0 = arith.cmpi eq, %arg0, %eq3A : i32
    %jit3A = arith.constant 0 : i32
    %select_n3A = arith.select %eq3A_0, %arg1, %jit3A : i32
    %c0_i32 = arith.constant 0 : i32
    %c0_i32_1 = arith.constant 0 : i32
    %c0_i32_2 = arith.constant 0 : i32
    %c0_i32_3 = arith.constant 0 : i32
    return %c0_i32, %c0_i32_1, %select_n3A, %c0_i32_2 : i32, i32, i32, i32
  }
  func.func @transform_1(%arg0: i32, %arg1: i32) -> (i32, i32) {
    %eq3A = arith.constant 0 : i32
    %eq3A_0 = arith.cmpi eq, %arg0, %eq3A : i32
    %jit3A = arith.constant 0 : i32
    %select_n3A = arith.select %eq3A_0, %arg1, %jit3A : i32
    %c0_i32 = arith.constant 0 : i32
    %c0_i32_1 = arith.constant 0 : i32
    return %select_n3A, %c0_i32 : i32, i32
  }
  func.func @transform_2(%arg0: i32, %arg1: i32) -> (i32, i32) {
    %eq3A = arith.constant 0 : i32
    %eq3A_0 = arith.cmpi eq, %arg0, %eq3A : i32
    %jit3A = arith.constant 0 : i32
    %select_n3A = arith.select %eq3A_0, %arg1, %jit3A : i32
    %c0_i32 = arith.constant 0 : i32
    %c0_i32_1 = arith.constant 0 : i32
    return %select_n3A, %c0_i32 : i32, i32
  }
  func.func @transform_3(%arg0: i32, %arg1: i32) -> (i32, i32, i32) {
    %c0_i32 = arith.constant 0 : i32
    %c0_i32_0 = arith.constant 0 : i32
    %c0_i32_1 = arith.constant 0 : i32
    return %c0_i32, %arg1, %c0_i32_0 : i32, i32, i32
  }
  func.func @transform_4(%arg0: i32, %arg1: i32) -> (i32, i32) {
    %c0_i32 = arith.constant 0 : i32
    %c0_i32_0 = arith.constant 0 : i32
    %c0_i32_1 = arith.constant 0 : i32
    return %c0_i32, %c0_i32_0 : i32, i32
  }
  func.func @transform_5(%arg0: i32, %arg1: i32) -> (i32, i32) {
    %c0_i32 = arith.constant 0 : i32
    %c0_i32_0 = arith.constant 0 : i32
    %c0_i32_1 = arith.constant 0 : i32
    return %c0_i32, %c0_i32_0 : i32, i32
  }
  func.func @transform_6(%arg0: i32, %arg1: i32) -> (i32, i32) {
    %c0_i32 = arith.constant 0 : i32
    %c0_i32_0 = arith.constant 0 : i32
    %c0_i32_1 = arith.constant 0 : i32
    return %c0_i32, %c0_i32_0 : i32, i32
  }
  func.func @transform_7(%arg0: i32, %arg1: i32) -> (i32, i32) {
    %c0_i32 = arith.constant 0 : i32
    %c0_i32_0 = arith.constant 0 : i32
    %c0_i32_1 = arith.constant 0 : i32
    return %c0_i32, %c0_i32_0 : i32, i32
  }
  func.func @transform_8(%arg0: i32, %arg1: i32) -> (i32, i32) {
    %eq3A = arith.constant 1 : i32
    %eq3A_0 = arith.cmpi eq, %arg0, %eq3A : i32
    %jit3A = arith.constant 0 : i32
    %select_n3A = arith.select %eq3A_0, %arg1, %jit3A : i32
    %c0_i32 = arith.constant 0 : i32
    %c0_i32_1 = arith.constant 0 : i32
    return %select_n3A, %c0_i32 : i32, i32
  }
  func.func @transform_9(%arg0: i32, %arg1: i32) -> (i32, i32) {
    %eq3A = arith.constant 1 : i32
    %eq3A_0 = arith.cmpi eq, %arg0, %eq3A : i32
    %jit3A = arith.constant 0 : i32
    %select_n3A = arith.select %eq3A_0, %arg1, %jit3A : i32
    %c0_i32 = arith.constant 0 : i32
    %c0_i32_1 = arith.constant 0 : i32
    return %select_n3A, %c0_i32 : i32, i32
  }
}

module attributes {stable_mosaic.version = 14 : i64} {
  func.func @_tc_cb_body(%arg0: i32, %arg1: i32, %arg2: memref<2x2x2000x64xf32, #tpu.memory_space<vmem>>, %arg3: memref<2000x64xf32, #tpu.memory_space<vmem>>, %arg4: memref<2000x64xf32, #tpu.memory_space<vmem>>, %arg5: memref<2x2000x16xf32, #tpu.memory_space<vmem>>, %arg6: memref<8x128xf32, #tpu.memory_space<vmem>>, %arg7: memref<8x128xf32, #tpu.memory_space<vmem>>, %arg8: memref<8x128xf32, #tpu.memory_space<vmem>>, %arg9: memref<128x64xf32, #tpu.memory_space<vmem>>, %arg10: memref<2000x64xf32, #tpu.memory_space<vmem>>, %arg11: memref<10000x128xf32, #tpu.memory_space<vmem>>, %arg12: memref<8x128xf32, #tpu.memory_space<vmem>>) attributes {dimension_semantics = [#tpu.dimension_semantics<arbitrary>, #tpu.dimension_semantics<arbitrary>], iteration_bounds = array<i64: 2, 5>, scalar_prefetch = 0 : i64, scratch_operands = 2 : i64, tpu.core_type = #tpu.core_type<tc>, window_params = [{transform_indices = @transform_0, window_bounds = array<i64: 2, 2, 2000, 64>}, {transform_indices = @transform_1, window_bounds = array<i64: 2000, 64>}, {transform_indices = @transform_2, window_bounds = array<i64: 2000, 64>}, {transform_indices = @transform_3, window_bounds = array<i64: 2, 2000, 16>}, {pipeline_mode = #tpu.pipeline_mode<synchronous>, transform_indices = @transform_4, window_bounds = array<i64: 8, 128>}, {pipeline_mode = #tpu.pipeline_mode<synchronous>, transform_indices = @transform_5, window_bounds = array<i64: 8, 128>}, {pipeline_mode = #tpu.pipeline_mode<synchronous>, transform_indices = @transform_6, window_bounds = array<i64: 8, 128>}, {pipeline_mode = #tpu.pipeline_mode<synchronous>, transform_indices = @transform_7, window_bounds = array<i64: 128, 64>}, {transform_indices = @transform_8, window_bounds = array<i64: 2000, 64>}]} {
    %eq3A = arith.constant 0 : i32
    %eq3A_0 = arith.cmpi eq, %arg0, %eq3A : i32
    %convert_element_type3A = arith.extui %eq3A_0 : i1 to i32
    %cond3A = arith.constant 0 : i32
    %cond3A_1 = arith.cmpi ne, %convert_element_type3A, %cond3A : i32
    scf.if %cond3A_1 {
      %get3A = arith.constant 0 : index
      %get3A_7 = arith.constant 0 : index
      %get3A_8 = arith.constant 0 : index
      %get3A_9 = vector.load %arg5[%get3A, %get3A_7, %get3A_8] : memref<2x2000x16xf32, #tpu.memory_space<vmem>>, vector<1x2000x1xf32>
      %get3A_10 = vector.shape_cast %get3A_9 : vector<1x2000x1xf32> to vector<2000x1xf32>
      %get3A_11 = arith.constant 1 : index
      %get3A_12 = arith.constant 0 : index
      %get3A_13 = arith.constant 0 : index
      %get3A_14 = vector.load %arg5[%get3A_11, %get3A_12, %get3A_13] : memref<2x2000x16xf32, #tpu.memory_space<vmem>>, vector<1x2000x1xf32>
      %get3A_15 = vector.shape_cast %get3A_14 : vector<1x2000x1xf32> to vector<2000x1xf32>
      %add3A = arith.addf %get3A_10, %get3A_15 : vector<2000x1xf32>
      %add3A_16 = arith.constant 1.000000e+00 : f32
      %add3A_17 = vector.broadcast %add3A_16 : f32 to vector<2000x1xf32>
      %add3A_18 = arith.addf %add3A, %add3A_17 : vector<2000x1xf32>
      %max3A = arith.constant 1.000000e+00 : f32
      %max3A_19 = vector.broadcast %max3A : f32 to vector<2000x1xf32>
      %max3A_20 = arith.maximumf %add3A_18, %max3A_19 : vector<2000x1xf32>
      %rsqrt3A = math.rsqrt %max3A_20 : vector<2000x1xf32>
      %get3A_21 = arith.constant 0 : index
      %get3A_22 = arith.constant 0 : index
      %get3A_23 = arith.constant 0 : index
      %get3A_24 = arith.constant 0 : index
      %get3A_25 = vector.load %arg2[%get3A_21, %get3A_22, %get3A_23, %get3A_24] : memref<2x2x2000x64xf32, #tpu.memory_space<vmem>>, vector<1x1x2000x64xf32>
      %get3A_26 = vector.shape_cast %get3A_25 : vector<1x1x2000x64xf32> to vector<2000x64xf32>
      %get3A_27 = arith.constant 0 : index
      %get3A_28 = arith.constant 1 : index
      %get3A_29 = arith.constant 0 : index
      %get3A_30 = arith.constant 0 : index
      %get3A_31 = vector.load %arg2[%get3A_27, %get3A_28, %get3A_29, %get3A_30] : memref<2x2x2000x64xf32, #tpu.memory_space<vmem>>, vector<1x1x2000x64xf32>
      %get3A_32 = vector.shape_cast %get3A_31 : vector<1x1x2000x64xf32> to vector<2000x64xf32>
      %add3A_33 = arith.addf %get3A_26, %get3A_32 : vector<2000x64xf32>
      %get3A_34 = arith.constant 0 : index
      %get3A_35 = arith.constant 0 : index
      %get3A_36 = vector.load %arg3[%get3A_34, %get3A_35] : memref<2000x64xf32, #tpu.memory_space<vmem>>, vector<2000x64xf32>
      %add3A_37 = arith.addf %add3A_33, %get3A_36 : vector<2000x64xf32>
      %mul3A = vector.broadcast %rsqrt3A : vector<2000x1xf32> to vector<2000x64xf32>
      %mul3A_38 = arith.mulf %add3A_37, %mul3A : vector<2000x64xf32>
      %get3A_39 = arith.constant 0 : index
      %get3A_40 = arith.constant 0 : index
      %get3A_41 = vector.load %arg6[%get3A_39, %get3A_40] : memref<8x128xf32, #tpu.memory_space<vmem>>, vector<1x64xf32>
      %add3A_42 = vector.broadcast %get3A_41 : vector<1x64xf32> to vector<2000x64xf32>
      %add3A_43 = arith.addf %mul3A_38, %add3A_42 : vector<2000x64xf32>
      %get3A_44 = arith.constant 1 : index
      %get3A_45 = arith.constant 0 : index
      %get3A_46 = arith.constant 0 : index
      %get3A_47 = arith.constant 0 : index
      %get3A_48 = vector.load %arg2[%get3A_44, %get3A_45, %get3A_46, %get3A_47] : memref<2x2x2000x64xf32, #tpu.memory_space<vmem>>, vector<1x1x2000x64xf32>
      %get3A_49 = vector.shape_cast %get3A_48 : vector<1x1x2000x64xf32> to vector<2000x64xf32>
      %get3A_50 = arith.constant 1 : index
      %get3A_51 = arith.constant 1 : index
      %get3A_52 = arith.constant 0 : index
      %get3A_53 = arith.constant 0 : index
      %get3A_54 = vector.load %arg2[%get3A_50, %get3A_51, %get3A_52, %get3A_53] : memref<2x2x2000x64xf32, #tpu.memory_space<vmem>>, vector<1x1x2000x64xf32>
      %get3A_55 = vector.shape_cast %get3A_54 : vector<1x1x2000x64xf32> to vector<2000x64xf32>
      %add3A_56 = arith.addf %get3A_49, %get3A_55 : vector<2000x64xf32>
      %get3A_57 = arith.constant 0 : index
      %get3A_58 = arith.constant 0 : index
      %get3A_59 = vector.load %arg4[%get3A_57, %get3A_58] : memref<2000x64xf32, #tpu.memory_space<vmem>>, vector<2000x64xf32>
      %add3A_60 = arith.addf %add3A_56, %get3A_59 : vector<2000x64xf32>
      %mul3A_61 = vector.broadcast %rsqrt3A : vector<2000x1xf32> to vector<2000x64xf32>
      %mul3A_62 = arith.mulf %add3A_60, %mul3A_61 : vector<2000x64xf32>
      %get3A_63 = arith.constant 0 : index
      %get3A_64 = arith.constant 64 : index
      %get3A_65 = vector.load %arg6[%get3A_63, %get3A_64] : memref<8x128xf32, #tpu.memory_space<vmem>>, vector<1x64xf32>
      %add3A_66 = vector.broadcast %get3A_65 : vector<1x64xf32> to vector<2000x64xf32>
      %add3A_67 = arith.addf %mul3A_62, %add3A_66 : vector<2000x64xf32>
      %concatenate3A = tpu.concatenate %add3A_43, %add3A_67 in 1 : vector<2000x64xf32>, vector<2000x64xf32> -> vector<2000x128xf32>
      %mul3A_68 = arith.constant 2000 : i32
      %mul3A_69 = arith.muli %arg1, %mul3A_68 : i32
      %swap3A = arith.index_cast %mul3A_69 : i32 to index
      %swap3A_70 = arith.constant 0 : index
      %swap3A_71 = vector.load %arg11[%swap3A, %swap3A_70] : memref<10000x128xf32, #tpu.memory_space<vmem>>, vector<2000x128xf32>
      tpu.vector_store %arg11[%swap3A, %swap3A_70], %concatenate3A {strides = array<i32>} : memref<10000x128xf32, #tpu.memory_space<vmem>>, vector<2000x128xf32>,
      %eq3A_72 = arith.constant 0 : i32
      %eq3A_73 = arith.cmpi eq, %arg1, %eq3A_72 : i32
      %convert_element_type3A_74 = arith.extui %eq3A_73 : i1 to i32
      %cond3A_75 = arith.constant 0 : i32
      %cond3A_76 = arith.cmpi ne, %convert_element_type3A_74, %cond3A_75 : i32
      scf.if %cond3A_76 {
        %broadcast_in_dim3A_97 = arith.constant 0.000000e+00 : f32
        %broadcast_in_dim3A_98 = vector.broadcast %broadcast_in_dim3A_97 : f32 to vector<8x128xf32>
        %swap3A_99 = arith.constant 0 : index
        %swap3A_100 = arith.constant 0 : index
        %swap3A_101 = vector.load %arg12[%swap3A_99, %swap3A_100] : memref<8x128xf32, #tpu.memory_space<vmem>>, vector<8x128xf32>
        tpu.vector_store %arg12[%swap3A_99, %swap3A_100], %broadcast_in_dim3A_98 {strides = array<i32>} : memref<8x128xf32, #tpu.memory_space<vmem>>, vector<8x128xf32>,
      } else {
      }
      %reduce_sum3A = arith.constant dense<0.000000e+00> : vector<128xf32>
      %reduce_sum3A_77 = vector.multi_reduction <add>, %concatenate3A, %reduce_sum3A [0] : vector<2000x128xf32> to vector<128xf32>
      %broadcast_in_dim3A = vector.shape_cast %reduce_sum3A_77 : vector<128xf32> to vector<1x128xf32>
      %mul3A_78 = arith.mulf %concatenate3A, %concatenate3A : vector<2000x128xf32>
      %reduce_sum3A_79 = arith.constant dense<0.000000e+00> : vector<128xf32>
      %reduce_sum3A_80 = vector.multi_reduction <add>, %mul3A_78, %reduce_sum3A_79 [0] : vector<2000x128xf32> to vector<128xf32>
      %broadcast_in_dim3A_81 = vector.shape_cast %reduce_sum3A_80 : vector<128xf32> to vector<1x128xf32>
      %broadcast_in_dim3A_82 = arith.constant 0.000000e+00 : f32
      %broadcast_in_dim3A_83 = vector.broadcast %broadcast_in_dim3A_82 : f32 to vector<6x128xf32>
      %get3A_84 = arith.constant 0 : index
      %get3A_85 = arith.constant 0 : index
      %get3A_86 = vector.load %arg12[%get3A_84, %get3A_85] : memref<8x128xf32, #tpu.memory_space<vmem>>, vector<8x128xf32>
      %concatenate3A_87 = tpu.concatenate %broadcast_in_dim3A, %broadcast_in_dim3A_81, %broadcast_in_dim3A_83 in 0 : vector<1x128xf32>, vector<1x128xf32>, vector<6x128xf32> -> vector<8x128xf32>
      %add3A_88 = arith.addf %get3A_86, %concatenate3A_87 : vector<8x128xf32>
      %swap3A_89 = arith.constant 0 : index
      %swap3A_90 = arith.constant 0 : index
      %swap3A_91 = vector.load %arg12[%swap3A_89, %swap3A_90] : memref<8x128xf32, #tpu.memory_space<vmem>>, vector<8x128xf32>
      tpu.vector_store %arg12[%swap3A_89, %swap3A_90], %add3A_88 {strides = array<i32>} : memref<8x128xf32, #tpu.memory_space<vmem>>, vector<8x128xf32>,
      %broadcast_in_dim3A_92 = arith.constant 0.000000e+00 : f32
      %broadcast_in_dim3A_93 = vector.broadcast %broadcast_in_dim3A_92 : f32 to vector<2000x64xf32>
      %swap3A_94 = arith.constant 0 : index
      %swap3A_95 = arith.constant 0 : index
      %swap3A_96 = vector.load %arg10[%swap3A_94, %swap3A_95] : memref<2000x64xf32, #tpu.memory_space<vmem>>, vector<2000x64xf32>
      tpu.vector_store %arg10[%swap3A_94, %swap3A_95], %broadcast_in_dim3A_93 {strides = array<i32>} : memref<2000x64xf32, #tpu.memory_space<vmem>>, vector<2000x64xf32>,
    } else {
    }
    %eq3A_2 = arith.constant 1 : i32
    %eq3A_3 = arith.cmpi eq, %arg0, %eq3A_2 : i32
    %convert_element_type3A_4 = arith.extui %eq3A_3 : i1 to i32
    %cond3A_5 = arith.constant 0 : i32
    %cond3A_6 = arith.cmpi ne, %convert_element_type3A_4, %cond3A_5 : i32
    scf.if %cond3A_6 {
      %mul3A = arith.constant 2000 : i32
      %mul3A_7 = arith.muli %arg1, %mul3A : i32
      %get3A = arith.index_cast %mul3A_7 : i32 to index
      %get3A_8 = arith.constant 0 : index
      %get3A_9 = vector.load %arg11[%get3A, %get3A_8] : memref<10000x128xf32, #tpu.memory_space<vmem>>, vector<2000x128xf32>
      %get3A_10 = arith.constant 0 : index
      %get3A_11 = arith.constant 0 : index
      %get3A_12 = vector.load %arg12[%get3A_10, %get3A_11] : memref<8x128xf32, #tpu.memory_space<vmem>>, vector<1x128xf32>
      %div3A = arith.constant 1.000000e+04 : f32
      %div3A_13 = vector.broadcast %div3A : f32 to vector<1x128xf32>
      %div3A_14 = arith.divf %get3A_12, %div3A_13 : vector<1x128xf32>
      %get3A_15 = arith.constant 1 : index
      %get3A_16 = arith.constant 0 : index
      %get3A_17 = vector.load %arg12[%get3A_15, %get3A_16] : memref<8x128xf32, #tpu.memory_space<vmem>>, vector<1x128xf32>
      %div3A_18 = arith.constant 1.000000e+04 : f32
      %div3A_19 = vector.broadcast %div3A_18 : f32 to vector<1x128xf32>
      %div3A_20 = arith.divf %get3A_17, %div3A_19 : vector<1x128xf32>
      %mul3A_21 = arith.mulf %div3A_14, %div3A_14 : vector<1x128xf32>
      %sub3A = arith.subf %div3A_20, %mul3A_21 : vector<1x128xf32>
      %get3A_22 = arith.constant 0 : index
      %get3A_23 = arith.constant 0 : index
      %get3A_24 = vector.load %arg7[%get3A_22, %get3A_23] : memref<8x128xf32, #tpu.memory_space<vmem>>, vector<1x128xf32>
      %sub3A_25 = vector.broadcast %div3A_14 : vector<1x128xf32> to vector<2000x128xf32>
      %sub3A_26 = arith.subf %get3A_9, %sub3A_25 : vector<2000x128xf32>
      %mul3A_27 = vector.broadcast %get3A_24 : vector<1x128xf32> to vector<2000x128xf32>
      %mul3A_28 = arith.mulf %mul3A_27, %sub3A_26 : vector<2000x128xf32>
      %add3A = arith.constant 9.99999974E-6 : f32
      %add3A_29 = vector.broadcast %add3A : f32 to vector<1x128xf32>
      %add3A_30 = arith.addf %sub3A, %add3A_29 : vector<1x128xf32>
      %rsqrt3A = math.rsqrt %add3A_30 : vector<1x128xf32>
      %mul3A_31 = vector.broadcast %rsqrt3A : vector<1x128xf32> to vector<2000x128xf32>
      %mul3A_32 = arith.mulf %mul3A_28, %mul3A_31 : vector<2000x128xf32>
      %get3A_33 = arith.constant 0 : index
      %get3A_34 = arith.constant 0 : index
      %get3A_35 = vector.load %arg8[%get3A_33, %get3A_34] : memref<8x128xf32, #tpu.memory_space<vmem>>, vector<1x128xf32>
      %add3A_36 = vector.broadcast %get3A_35 : vector<1x128xf32> to vector<2000x128xf32>
      %add3A_37 = arith.addf %mul3A_32, %add3A_36 : vector<2000x128xf32>
      %max3A = arith.constant 0.000000e+00 : f32
      %max3A_38 = vector.broadcast %max3A : f32 to vector<2000x128xf32>
      %max3A_39 = arith.maximumf %add3A_37, %max3A_38 : vector<2000x128xf32>
      %get3A_40 = arith.constant 0 : index
      %get3A_41 = arith.constant 0 : index
      %get3A_42 = arith.constant 0 : index
      %get3A_43 = vector.load %arg5[%get3A_40, %get3A_41, %get3A_42] : memref<2x2000x16xf32, #tpu.memory_space<vmem>>, vector<1x2000x1xf32>
      %get3A_44 = vector.shape_cast %get3A_43 : vector<1x2000x1xf32> to vector<2000x1xf32>
      %get3A_45 = arith.constant 1 : index
      %get3A_46 = arith.constant 0 : index
      %get3A_47 = arith.constant 0 : index
      %get3A_48 = vector.load %arg5[%get3A_45, %get3A_46, %get3A_47] : memref<2x2000x16xf32, #tpu.memory_space<vmem>>, vector<1x2000x1xf32>
      %get3A_49 = vector.shape_cast %get3A_48 : vector<1x2000x1xf32> to vector<2000x1xf32>
      %add3A_50 = arith.addf %get3A_44, %get3A_49 : vector<2000x1xf32>
      %add3A_51 = arith.constant 1.000000e+00 : f32
      %add3A_52 = vector.broadcast %add3A_51 : f32 to vector<2000x1xf32>
      %add3A_53 = arith.addf %add3A_50, %add3A_52 : vector<2000x1xf32>
      %max3A_54 = arith.constant 1.000000e+00 : f32
      %max3A_55 = vector.broadcast %max3A_54 : f32 to vector<2000x1xf32>
      %max3A_56 = arith.maximumf %add3A_53, %max3A_55 : vector<2000x1xf32>
      %rsqrt3A_57 = math.rsqrt %max3A_56 : vector<2000x1xf32>
      %get3A_58 = arith.constant 0 : index
      %get3A_59 = arith.constant 0 : index
      %get3A_60 = vector.load %arg9[%get3A_58, %get3A_59] : memref<128x64xf32, #tpu.memory_space<vmem>>, vector<128x64xf32>
      %dot_general3A = arith.constant dense<0.000000e+00> : vector<2000x64xf32>
      %dot_general3A_61 = tpu.matmul %max3A_39, %get3A_60, %dot_general3A {dimension_numbers = #tpu.dot_dimension_numbers<[1], [0], [0], [1], [0, 0, 1, 1], [], []>, transpose_lhs_hint = false} : vector<2000x128xf32>, vector<128x64xf32>, vector<2000x64xf32> -> vector<2000x64xf32>
      %mul3A_62 = vector.broadcast %rsqrt3A_57 : vector<2000x1xf32> to vector<2000x64xf32>
      %mul3A_63 = arith.mulf %dot_general3A_61, %mul3A_62 : vector<2000x64xf32>
      %swap3A = arith.constant 0 : index
      %swap3A_64 = arith.constant 0 : index
      %swap3A_65 = vector.load %arg10[%swap3A, %swap3A_64] : memref<2000x64xf32, #tpu.memory_space<vmem>>, vector<2000x64xf32>
      tpu.vector_store %arg10[%swap3A, %swap3A_64], %mul3A_63 {strides = array<i32>} : memref<2000x64xf32, #tpu.memory_space<vmem>>, vector<2000x64xf32>,
    } else {
    }
    return
  }
  func.func @transform_0(%arg0: i32, %arg1: i32) -> (i32, i32, i32, i32) {
    %eq3A = arith.constant 0 : i32
    %eq3A_0 = arith.cmpi eq, %arg0, %eq3A : i32
    %jit3A = arith.constant 0 : i32
    %select_n3A = arith.select %eq3A_0, %arg1, %jit3A : i32
    %c0_i32 = arith.constant 0 : i32
    %c0_i32_1 = arith.constant 0 : i32
    %c0_i32_2 = arith.constant 0 : i32
    %c0_i32_3 = arith.constant 0 : i32
    return %c0_i32, %c0_i32_1, %select_n3A, %c0_i32_2 : i32, i32, i32, i32
  }
  func.func @transform_1(%arg0: i32, %arg1: i32) -> (i32, i32) {
    %eq3A = arith.constant 0 : i32
    %eq3A_0 = arith.cmpi eq, %arg0, %eq3A : i32
    %jit3A = arith.constant 0 : i32
    %select_n3A = arith.select %eq3A_0, %arg1, %jit3A : i32
    %c0_i32 = arith.constant 0 : i32
    %c0_i32_1 = arith.constant 0 : i32
    return %select_n3A, %c0_i32 : i32, i32
  }
  func.func @transform_2(%arg0: i32, %arg1: i32) -> (i32, i32) {
    %eq3A = arith.constant 0 : i32
    %eq3A_0 = arith.cmpi eq, %arg0, %eq3A : i32
    %jit3A = arith.constant 0 : i32
    %select_n3A = arith.select %eq3A_0, %arg1, %jit3A : i32
    %c0_i32 = arith.constant 0 : i32
    %c0_i32_1 = arith.constant 0 : i32
    return %select_n3A, %c0_i32 : i32, i32
  }
  func.func @transform_3(%arg0: i32, %arg1: i32) -> (i32, i32, i32) {
    %c0_i32 = arith.constant 0 : i32
    %c0_i32_0 = arith.constant 0 : i32
    %c0_i32_1 = arith.constant 0 : i32
    return %c0_i32, %arg1, %c0_i32_0 : i32, i32, i32
  }
  func.func @transform_4(%arg0: i32, %arg1: i32) -> (i32, i32) {
    %c0_i32 = arith.constant 0 : i32
    %c0_i32_0 = arith.constant 0 : i32
    %c0_i32_1 = arith.constant 0 : i32
    return %c0_i32, %c0_i32_0 : i32, i32
  }
  func.func @transform_5(%arg0: i32, %arg1: i32) -> (i32, i32) {
    %c0_i32 = arith.constant 0 : i32
    %c0_i32_0 = arith.constant 0 : i32
    %c0_i32_1 = arith.constant 0 : i32
    return %c0_i32, %c0_i32_0 : i32, i32
  }
  func.func @transform_6(%arg0: i32, %arg1: i32) -> (i32, i32) {
    %c0_i32 = arith.constant 0 : i32
    %c0_i32_0 = arith.constant 0 : i32
    %c0_i32_1 = arith.constant 0 : i32
    return %c0_i32, %c0_i32_0 : i32, i32
  }
  func.func @transform_7(%arg0: i32, %arg1: i32) -> (i32, i32) {
    %c0_i32 = arith.constant 0 : i32
    %c0_i32_0 = arith.constant 0 : i32
    %c0_i32_1 = arith.constant 0 : i32
    return %c0_i32, %c0_i32_0 : i32, i32
  }
  func.func @transform_8(%arg0: i32, %arg1: i32) -> (i32, i32) {
    %eq3A = arith.constant 1 : i32
    %eq3A_0 = arith.cmpi eq, %arg0, %eq3A : i32
    %jit3A = arith.constant 0 : i32
    %select_n3A = arith.select %eq3A_0, %arg1, %jit3A : i32
    %c0_i32 = arith.constant 0 : i32
    %c0_i32_1 = arith.constant 0 : i32
    return %select_n3A, %c0_i32 : i32, i32
  }
}

module attributes {stable_mosaic.version = 14 : i64} {
  func.func @_tc_final_body(%arg0: i32, %arg1: memref<1x2x2000x64xf32, #tpu.memory_space<vmem>>, %arg2: memref<2000x64xf32, #tpu.memory_space<vmem>>, %arg3: memref<2x2000x16xf32, #tpu.memory_space<vmem>>, %arg4: memref<8x64xf32, #tpu.memory_space<vmem>>, %arg5: memref<2000x64xf32, #tpu.memory_space<vmem>>) attributes {dimension_semantics = [#tpu.dimension_semantics<arbitrary>], iteration_bounds = array<i64: 5>, scalar_prefetch = 0 : i64, scratch_operands = 0 : i64, tpu.core_type = #tpu.core_type<tc>, window_params = [{transform_indices = @transform_0, window_bounds = array<i64: 1, 2, 2000, 64>}, {transform_indices = @transform_1, window_bounds = array<i64: 2000, 64>}, {transform_indices = @transform_2, window_bounds = array<i64: 2, 2000, 16>}, {pipeline_mode = #tpu.pipeline_mode<synchronous>, transform_indices = @transform_3, window_bounds = array<i64: 8, 64>}, {transform_indices = @transform_4, window_bounds = array<i64: 2000, 64>}]} {
    %get3A = arith.constant 0 : index
    %get3A_0 = arith.constant 0 : index
    %get3A_1 = arith.constant 0 : index
    %get3A_2 = vector.load %arg3[%get3A, %get3A_0, %get3A_1] : memref<2x2000x16xf32, #tpu.memory_space<vmem>>, vector<1x2000x1xf32>
    %get3A_3 = vector.shape_cast %get3A_2 : vector<1x2000x1xf32> to vector<2000x1xf32>
    %get3A_4 = arith.constant 1 : index
    %get3A_5 = arith.constant 0 : index
    %get3A_6 = arith.constant 0 : index
    %get3A_7 = vector.load %arg3[%get3A_4, %get3A_5, %get3A_6] : memref<2x2000x16xf32, #tpu.memory_space<vmem>>, vector<1x2000x1xf32>
    %get3A_8 = vector.shape_cast %get3A_7 : vector<1x2000x1xf32> to vector<2000x1xf32>
    %add3A = arith.addf %get3A_3, %get3A_8 : vector<2000x1xf32>
    %add3A_9 = arith.constant 1.000000e+00 : f32
    %add3A_10 = vector.broadcast %add3A_9 : f32 to vector<2000x1xf32>
    %add3A_11 = arith.addf %add3A, %add3A_10 : vector<2000x1xf32>
    %max3A = arith.constant 1.000000e+00 : f32
    %max3A_12 = vector.broadcast %max3A : f32 to vector<2000x1xf32>
    %max3A_13 = arith.maximumf %add3A_11, %max3A_12 : vector<2000x1xf32>
    %rsqrt3A = math.rsqrt %max3A_13 : vector<2000x1xf32>
    %get3A_14 = arith.constant 0 : index
    %get3A_15 = arith.constant 0 : index
    %get3A_16 = arith.constant 0 : index
    %get3A_17 = arith.constant 0 : index
    %get3A_18 = vector.load %arg1[%get3A_14, %get3A_15, %get3A_16, %get3A_17] : memref<1x2x2000x64xf32, #tpu.memory_space<vmem>>, vector<1x1x2000x64xf32>
    %get3A_19 = vector.shape_cast %get3A_18 : vector<1x1x2000x64xf32> to vector<2000x64xf32>
    %get3A_20 = arith.constant 0 : index
    %get3A_21 = arith.constant 1 : index
    %get3A_22 = arith.constant 0 : index
    %get3A_23 = arith.constant 0 : index
    %get3A_24 = vector.load %arg1[%get3A_20, %get3A_21, %get3A_22, %get3A_23] : memref<1x2x2000x64xf32, #tpu.memory_space<vmem>>, vector<1x1x2000x64xf32>
    %get3A_25 = vector.shape_cast %get3A_24 : vector<1x1x2000x64xf32> to vector<2000x64xf32>
    %add3A_26 = arith.addf %get3A_19, %get3A_25 : vector<2000x64xf32>
    %get3A_27 = arith.constant 0 : index
    %get3A_28 = arith.constant 0 : index
    %get3A_29 = vector.load %arg2[%get3A_27, %get3A_28] : memref<2000x64xf32, #tpu.memory_space<vmem>>, vector<2000x64xf32>
    %add3A_30 = arith.addf %add3A_26, %get3A_29 : vector<2000x64xf32>
    %mul3A = vector.broadcast %rsqrt3A : vector<2000x1xf32> to vector<2000x64xf32>
    %mul3A_31 = arith.mulf %add3A_30, %mul3A : vector<2000x64xf32>
    %get3A_32 = arith.constant 0 : index
    %get3A_33 = arith.constant 0 : index
    %get3A_34 = vector.load %arg4[%get3A_32, %get3A_33] : memref<8x64xf32, #tpu.memory_space<vmem>>, vector<1x64xf32>
    %add3A_35 = vector.broadcast %get3A_34 : vector<1x64xf32> to vector<2000x64xf32>
    %add3A_36 = arith.addf %mul3A_31, %add3A_35 : vector<2000x64xf32>
    %swap3A = arith.constant 0 : index
    %swap3A_37 = arith.constant 0 : index
    %swap3A_38 = vector.load %arg5[%swap3A, %swap3A_37] : memref<2000x64xf32, #tpu.memory_space<vmem>>, vector<2000x64xf32>
    tpu.vector_store %arg5[%swap3A, %swap3A_37], %add3A_36 {strides = array<i32>} : memref<2000x64xf32, #tpu.memory_space<vmem>>, vector<2000x64xf32>,
    return
  }
  func.func @transform_0(%arg0: i32) -> (i32, i32, i32, i32) {
    %c0_i32 = arith.constant 0 : i32
    %c0_i32_0 = arith.constant 0 : i32
    %c0_i32_1 = arith.constant 0 : i32
    %c0_i32_2 = arith.constant 0 : i32
    return %c0_i32, %c0_i32_0, %arg0, %c0_i32_1 : i32, i32, i32, i32
  }
  func.func @transform_1(%arg0: i32) -> (i32, i32) {
    %c0_i32 = arith.constant 0 : i32
    %c0_i32_0 = arith.constant 0 : i32
    return %arg0, %c0_i32 : i32, i32
  }
  func.func @transform_2(%arg0: i32) -> (i32, i32, i32) {
    %c0_i32 = arith.constant 0 : i32
    %c0_i32_0 = arith.constant 0 : i32
    %c0_i32_1 = arith.constant 0 : i32
    return %c0_i32, %arg0, %c0_i32_0 : i32, i32, i32
  }
  func.func @transform_3(%arg0: i32) -> (i32, i32) {
    %c0_i32 = arith.constant 0 : i32
    %c0_i32_0 = arith.constant 0 : i32
    %c0_i32_1 = arith.constant 0 : i32
    return %c0_i32, %c0_i32_0 : i32, i32
  }
  func.func @transform_4(%arg0: i32) -> (i32, i32) {
    %c0_i32 = arith.constant 0 : i32
    %c0_i32_0 = arith.constant 0 : i32
    return %arg0, %c0_i32 : i32, i32
  }
}

</mosaic_0001>

<sc_bundles>
// kernel: kernel.10.cloned.1.call-start
scs
__scs_entry_jumppad:
0x0: {  	(pc) =	sbr.rel $0x88, $3  }
0x1: {  	(tag) =	ssettag $0x0;
	lr =	simm.s32 $0x1  }
0x2: {  	[smem:$0x3F95] =	sst lr;
	_ =	strace $0xD0000000  }
0x3: {  	_ = 	snop  }
0x4: {  	_ = 	snop  }
0x5: {  	_ = 	snop  }
0x6: {  	_ = 	snop  }
0x7: {  	_ = 	snop  }
__scs_overlays_trampoline_lowered:
0x8: {  	[smem:$0x3FA4] =	sst s0  }
0x9: {  	[smem:$0x3FA5] =	sst s1  }
0xa: {  	[smem:$0x3FA6] =	sst s2  }
0xb: {  	[smem:$0x3FA7] =	sst s3  }
0xc: {  	[smem:$0x3FA8] =	sst s4  }
0xd: {  	[smem:$0x3FA9] =	sst s5  }
0xe: {  	[smem:$0x3FAA] =	sst s6  }
0xf: {  	[smem:$0x3FAB] =	sst s7  }
0x10: {  	[smem:$0x3FAC] =	sst s8  }
0x11: {  	[smem:$0x3FAD] =	sst s9;
	s0 =	simm.s32 @!p0 $0x0  }
0x12: {  	s1 =	sld [smem:$0x3F93];
	s0 =	simm.s32 @p0 $0x1  }
0x13: {  	[smem:$0x3FAE] =	sst s0;
	s0 =	simm.s32 @!p1 $0x0  }
0x14: {  	s2 =	sld [smem:$0x3F92];
	s0 =	simm.s32 @p1 $0x1  }
0x15: {  	[smem:$0x3FAF] =	sst s0;
	s0 =	simm.s32 @!p2 $0x0  }
0x16: {  	s3 =	sld [smem:$0x3FDB];
	s0 =	simm.s32 @p2 $0x1  }
0x17: {  	s4 =	simm.s32 $0x1BF5;
	[smem:$0x3FB1] =	sst s0  }
0x18: {  	s0 =	sld [smem:$0x3F94];
	_ =	swait.ge [sflag:s4], $0x0  }
0x19: {  	s7 =	sld [smem:$0x3F95]  }
0x1a: {  	s8 =	sadd.s32 $0xFFFFE003, lr  }
0x1b: {  	s9 =	sadd.s32 $0xFFFFFEF7, lr;
	s5 =	simm.s32 $0xFFFFFFFF;
	p2 =	slt.u32 s8, $0xFFFFF086  }
0x1c: {  	p1 =	slt.u32 s9, $0xF7A;
	s5 =	simm.s32 @!p2 $0x0  }
0x1d: {  	s5 =	simm.s32 @p1 $0x1;
	p0 =	seq.s32 s7, s2  }
0x1e: {  	s7 =	smul.u32 @!p0 $0xF7A, s2;
	p2 =	seq.s32 @!p0 s5, $0x0  }
0x1f: {  	s9 =	smul.u32 $0xF7A, s1;
	s8 =	simm.s32 @!p0 $0x1BF5;
	p2 =	por !p2, p0  }
0x20: {  	[sflag:s8] =	ssyncset.s32 @!p0 $0xFFFFF086;
	s6 =	sadd.s32 @!p0 s3, s7;
	s7 =	simm.s32 @!p0 $0x108  }
0x21: {  	s3 =	sadd.s32 s3, s9;
	s6 =	sadd.s32 @!p0 $0x88, s6;
	s7 =	simm.s32 @p2 $0x1082  }
0x22: {  	[simem:s7], [sflag:s8] =	dma.local @!p0 [hbm:s6], $0xF7A  }
0x23: {  	s9 =	sor.u32 $0xD0000000, s2;
	s6 =	simm.s32 $0x108;
	_ =	swait.ge @!p0 [sflag:s8], $0x0  }
0x24: {  	s3 =	sadd.s32 $0x88, s3;
	s6 =	simm.s32 @!p1 $0x1082;
	[sflag:s4] =	ssyncset.s32 $0xFFFFF086  }
0x25: {  	[simem:s6], [sflag:s4] =	dma.local [hbm:s3], $0xF7A  }
0x26: {  	[smem:$0x3F95] =	sst s1;
	(tag) =	ssettag s2;
	_ =	strace s9  }
0x27: {  	s1 =	sld [smem:$0x3FA5]  }
0x28: {  	s2 =	sld [smem:$0x3FA6]  }
0x29: {  	s4 =	sld [smem:$0x3FA8]  }
0x2a: {  	p0 =	seq.s32 s5, $0x0;
	s5 =	sld [smem:$0x3FA9]  }
0x2b: {  	s6 =	sld [smem:$0x3FAA]  }
0x2c: {  	s7 =	sld [smem:$0x3FAB]  }
0x2d: {  	s3 =	simm.s32 $0x108;
	s8 =	sld [smem:$0x3FAC]  }
0x2e: {  	s3 =	simm.s32 @!p0 $0x1082;
	s9 =	sld [smem:$0x3FAD]  }
0x2f: {  	lr =	sadd.s32 s0, s3;
	s0 =	sld [smem:$0x3FA4]  }
0x30: {  	s3 =	sld [smem:$0x3FA7]  }
0x31: {  	[smem:$0x3FB0] =	sst s10  }
0x32: {  	s10 =	sld [smem:$0x3FAE];
	_ =	sdelay $0x3  }
0x33: {  	p0 =	seq.s32 s10, $0x1;
	s10 =	sld [smem:$0x3FB0];
	_ =	sdelay $0x3  }
0x34: {  	[smem:$0x3FB0] =	sst s10  }
0x35: {  	s10 =	sld [smem:$0x3FAF];
	_ =	sdelay $0x3  }
0x36: {  	p1 =	seq.s32 s10, $0x1;
	s10 =	sld [smem:$0x3FB0];
	_ =	sdelay $0x3  }
0x37: {  	[smem:$0x3FB0] =	sst s10  }
0x38: {  	s10 =	sld [smem:$0x3FB1]  }
0x39: {  	_ = 	snop;
	(pc) =	sbr.ind lr, $3  }
0x3a: {  	_ = 	snop  }
0x3b: {  	_ = 	snop  }
0x3c: {  	p2 =	seq.s32 s10, $0x1;
	s10 =	sld [smem:$0x3FB0]  }
0x3d: {  	_ =	shalt  }
0x3e: {  	_ =	shalt  }
0x3f: {  	_ =	shalt  }
0x40: {  	_ =	shalt  }
0x41: {  	_ =	shalt  }
0x42: {  	_ =	shalt  }
0x43: {  	_ =	shalt  }
0x44: {  	_ =	shalt  }
0x45: {  	_ =	shalt  }
0x46: {  	_ =	shalt  }
0x47: {  	_ =	shalt  }
0x48: {  	_ =	shalt  }
0x49: {  	_ =	shalt  }
0x4a: {  	_ =	shalt  }
0x4b: {  	_ =	shalt  }
0x4c: {  	_ =	shalt  }
0x4d: {  	_ =	shalt  }
0x4e: {  	_ =	shalt  }
0x4f: {  	_ =	shalt  }
0x50: {  	_ =	shalt  }
0x51: {  	_ =	shalt  }
0x52: {  	_ =	shalt  }
0x53: {  	_ =	shalt  }
0x54: {  	_ =	shalt  }
0x55: {  	_ =	shalt  }
0x56: {  	_ =	shalt  }
0x57: {  	_ =	shalt  }
0x58: {  	_ =	shalt  }
0x59: {  	_ =	shalt  }
0x5a: {  	_ =	shalt  }
0x5b: {  	_ =	shalt  }
0x5c: {  	_ =	shalt  }
0x5d: {  	_ =	shalt  }
0x5e: {  	_ =	shalt  }
0x5f: {  	_ =	shalt  }
0x60: {  	_ =	shalt  }
0x61: {  	_ =	shalt  }
0x62: {  	_ =	shalt  }
0x63: {  	_ =	shalt  }
0x64: {  	_ =	shalt  }
0x65: {  	_ =	shalt  }
0x66: {  	_ =	shalt  }
0x67: {  	_ =	shalt  }
0x68: {  	_ =	shalt  }
0x69: {  	_ =	shalt  }
0x6a: {  	_ =	shalt  }
0x6b: {  	_ =	shalt  }
0x6c: {  	_ =	shalt  }
0x6d: {  	_ =	shalt  }
0x6e: {  	_ =	shalt  }
0x6f: {  	_ =	shalt  }
0x70: {  	_ =	shalt  }
0x71: {  	_ =	shalt  }
0x72: {  	_ =	shalt  }
0x73: {  	_ =	shalt  }
0x74: {  	_ =	shalt  }
0x75: {  	_ =	shalt  }
0x76: {  	_ =	shalt  }
0x77: {  	_ =	shalt  }
0x78: {  	_ =	shalt  }
0x79: {  	_ =	shalt  }
0x7a: {  	_ =	shalt  }
0x7b: {  	_ =	shalt  }
0x7c: {  	_ =	shalt  }
0x7d: {  	_ =	shalt  }
0x7e: {  	_ =	shalt  }
0x7f: {  	_ =	shalt  }
0x80: {  	_ =	shalt  }
0x81: {  	_ =	shalt  }
0x82: {  	_ =	shalt  }
0x83: {  	_ =	shalt  }
0x84: {  	_ =	shalt  }
0x85: {  	_ =	shalt  }
0x86: {  	_ =	shalt  }
0x87: {  	_ =	shalt  }
.Lfunc_end0:
.L_simem_size_0:
called_computation_lowered:
.L_overlay_start_0:
0x88: {  	s2 =	sld [smem:$0x3FD9]  }
0x89: {  	s3 =	sld [smem:$0x3FFE];
	_ =	sdelay $0x1  }
0x8a: {  	s1 =	srdreg.scid  }
0x8b: {  	s0 =	sand.u32 $0x1, s1  }
0x8c: {  	s17 =	sshll.u32 s0, $0xA;
	s2 =	sadd.s32 s3, s2  }
0x8d: {  	s2 =	sadd.s32 s2, s17  }
0x8e: {  	[smem:$0x3FBC] =	sst s2  }
0x8f: {  	_ = 	snop  }
0x90: {  	s2 =	sld [smem:$0x3FD0];
	(tm) =	ssettm $0x1  }
0x91: {  	s18 =	sld [smem:$0x3FFB];
	_ =	sdelay $0x3  }
0x92: {  	_ =	strace s18  }
0x93: {  	s3 =	sld [smem:$0x3FFC];
	_ =	sdelay $0x3  }
0x94: {  	_ =	strace s3  }
0x95: {  	s3 =	sld [smem:$0x3FFD];
	_ =	sdelay $0x3  }
0x96: {  	_ =	strace s3  }
0x97: {  	_ =	strace $0x8FFFFFFF  }
0x98: {  	s19 =	sld [smem:$0x3FDB];
	_ =	sdelay $0x1  }
0x99: {  	s4 =	simm.s32 $_scs_section_size  }
0x9a: {  	s5 =	simm.s32 $_size__tile_overlayer_lowered;
	s6 =	simm.s32 $_tile_overlayer_lowered  }
0x9b: {  	s22 =	simm.s32 $0x1BFF;
	s21 =	sshll.u32 s6, $0x1;
	s3 =	sadd.s32 s4, s19  }
0x9c: {  	s7 =	simm.s32 $0x0;
	s20 =	sshll.u32 s5, $0x1;
	s5 =	sadd.s32 s21, s3  }
0x9d: {  	[timem:s7], [sflag:s22] =	dma.local [hbm:s5], s20  }
0x9e: {  	_ =	swait.ge [sflag:s22], s20  }
0x9f: {  	s4 =	ssub.s32 $0x0, s20;
	[sflag:s22] =	ssyncset.done $0x0  }
0xa0: {  	[sflag:s22] =	ssyncadd.s32 s4;
	_ =	sdelay $0x1  }
0xa1: {  	s23 =	simm.s32 $0x1B8B  }
0xa2: {  	_ =	swait.ge [sflag:s23], $0x1  }
0xa3: {  	[sflag:s23] =	ssyncset.done $0x0  }
0xa4: {  	s25 =	simm.s32 $0x1B8E;
	s24 =	sld [smem:$0x3FFE];
	[sflag:s23] =	ssyncadd.s32 $0xFFFFFFFF  }
0xa5: {  	s26 =	simm.s32 $execute0_lowered;
	[smem:$0x3FD2] =	sst s25  }
0xa6: {  	s5 =	sshll.u32 s26, $0x1;
	_ =	strace $0x80000046;
	[dreg:$0x1] =	wrdreg $0xFFFFFFFF  }
0xa7: {  	s28 =	simm.s32 $_size_execute0_lowered;
	s3 =	sadd.s32 s3, s5;
	[dreg:$0x0] =	wrdreg $0x0  }
0xa8: {  	s5 =	sshll.u32 s28, $0x1;
	[dreg:$0x2] =	wrdreg s3  }
0xa9: {  	[dreg:$0x3] =	wrdreg s5  }
0xaa: {  	[dreg:$0x4] =	wrdreg $0xC0  }
0xab: {  	_ =	task [dreg:s7], $0x5FFFF  }
0xac: {  	[dreg:$0x1] =	wrdreg $0xFFFFFFFF  }
0xad: {  	[dreg:$0x0] =	wrdreg $0x60  }
0xae: {  	[dreg:$0x2] =	wrdreg s2  }
0xaf: {  	[dreg:$0x3] =	wrdreg s24  }
0xb0: {  	[dreg:$0x4] =	wrdreg $0x30000  }
0xb1: {  	[dreg:$0x5] =	wrdreg $0x9  }
0xb2: {  	_ =	task.clear_ibuf [dreg:s7], $0x6FFFF;
	_ =	strace $0x90000046  }
0xb3: {  	s29 =	simm.s32 $0x9;
	_ =	strace $0x80000048  }
0xb4: {  	_ =	swait.ge [sflag:s29], $0x1  }
0xb5: {  	[sflag:s29] =	ssyncadd.s32 $0xFFFFFFFF  }
0xb6: {  	_ =	strace $0x90000048  }
0xb7: {  	_ =	sfence  }
0xb8: {  	s30 =	sld [smem:$0x0];
	_ =	sdelay $0x2  }
0xb9: {  	s31 =	sshll.u32 s1, $0xD;
	s1 =	sshrl.u32 s1, $0x2  }
0xba: {  	s3 =	sand.u32 $0x4000, s31;
	s1 =	sadd.s32 s1, s30  }
0xbb: {  	s0 =	sor.u32 s3, s0;
	s1 =	sshll.u32 s1, $0x11  }
0xbc: {  	s0 =	sor.u32 s1, s0  }
0xbd: {  	s0 =	sadd.s32 $0x8F2B, s0  }
0xbe: {  	[sflag:s0] =	ssyncadd.remote.s32 $0x1  }
0xbf: {  	_ =	sfence.sel $0xFFFF  }
0xc0: {  	[dreg:$0x0] =	wrdreg $0xFFFFFFFF;
	(pc) =	sbr.abs _section_cstart, $3  }
0xc1: {  	[dreg:$0x1] =	wrdreg $0xFFFFFFFF  }
0xc2: {  	_ =	task.clear_ibuf [dreg:s7], $0x2FFFF;
	_ =	strace $0x9FFFFFFF  }
0xc3: {  	(tm) =	ssettm $0x7FFFFFFF  }
tec
execute0_lowered:
.L_overlay_start_1:
0x0: {  	(tag) =	ssettag $0x1  }
0x1: {  	s7 =	rddreg [dreg:$0x0]  }
0x2: {  	s6 =	rddreg [dreg:$0x1]  }
0x3: {  	s2 =	rddreg [dreg:$0x2]  }
0x4: {  	s0 =	rddreg [dreg:$0x3]  }
0x5: {  	s3 =	srdreg.scid;
	s1 =	stileid.u32;
	s14 =	simm.s32 $0x80  }
0x6: {  	s15 =	simm.s32 $0x0;
	s8 =	sand.u32 $0x1, s3;
	s9 =	smul.u32 $0x2780, s1  }
0x7: {  	s4 =	sshll.u32 s1, $0x1;
	s3 =	simm.s32 $0x0;
	s31 =	sshll.u32 s1, $0x6  }
0x8: {  	s10 =	smul.u32 $0x27800, s8;
	s5 =	sor.u32 s8, s4;
	[smem:$0x7FF] =	sst s3  }
0x9: {  	s4 =	sadd.s32 $0x3600, s6;
	s8 =	ssub.s32 $0x2, s8;
	s11 =	smul.u32 $0x50, s5  }
0xa: {  	_ =	strace $0x80000047;
	s12 =	smul.u32 $0x4C, s5;
	p0 =	slt.u32 s5, $0xF  }
0xb: {  	s5 =	sadd.s32 $0x3000, s6;
	s28 =	sshrl.u32 s8, $0x1;
	s13 =	sadd.s32 s9, s2  }
0xc: {  	s10 =	sadd.s32 s9, s10;
	s29 =	ssub.s32 s8, s28;
	s11 =	sadd.s32 $0xFFFFFFC4, s11  }
0xd: {  	s13 =	sshrl.u32 s13, $0x3;
	s10 =	sshrl.u32 s10, $0x3;
	s11 =	smov.u32 @p0 s12  }
0xe: {  	s9 =	smax.u32 s29, $0x1;
	s10 =	sadd.s32 s10, s6;
	s11 =	sshll.u32 s11, $0x7  }
0xf: {  	s6 =	simm.s32 $0x4C;
	s12 =	sor.u32 $0x1C01, s31;
	s11 =	sadd.s32 $0x4E200, s11  }
0x10: {  	s6 =	simm.s32 @!p0 $0x50;
	s8 =	sadd.s32 $0x3800, s10;
	s30 =	sshrl.u32 s11, $0x3  }
0x11: {  	s10 =	simm.s32 $0x1;
	s11 =	simm.s32 $0x2800;
	s7 =	sadd.s32 s7, s30  }
.LBB2_1:
0x12: {  	[tilespmem:s3], [sflag:$0x1] =	stream.linear.gather [hbm4b:s7+s3], $0x2800, $0x38;
	[tilespmem:$0x5780] =	vst v63  }
0x13: {  	_ =	swait.ge [sflag:s10], $0x2800  }
0x14: {  	[sflag:s10] =	ssyncset.done $0x0  }
0x15: {  	[sflag:s10] =	ssyncadd.s32 $0xFFFFD800  }
0x16: {  	[tilespmem:s11], [sflag:$0x1] =	stream.linear.gather [hbm4b:s4+s3], $0x800, $0x38;
	[tilespmem:$0x5780] =	vst v63  }
0x17: {  	_ =	swait.ge [sflag:s10], $0x800  }
0x18: {  	[sflag:s10] =	ssyncset.done $0x0  }
0x19: {  	[sflag:s10] =	ssyncadd.s32 $0xFFFFF800  }
0x1a: {  	[spmem:s13], [sflag:s12] =	dma.local [hbm:s5], $0x4F0  }
0x1b: {  	_ =	swait.ge [sflag:s10], $0x4F0  }
0x1c: {  	p0 =	sne.s32 s6, $0x1;
	[sflag:s10] =	ssyncset.done $0x0  }
.Ltmp0:
0x1d: {  	[sflag:s10] =	ssyncadd.s32 $0xFFFFFB10;
	(pc) =	sbr.rel @!p0 .LBB2_3-.Ltmp0, $4  }
0x1e: {  	[bflag:$0x0] =	sbarrier.arrive $0xFFFF  }
0x1f: {  	[spmem:s2] =	stream.indirect.scatter.add.f32 [tilespmem:s11], [sflag:$0x1], $0x10, s3, s14, $0xb8;
	[tilespmem:$0x5780] =	vst v63  }
0x20: {  	_ =	swait.ge [sflag:s10], $0x800  }
0x21: {  	s16 =	sadd.s32 $0xFFFFFFFF, s6;
	s17 =	simm.s32 $0x0;
	[sflag:s10] =	ssyncset.done $0x0  }
.LBB2_2:
0x22: {  	p0 =	sne.s32 s16, $0x1;
	[sflag:s10] =	ssyncadd.s32 $0xFFFFF800;
	s17 =	sadd.s32 $0x80, s17  }
.Ltmp1:
0x23: {  	s16 =	sadd.s32 $0xFFFFFFFF, s16;
	(pc) =	sbr.rel @p0 .LBB2_2-.Ltmp1, $4  }
0x24: {  	_ = 	snop  }
0x25: {  	[spmem:s2] =	stream.indirect.scatter.add.f32 [tilespmem:s11], [sflag:$0x1], $0x10, s17, s14, $0xb8;
	[tilespmem:$0x5780] =	vst v63  }
0x26: {  	_ =	swait.ge [sflag:s10], $0x800  }
0x27: {  	[sflag:s10] =	ssyncset.done $0x0  }
.LBB2_3:
0x28: {  	s15 =	sadd.s32 $0x1, s15  }
0x29: {  	[sflag:s10] =	ssyncadd.s32 $0xFFFFF800;
	p0 =	sne.s32 s15, s9  }
.Ltmp2:
0x2a: {  	[bflag:$0x0] =	sbarrier.arrive $0xFFFF;
	(pc) =	sbr.rel @p0 .LBB2_1-.Ltmp2, $4  }
0x2b: {  	[hbm:s8], [sflag:s12] =	dma.local [spmem:s13], $0x4F0  }
0x2c: {  	_ =	swait.ge [sflag:s10], $0x4F0  }
0x2d: {  	[sflag:s10] =	ssyncset.done $0x0  }
0x2e: {  	[sflag:s10] =	ssyncadd.s32 $0xFFFFFB10  }
0x2f: {  	_ =	sfence.sel $0x180000  }
0x30: {  	[bflag:$0x0] =	sbarrier.arrive $0xFFFF  }
0x31: {  	p0 =	sne.s32 s1, $0x0;
	_ =	strace $0x90000047  }
0x32: {  	s0 =	sadd.s32 @!p0 $0x100000, s0;
	[bflag:$0x2] =	sbarrier.arrive $0xFFFF  }
0x33: {  	[sflag:s0] =	ssyncadd.tile.s32 @!p0 $0x1;
	_ =	shalt  }
.Lfunc_end2:
_tile_overlayer_lowered:
.L_overlay_start_2:
0x34: {  	(tag) =	ssettag $0x2  }
0x35: {  	s0 =	rddreg [dreg:$0x0];
	s2 =	stileid.u32  }
0x36: {  	s1 =	rddreg [dreg:$0x1];
	p0 =	sne.s32 s2, $0x0  }
0x37: {  	s3 =	rddreg [dreg:$0x2];
	[bflag:$0x3] =	sbarrier.arrive $0xFFFF;
	s2 =	simm.s32 @!p0 $0x1C01  }
0x38: {  	[timem:s3], [sflag:s2] =	dma.local @!p0 [hbm:s0], s1  }
0x39: {  	s0 =	simm.s32 @!p0 $0x1  }
0x3a: {  	_ =	swait.ge @!p0 [sflag:s0], s1  }
0x3b: {  	s1 =	ssub.s32 @!p0 $0x0, s1;
	[sflag:s0] =	ssyncset.done @!p0 $0x0  }
0x3c: {  	[sflag:s0] =	ssyncadd.s32 @!p0 s1  }
0x3d: {  	[bflag:$0x3] =	sbarrier.arrive $0xFFFF  }
0x3e: {  	_ =	shalt  }

// kernel: kernel.13.cloned.1.call-start
scs
__scs_entry_jumppad:
0x0: {  	(pc) =	sbr.rel $0x88, $3  }
0x1: {  	(tag) =	ssettag $0x0;
	lr =	simm.s32 $0x1  }
0x2: {  	[smem:$0x3F95] =	sst lr;
	_ =	strace $0xD0000000  }
0x3: {  	_ = 	snop  }
0x4: {  	_ = 	snop  }
0x5: {  	_ = 	snop  }
0x6: {  	_ = 	snop  }
0x7: {  	_ = 	snop  }
__scs_overlays_trampoline_lowered:
0x8: {  	[smem:$0x3FA4] =	sst s0  }
0x9: {  	[smem:$0x3FA5] =	sst s1  }
0xa: {  	[smem:$0x3FA6] =	sst s2  }
0xb: {  	[smem:$0x3FA7] =	sst s3  }
0xc: {  	[smem:$0x3FA8] =	sst s4  }
0xd: {  	[smem:$0x3FA9] =	sst s5  }
0xe: {  	[smem:$0x3FAA] =	sst s6  }
0xf: {  	[smem:$0x3FAB] =	sst s7  }
0x10: {  	[smem:$0x3FAC] =	sst s8  }
0x11: {  	[smem:$0x3FAD] =	sst s9;
	s0 =	simm.s32 @!p0 $0x0  }
0x12: {  	s1 =	sld [smem:$0x3F93];
	s0 =	simm.s32 @p0 $0x1  }
0x13: {  	[smem:$0x3FAE] =	sst s0;
	s0 =	simm.s32 @!p1 $0x0  }
0x14: {  	s2 =	sld [smem:$0x3F92];
	s0 =	simm.s32 @p1 $0x1  }
0x15: {  	[smem:$0x3FAF] =	sst s0;
	s0 =	simm.s32 @!p2 $0x0  }
0x16: {  	s3 =	sld [smem:$0x3FDB];
	s0 =	simm.s32 @p2 $0x1  }
0x17: {  	s4 =	simm.s32 $0x1BF5;
	[smem:$0x3FB1] =	sst s0  }
0x18: {  	s0 =	sld [smem:$0x3F94];
	_ =	swait.ge [sflag:s4], $0x0  }
0x19: {  	s7 =	sld [smem:$0x3F95]  }
0x1a: {  	s8 =	sadd.s32 $0xFFFFE003, lr  }
0x1b: {  	s9 =	sadd.s32 $0xFFFFFEF7, lr;
	s5 =	simm.s32 $0xFFFFFFFF;
	p2 =	slt.u32 s8, $0xFFFFF086  }
0x1c: {  	p1 =	slt.u32 s9, $0xF7A;
	s5 =	simm.s32 @!p2 $0x0  }
0x1d: {  	s5 =	simm.s32 @p1 $0x1;
	p0 =	seq.s32 s7, s2  }
0x1e: {  	s7 =	smul.u32 @!p0 $0xF7A, s2;
	p2 =	seq.s32 @!p0 s5, $0x0  }
0x1f: {  	s9 =	smul.u32 $0xF7A, s1;
	s8 =	simm.s32 @!p0 $0x1BF5;
	p2 =	por !p2, p0  }
0x20: {  	[sflag:s8] =	ssyncset.s32 @!p0 $0xFFFFF086;
	s6 =	sadd.s32 @!p0 s3, s7;
	s7 =	simm.s32 @!p0 $0x108  }
0x21: {  	s3 =	sadd.s32 s3, s9;
	s6 =	sadd.s32 @!p0 $0x88, s6;
	s7 =	simm.s32 @p2 $0x1082  }
0x22: {  	[simem:s7], [sflag:s8] =	dma.local @!p0 [hbm:s6], $0xF7A  }
0x23: {  	s9 =	sor.u32 $0xD0000000, s2;
	s6 =	simm.s32 $0x108;
	_ =	swait.ge @!p0 [sflag:s8], $0x0  }
0x24: {  	s3 =	sadd.s32 $0x88, s3;
	s6 =	simm.s32 @!p1 $0x1082;
	[sflag:s4] =	ssyncset.s32 $0xFFFFF086  }
0x25: {  	[simem:s6], [sflag:s4] =	dma.local [hbm:s3], $0xF7A  }
0x26: {  	[smem:$0x3F95] =	sst s1;
	(tag) =	ssettag s2;
	_ =	strace s9  }
0x27: {  	s1 =	sld [smem:$0x3FA5]  }
0x28: {  	s2 =	sld [smem:$0x3FA6]  }
0x29: {  	s4 =	sld [smem:$0x3FA8]  }
0x2a: {  	p0 =	seq.s32 s5, $0x0;
	s5 =	sld [smem:$0x3FA9]  }
0x2b: {  	s6 =	sld [smem:$0x3FAA]  }
0x2c: {  	s7 =	sld [smem:$0x3FAB]  }
0x2d: {  	s3 =	simm.s32 $0x108;
	s8 =	sld [smem:$0x3FAC]  }
0x2e: {  	s3 =	simm.s32 @!p0 $0x1082;
	s9 =	sld [smem:$0x3FAD]  }
0x2f: {  	lr =	sadd.s32 s0, s3;
	s0 =	sld [smem:$0x3FA4]  }
0x30: {  	s3 =	sld [smem:$0x3FA7]  }
0x31: {  	[smem:$0x3FB0] =	sst s10  }
0x32: {  	s10 =	sld [smem:$0x3FAE];
	_ =	sdelay $0x3  }
0x33: {  	p0 =	seq.s32 s10, $0x1;
	s10 =	sld [smem:$0x3FB0];
	_ =	sdelay $0x3  }
0x34: {  	[smem:$0x3FB0] =	sst s10  }
0x35: {  	s10 =	sld [smem:$0x3FAF];
	_ =	sdelay $0x3  }
0x36: {  	p1 =	seq.s32 s10, $0x1;
	s10 =	sld [smem:$0x3FB0];
	_ =	sdelay $0x3  }
0x37: {  	[smem:$0x3FB0] =	sst s10  }
0x38: {  	s10 =	sld [smem:$0x3FB1]  }
0x39: {  	_ = 	snop;
	(pc) =	sbr.ind lr, $3  }
0x3a: {  	_ = 	snop  }
0x3b: {  	_ = 	snop  }
0x3c: {  	p2 =	seq.s32 s10, $0x1;
	s10 =	sld [smem:$0x3FB0]  }
0x3d: {  	_ =	shalt  }
0x3e: {  	_ =	shalt  }
0x3f: {  	_ =	shalt  }
0x40: {  	_ =	shalt  }
0x41: {  	_ =	shalt  }
0x42: {  	_ =	shalt  }
0x43: {  	_ =	shalt  }
0x44: {  	_ =	shalt  }
0x45: {  	_ =	shalt  }
0x46: {  	_ =	shalt  }
0x47: {  	_ =	shalt  }
0x48: {  	_ =	shalt  }
0x49: {  	_ =	shalt  }
0x4a: {  	_ =	shalt  }
0x4b: {  	_ =	shalt  }
0x4c: {  	_ =	shalt  }
0x4d: {  	_ =	shalt  }
0x4e: {  	_ =	shalt  }
0x4f: {  	_ =	shalt  }
0x50: {  	_ =	shalt  }
0x51: {  	_ =	shalt  }
0x52: {  	_ =	shalt  }
0x53: {  	_ =	shalt  }
0x54: {  	_ =	shalt  }
0x55: {  	_ =	shalt  }
0x56: {  	_ =	shalt  }
0x57: {  	_ =	shalt  }
0x58: {  	_ =	shalt  }
0x59: {  	_ =	shalt  }
0x5a: {  	_ =	shalt  }
0x5b: {  	_ =	shalt  }
0x5c: {  	_ =	shalt  }
0x5d: {  	_ =	shalt  }
0x5e: {  	_ =	shalt  }
0x5f: {  	_ =	shalt  }
0x60: {  	_ =	shalt  }
0x61: {  	_ =	shalt  }
0x62: {  	_ =	shalt  }
0x63: {  	_ =	shalt  }
0x64: {  	_ =	shalt  }
0x65: {  	_ =	shalt  }
0x66: {  	_ =	shalt  }
0x67: {  	_ =	shalt  }
0x68: {  	_ =	shalt  }
0x69: {  	_ =	shalt  }
0x6a: {  	_ =	shalt  }
0x6b: {  	_ =	shalt  }
0x6c: {  	_ =	shalt  }
0x6d: {  	_ =	shalt  }
0x6e: {  	_ =	shalt  }
0x6f: {  	_ =	shalt  }
0x70: {  	_ =	shalt  }
0x71: {  	_ =	shalt  }
0x72: {  	_ =	shalt  }
0x73: {  	_ =	shalt  }
0x74: {  	_ =	shalt  }
0x75: {  	_ =	shalt  }
0x76: {  	_ =	shalt  }
0x77: {  	_ =	shalt  }
0x78: {  	_ =	shalt  }
0x79: {  	_ =	shalt  }
0x7a: {  	_ =	shalt  }
0x7b: {  	_ =	shalt  }
0x7c: {  	_ =	shalt  }
0x7d: {  	_ =	shalt  }
0x7e: {  	_ =	shalt  }
0x7f: {  	_ =	shalt  }
0x80: {  	_ =	shalt  }
0x81: {  	_ =	shalt  }
0x82: {  	_ =	shalt  }
0x83: {  	_ =	shalt  }
0x84: {  	_ =	shalt  }
0x85: {  	_ =	shalt  }
0x86: {  	_ =	shalt  }
0x87: {  	_ =	shalt  }
.Lfunc_end0:
.L_simem_size_0:
called_computation.1_lowered:
.L_overlay_start_0:
0x88: {  	s2 =	sld [smem:$0x3FD9]  }
0x89: {  	s3 =	sld [smem:$0x3FFE];
	_ =	sdelay $0x1  }
0x8a: {  	s1 =	srdreg.scid  }
0x8b: {  	s0 =	sand.u32 $0x1, s1  }
0x8c: {  	s17 =	sshll.u32 s0, $0xA;
	s2 =	sadd.s32 s3, s2  }
0x8d: {  	s2 =	sadd.s32 s2, s17  }
0x8e: {  	[smem:$0x3FBC] =	sst s2  }
0x8f: {  	_ = 	snop  }
0x90: {  	s2 =	sld [smem:$0x3FD0];
	(tm) =	ssettm $0x1  }
0x91: {  	s18 =	sld [smem:$0x3FFB];
	_ =	sdelay $0x3  }
0x92: {  	_ =	strace s18  }
0x93: {  	s3 =	sld [smem:$0x3FFC];
	_ =	sdelay $0x3  }
0x94: {  	_ =	strace s3  }
0x95: {  	s3 =	sld [smem:$0x3FFD];
	_ =	sdelay $0x3  }
0x96: {  	_ =	strace s3  }
0x97: {  	_ =	strace $0x8FFFFFFF  }
0x98: {  	s19 =	sld [smem:$0x3FDB];
	_ =	sdelay $0x1  }
0x99: {  	s4 =	simm.s32 $_scs_section_size  }
0x9a: {  	s5 =	simm.s32 $_size__tile_overlayer_lowered;
	s6 =	simm.s32 $_tile_overlayer_lowered  }
0x9b: {  	s22 =	simm.s32 $0x1BFF;
	s21 =	sshll.u32 s6, $0x1;
	s3 =	sadd.s32 s4, s19  }
0x9c: {  	s7 =	simm.s32 $0x0;
	s20 =	sshll.u32 s5, $0x1;
	s5 =	sadd.s32 s21, s3  }
0x9d: {  	[timem:s7], [sflag:s22] =	dma.local [hbm:s5], s20  }
0x9e: {  	_ =	swait.ge [sflag:s22], s20  }
0x9f: {  	s4 =	ssub.s32 $0x0, s20;
	[sflag:s22] =	ssyncset.done $0x0  }
0xa0: {  	[sflag:s22] =	ssyncadd.s32 s4;
	_ =	sdelay $0x1  }
0xa1: {  	s23 =	simm.s32 $0x1B8B  }
0xa2: {  	_ =	swait.ge [sflag:s23], $0x1  }
0xa3: {  	[sflag:s23] =	ssyncset.done $0x0  }
0xa4: {  	s25 =	simm.s32 $0x1B8E;
	s24 =	sld [smem:$0x3FFE];
	[sflag:s23] =	ssyncadd.s32 $0xFFFFFFFF  }
0xa5: {  	s26 =	simm.s32 $execute0_lowered;
	[smem:$0x3FD2] =	sst s25  }
0xa6: {  	s5 =	sshll.u32 s26, $0x1;
	_ =	strace $0x80000049;
	[dreg:$0x1] =	wrdreg $0xFFFFFFFF  }
0xa7: {  	s28 =	simm.s32 $_size_execute0_lowered;
	s3 =	sadd.s32 s3, s5;
	[dreg:$0x0] =	wrdreg $0x0  }
0xa8: {  	s5 =	sshll.u32 s28, $0x1;
	[dreg:$0x2] =	wrdreg s3  }
0xa9: {  	[dreg:$0x3] =	wrdreg s5  }
0xaa: {  	[dreg:$0x4] =	wrdreg $0xC0  }
0xab: {  	_ =	task [dreg:s7], $0x5FFFF  }
0xac: {  	[dreg:$0x1] =	wrdreg $0xFFFFFFFF  }
0xad: {  	[dreg:$0x0] =	wrdreg $0x60  }
0xae: {  	[dreg:$0x2] =	wrdreg s24  }
0xaf: {  	[dreg:$0x3] =	wrdreg s2  }
0xb0: {  	[dreg:$0x4] =	wrdreg $0xD0000  }
0xb1: {  	[dreg:$0x5] =	wrdreg $0x9  }
0xb2: {  	_ =	task.clear_ibuf [dreg:s7], $0x6FFFF;
	_ =	strace $0x90000049  }
0xb3: {  	s29 =	simm.s32 $0x9;
	_ =	strace $0x8000004B  }
0xb4: {  	_ =	swait.ge [sflag:s29], $0x1  }
0xb5: {  	[sflag:s29] =	ssyncadd.s32 $0xFFFFFFFF  }
0xb6: {  	_ =	strace $0x9000004B  }
0xb7: {  	_ =	sfence  }
0xb8: {  	s30 =	sld [smem:$0x0];
	_ =	sdelay $0x2  }
0xb9: {  	s31 =	sshll.u32 s1, $0xD;
	s1 =	sshrl.u32 s1, $0x2  }
0xba: {  	s3 =	sand.u32 $0x4000, s31;
	s1 =	sadd.s32 s1, s30  }
0xbb: {  	s0 =	sor.u32 s3, s0;
	s1 =	sshll.u32 s1, $0x11  }
0xbc: {  	s0 =	sor.u32 s1, s0  }
0xbd: {  	s0 =	sadd.s32 $0x8F2B, s0  }
0xbe: {  	[sflag:s0] =	ssyncadd.remote.s32 $0x1  }
0xbf: {  	_ =	sfence.sel $0xFFFF  }
0xc0: {  	[dreg:$0x0] =	wrdreg $0xFFFFFFFF;
	(pc) =	sbr.abs _section_cstart, $3  }
0xc1: {  	[dreg:$0x1] =	wrdreg $0xFFFFFFFF  }
0xc2: {  	_ =	task.clear_ibuf [dreg:s7], $0x2FFFF;
	_ =	strace $0x9FFFFFFF  }
0xc3: {  	(tm) =	ssettm $0x7FFFFFFF  }
tec
execute0_lowered:
.L_overlay_start_1:
0x0: {  	(tag) =	ssettag $0x1  }
0x1: {  	s0 =	rddreg [dreg:$0x0]  }
0x2: {  	s1 =	rddreg [dreg:$0x1]  }
0x3: {  	s2 =	rddreg [dreg:$0x2];
	s5 =	simm.s32 $0x0  }
0x4: {  	s3 =	srdreg.scid;
	s11 =	stileid.u32;
	s14 =	simm.s32 $0x5  }
0x5: {  	s18 =	simm.s32 $0x80;
	s19 =	simm.s32 $0x5000;
	s20 =	simm.s32 $0x7000  }
0x6: {  	s28 =	simm.s32 $0x3;
	s29 =	simm.s32 $0x4;
	s30 =	simm.s32 $0x0  }
0x7: {  	s3 =	sand.u32 $0x1, s3;
	s6 =	smul.u32 $0x9E00, s11;
	s4 =	sshll.u32 s11, $0x1  }
0x8: {  	[smem:$0x7FF] =	sst s5;
	s5 =	sadd.s32 $0x5C600, s0;
	s15 =	sadd.s32 $0x3000, s0  }
0x9: {  	s31 =	sshll.u32 s11, $0x6;
	s7 =	smul.u32 $0x9E000, s3;
	s8 =	sor.u32 s3, s4  }
0xa: {  	_ =	strace $0x8000004A;
	s4 =	sadd.s32 $0x70000, s0;
	s3 =	ssub.s32 $0x2, s3  }
0xb: {  	s16 =	sor.u32 $0x1C05, s31;
	[dreg:$0x5] =	wrdreg s15;
	s9 =	smul.u32 $0x50, s8  }
0xc: {  	s10 =	smul.u32 $0x4C, s8;
	p0 =	slt.u32 s8, $0xF;
	s21 =	sshrl.u32 s3, $0x1  }
0xd: {  	s23 =	sadd.s32 s6, s2;
	[dreg:$0xc] =	wrdreg s16;
	s7 =	sadd.s32 s6, s7  }
0xe: {  	s3 =	ssub.s32 s3, s21;
	s17 =	sshrl.u32 s23, $0x3;
	s21 =	simm.s32 $0x100  }
0xf: {  	s23 =	simm.s32 $0x180;
	s8 =	sadd.s32 $0xFFFFFFC4, s9;
	s7 =	sshrl.u32 s7, $0x3  }
0x10: {  	s3 =	smax.u32 s3, $0x1;
	s8 =	smov.u32 @p0 s10;
	s0 =	sadd.s32 s7, s0  }
0x11: {  	s7 =	simm.s32 $0x4C;
	[dreg:$0xa] =	wrdreg s3;
	s8 =	sshll.u32 s8, $0x7  }
0x12: {  	s7 =	simm.s32 @!p0 $0x50;
	s24 =	sadd.s32 $0x83A00, s0;
	s0 =	sadd.s32 $0xAB200, s0  }
0x13: {  	s22 =	sadd.s32 $0x4E200, s8;
	s8 =	sshrl.u32 s8, $0x3;
	[dreg:$0x8] =	wrdreg s24  }
0x14: {  	[dreg:$0x9] =	wrdreg s0;
	s25 =	sshll.u32 s7, $0x9;
	s26 =	sadd.s32 $0xFFFFFFF9, s7  }
0x15: {  	s24 =	simm.s32 $0xB000;
	s8 =	sadd.s32 s1, s8;
	[dreg:$0xb] =	wrdreg s26  }
0x16: {  	s9 =	sshrl.u32 s22, $0x3;
	s0 =	sadd.s32 $0xFFFFF800, s25;
	[dreg:$0x6] =	wrdreg s8  }
0x17: {  	s22 =	simm.s32 $0x9000;
	s1 =	sadd.s32 s1, s9;
	[dreg:$0x4] =	wrdreg s0  }
0x18: {  	s25 =	simm.s32 $0x1;
	s26 =	simm.s32 $0x2;
	[dreg:$0x7] =	wrdreg s1  }
.LBB2_1:
0x19: {  	s0 =	simm.s32 $0x0;
	s1 =	rddreg [dreg:$0x6]  }
0x1a: {  	[tilespmem:s0], [sflag:$0x5] =	stream.linear.gather [hbm4b:s1+s0], $0x2800, $0x38;
	[tilespmem:$0x16E00] =	vst v63  }
0x1b: {  	_ =	swait.ge [sflag:s14], $0x2800  }
0x1c: {  	[sflag:s14] =	ssyncset.done $0x0  }
0x1d: {  	s3 =	simm.s32 $0x2800;
	s31 =	rddreg [dreg:$0x7];
	[sflag:s14] =	ssyncadd.s32 $0xFFFFD800  }
0x1e: {  	[tilespmem:s3], [sflag:$0x5] =	stream.linear.gather [hbm4b:s31+s0], $0x2800, $0x38;
	[tilespmem:$0x16E00] =	vst v63  }
0x1f: {  	_ =	swait.ge [sflag:s14], $0x2800  }
0x20: {  	[sflag:s14] =	ssyncset.done $0x0  }
0x21: {  	[sflag:s14] =	ssyncadd.s32 $0xFFFFD800  }
0x22: {  	[spmem:s17], [sflag:s16] =	dma.local [hbm:s15], $0x13C0  }
0x23: {  	_ =	swait.ge [sflag:s14], $0x13C0  }
0x24: {  	[sflag:s14] =	ssyncset.done $0x0  }
0x25: {  	[sflag:s14] =	ssyncadd.s32 $0xFFFFEC40  }
0x26: {  	[bflag:$0x0] =	sbarrier.arrive $0xFFFF  }
0x27: {  	[tilespmem:s19], [sflag:$0x1] =	stream.indirect.gather [hbm4b:s4+s18], $0x40, s0, s18, $0xb8;
	[tilespmem:$0x16E00] =	vst v63  }
0x28: {  	_ = 	snop  }
0x29: {  	[tilespmem:s20], [sflag:$0x2] =	stream.indirect.gather [hbm4b:s4+s18], $0x40, s18, s18, $0xb8;
	[tilespmem:$0x16E00] =	vst v63  }
0x2a: {  	_ = 	snop  }
0x2b: {  	[tilespmem:s22], [sflag:$0x3] =	stream.indirect.gather [hbm4b:s4+s18], $0x40, s21, s18, $0xb8;
	[tilespmem:$0x16E00] =	vst v63  }
0x2c: {  	s1 =	simm.s32 $0x0;
	s3 =	simm.s32 $0x0;
	s0 =	simm.s32 $0x1  }
0x2d: {  	[tilespmem:s24], [sflag:$0x4] =	stream.indirect.gather [hbm4b:s4+s18], $0x40, s23, s18, $0xb8;
	[tilespmem:$0x16E00] =	vst v63  }
.LBB2_2:
0x2e: {  	_ =	swait.ge [sflag:s25], $0x2000  }
0x2f: {  	s6 =	sshra.s32 s3, $0x2;
	s9 =	smov.u32 s1;
	[sflag:s25] =	ssyncset.done $0x0  }
0x30: {  	s1 =	sadd.s32 $0x4, s1;
	s8 =	sadd.s32 $0x2800, s6;
	[sflag:s25] =	ssyncadd.s32 $0xFFFFE000  }
0x31: {  	[spmem:s2] =	stream.indirect.scatter.add.f32 [tilespmem:s19], [sflag:$0x5], $0x40, s8, s18, $0xb8;
	[tilespmem:$0x16E00] =	vst v63  }
0x32: {  	p0 =	sge.u32 s1, s7;
	_ =	swait.ge [sflag:s14], $0x2000  }
0x33: {  	s10 =	simm.s32 @!p0 $0x80;
	s8 =	sshra.s32 @!p0 s3, $0x2;
	[sflag:s14] =	ssyncset.done $0x0  }
0x34: {  	s11 =	simm.s32 @!p0 $0x5000;
	s8 =	sadd.s32 @!p0 $0x200, s8;
	[sflag:s14] =	ssyncadd.s32 $0xFFFFE000  }
0x35: {  	[tilespmem:s11], [sflag:$0x1] =	stream.indirect.gather @!p0 [hbm4b:s4+s10], $0x40, s8, s10, $0xb8;
	[tilespmem:$0x16E00] =	vst v63  }
0x36: {  	_ =	swait.ge [sflag:s26], $0x2000  }
0x37: {  	[sflag:s26] =	ssyncset.done $0x0  }
0x38: {  	s31 =	sadd.s32 $0x2880, s6;
	s10 =	sadd.s32 $0x5, s9;
	[sflag:s26] =	ssyncadd.s32 $0xFFFFE000  }
0x39: {  	[spmem:s2] =	stream.indirect.scatter.add.f32 [tilespmem:s20], [sflag:$0x5], $0x40, s31, s18, $0xb8;
	[tilespmem:$0x16E00] =	vst v63  }
0x3a: {  	p0 =	sge.u32 s10, s7;
	_ =	swait.ge [sflag:s14], $0x2000  }
0x3b: {  	s8 =	sshra.s32 @!p0 s3, $0x2;
	s10 =	simm.s32 @!p0 $0x80;
	[sflag:s14] =	ssyncset.done $0x0  }
0x3c: {  	s11 =	simm.s32 @!p0 $0x7000;
	s8 =	sadd.s32 @!p0 $0x280, s8;
	[sflag:s14] =	ssyncadd.s32 $0xFFFFE000  }
0x3d: {  	[tilespmem:s11], [sflag:$0x2] =	stream.indirect.gather @!p0 [hbm4b:s4+s10], $0x40, s8, s10, $0xb8;
	[tilespmem:$0x16E00] =	vst v63  }
0x3e: {  	_ =	swait.ge [sflag:s28], $0x2000  }
0x3f: {  	[sflag:s28] =	ssyncset.done $0x0  }
0x40: {  	s12 =	sadd.s32 $0x6, s9;
	s11 =	sadd.s32 $0x2900, s6;
	[sflag:s28] =	ssyncadd.s32 $0xFFFFE000  }
0x41: {  	[spmem:s2] =	stream.indirect.scatter.add.f32 [tilespmem:s22], [sflag:$0x5], $0x40, s11, s18, $0xb8;
	[tilespmem:$0x16E00] =	vst v63  }
0x42: {  	p0 =	sge.u32 s12, s7;
	_ =	swait.ge [sflag:s14], $0x2000  }
0x43: {  	s8 =	sshra.s32 @!p0 s3, $0x2;
	s10 =	simm.s32 @!p0 $0x80;
	[sflag:s14] =	ssyncset.done $0x0  }
0x44: {  	s8 =	sadd.s32 @!p0 $0x300, s8;
	s11 =	simm.s32 @!p0 $0x9000;
	[sflag:s14] =	ssyncadd.s32 $0xFFFFE000  }
0x45: {  	[tilespmem:s11], [sflag:$0x3] =	stream.indirect.gather @!p0 [hbm4b:s4+s10], $0x40, s8, s10, $0xb8;
	[tilespmem:$0x16E00] =	vst v63  }
0x46: {  	_ =	swait.ge [sflag:s29], $0x2000  }
0x47: {  	s13 =	sadd.s32 $0x7, s9;
	[sflag:s29] =	ssyncset.done $0x0  }
0x48: {  	s6 =	sadd.s32 $0x2980, s6;
	p0 =	sge.u32 s13, s7;
	[sflag:s29] =	ssyncadd.s32 $0xFFFFE000  }
0x49: {  	[spmem:s2] =	stream.indirect.scatter.add.f32 [tilespmem:s24], [sflag:$0x5], $0x40, s6, s18, $0xb8;
	[tilespmem:$0x16E00] =	vst v63  }
0x4a: {  	s8 =	simm.s32 @!p0 $0x80;
	s9 =	simm.s32 @!p0 $0xB000;
	_ =	swait.ge [sflag:s14], $0x2000  }
0x4b: {  	s6 =	sshra.s32 @!p0 s3, $0x2;
	s3 =	sadd.s32 $0x800, s3;
	[sflag:s14] =	ssyncset.done $0x0  }
0x4c: {  	s6 =	sadd.s32 @!p0 $0x380, s6;
	s31 =	rddreg [dreg:$0x4];
	[sflag:s14] =	ssyncadd.s32 $0xFFFFE000  }
0x4d: {  	[tilespmem:s9], [sflag:$0x4] =	stream.indirect.gather @!p0 [hbm4b:s4+s8], $0x40, s6, s8, $0xb8;
	[tilespmem:$0x16E00] =	vst v63  }
0x4e: {  	p0 =	sne.s32 s31, s3  }
.Ltmp0:
0x4f: {  	_ = 	snop;
	(pc) =	sbr.rel @p0 .LBB2_2-.Ltmp0, $2  }
0x50: {  	_ =	sdelay $0x2  }
0x51: {  	s10 =	smov.u32 s0;
	s0 =	sadd.s32 $0x1, s0  }
0x52: {  	_ =	swait.ge [sflag:s25], $0x2000  }
0x53: {  	s6 =	sshra.s32 s3, $0x2;
	[sflag:s25] =	ssyncset.done $0x0  }
0x54: {  	s0 =	sadd.s32 $0x4, s1;
	s31 =	sadd.s32 $0x2800, s6;
	[sflag:s25] =	ssyncadd.s32 $0xFFFFE000  }
0x55: {  	[spmem:s2] =	stream.indirect.scatter.add.f32 [tilespmem:s19], [sflag:$0x5], $0x40, s31, s18, $0xb8;
	[tilespmem:$0x16E00] =	vst v63  }
0x56: {  	p0 =	sge.u32 s0, s7;
	_ =	swait.ge [sflag:s14], $0x2000  }
0x57: {  	s0 =	sshra.s32 @!p0 s3, $0x2;
	s8 =	simm.s32 @!p0 $0x80;
	[sflag:s14] =	ssyncset.done $0x0  }
0x58: {  	s9 =	simm.s32 @!p0 $0x5000;
	s0 =	sadd.s32 @!p0 $0x200, s0;
	[sflag:s14] =	ssyncadd.s32 $0xFFFFE000  }
0x59: {  	[tilespmem:s9], [sflag:$0x1] =	stream.indirect.gather @!p0 [hbm4b:s4+s8], $0x40, s0, s8, $0xb8;
	[tilespmem:$0x16E00] =	vst v63  }
0x5a: {  	_ =	swait.ge [sflag:s26], $0x2000  }
0x5b: {  	[sflag:s26] =	ssyncset.done $0x0  }
0x5c: {  	s12 =	sadd.s32 $0x5, s1;
	s8 =	sadd.s32 $0x2880, s6;
	[sflag:s26] =	ssyncadd.s32 $0xFFFFE000  }
0x5d: {  	[spmem:s2] =	stream.indirect.scatter.add.f32 [tilespmem:s20], [sflag:$0x5], $0x40, s8, s18, $0xb8;
	[tilespmem:$0x16E00] =	vst v63  }
0x5e: {  	p1 =	sge.u32 s12, s7;
	_ =	swait.ge [sflag:s14], $0x2000  }
0x5f: {  	s11 =	simm.s32 @!p1 $0x80;
	s9 =	sshra.s32 @!p1 s3, $0x2;
	[sflag:s14] =	ssyncset.done $0x0  }
0x60: {  	s12 =	simm.s32 @!p1 $0x7000;
	s9 =	sadd.s32 @!p1 $0x280, s9;
	[sflag:s14] =	ssyncadd.s32 $0xFFFFE000  }
0x61: {  	[tilespmem:s12], [sflag:$0x2] =	stream.indirect.gather @!p1 [hbm4b:s4+s11], $0x40, s9, s11, $0xb8;
	[tilespmem:$0x16E00] =	vst v63  }
0x62: {  	_ =	swait.ge [sflag:s28], $0x2000  }
0x63: {  	s13 =	sadd.s32 $0x6, s1;
	[sflag:s28] =	ssyncset.done $0x0  }
0x64: {  	p2 =	sge.u32 s13, s7;
	s12 =	sadd.s32 $0x2900, s6;
	[sflag:s28] =	ssyncadd.s32 $0xFFFFE000  }
0x65: {  	[spmem:s2] =	stream.indirect.scatter.add.f32 [tilespmem:s22], [sflag:$0x5], $0x40, s12, s18, $0xb8;
	[tilespmem:$0x16E00] =	vst v63  }
0x66: {  	s3 =	sshra.s32 @!p2 s3, $0x2;
	_ =	swait.ge [sflag:s14], $0x2000  }
0x67: {  	s13 =	sadd.s32 @!p2 $0x300, s3;
	[sflag:s14] =	ssyncset.done $0x0  }
0x68: {  	s3 =	simm.s32 @!p2 $0x80;
	s11 =	simm.s32 @!p2 $0x9000;
	[sflag:s14] =	ssyncadd.s32 $0xFFFFE000  }
0x69: {  	[tilespmem:s11], [sflag:$0x3] =	stream.indirect.gather @!p2 [hbm4b:s4+s3], $0x40, s13, s3, $0xb8;
	[tilespmem:$0x16E00] =	vst v63  }
0x6a: {  	_ =	swait.ge [sflag:s29], $0x2000  }
0x6b: {  	[sflag:s29] =	ssyncset.done $0x0  }
0x6c: {  	s3 =	sadd.s32 $0x2980, s6;
	[sflag:s29] =	ssyncadd.s32 $0xFFFFE000  }
0x6d: {  	[spmem:s2] =	stream.indirect.scatter.add.f32 [tilespmem:s24], [sflag:$0x5], $0x40, s3, s18, $0xb8;
	[tilespmem:$0x16E00] =	vst v63  }
0x6e: {  	_ =	swait.ge [sflag:s14], $0x2000  }
0x6f: {  	[sflag:s14] =	ssyncset.done $0x0;
	s11 =	rddreg [dreg:$0xb]  }
0x70: {  	[sflag:s14] =	ssyncadd.s32 $0xFFFFE000;
	p3 =	sge.u32 s1, s11  }
0x71: {  	s1 =	simm.s32 @!p3 $0x80;
	s6 =	simm.s32 @!p3 $0x2780;
	s11 =	simm.s32 @!p3 $0xB000  }
0x72: {  	[tilespmem:s11], [sflag:$0x4] =	stream.indirect.gather @!p3 [hbm4b:s4+s1], $0x40, s6, s1, $0xb8;
	[tilespmem:$0x16E00] =	vst v63  }
0x73: {  	[bflag:$0x0] =	sbarrier.arrive $0xFFFF  }
0x74: {  	s6 =	rddreg [dreg:$0x8]  }
0x75: {  	[hbm:s6], [sflag:s16] =	dma.local [spmem:s17], $0x13C0  }
0x76: {  	_ =	swait.ge [sflag:s14], $0x13C0  }
0x77: {  	[sflag:s14] =	ssyncset.done $0x0  }
0x78: {  	[sflag:s14] =	ssyncadd.s32 $0xFFFFEC40  }
0x79: {  	[spmem:s17], [sflag:s16] =	dma.local [hbm:s15], $0x13C0  }
0x7a: {  	_ =	swait.ge [sflag:s14], $0x13C0  }
0x7b: {  	[sflag:s14] =	ssyncset.done $0x0  }
0x7c: {  	[sflag:s14] =	ssyncadd.s32 $0xFFFFEC40  }
0x7d: {  	s11 =	simm.s32 $0x0;
	[bflag:$0x0] =	sbarrier.arrive $0xFFFF  }
0x7e: {  	[tilespmem:s19], [sflag:$0x1] =	stream.indirect.gather [hbm4b:s5+s18], $0x40, s11, s18, $0xb8;
	[tilespmem:$0x16E00] =	vst v63  }
0x7f: {  	_ = 	snop  }
0x80: {  	[tilespmem:s20], [sflag:$0x2] =	stream.indirect.gather [hbm4b:s5+s18], $0x40, s18, s18, $0xb8;
	[tilespmem:$0x16E00] =	vst v63  }
0x81: {  	_ = 	snop  }
0x82: {  	[tilespmem:s22], [sflag:$0x3] =	stream.indirect.gather [hbm4b:s5+s18], $0x40, s21, s18, $0xb8;
	[tilespmem:$0x16E00] =	vst v63  }
0x83: {  	_ = 	snop  }
0x84: {  	[tilespmem:s24], [sflag:$0x4] =	stream.indirect.gather [hbm4b:s5+s18], $0x40, s23, s18, $0xb8;
	[tilespmem:$0x16E00] =	vst v63  }
0x85: {  	_ =	swait.ge [sflag:s25], $0x2000  }
0x86: {  	[sflag:s25] =	ssyncset.done $0x0  }
0x87: {  	s15 =	simm.s32 $0x2800;
	[sflag:s25] =	ssyncadd.s32 $0xFFFFE000  }
0x88: {  	[spmem:s2] =	stream.indirect.scatter.add.f32 [tilespmem:s19], [sflag:$0x5], $0x40, s15, s18, $0xb8;
	[tilespmem:$0x16E00] =	vst v63  }
0x89: {  	p4 =	sle.u32 s7, $0x4;
	_ =	swait.ge [sflag:s14], $0x2000  }
0x8a: {  	s1 =	simm.s32 @!p4 $0x5000;
	[sflag:s14] =	ssyncset.done $0x0  }
0x8b: {  	s6 =	simm.s32 @!p4 $0x200;
	s11 =	simm.s32 @!p4 $0x80;
	[sflag:s14] =	ssyncadd.s32 $0xFFFFE000  }
0x8c: {  	[tilespmem:s1], [sflag:$0x1] =	stream.indirect.gather @!p4 [hbm4b:s5+s11], $0x40, s6, s11, $0xb8;
	[tilespmem:$0x16E00] =	vst v63  }
0x8d: {  	_ =	swait.ge [sflag:s26], $0x2000  }
0x8e: {  	[sflag:s26] =	ssyncset.done $0x0  }
0x8f: {  	s16 =	simm.s32 $0x2880;
	[sflag:s26] =	ssyncadd.s32 $0xFFFFE000  }
0x90: {  	[spmem:s2] =	stream.indirect.scatter.add.f32 [tilespmem:s20], [sflag:$0x5], $0x40, s16, s18, $0xb8;
	[tilespmem:$0x16E00] =	vst v63  }
0x91: {  	p4 =	sle.u32 s7, $0x5;
	_ =	swait.ge [sflag:s14], $0x2000  }
0x92: {  	s1 =	simm.s32 @!p4 $0x7000;
	[sflag:s14] =	ssyncset.done $0x0  }
0x93: {  	s6 =	simm.s32 @!p4 $0x280;
	s11 =	simm.s32 @!p4 $0x80;
	[sflag:s14] =	ssyncadd.s32 $0xFFFFE000  }
0x94: {  	[tilespmem:s1], [sflag:$0x2] =	stream.indirect.gather @!p4 [hbm4b:s5+s11], $0x40, s6, s11, $0xb8;
	[tilespmem:$0x16E00] =	vst v63  }
0x95: {  	_ =	swait.ge [sflag:s28], $0x2000  }
0x96: {  	[sflag:s28] =	ssyncset.done $0x0  }
0x97: {  	s21 =	simm.s32 $0x2900;
	[sflag:s28] =	ssyncadd.s32 $0xFFFFE000  }
0x98: {  	[spmem:s2] =	stream.indirect.scatter.add.f32 [tilespmem:s22], [sflag:$0x5], $0x40, s21, s18, $0xb8;
	[tilespmem:$0x16E00] =	vst v63  }
0x99: {  	p4 =	sle.u32 s7, $0x6;
	_ =	swait.ge [sflag:s14], $0x2000  }
0x9a: {  	s1 =	simm.s32 @!p4 $0x9000;
	[sflag:s14] =	ssyncset.done $0x0  }
0x9b: {  	s6 =	simm.s32 @!p4 $0x300;
	s11 =	simm.s32 @!p4 $0x80;
	[sflag:s14] =	ssyncadd.s32 $0xFFFFE000  }
0x9c: {  	[tilespmem:s1], [sflag:$0x3] =	stream.indirect.gather @!p4 [hbm4b:s5+s11], $0x40, s6, s11, $0xb8;
	[tilespmem:$0x16E00] =	vst v63  }
0x9d: {  	s10 =	sadd.s32 $0xFFFFFFFF, s10;
	_ =	swait.ge [sflag:s29], $0x2000  }
0x9e: {  	p4 =	sne.s32 s10, $0x0;
	[sflag:s29] =	ssyncset.done $0x0  }
.Ltmp1:
0x9f: {  	s23 =	simm.s32 $0x2980;
	[sflag:s29] =	ssyncadd.s32 $0xFFFFE000;
	(pc) =	sbr.rel @!p4 .LBB2_5-.Ltmp1, $4  }
0xa0: {  	[spmem:s2] =	stream.indirect.scatter.add.f32 [tilespmem:s24], [sflag:$0x5], $0x40, s23, s18, $0xb8;
	[tilespmem:$0x16E00] =	vst v63  }
0xa1: {  	p5 =	sle.u32 s7, $0x7;
	s21 =	simm.s32 $0x800;
	_ =	swait.ge [sflag:s14], $0x2000  }
0xa2: {  	s11 =	simm.s32 $0x8;
	s6 =	simm.s32 @!p5 $0xB000;
	[sflag:s14] =	ssyncset.done $0x0  }
0xa3: {  	s1 =	simm.s32 @!p5 $0x80;
	s23 =	simm.s32 @!p5 $0x380;
	[sflag:s14] =	ssyncadd.s32 $0xFFFFE000  }
.LBB2_4:
0xa4: {  	[tilespmem:s6], [sflag:$0x4] =	stream.indirect.gather @!p5 [hbm4b:s5+s1], $0x40, s23, s1, $0xb8;
	[tilespmem:$0x16E00] =	vst v63  }
0xa5: {  	s10 =	sadd.s32 $0xFFFFFFFF, s10;
	s23 =	smov.u32 s21;
	_ =	swait.ge [sflag:s25], $0x2000  }
0xa6: {  	s6 =	sshra.s32 s21, $0x2;
	p4 =	sne.s32 s10, $0x0;
	[sflag:s25] =	ssyncset.done $0x0  }
0xa7: {  	s1 =	sadd.s32 $0x2800, s6;
	[sflag:s25] =	ssyncadd.s32 $0xFFFFE000  }
0xa8: {  	[spmem:s2] =	stream.indirect.scatter.add.f32 [tilespmem:s19], [sflag:$0x5], $0x40, s1, s18, $0xb8;
	[tilespmem:$0x16E00] =	vst v63  }
0xa9: {  	p5 =	sge.u32 s11, s7;
	_ =	swait.ge [sflag:s14], $0x2000  }
0xaa: {  	s15 =	simm.s32 @!p5 $0x5000;
	s1 =	sshra.s32 @!p5 s21, $0x2;
	[sflag:s14] =	ssyncset.done $0x0  }
0xab: {  	s16 =	simm.s32 @!p5 $0x80;
	s1 =	sadd.s32 @!p5 $0x200, s1;
	[sflag:s14] =	ssyncadd.s32 $0xFFFFE000  }
0xac: {  	[tilespmem:s15], [sflag:$0x1] =	stream.indirect.gather @!p5 [hbm4b:s5+s16], $0x40, s1, s16, $0xb8;
	[tilespmem:$0x16E00] =	vst v63  }
0xad: {  	_ =	swait.ge [sflag:s26], $0x2000  }
0xae: {  	[sflag:s26] =	ssyncset.done $0x0  }
0xaf: {  	s1 =	sadd.s32 $0x2880, s6;
	s15 =	sadd.s32 $0x1, s11;
	[sflag:s26] =	ssyncadd.s32 $0xFFFFE000  }
0xb0: {  	[spmem:s2] =	stream.indirect.scatter.add.f32 [tilespmem:s20], [sflag:$0x5], $0x40, s1, s18, $0xb8;
	[tilespmem:$0x16E00] =	vst v63  }
0xb1: {  	p5 =	sge.u32 s15, s7;
	_ =	swait.ge [sflag:s14], $0x2000  }
0xb2: {  	s15 =	simm.s32 @!p5 $0x7000;
	s1 =	sshra.s32 @!p5 s21, $0x2;
	[sflag:s14] =	ssyncset.done $0x0  }
0xb3: {  	s16 =	simm.s32 @!p5 $0x80;
	s1 =	sadd.s32 @!p5 $0x280, s1;
	[sflag:s14] =	ssyncadd.s32 $0xFFFFE000  }
0xb4: {  	[tilespmem:s15], [sflag:$0x2] =	stream.indirect.gather @!p5 [hbm4b:s5+s16], $0x40, s1, s16, $0xb8;
	[tilespmem:$0x16E00] =	vst v63  }
0xb5: {  	_ =	swait.ge [sflag:s28], $0x2000  }
0xb6: {  	[sflag:s28] =	ssyncset.done $0x0  }
0xb7: {  	s1 =	sadd.s32 $0x2900, s6;
	s15 =	sadd.s32 $0x2, s11;
	[sflag:s28] =	ssyncadd.s32 $0xFFFFE000  }
0xb8: {  	[spmem:s2] =	stream.indirect.scatter.add.f32 [tilespmem:s22], [sflag:$0x5], $0x40, s1, s18, $0xb8;
	[tilespmem:$0x16E00] =	vst v63  }
0xb9: {  	p5 =	sge.u32 s15, s7;
	_ =	swait.ge [sflag:s14], $0x2000  }
0xba: {  	s15 =	simm.s32 @!p5 $0x9000;
	s1 =	sshra.s32 @!p5 s21, $0x2;
	[sflag:s14] =	ssyncset.done $0x0  }
0xbb: {  	s16 =	simm.s32 @!p5 $0x80;
	s1 =	sadd.s32 @!p5 $0x300, s1;
	[sflag:s14] =	ssyncadd.s32 $0xFFFFE000  }
0xbc: {  	[tilespmem:s15], [sflag:$0x3] =	stream.indirect.gather @!p5 [hbm4b:s5+s16], $0x40, s1, s16, $0xb8;
	[tilespmem:$0x16E00] =	vst v63  }
0xbd: {  	_ =	swait.ge [sflag:s29], $0x2000  }
0xbe: {  	s1 =	sadd.s32 $0x3, s11;
	s11 =	sadd.s32 $0x4, s11;
	[sflag:s29] =	ssyncset.done $0x0  }
.Ltmp2:
0xbf: {  	s6 =	sadd.s32 $0x2980, s6;
	[sflag:s29] =	ssyncadd.s32 $0xFFFFE000;
	(pc) =	sbr.rel @p4 .LBB2_4-.Ltmp2, $4  }
0xc0: {  	[spmem:s2] =	stream.indirect.scatter.add.f32 [tilespmem:s24], [sflag:$0x5], $0x40, s6, s18, $0xb8;
	[tilespmem:$0x16E00] =	vst v63  }
0xc1: {  	s21 =	sadd.s32 $0x800, s21;
	p5 =	sge.u32 s1, s7;
	_ =	swait.ge [sflag:s14], $0x2000  }
0xc2: {  	s1 =	sshra.s32 @!p5 s23, $0x2;
	s6 =	simm.s32 @!p5 $0xB000;
	[sflag:s14] =	ssyncset.done $0x0  }
0xc3: {  	s23 =	sadd.s32 @!p5 $0x380, s1;
	s1 =	simm.s32 @!p5 $0x80;
	[sflag:s14] =	ssyncadd.s32 $0xFFFFE000  }
.LBB2_5:
0xc4: {  	[tilespmem:s6], [sflag:$0x4] =	stream.indirect.gather @!p5 [hbm4b:s5+s1], $0x40, s23, s1, $0xb8;
	[tilespmem:$0x16E00] =	vst v63  }
0xc5: {  	_ =	swait.ge [sflag:s25], $0x2000  }
0xc6: {  	[sflag:s25] =	ssyncset.done $0x0  }
0xc7: {  	[sflag:s25] =	ssyncadd.s32 $0xFFFFE000  }
0xc8: {  	[spmem:s2] =	stream.indirect.scatter.add.f32 [tilespmem:s19], [sflag:$0x5], $0x40, s31, s18, $0xb8;
	[tilespmem:$0x16E00] =	vst v63  }
0xc9: {  	_ =	swait.ge [sflag:s14], $0x2000  }
0xca: {  	[sflag:s14] =	ssyncset.done $0x0  }
0xcb: {  	s1 =	simm.s32 @!p0 $0x80;
	s6 =	simm.s32 @!p0 $0x5000;
	[sflag:s14] =	ssyncadd.s32 $0xFFFFE000  }
0xcc: {  	[tilespmem:s6], [sflag:$0x1] =	stream.indirect.gather @!p0 [hbm4b:s5+s1], $0x40, s0, s1, $0xb8;
	[tilespmem:$0x16E00] =	vst v63  }
0xcd: {  	_ =	swait.ge [sflag:s26], $0x2000  }
0xce: {  	[sflag:s26] =	ssyncset.done $0x0  }
0xcf: {  	[sflag:s26] =	ssyncadd.s32 $0xFFFFE000  }
0xd0: {  	[spmem:s2] =	stream.indirect.scatter.add.f32 [tilespmem:s20], [sflag:$0x5], $0x40, s8, s18, $0xb8;
	[tilespmem:$0x16E00] =	vst v63  }
0xd1: {  	_ =	swait.ge [sflag:s14], $0x2000  }
0xd2: {  	[sflag:s14] =	ssyncset.done $0x0  }
0xd3: {  	s0 =	simm.s32 @!p1 $0x80;
	s1 =	simm.s32 @!p1 $0x7000;
	[sflag:s14] =	ssyncadd.s32 $0xFFFFE000  }
0xd4: {  	[tilespmem:s1], [sflag:$0x2] =	stream.indirect.gather @!p1 [hbm4b:s5+s0], $0x40, s9, s0, $0xb8;
	[tilespmem:$0x16E00] =	vst v63  }
0xd5: {  	_ =	swait.ge [sflag:s28], $0x2000  }
0xd6: {  	[sflag:s28] =	ssyncset.done $0x0  }
0xd7: {  	[sflag:s28] =	ssyncadd.s32 $0xFFFFE000  }
0xd8: {  	[spmem:s2] =	stream.indirect.scatter.add.f32 [tilespmem:s22], [sflag:$0x5], $0x40, s12, s18, $0xb8;
	[tilespmem:$0x16E00] =	vst v63  }
0xd9: {  	_ =	swait.ge [sflag:s14], $0x2000  }
0xda: {  	[sflag:s14] =	ssyncset.done $0x0  }
0xdb: {  	s0 =	simm.s32 @!p2 $0x80;
	s1 =	simm.s32 @!p2 $0x9000;
	[sflag:s14] =	ssyncadd.s32 $0xFFFFE000  }
0xdc: {  	[tilespmem:s1], [sflag:$0x3] =	stream.indirect.gather @!p2 [hbm4b:s5+s0], $0x40, s13, s0, $0xb8;
	[tilespmem:$0x16E00] =	vst v63  }
0xdd: {  	_ =	swait.ge [sflag:s29], $0x2000  }
0xde: {  	[sflag:s29] =	ssyncset.done $0x0  }
0xdf: {  	[sflag:s29] =	ssyncadd.s32 $0xFFFFE000  }
0xe0: {  	[spmem:s2] =	stream.indirect.scatter.add.f32 [tilespmem:s24], [sflag:$0x5], $0x40, s3, s18, $0xb8;
	[tilespmem:$0x16E00] =	vst v63  }
0xe1: {  	_ =	swait.ge [sflag:s14], $0x2000  }
0xe2: {  	s0 =	simm.s32 @!p3 $0x80;
	[sflag:s14] =	ssyncset.done $0x0  }
0xe3: {  	s1 =	simm.s32 @!p3 $0x2780;
	s3 =	simm.s32 @!p3 $0xB000;
	[sflag:s14] =	ssyncadd.s32 $0xFFFFE000  }
0xe4: {  	[tilespmem:s3], [sflag:$0x4] =	stream.indirect.gather @!p3 [hbm4b:s5+s0], $0x40, s1, s0, $0xb8;
	[tilespmem:$0x16E00] =	vst v63  }
0xe5: {  	[bflag:$0x0] =	sbarrier.arrive $0xFFFF  }
0xe6: {  	s23 =	rddreg [dreg:$0x9]  }
0xe7: {  	s16 =	rddreg [dreg:$0xc]  }
0xe8: {  	[hbm:s23], [sflag:s16] =	dma.local [spmem:s17], $0x13C0  }
0xe9: {  	_ =	swait.ge [sflag:s14], $0x13C0  }
0xea: {  	s30 =	sadd.s32 $0x1, s30;
	s31 =	rddreg [dreg:$0xa]  }
0xeb: {  	p0 =	sne.s32 s30, s31  }
.Ltmp3:
0xec: {  	_ = 	snop;
	(pc) =	sbr.rel @p0 .LBB2_1-.Ltmp3, $3  }
0xed: {  	_ =	sdelay $0x1  }
0xee: {  	s21 =	simm.s32 $0x100;
	[sflag:s14] =	ssyncset.done $0x0  }
0xef: {  	s23 =	simm.s32 $0x180;
	s15 =	rddreg [dreg:$0x5];
	[sflag:s14] =	ssyncadd.s32 $0xFFFFEC40  }
0xf0: {  	_ =	sfence.sel $0x180000  }
0xf1: {  	[bflag:$0x0] =	sbarrier.arrive $0xFFFF  }
0xf2: {  	_ =	strace $0x9000004A  }
0xf3: {  	s0 =	stileid.u32;
	[bflag:$0x2] =	sbarrier.arrive $0xFFFF  }
0xf4: {  	p0 =	sne.s32 s0, $0x0;
	s0 =	rddreg [dreg:$0x3]  }
0xf5: {  	s0 =	sadd.s32 @!p0 $0x100000, s0  }
0xf6: {  	[sflag:s0] =	ssyncadd.tile.s32 @!p0 $0x1;
	_ =	shalt  }
.Lfunc_end2:
_tile_overlayer_lowered:
.L_overlay_start_2:
0xf7: {  	(tag) =	ssettag $0x2  }
0xf8: {  	s0 =	rddreg [dreg:$0x0];
	s2 =	stileid.u32  }
0xf9: {  	s1 =	rddreg [dreg:$0x1];
	p0 =	sne.s32 s2, $0x0  }
0xfa: {  	s3 =	rddreg [dreg:$0x2];
	[bflag:$0x3] =	sbarrier.arrive $0xFFFF;
	s2 =	simm.s32 @!p0 $0x1C05  }
0xfb: {  	[timem:s3], [sflag:s2] =	dma.local @!p0 [hbm:s0], s1  }
0xfc: {  	s0 =	simm.s32 @!p0 $0x5  }
0xfd: {  	_ =	swait.ge @!p0 [sflag:s0], s1  }
0xfe: {  	s1 =	ssub.s32 @!p0 $0x0, s1;
	[sflag:s0] =	ssyncset.done @!p0 $0x0  }
0xff: {  	[sflag:s0] =	ssyncadd.s32 @!p0 s1  }
0x100: {  	[bflag:$0x3] =	sbarrier.arrive $0xFFFF  }
0x101: {  	_ =	shalt  }

// kernel: kernel.16.cloned.1.call-start
scs
__scs_entry_jumppad:
0x0: {  	(pc) =	sbr.rel $0x88, $3  }
0x1: {  	(tag) =	ssettag $0x0;
	lr =	simm.s32 $0x1  }
0x2: {  	[smem:$0x3F95] =	sst lr;
	_ =	strace $0xD0000000  }
0x3: {  	_ = 	snop  }
0x4: {  	_ = 	snop  }
0x5: {  	_ = 	snop  }
0x6: {  	_ = 	snop  }
0x7: {  	_ = 	snop  }
__scs_overlays_trampoline_lowered:
0x8: {  	[smem:$0x3FA4] =	sst s0  }
0x9: {  	[smem:$0x3FA5] =	sst s1  }
0xa: {  	[smem:$0x3FA6] =	sst s2  }
0xb: {  	[smem:$0x3FA7] =	sst s3  }
0xc: {  	[smem:$0x3FA8] =	sst s4  }
0xd: {  	[smem:$0x3FA9] =	sst s5  }
0xe: {  	[smem:$0x3FAA] =	sst s6  }
0xf: {  	[smem:$0x3FAB] =	sst s7  }
0x10: {  	[smem:$0x3FAC] =	sst s8  }
0x11: {  	[smem:$0x3FAD] =	sst s9;
	s0 =	simm.s32 @!p0 $0x0  }
0x12: {  	s1 =	sld [smem:$0x3F93];
	s0 =	simm.s32 @p0 $0x1  }
0x13: {  	[smem:$0x3FAE] =	sst s0;
	s0 =	simm.s32 @!p1 $0x0  }
0x14: {  	s2 =	sld [smem:$0x3F92];
	s0 =	simm.s32 @p1 $0x1  }
0x15: {  	[smem:$0x3FAF] =	sst s0;
	s0 =	simm.s32 @!p2 $0x0  }
0x16: {  	s3 =	sld [smem:$0x3FDB];
	s0 =	simm.s32 @p2 $0x1  }
0x17: {  	s4 =	simm.s32 $0x1BF5;
	[smem:$0x3FB1] =	sst s0  }
0x18: {  	s0 =	sld [smem:$0x3F94];
	_ =	swait.ge [sflag:s4], $0x0  }
0x19: {  	s7 =	sld [smem:$0x3F95]  }
0x1a: {  	s8 =	sadd.s32 $0xFFFFE003, lr  }
0x1b: {  	s9 =	sadd.s32 $0xFFFFFEF7, lr;
	s5 =	simm.s32 $0xFFFFFFFF;
	p2 =	slt.u32 s8, $0xFFFFF086  }
0x1c: {  	p1 =	slt.u32 s9, $0xF7A;
	s5 =	simm.s32 @!p2 $0x0  }
0x1d: {  	s5 =	simm.s32 @p1 $0x1;
	p0 =	seq.s32 s7, s2  }
0x1e: {  	s7 =	smul.u32 @!p0 $0xF7A, s2;
	p2 =	seq.s32 @!p0 s5, $0x0  }
0x1f: {  	s9 =	smul.u32 $0xF7A, s1;
	s8 =	simm.s32 @!p0 $0x1BF5;
	p2 =	por !p2, p0  }
0x20: {  	[sflag:s8] =	ssyncset.s32 @!p0 $0xFFFFF086;
	s6 =	sadd.s32 @!p0 s3, s7;
	s7 =	simm.s32 @!p0 $0x108  }
0x21: {  	s3 =	sadd.s32 s3, s9;
	s6 =	sadd.s32 @!p0 $0x88, s6;
	s7 =	simm.s32 @p2 $0x1082  }
0x22: {  	[simem:s7], [sflag:s8] =	dma.local @!p0 [hbm:s6], $0xF7A  }
0x23: {  	s9 =	sor.u32 $0xD0000000, s2;
	s6 =	simm.s32 $0x108;
	_ =	swait.ge @!p0 [sflag:s8], $0x0  }
0x24: {  	s3 =	sadd.s32 $0x88, s3;
	s6 =	simm.s32 @!p1 $0x1082;
	[sflag:s4] =	ssyncset.s32 $0xFFFFF086  }
0x25: {  	[simem:s6], [sflag:s4] =	dma.local [hbm:s3], $0xF7A  }
0x26: {  	[smem:$0x3F95] =	sst s1;
	(tag) =	ssettag s2;
	_ =	strace s9  }
0x27: {  	s1 =	sld [smem:$0x3FA5]  }
0x28: {  	s2 =	sld [smem:$0x3FA6]  }
0x29: {  	s4 =	sld [smem:$0x3FA8]  }
0x2a: {  	p0 =	seq.s32 s5, $0x0;
	s5 =	sld [smem:$0x3FA9]  }
0x2b: {  	s6 =	sld [smem:$0x3FAA]  }
0x2c: {  	s7 =	sld [smem:$0x3FAB]  }
0x2d: {  	s3 =	simm.s32 $0x108;
	s8 =	sld [smem:$0x3FAC]  }
0x2e: {  	s3 =	simm.s32 @!p0 $0x1082;
	s9 =	sld [smem:$0x3FAD]  }
0x2f: {  	lr =	sadd.s32 s0, s3;
	s0 =	sld [smem:$0x3FA4]  }
0x30: {  	s3 =	sld [smem:$0x3FA7]  }
0x31: {  	[smem:$0x3FB0] =	sst s10  }
0x32: {  	s10 =	sld [smem:$0x3FAE];
	_ =	sdelay $0x3  }
0x33: {  	p0 =	seq.s32 s10, $0x1;
	s10 =	sld [smem:$0x3FB0];
	_ =	sdelay $0x3  }
0x34: {  	[smem:$0x3FB0] =	sst s10  }
0x35: {  	s10 =	sld [smem:$0x3FAF];
	_ =	sdelay $0x3  }
0x36: {  	p1 =	seq.s32 s10, $0x1;
	s10 =	sld [smem:$0x3FB0];
	_ =	sdelay $0x3  }
0x37: {  	[smem:$0x3FB0] =	sst s10  }
0x38: {  	s10 =	sld [smem:$0x3FB1]  }
0x39: {  	_ = 	snop;
	(pc) =	sbr.ind lr, $3  }
0x3a: {  	_ = 	snop  }
0x3b: {  	_ = 	snop  }
0x3c: {  	p2 =	seq.s32 s10, $0x1;
	s10 =	sld [smem:$0x3FB0]  }
0x3d: {  	_ =	shalt  }
0x3e: {  	_ =	shalt  }
0x3f: {  	_ =	shalt  }
0x40: {  	_ =	shalt  }
0x41: {  	_ =	shalt  }
0x42: {  	_ =	shalt  }
0x43: {  	_ =	shalt  }
0x44: {  	_ =	shalt  }
0x45: {  	_ =	shalt  }
0x46: {  	_ =	shalt  }
0x47: {  	_ =	shalt  }
0x48: {  	_ =	shalt  }
0x49: {  	_ =	shalt  }
0x4a: {  	_ =	shalt  }
0x4b: {  	_ =	shalt  }
0x4c: {  	_ =	shalt  }
0x4d: {  	_ =	shalt  }
0x4e: {  	_ =	shalt  }
0x4f: {  	_ =	shalt  }
0x50: {  	_ =	shalt  }
0x51: {  	_ =	shalt  }
0x52: {  	_ =	shalt  }
0x53: {  	_ =	shalt  }
0x54: {  	_ =	shalt  }
0x55: {  	_ =	shalt  }
0x56: {  	_ =	shalt  }
0x57: {  	_ =	shalt  }
0x58: {  	_ =	shalt  }
0x59: {  	_ =	shalt  }
0x5a: {  	_ =	shalt  }
0x5b: {  	_ =	shalt  }
0x5c: {  	_ =	shalt  }
0x5d: {  	_ =	shalt  }
0x5e: {  	_ =	shalt  }
0x5f: {  	_ =	shalt  }
0x60: {  	_ =	shalt  }
0x61: {  	_ =	shalt  }
0x62: {  	_ =	shalt  }
0x63: {  	_ =	shalt  }
0x64: {  	_ =	shalt  }
0x65: {  	_ =	shalt  }
0x66: {  	_ =	shalt  }
0x67: {  	_ =	shalt  }
0x68: {  	_ =	shalt  }
0x69: {  	_ =	shalt  }
0x6a: {  	_ =	shalt  }
0x6b: {  	_ =	shalt  }
0x6c: {  	_ =	shalt  }
0x6d: {  	_ =	shalt  }
0x6e: {  	_ =	shalt  }
0x6f: {  	_ =	shalt  }
0x70: {  	_ =	shalt  }
0x71: {  	_ =	shalt  }
0x72: {  	_ =	shalt  }
0x73: {  	_ =	shalt  }
0x74: {  	_ =	shalt  }
0x75: {  	_ =	shalt  }
0x76: {  	_ =	shalt  }
0x77: {  	_ =	shalt  }
0x78: {  	_ =	shalt  }
0x79: {  	_ =	shalt  }
0x7a: {  	_ =	shalt  }
0x7b: {  	_ =	shalt  }
0x7c: {  	_ =	shalt  }
0x7d: {  	_ =	shalt  }
0x7e: {  	_ =	shalt  }
0x7f: {  	_ =	shalt  }
0x80: {  	_ =	shalt  }
0x81: {  	_ =	shalt  }
0x82: {  	_ =	shalt  }
0x83: {  	_ =	shalt  }
0x84: {  	_ =	shalt  }
0x85: {  	_ =	shalt  }
0x86: {  	_ =	shalt  }
0x87: {  	_ =	shalt  }
.Lfunc_end0:
.L_simem_size_0:
called_computation.2_lowered:
.L_overlay_start_0:
0x88: {  	s2 =	sld [smem:$0x3FD9]  }
0x89: {  	s3 =	sld [smem:$0x3FFE];
	_ =	sdelay $0x1  }
0x8a: {  	s1 =	srdreg.scid  }
0x8b: {  	s0 =	sand.u32 $0x1, s1  }
0x8c: {  	s17 =	sshll.u32 s0, $0xA;
	s2 =	sadd.s32 s3, s2  }
0x8d: {  	s2 =	sadd.s32 s2, s17  }
0x8e: {  	[smem:$0x3FBC] =	sst s2  }
0x8f: {  	_ = 	snop  }
0x90: {  	s2 =	sld [smem:$0x3FD0];
	(tm) =	ssettm $0x1  }
0x91: {  	s18 =	sld [smem:$0x3FFB];
	_ =	sdelay $0x3  }
0x92: {  	_ =	strace s18  }
0x93: {  	s3 =	sld [smem:$0x3FFC];
	_ =	sdelay $0x3  }
0x94: {  	_ =	strace s3  }
0x95: {  	s3 =	sld [smem:$0x3FFD];
	_ =	sdelay $0x3  }
0x96: {  	_ =	strace s3  }
0x97: {  	_ =	strace $0x8FFFFFFF  }
0x98: {  	s19 =	sld [smem:$0x3FDB];
	_ =	sdelay $0x1  }
0x99: {  	s4 =	simm.s32 $_scs_section_size  }
0x9a: {  	s5 =	simm.s32 $_size__tile_overlayer_lowered;
	s6 =	simm.s32 $_tile_overlayer_lowered  }
0x9b: {  	s22 =	simm.s32 $0x1BFF;
	s21 =	sshll.u32 s6, $0x1;
	s3 =	sadd.s32 s4, s19  }
0x9c: {  	s7 =	simm.s32 $0x0;
	s20 =	sshll.u32 s5, $0x1;
	s5 =	sadd.s32 s21, s3  }
0x9d: {  	[timem:s7], [sflag:s22] =	dma.local [hbm:s5], s20  }
0x9e: {  	_ =	swait.ge [sflag:s22], s20  }
0x9f: {  	s4 =	ssub.s32 $0x0, s20;
	[sflag:s22] =	ssyncset.done $0x0  }
0xa0: {  	[sflag:s22] =	ssyncadd.s32 s4;
	_ =	sdelay $0x1  }
0xa1: {  	s23 =	simm.s32 $0x1B8B  }
0xa2: {  	_ =	swait.ge [sflag:s23], $0x1  }
0xa3: {  	[sflag:s23] =	ssyncset.done $0x0  }
0xa4: {  	s25 =	simm.s32 $0x1B8E;
	s24 =	sld [smem:$0x3FFE];
	[sflag:s23] =	ssyncadd.s32 $0xFFFFFFFF  }
0xa5: {  	s26 =	simm.s32 $execute0_lowered;
	[smem:$0x3FD2] =	sst s25  }
0xa6: {  	s5 =	sshll.u32 s26, $0x1;
	_ =	strace $0x8000004C;
	[dreg:$0x1] =	wrdreg $0xFFFFFFFF  }
0xa7: {  	s28 =	simm.s32 $_size_execute0_lowered;
	s3 =	sadd.s32 s3, s5;
	[dreg:$0x0] =	wrdreg $0x0  }
0xa8: {  	s5 =	sshll.u32 s28, $0x1;
	[dreg:$0x2] =	wrdreg s3  }
0xa9: {  	[dreg:$0x3] =	wrdreg s5  }
0xaa: {  	[dreg:$0x4] =	wrdreg $0xC0  }
0xab: {  	_ =	task [dreg:s7], $0x5FFFF  }
0xac: {  	[dreg:$0x1] =	wrdreg $0xFFFFFFFF  }
0xad: {  	[dreg:$0x0] =	wrdreg $0x60  }
0xae: {  	[dreg:$0x2] =	wrdreg s24  }
0xaf: {  	[dreg:$0x3] =	wrdreg s2  }
0xb0: {  	[dreg:$0x4] =	wrdreg $0xD0000  }
0xb1: {  	[dreg:$0x5] =	wrdreg $0x9  }
0xb2: {  	_ =	task.clear_ibuf [dreg:s7], $0x6FFFF;
	_ =	strace $0x9000004C  }
0xb3: {  	s29 =	simm.s32 $0x9;
	_ =	strace $0x8000004E  }
0xb4: {  	_ =	swait.ge [sflag:s29], $0x1  }
0xb5: {  	[sflag:s29] =	ssyncadd.s32 $0xFFFFFFFF  }
0xb6: {  	_ =	strace $0x9000004E  }
0xb7: {  	_ =	sfence  }
0xb8: {  	s30 =	sld [smem:$0x0];
	_ =	sdelay $0x2  }
0xb9: {  	s31 =	sshll.u32 s1, $0xD;
	s1 =	sshrl.u32 s1, $0x2  }
0xba: {  	s3 =	sand.u32 $0x4000, s31;
	s1 =	sadd.s32 s1, s30  }
0xbb: {  	s0 =	sor.u32 s3, s0;
	s1 =	sshll.u32 s1, $0x11  }
0xbc: {  	s0 =	sor.u32 s1, s0  }
0xbd: {  	s0 =	sadd.s32 $0x8F2B, s0  }
0xbe: {  	[sflag:s0] =	ssyncadd.remote.s32 $0x1  }
0xbf: {  	_ =	sfence.sel $0xFFFF  }
0xc0: {  	[dreg:$0x0] =	wrdreg $0xFFFFFFFF;
	(pc) =	sbr.abs _section_cstart, $3  }
0xc1: {  	[dreg:$0x1] =	wrdreg $0xFFFFFFFF  }
0xc2: {  	_ =	task.clear_ibuf [dreg:s7], $0x2FFFF;
	_ =	strace $0x9FFFFFFF  }
0xc3: {  	(tm) =	ssettm $0x7FFFFFFF  }
tec
execute0_lowered:
.L_overlay_start_1:
0x0: {  	(tag) =	ssettag $0x1  }
0x1: {  	s0 =	rddreg [dreg:$0x0]  }
0x2: {  	s1 =	rddreg [dreg:$0x1]  }
0x3: {  	s2 =	rddreg [dreg:$0x2];
	s5 =	simm.s32 $0x0  }
0x4: {  	s3 =	srdreg.scid;
	s11 =	stileid.u32;
	s14 =	simm.s32 $0x5  }
0x5: {  	s18 =	simm.s32 $0x80;
	s19 =	simm.s32 $0x5000;
	s20 =	simm.s32 $0x7000  }
0x6: {  	s28 =	simm.s32 $0x3;
	s29 =	simm.s32 $0x4;
	s30 =	simm.s32 $0x0  }
0x7: {  	s3 =	sand.u32 $0x1, s3;
	s6 =	smul.u32 $0x9E00, s11;
	s4 =	sshll.u32 s11, $0x1  }
0x8: {  	[smem:$0x7FF] =	sst s5;
	s5 =	sadd.s32 $0x70000, s0;
	s15 =	sadd.s32 $0x3000, s0  }
0x9: {  	s31 =	sshll.u32 s11, $0x6;
	s7 =	smul.u32 $0x9E000, s3;
	s8 =	sor.u32 s3, s4  }
0xa: {  	_ =	strace $0x8000004D;
	s4 =	sadd.s32 $0x5C600, s0;
	s3 =	ssub.s32 $0x2, s3  }
0xb: {  	s16 =	sor.u32 $0x1C05, s31;
	[dreg:$0x5] =	wrdreg s15;
	s9 =	smul.u32 $0x50, s8  }
0xc: {  	s10 =	smul.u32 $0x4C, s8;
	p0 =	slt.u32 s8, $0xF;
	s21 =	sshrl.u32 s3, $0x1  }
0xd: {  	s23 =	sadd.s32 s6, s2;
	[dreg:$0xc] =	wrdreg s16;
	s7 =	sadd.s32 s6, s7  }
0xe: {  	s3 =	ssub.s32 s3, s21;
	s17 =	sshrl.u32 s23, $0x3;
	s21 =	simm.s32 $0x100  }
0xf: {  	s23 =	simm.s32 $0x180;
	s8 =	sadd.s32 $0xFFFFFFC4, s9;
	s7 =	sshrl.u32 s7, $0x3  }
0x10: {  	s3 =	smax.u32 s3, $0x1;
	s8 =	smov.u32 @p0 s10;
	s0 =	sadd.s32 s7, s0  }
0x11: {  	s7 =	simm.s32 $0x4C;
	[dreg:$0xa] =	wrdreg s3;
	s8 =	sshll.u32 s8, $0x7  }
0x12: {  	s7 =	simm.s32 @!p0 $0x50;
	s24 =	sadd.s32 $0x83A00, s0;
	s0 =	sadd.s32 $0xAB200, s0  }
0x13: {  	s22 =	sadd.s32 $0x4E200, s8;
	s8 =	sshrl.u32 s8, $0x3;
	[dreg:$0x8] =	wrdreg s24  }
0x14: {  	[dreg:$0x9] =	wrdreg s0;
	s25 =	sshll.u32 s7, $0x9;
	s26 =	sadd.s32 $0xFFFFFFF9, s7  }
0x15: {  	s24 =	simm.s32 $0xB000;
	s8 =	sadd.s32 s1, s8;
	[dreg:$0xb] =	wrdreg s26  }
0x16: {  	s9 =	sshrl.u32 s22, $0x3;
	s0 =	sadd.s32 $0xFFFFF800, s25;
	[dreg:$0x6] =	wrdreg s8  }
0x17: {  	s22 =	simm.s32 $0x9000;
	s1 =	sadd.s32 s1, s9;
	[dreg:$0x4] =	wrdreg s0  }
0x18: {  	s25 =	simm.s32 $0x1;
	s26 =	simm.s32 $0x2;
	[dreg:$0x7] =	wrdreg s1  }
.LBB2_1:
0x19: {  	s0 =	simm.s32 $0x0;
	s1 =	rddreg [dreg:$0x6]  }
0x1a: {  	[tilespmem:s0], [sflag:$0x5] =	stream.linear.gather [hbm4b:s1+s0], $0x2800, $0x38;
	[tilespmem:$0x16E00] =	vst v63  }
0x1b: {  	_ =	swait.ge [sflag:s14], $0x2800  }
0x1c: {  	[sflag:s14] =	ssyncset.done $0x0  }
0x1d: {  	s3 =	simm.s32 $0x2800;
	s31 =	rddreg [dreg:$0x7];
	[sflag:s14] =	ssyncadd.s32 $0xFFFFD800  }
0x1e: {  	[tilespmem:s3], [sflag:$0x5] =	stream.linear.gather [hbm4b:s31+s0], $0x2800, $0x38;
	[tilespmem:$0x16E00] =	vst v63  }
0x1f: {  	_ =	swait.ge [sflag:s14], $0x2800  }
0x20: {  	[sflag:s14] =	ssyncset.done $0x0  }
0x21: {  	[sflag:s14] =	ssyncadd.s32 $0xFFFFD800  }
0x22: {  	[spmem:s17], [sflag:s16] =	dma.local [hbm:s15], $0x13C0  }
0x23: {  	_ =	swait.ge [sflag:s14], $0x13C0  }
0x24: {  	[sflag:s14] =	ssyncset.done $0x0  }
0x25: {  	[sflag:s14] =	ssyncadd.s32 $0xFFFFEC40  }
0x26: {  	[bflag:$0x0] =	sbarrier.arrive $0xFFFF  }
0x27: {  	[tilespmem:s19], [sflag:$0x1] =	stream.indirect.gather [hbm4b:s4+s18], $0x40, s0, s18, $0xb8;
	[tilespmem:$0x16E00] =	vst v63  }
0x28: {  	_ = 	snop  }
0x29: {  	[tilespmem:s20], [sflag:$0x2] =	stream.indirect.gather [hbm4b:s4+s18], $0x40, s18, s18, $0xb8;
	[tilespmem:$0x16E00] =	vst v63  }
0x2a: {  	_ = 	snop  }
0x2b: {  	[tilespmem:s22], [sflag:$0x3] =	stream.indirect.gather [hbm4b:s4+s18], $0x40, s21, s18, $0xb8;
	[tilespmem:$0x16E00] =	vst v63  }
0x2c: {  	s1 =	simm.s32 $0x0;
	s3 =	simm.s32 $0x0;
	s0 =	simm.s32 $0x1  }
0x2d: {  	[tilespmem:s24], [sflag:$0x4] =	stream.indirect.gather [hbm4b:s4+s18], $0x40, s23, s18, $0xb8;
	[tilespmem:$0x16E00] =	vst v63  }
.LBB2_2:
0x2e: {  	_ =	swait.ge [sflag:s25], $0x2000  }
0x2f: {  	s6 =	sshra.s32 s3, $0x2;
	s9 =	smov.u32 s1;
	[sflag:s25] =	ssyncset.done $0x0  }
0x30: {  	s1 =	sadd.s32 $0x4, s1;
	s8 =	sadd.s32 $0x2800, s6;
	[sflag:s25] =	ssyncadd.s32 $0xFFFFE000  }
0x31: {  	[spmem:s2] =	stream.indirect.scatter.add.f32 [tilespmem:s19], [sflag:$0x5], $0x40, s8, s18, $0xb8;
	[tilespmem:$0x16E00] =	vst v63  }
0x32: {  	p0 =	sge.u32 s1, s7;
	_ =	swait.ge [sflag:s14], $0x2000  }
0x33: {  	s10 =	simm.s32 @!p0 $0x80;
	s8 =	sshra.s32 @!p0 s3, $0x2;
	[sflag:s14] =	ssyncset.done $0x0  }
0x34: {  	s11 =	simm.s32 @!p0 $0x5000;
	s8 =	sadd.s32 @!p0 $0x200, s8;
	[sflag:s14] =	ssyncadd.s32 $0xFFFFE000  }
0x35: {  	[tilespmem:s11], [sflag:$0x1] =	stream.indirect.gather @!p0 [hbm4b:s4+s10], $0x40, s8, s10, $0xb8;
	[tilespmem:$0x16E00] =	vst v63  }
0x36: {  	_ =	swait.ge [sflag:s26], $0x2000  }
0x37: {  	[sflag:s26] =	ssyncset.done $0x0  }
0x38: {  	s31 =	sadd.s32 $0x2880, s6;
	s10 =	sadd.s32 $0x5, s9;
	[sflag:s26] =	ssyncadd.s32 $0xFFFFE000  }
0x39: {  	[spmem:s2] =	stream.indirect.scatter.add.f32 [tilespmem:s20], [sflag:$0x5], $0x40, s31, s18, $0xb8;
	[tilespmem:$0x16E00] =	vst v63  }
0x3a: {  	p0 =	sge.u32 s10, s7;
	_ =	swait.ge [sflag:s14], $0x2000  }
0x3b: {  	s8 =	sshra.s32 @!p0 s3, $0x2;
	s10 =	simm.s32 @!p0 $0x80;
	[sflag:s14] =	ssyncset.done $0x0  }
0x3c: {  	s11 =	simm.s32 @!p0 $0x7000;
	s8 =	sadd.s32 @!p0 $0x280, s8;
	[sflag:s14] =	ssyncadd.s32 $0xFFFFE000  }
0x3d: {  	[tilespmem:s11], [sflag:$0x2] =	stream.indirect.gather @!p0 [hbm4b:s4+s10], $0x40, s8, s10, $0xb8;
	[tilespmem:$0x16E00] =	vst v63  }
0x3e: {  	_ =	swait.ge [sflag:s28], $0x2000  }
0x3f: {  	[sflag:s28] =	ssyncset.done $0x0  }
0x40: {  	s12 =	sadd.s32 $0x6, s9;
	s11 =	sadd.s32 $0x2900, s6;
	[sflag:s28] =	ssyncadd.s32 $0xFFFFE000  }
0x41: {  	[spmem:s2] =	stream.indirect.scatter.add.f32 [tilespmem:s22], [sflag:$0x5], $0x40, s11, s18, $0xb8;
	[tilespmem:$0x16E00] =	vst v63  }
0x42: {  	p0 =	sge.u32 s12, s7;
	_ =	swait.ge [sflag:s14], $0x2000  }
0x43: {  	s8 =	sshra.s32 @!p0 s3, $0x2;
	s10 =	simm.s32 @!p0 $0x80;
	[sflag:s14] =	ssyncset.done $0x0  }
0x44: {  	s8 =	sadd.s32 @!p0 $0x300, s8;
	s11 =	simm.s32 @!p0 $0x9000;
	[sflag:s14] =	ssyncadd.s32 $0xFFFFE000  }
0x45: {  	[tilespmem:s11], [sflag:$0x3] =	stream.indirect.gather @!p0 [hbm4b:s4+s10], $0x40, s8, s10, $0xb8;
	[tilespmem:$0x16E00] =	vst v63  }
0x46: {  	_ =	swait.ge [sflag:s29], $0x2000  }
0x47: {  	s13 =	sadd.s32 $0x7, s9;
	[sflag:s29] =	ssyncset.done $0x0  }
0x48: {  	s6 =	sadd.s32 $0x2980, s6;
	p0 =	sge.u32 s13, s7;
	[sflag:s29] =	ssyncadd.s32 $0xFFFFE000  }
0x49: {  	[spmem:s2] =	stream.indirect.scatter.add.f32 [tilespmem:s24], [sflag:$0x5], $0x40, s6, s18, $0xb8;
	[tilespmem:$0x16E00] =	vst v63  }
0x4a: {  	s8 =	simm.s32 @!p0 $0x80;
	s9 =	simm.s32 @!p0 $0xB000;
	_ =	swait.ge [sflag:s14], $0x2000  }
0x4b: {  	s6 =	sshra.s32 @!p0 s3, $0x2;
	s3 =	sadd.s32 $0x800, s3;
	[sflag:s14] =	ssyncset.done $0x0  }
0x4c: {  	s6 =	sadd.s32 @!p0 $0x380, s6;
	s31 =	rddreg [dreg:$0x4];
	[sflag:s14] =	ssyncadd.s32 $0xFFFFE000  }
0x4d: {  	[tilespmem:s9], [sflag:$0x4] =	stream.indirect.gather @!p0 [hbm4b:s4+s8], $0x40, s6, s8, $0xb8;
	[tilespmem:$0x16E00] =	vst v63  }
0x4e: {  	p0 =	sne.s32 s31, s3  }
.Ltmp0:
0x4f: {  	_ = 	snop;
	(pc) =	sbr.rel @p0 .LBB2_2-.Ltmp0, $2  }
0x50: {  	_ =	sdelay $0x2  }
0x51: {  	s10 =	smov.u32 s0;
	s0 =	sadd.s32 $0x1, s0  }
0x52: {  	_ =	swait.ge [sflag:s25], $0x2000  }
0x53: {  	s6 =	sshra.s32 s3, $0x2;
	[sflag:s25] =	ssyncset.done $0x0  }
0x54: {  	s0 =	sadd.s32 $0x4, s1;
	s31 =	sadd.s32 $0x2800, s6;
	[sflag:s25] =	ssyncadd.s32 $0xFFFFE000  }
0x55: {  	[spmem:s2] =	stream.indirect.scatter.add.f32 [tilespmem:s19], [sflag:$0x5], $0x40, s31, s18, $0xb8;
	[tilespmem:$0x16E00] =	vst v63  }
0x56: {  	p0 =	sge.u32 s0, s7;
	_ =	swait.ge [sflag:s14], $0x2000  }
0x57: {  	s0 =	sshra.s32 @!p0 s3, $0x2;
	s8 =	simm.s32 @!p0 $0x80;
	[sflag:s14] =	ssyncset.done $0x0  }
0x58: {  	s9 =	simm.s32 @!p0 $0x5000;
	s0 =	sadd.s32 @!p0 $0x200, s0;
	[sflag:s14] =	ssyncadd.s32 $0xFFFFE000  }
0x59: {  	[tilespmem:s9], [sflag:$0x1] =	stream.indirect.gather @!p0 [hbm4b:s4+s8], $0x40, s0, s8, $0xb8;
	[tilespmem:$0x16E00] =	vst v63  }
0x5a: {  	_ =	swait.ge [sflag:s26], $0x2000  }
0x5b: {  	[sflag:s26] =	ssyncset.done $0x0  }
0x5c: {  	s12 =	sadd.s32 $0x5, s1;
	s8 =	sadd.s32 $0x2880, s6;
	[sflag:s26] =	ssyncadd.s32 $0xFFFFE000  }
0x5d: {  	[spmem:s2] =	stream.indirect.scatter.add.f32 [tilespmem:s20], [sflag:$0x5], $0x40, s8, s18, $0xb8;
	[tilespmem:$0x16E00] =	vst v63  }
0x5e: {  	p1 =	sge.u32 s12, s7;
	_ =	swait.ge [sflag:s14], $0x2000  }
0x5f: {  	s11 =	simm.s32 @!p1 $0x80;
	s9 =	sshra.s32 @!p1 s3, $0x2;
	[sflag:s14] =	ssyncset.done $0x0  }
0x60: {  	s12 =	simm.s32 @!p1 $0x7000;
	s9 =	sadd.s32 @!p1 $0x280, s9;
	[sflag:s14] =	ssyncadd.s32 $0xFFFFE000  }
0x61: {  	[tilespmem:s12], [sflag:$0x2] =	stream.indirect.gather @!p1 [hbm4b:s4+s11], $0x40, s9, s11, $0xb8;
	[tilespmem:$0x16E00] =	vst v63  }
0x62: {  	_ =	swait.ge [sflag:s28], $0x2000  }
0x63: {  	s13 =	sadd.s32 $0x6, s1;
	[sflag:s28] =	ssyncset.done $0x0  }
0x64: {  	p2 =	sge.u32 s13, s7;
	s12 =	sadd.s32 $0x2900, s6;
	[sflag:s28] =	ssyncadd.s32 $0xFFFFE000  }
0x65: {  	[spmem:s2] =	stream.indirect.scatter.add.f32 [tilespmem:s22], [sflag:$0x5], $0x40, s12, s18, $0xb8;
	[tilespmem:$0x16E00] =	vst v63  }
0x66: {  	s3 =	sshra.s32 @!p2 s3, $0x2;
	_ =	swait.ge [sflag:s14], $0x2000  }
0x67: {  	s13 =	sadd.s32 @!p2 $0x300, s3;
	[sflag:s14] =	ssyncset.done $0x0  }
0x68: {  	s3 =	simm.s32 @!p2 $0x80;
	s11 =	simm.s32 @!p2 $0x9000;
	[sflag:s14] =	ssyncadd.s32 $0xFFFFE000  }
0x69: {  	[tilespmem:s11], [sflag:$0x3] =	stream.indirect.gather @!p2 [hbm4b:s4+s3], $0x40, s13, s3, $0xb8;
	[tilespmem:$0x16E00] =	vst v63  }
0x6a: {  	_ =	swait.ge [sflag:s29], $0x2000  }
0x6b: {  	[sflag:s29] =	ssyncset.done $0x0  }
0x6c: {  	s3 =	sadd.s32 $0x2980, s6;
	[sflag:s29] =	ssyncadd.s32 $0xFFFFE000  }
0x6d: {  	[spmem:s2] =	stream.indirect.scatter.add.f32 [tilespmem:s24], [sflag:$0x5], $0x40, s3, s18, $0xb8;
	[tilespmem:$0x16E00] =	vst v63  }
0x6e: {  	_ =	swait.ge [sflag:s14], $0x2000  }
0x6f: {  	[sflag:s14] =	ssyncset.done $0x0;
	s11 =	rddreg [dreg:$0xb]  }
0x70: {  	[sflag:s14] =	ssyncadd.s32 $0xFFFFE000;
	p3 =	sge.u32 s1, s11  }
0x71: {  	s1 =	simm.s32 @!p3 $0x80;
	s6 =	simm.s32 @!p3 $0x2780;
	s11 =	simm.s32 @!p3 $0xB000  }
0x72: {  	[tilespmem:s11], [sflag:$0x4] =	stream.indirect.gather @!p3 [hbm4b:s4+s1], $0x40, s6, s1, $0xb8;
	[tilespmem:$0x16E00] =	vst v63  }
0x73: {  	[bflag:$0x0] =	sbarrier.arrive $0xFFFF  }
0x74: {  	s6 =	rddreg [dreg:$0x8]  }
0x75: {  	[hbm:s6], [sflag:s16] =	dma.local [spmem:s17], $0x13C0  }
0x76: {  	_ =	swait.ge [sflag:s14], $0x13C0  }
0x77: {  	[sflag:s14] =	ssyncset.done $0x0  }
0x78: {  	[sflag:s14] =	ssyncadd.s32 $0xFFFFEC40  }
0x79: {  	[spmem:s17], [sflag:s16] =	dma.local [hbm:s15], $0x13C0  }
0x7a: {  	_ =	swait.ge [sflag:s14], $0x13C0  }
0x7b: {  	[sflag:s14] =	ssyncset.done $0x0  }
0x7c: {  	[sflag:s14] =	ssyncadd.s32 $0xFFFFEC40  }
0x7d: {  	s11 =	simm.s32 $0x0;
	[bflag:$0x0] =	sbarrier.arrive $0xFFFF  }
0x7e: {  	[tilespmem:s19], [sflag:$0x1] =	stream.indirect.gather [hbm4b:s5+s18], $0x40, s11, s18, $0xb8;
	[tilespmem:$0x16E00] =	vst v63  }
0x7f: {  	_ = 	snop  }
0x80: {  	[tilespmem:s20], [sflag:$0x2] =	stream.indirect.gather [hbm4b:s5+s18], $0x40, s18, s18, $0xb8;
	[tilespmem:$0x16E00] =	vst v63  }
0x81: {  	_ = 	snop  }
0x82: {  	[tilespmem:s22], [sflag:$0x3] =	stream.indirect.gather [hbm4b:s5+s18], $0x40, s21, s18, $0xb8;
	[tilespmem:$0x16E00] =	vst v63  }
0x83: {  	_ = 	snop  }
0x84: {  	[tilespmem:s24], [sflag:$0x4] =	stream.indirect.gather [hbm4b:s5+s18], $0x40, s23, s18, $0xb8;
	[tilespmem:$0x16E00] =	vst v63  }
0x85: {  	_ =	swait.ge [sflag:s25], $0x2000  }
0x86: {  	[sflag:s25] =	ssyncset.done $0x0  }
0x87: {  	s15 =	simm.s32 $0x2800;
	[sflag:s25] =	ssyncadd.s32 $0xFFFFE000  }
0x88: {  	[spmem:s2] =	stream.indirect.scatter.add.f32 [tilespmem:s19], [sflag:$0x5], $0x40, s15, s18, $0xb8;
	[tilespmem:$0x16E00] =	vst v63  }
0x89: {  	p4 =	sle.u32 s7, $0x4;
	_ =	swait.ge [sflag:s14], $0x2000  }
0x8a: {  	s1 =	simm.s32 @!p4 $0x5000;
	[sflag:s14] =	ssyncset.done $0x0  }
0x8b: {  	s6 =	simm.s32 @!p4 $0x200;
	s11 =	simm.s32 @!p4 $0x80;
	[sflag:s14] =	ssyncadd.s32 $0xFFFFE000  }
0x8c: {  	[tilespmem:s1], [sflag:$0x1] =	stream.indirect.gather @!p4 [hbm4b:s5+s11], $0x40, s6, s11, $0xb8;
	[tilespmem:$0x16E00] =	vst v63  }
0x8d: {  	_ =	swait.ge [sflag:s26], $0x2000  }
0x8e: {  	[sflag:s26] =	ssyncset.done $0x0  }
0x8f: {  	s16 =	simm.s32 $0x2880;
	[sflag:s26] =	ssyncadd.s32 $0xFFFFE000  }
0x90: {  	[spmem:s2] =	stream.indirect.scatter.add.f32 [tilespmem:s20], [sflag:$0x5], $0x40, s16, s18, $0xb8;
	[tilespmem:$0x16E00] =	vst v63  }
0x91: {  	p4 =	sle.u32 s7, $0x5;
	_ =	swait.ge [sflag:s14], $0x2000  }
0x92: {  	s1 =	simm.s32 @!p4 $0x7000;
	[sflag:s14] =	ssyncset.done $0x0  }
0x93: {  	s6 =	simm.s32 @!p4 $0x280;
	s11 =	simm.s32 @!p4 $0x80;
	[sflag:s14] =	ssyncadd.s32 $0xFFFFE000  }
0x94: {  	[tilespmem:s1], [sflag:$0x2] =	stream.indirect.gather @!p4 [hbm4b:s5+s11], $0x40, s6, s11, $0xb8;
	[tilespmem:$0x16E00] =	vst v63  }
0x95: {  	_ =	swait.ge [sflag:s28], $0x2000  }
0x96: {  	[sflag:s28] =	ssyncset.done $0x0  }
0x97: {  	s21 =	simm.s32 $0x2900;
	[sflag:s28] =	ssyncadd.s32 $0xFFFFE000  }
0x98: {  	[spmem:s2] =	stream.indirect.scatter.add.f32 [tilespmem:s22], [sflag:$0x5], $0x40, s21, s18, $0xb8;
	[tilespmem:$0x16E00] =	vst v63  }
0x99: {  	p4 =	sle.u32 s7, $0x6;
	_ =	swait.ge [sflag:s14], $0x2000  }
0x9a: {  	s1 =	simm.s32 @!p4 $0x9000;
	[sflag:s14] =	ssyncset.done $0x0  }
0x9b: {  	s6 =	simm.s32 @!p4 $0x300;
	s11 =	simm.s32 @!p4 $0x80;
	[sflag:s14] =	ssyncadd.s32 $0xFFFFE000  }
0x9c: {  	[tilespmem:s1], [sflag:$0x3] =	stream.indirect.gather @!p4 [hbm4b:s5+s11], $0x40, s6, s11, $0xb8;
	[tilespmem:$0x16E00] =	vst v63  }
0x9d: {  	s10 =	sadd.s32 $0xFFFFFFFF, s10;
	_ =	swait.ge [sflag:s29], $0x2000  }
0x9e: {  	p4 =	sne.s32 s10, $0x0;
	[sflag:s29] =	ssyncset.done $0x0  }
.Ltmp1:
0x9f: {  	s23 =	simm.s32 $0x2980;
	[sflag:s29] =	ssyncadd.s32 $0xFFFFE000;
	(pc) =	sbr.rel @!p4 .LBB2_5-.Ltmp1, $4  }
0xa0: {  	[spmem:s2] =	stream.indirect.scatter.add.f32 [tilespmem:s24], [sflag:$0x5], $0x40, s23, s18, $0xb8;
	[tilespmem:$0x16E00] =	vst v63  }
0xa1: {  	p5 =	sle.u32 s7, $0x7;
	s21 =	simm.s32 $0x800;
	_ =	swait.ge [sflag:s14], $0x2000  }
0xa2: {  	s11 =	simm.s32 $0x8;
	s6 =	simm.s32 @!p5 $0xB000;
	[sflag:s14] =	ssyncset.done $0x0  }
0xa3: {  	s1 =	simm.s32 @!p5 $0x80;
	s23 =	simm.s32 @!p5 $0x380;
	[sflag:s14] =	ssyncadd.s32 $0xFFFFE000  }
.LBB2_4:
0xa4: {  	[tilespmem:s6], [sflag:$0x4] =	stream.indirect.gather @!p5 [hbm4b:s5+s1], $0x40, s23, s1, $0xb8;
	[tilespmem:$0x16E00] =	vst v63  }
0xa5: {  	s10 =	sadd.s32 $0xFFFFFFFF, s10;
	s23 =	smov.u32 s21;
	_ =	swait.ge [sflag:s25], $0x2000  }
0xa6: {  	s6 =	sshra.s32 s21, $0x2;
	p4 =	sne.s32 s10, $0x0;
	[sflag:s25] =	ssyncset.done $0x0  }
0xa7: {  	s1 =	sadd.s32 $0x2800, s6;
	[sflag:s25] =	ssyncadd.s32 $0xFFFFE000  }
0xa8: {  	[spmem:s2] =	stream.indirect.scatter.add.f32 [tilespmem:s19], [sflag:$0x5], $0x40, s1, s18, $0xb8;
	[tilespmem:$0x16E00] =	vst v63  }
0xa9: {  	p5 =	sge.u32 s11, s7;
	_ =	swait.ge [sflag:s14], $0x2000  }
0xaa: {  	s15 =	simm.s32 @!p5 $0x5000;
	s1 =	sshra.s32 @!p5 s21, $0x2;
	[sflag:s14] =	ssyncset.done $0x0  }
0xab: {  	s16 =	simm.s32 @!p5 $0x80;
	s1 =	sadd.s32 @!p5 $0x200, s1;
	[sflag:s14] =	ssyncadd.s32 $0xFFFFE000  }
0xac: {  	[tilespmem:s15], [sflag:$0x1] =	stream.indirect.gather @!p5 [hbm4b:s5+s16], $0x40, s1, s16, $0xb8;
	[tilespmem:$0x16E00] =	vst v63  }
0xad: {  	_ =	swait.ge [sflag:s26], $0x2000  }
0xae: {  	[sflag:s26] =	ssyncset.done $0x0  }
0xaf: {  	s1 =	sadd.s32 $0x2880, s6;
	s15 =	sadd.s32 $0x1, s11;
	[sflag:s26] =	ssyncadd.s32 $0xFFFFE000  }
0xb0: {  	[spmem:s2] =	stream.indirect.scatter.add.f32 [tilespmem:s20], [sflag:$0x5], $0x40, s1, s18, $0xb8;
	[tilespmem:$0x16E00] =	vst v63  }
0xb1: {  	p5 =	sge.u32 s15, s7;
	_ =	swait.ge [sflag:s14], $0x2000  }
0xb2: {  	s15 =	simm.s32 @!p5 $0x7000;
	s1 =	sshra.s32 @!p5 s21, $0x2;
	[sflag:s14] =	ssyncset.done $0x0  }
0xb3: {  	s16 =	simm.s32 @!p5 $0x80;
	s1 =	sadd.s32 @!p5 $0x280, s1;
	[sflag:s14] =	ssyncadd.s32 $0xFFFFE000  }
0xb4: {  	[tilespmem:s15], [sflag:$0x2] =	stream.indirect.gather @!p5 [hbm4b:s5+s16], $0x40, s1, s16, $0xb8;
	[tilespmem:$0x16E00] =	vst v63  }
0xb5: {  	_ =	swait.ge [sflag:s28], $0x2000  }
0xb6: {  	[sflag:s28] =	ssyncset.done $0x0  }
0xb7: {  	s1 =	sadd.s32 $0x2900, s6;
	s15 =	sadd.s32 $0x2, s11;
	[sflag:s28] =	ssyncadd.s32 $0xFFFFE000  }
0xb8: {  	[spmem:s2] =	stream.indirect.scatter.add.f32 [tilespmem:s22], [sflag:$0x5], $0x40, s1, s18, $0xb8;
	[tilespmem:$0x16E00] =	vst v63  }
0xb9: {  	p5 =	sge.u32 s15, s7;
	_ =	swait.ge [sflag:s14], $0x2000  }
0xba: {  	s15 =	simm.s32 @!p5 $0x9000;
	s1 =	sshra.s32 @!p5 s21, $0x2;
	[sflag:s14] =	ssyncset.done $0x0  }
0xbb: {  	s16 =	simm.s32 @!p5 $0x80;
	s1 =	sadd.s32 @!p5 $0x300, s1;
	[sflag:s14] =	ssyncadd.s32 $0xFFFFE000  }
0xbc: {  	[tilespmem:s15], [sflag:$0x3] =	stream.indirect.gather @!p5 [hbm4b:s5+s16], $0x40, s1, s16, $0xb8;
	[tilespmem:$0x16E00] =	vst v63  }
0xbd: {  	_ =	swait.ge [sflag:s29], $0x2000  }
0xbe: {  	s1 =	sadd.s32 $0x3, s11;
	s11 =	sadd.s32 $0x4, s11;
	[sflag:s29] =	ssyncset.done $0x0  }
.Ltmp2:
0xbf: {  	s6 =	sadd.s32 $0x2980, s6;
	[sflag:s29] =	ssyncadd.s32 $0xFFFFE000;
	(pc) =	sbr.rel @p4 .LBB2_4-.Ltmp2, $4  }
0xc0: {  	[spmem:s2] =	stream.indirect.scatter.add.f32 [tilespmem:s24], [sflag:$0x5], $0x40, s6, s18, $0xb8;
	[tilespmem:$0x16E00] =	vst v63  }
0xc1: {  	s21 =	sadd.s32 $0x800, s21;
	p5 =	sge.u32 s1, s7;
	_ =	swait.ge [sflag:s14], $0x2000  }
0xc2: {  	s1 =	sshra.s32 @!p5 s23, $0x2;
	s6 =	simm.s32 @!p5 $0xB000;
	[sflag:s14] =	ssyncset.done $0x0  }
0xc3: {  	s23 =	sadd.s32 @!p5 $0x380, s1;
	s1 =	simm.s32 @!p5 $0x80;
	[sflag:s14] =	ssyncadd.s32 $0xFFFFE000  }
.LBB2_5:
0xc4: {  	[tilespmem:s6], [sflag:$0x4] =	stream.indirect.gather @!p5 [hbm4b:s5+s1], $0x40, s23, s1, $0xb8;
	[tilespmem:$0x16E00] =	vst v63  }
0xc5: {  	_ =	swait.ge [sflag:s25], $0x2000  }
0xc6: {  	[sflag:s25] =	ssyncset.done $0x0  }
0xc7: {  	[sflag:s25] =	ssyncadd.s32 $0xFFFFE000  }
0xc8: {  	[spmem:s2] =	stream.indirect.scatter.add.f32 [tilespmem:s19], [sflag:$0x5], $0x40, s31, s18, $0xb8;
	[tilespmem:$0x16E00] =	vst v63  }
0xc9: {  	_ =	swait.ge [sflag:s14], $0x2000  }
0xca: {  	[sflag:s14] =	ssyncset.done $0x0  }
0xcb: {  	s1 =	simm.s32 @!p0 $0x80;
	s6 =	simm.s32 @!p0 $0x5000;
	[sflag:s14] =	ssyncadd.s32 $0xFFFFE000  }
0xcc: {  	[tilespmem:s6], [sflag:$0x1] =	stream.indirect.gather @!p0 [hbm4b:s5+s1], $0x40, s0, s1, $0xb8;
	[tilespmem:$0x16E00] =	vst v63  }
0xcd: {  	_ =	swait.ge [sflag:s26], $0x2000  }
0xce: {  	[sflag:s26] =	ssyncset.done $0x0  }
0xcf: {  	[sflag:s26] =	ssyncadd.s32 $0xFFFFE000  }
0xd0: {  	[spmem:s2] =	stream.indirect.scatter.add.f32 [tilespmem:s20], [sflag:$0x5], $0x40, s8, s18, $0xb8;
	[tilespmem:$0x16E00] =	vst v63  }
0xd1: {  	_ =	swait.ge [sflag:s14], $0x2000  }
0xd2: {  	[sflag:s14] =	ssyncset.done $0x0  }
0xd3: {  	s0 =	simm.s32 @!p1 $0x80;
	s1 =	simm.s32 @!p1 $0x7000;
	[sflag:s14] =	ssyncadd.s32 $0xFFFFE000  }
0xd4: {  	[tilespmem:s1], [sflag:$0x2] =	stream.indirect.gather @!p1 [hbm4b:s5+s0], $0x40, s9, s0, $0xb8;
	[tilespmem:$0x16E00] =	vst v63  }
0xd5: {  	_ =	swait.ge [sflag:s28], $0x2000  }
0xd6: {  	[sflag:s28] =	ssyncset.done $0x0  }
0xd7: {  	[sflag:s28] =	ssyncadd.s32 $0xFFFFE000  }
0xd8: {  	[spmem:s2] =	stream.indirect.scatter.add.f32 [tilespmem:s22], [sflag:$0x5], $0x40, s12, s18, $0xb8;
	[tilespmem:$0x16E00] =	vst v63  }
0xd9: {  	_ =	swait.ge [sflag:s14], $0x2000  }
0xda: {  	[sflag:s14] =	ssyncset.done $0x0  }
0xdb: {  	s0 =	simm.s32 @!p2 $0x80;
	s1 =	simm.s32 @!p2 $0x9000;
	[sflag:s14] =	ssyncadd.s32 $0xFFFFE000  }
0xdc: {  	[tilespmem:s1], [sflag:$0x3] =	stream.indirect.gather @!p2 [hbm4b:s5+s0], $0x40, s13, s0, $0xb8;
	[tilespmem:$0x16E00] =	vst v63  }
0xdd: {  	_ =	swait.ge [sflag:s29], $0x2000  }
0xde: {  	[sflag:s29] =	ssyncset.done $0x0  }
0xdf: {  	[sflag:s29] =	ssyncadd.s32 $0xFFFFE000  }
0xe0: {  	[spmem:s2] =	stream.indirect.scatter.add.f32 [tilespmem:s24], [sflag:$0x5], $0x40, s3, s18, $0xb8;
	[tilespmem:$0x16E00] =	vst v63  }
0xe1: {  	_ =	swait.ge [sflag:s14], $0x2000  }
0xe2: {  	s0 =	simm.s32 @!p3 $0x80;
	[sflag:s14] =	ssyncset.done $0x0  }
0xe3: {  	s1 =	simm.s32 @!p3 $0x2780;
	s3 =	simm.s32 @!p3 $0xB000;
	[sflag:s14] =	ssyncadd.s32 $0xFFFFE000  }
0xe4: {  	[tilespmem:s3], [sflag:$0x4] =	stream.indirect.gather @!p3 [hbm4b:s5+s0], $0x40, s1, s0, $0xb8;
	[tilespmem:$0x16E00] =	vst v63  }
0xe5: {  	[bflag:$0x0] =	sbarrier.arrive $0xFFFF  }
0xe6: {  	s23 =	rddreg [dreg:$0x9]  }
0xe7: {  	s16 =	rddreg [dreg:$0xc]  }
0xe8: {  	[hbm:s23], [sflag:s16] =	dma.local [spmem:s17], $0x13C0  }
0xe9: {  	_ =	swait.ge [sflag:s14], $0x13C0  }
0xea: {  	s30 =	sadd.s32 $0x1, s30;
	s31 =	rddreg [dreg:$0xa]  }
0xeb: {  	p0 =	sne.s32 s30, s31  }
.Ltmp3:
0xec: {  	_ = 	snop;
	(pc) =	sbr.rel @p0 .LBB2_1-.Ltmp3, $3  }
0xed: {  	_ =	sdelay $0x1  }
0xee: {  	s21 =	simm.s32 $0x100;
	[sflag:s14] =	ssyncset.done $0x0  }
0xef: {  	s23 =	simm.s32 $0x180;
	s15 =	rddreg [dreg:$0x5];
	[sflag:s14] =	ssyncadd.s32 $0xFFFFEC40  }
0xf0: {  	_ =	sfence.sel $0x180000  }
0xf1: {  	[bflag:$0x0] =	sbarrier.arrive $0xFFFF  }
0xf2: {  	_ =	strace $0x9000004D  }
0xf3: {  	s0 =	stileid.u32;
	[bflag:$0x2] =	sbarrier.arrive $0xFFFF  }
0xf4: {  	p0 =	sne.s32 s0, $0x0;
	s0 =	rddreg [dreg:$0x3]  }
0xf5: {  	s0 =	sadd.s32 @!p0 $0x100000, s0  }
0xf6: {  	[sflag:s0] =	ssyncadd.tile.s32 @!p0 $0x1;
	_ =	shalt  }
.Lfunc_end2:
_tile_overlayer_lowered:
.L_overlay_start_2:
0xf7: {  	(tag) =	ssettag $0x2  }
0xf8: {  	s0 =	rddreg [dreg:$0x0];
	s2 =	stileid.u32  }
0xf9: {  	s1 =	rddreg [dreg:$0x1];
	p0 =	sne.s32 s2, $0x0  }
0xfa: {  	s3 =	rddreg [dreg:$0x2];
	[bflag:$0x3] =	sbarrier.arrive $0xFFFF;
	s2 =	simm.s32 @!p0 $0x1C05  }
0xfb: {  	[timem:s3], [sflag:s2] =	dma.local @!p0 [hbm:s0], s1  }
0xfc: {  	s0 =	simm.s32 @!p0 $0x5  }
0xfd: {  	_ =	swait.ge @!p0 [sflag:s0], s1  }
0xfe: {  	s1 =	ssub.s32 @!p0 $0x0, s1;
	[sflag:s0] =	ssyncset.done @!p0 $0x0  }
0xff: {  	[sflag:s0] =	ssyncadd.s32 @!p0 s1  }
0x100: {  	[bflag:$0x3] =	sbarrier.arrive $0xFFFF  }
0x101: {  	_ =	shalt  }

// kernel: kernel.19.cloned.1.call-start
scs
__scs_entry_jumppad:
0x0: {  	(pc) =	sbr.rel $0x88, $3  }
0x1: {  	(tag) =	ssettag $0x0;
	lr =	simm.s32 $0x1  }
0x2: {  	[smem:$0x3F95] =	sst lr;
	_ =	strace $0xD0000000  }
0x3: {  	_ = 	snop  }
0x4: {  	_ = 	snop  }
0x5: {  	_ = 	snop  }
0x6: {  	_ = 	snop  }
0x7: {  	_ = 	snop  }
__scs_overlays_trampoline_lowered:
0x8: {  	[smem:$0x3FA4] =	sst s0  }
0x9: {  	[smem:$0x3FA5] =	sst s1  }
0xa: {  	[smem:$0x3FA6] =	sst s2  }
0xb: {  	[smem:$0x3FA7] =	sst s3  }
0xc: {  	[smem:$0x3FA8] =	sst s4  }
0xd: {  	[smem:$0x3FA9] =	sst s5  }
0xe: {  	[smem:$0x3FAA] =	sst s6  }
0xf: {  	[smem:$0x3FAB] =	sst s7  }
0x10: {  	[smem:$0x3FAC] =	sst s8  }
0x11: {  	[smem:$0x3FAD] =	sst s9;
	s0 =	simm.s32 @!p0 $0x0  }
0x12: {  	s1 =	sld [smem:$0x3F93];
	s0 =	simm.s32 @p0 $0x1  }
0x13: {  	[smem:$0x3FAE] =	sst s0;
	s0 =	simm.s32 @!p1 $0x0  }
0x14: {  	s2 =	sld [smem:$0x3F92];
	s0 =	simm.s32 @p1 $0x1  }
0x15: {  	[smem:$0x3FAF] =	sst s0;
	s0 =	simm.s32 @!p2 $0x0  }
0x16: {  	s3 =	sld [smem:$0x3FDB];
	s0 =	simm.s32 @p2 $0x1  }
0x17: {  	s4 =	simm.s32 $0x1BF5;
	[smem:$0x3FB1] =	sst s0  }
0x18: {  	s0 =	sld [smem:$0x3F94];
	_ =	swait.ge [sflag:s4], $0x0  }
0x19: {  	s7 =	sld [smem:$0x3F95]  }
0x1a: {  	s8 =	sadd.s32 $0xFFFFE003, lr  }
0x1b: {  	s9 =	sadd.s32 $0xFFFFFEF7, lr;
	s5 =	simm.s32 $0xFFFFFFFF;
	p2 =	slt.u32 s8, $0xFFFFF086  }
0x1c: {  	p1 =	slt.u32 s9, $0xF7A;
	s5 =	simm.s32 @!p2 $0x0  }
0x1d: {  	s5 =	simm.s32 @p1 $0x1;
	p0 =	seq.s32 s7, s2  }
0x1e: {  	s7 =	smul.u32 @!p0 $0xF7A, s2;
	p2 =	seq.s32 @!p0 s5, $0x0  }
0x1f: {  	s9 =	smul.u32 $0xF7A, s1;
	s8 =	simm.s32 @!p0 $0x1BF5;
	p2 =	por !p2, p0  }
0x20: {  	[sflag:s8] =	ssyncset.s32 @!p0 $0xFFFFF086;
	s6 =	sadd.s32 @!p0 s3, s7;
	s7 =	simm.s32 @!p0 $0x108  }
0x21: {  	s3 =	sadd.s32 s3, s9;
	s6 =	sadd.s32 @!p0 $0x88, s6;
	s7 =	simm.s32 @p2 $0x1082  }
0x22: {  	[simem:s7], [sflag:s8] =	dma.local @!p0 [hbm:s6], $0xF7A  }
0x23: {  	s9 =	sor.u32 $0xD0000000, s2;
	s6 =	simm.s32 $0x108;
	_ =	swait.ge @!p0 [sflag:s8], $0x0  }
0x24: {  	s3 =	sadd.s32 $0x88, s3;
	s6 =	simm.s32 @!p1 $0x1082;
	[sflag:s4] =	ssyncset.s32 $0xFFFFF086  }
0x25: {  	[simem:s6], [sflag:s4] =	dma.local [hbm:s3], $0xF7A  }
0x26: {  	[smem:$0x3F95] =	sst s1;
	(tag) =	ssettag s2;
	_ =	strace s9  }
0x27: {  	s1 =	sld [smem:$0x3FA5]  }
0x28: {  	s2 =	sld [smem:$0x3FA6]  }
0x29: {  	s4 =	sld [smem:$0x3FA8]  }
0x2a: {  	p0 =	seq.s32 s5, $0x0;
	s5 =	sld [smem:$0x3FA9]  }
0x2b: {  	s6 =	sld [smem:$0x3FAA]  }
0x2c: {  	s7 =	sld [smem:$0x3FAB]  }
0x2d: {  	s3 =	simm.s32 $0x108;
	s8 =	sld [smem:$0x3FAC]  }
0x2e: {  	s3 =	simm.s32 @!p0 $0x1082;
	s9 =	sld [smem:$0x3FAD]  }
0x2f: {  	lr =	sadd.s32 s0, s3;
	s0 =	sld [smem:$0x3FA4]  }
0x30: {  	s3 =	sld [smem:$0x3FA7]  }
0x31: {  	[smem:$0x3FB0] =	sst s10  }
0x32: {  	s10 =	sld [smem:$0x3FAE];
	_ =	sdelay $0x3  }
0x33: {  	p0 =	seq.s32 s10, $0x1;
	s10 =	sld [smem:$0x3FB0];
	_ =	sdelay $0x3  }
0x34: {  	[smem:$0x3FB0] =	sst s10  }
0x35: {  	s10 =	sld [smem:$0x3FAF];
	_ =	sdelay $0x3  }
0x36: {  	p1 =	seq.s32 s10, $0x1;
	s10 =	sld [smem:$0x3FB0];
	_ =	sdelay $0x3  }
0x37: {  	[smem:$0x3FB0] =	sst s10  }
0x38: {  	s10 =	sld [smem:$0x3FB1]  }
0x39: {  	_ = 	snop;
	(pc) =	sbr.ind lr, $3  }
0x3a: {  	_ = 	snop  }
0x3b: {  	_ = 	snop  }
0x3c: {  	p2 =	seq.s32 s10, $0x1;
	s10 =	sld [smem:$0x3FB0]  }
0x3d: {  	_ =	shalt  }
0x3e: {  	_ =	shalt  }
0x3f: {  	_ =	shalt  }
0x40: {  	_ =	shalt  }
0x41: {  	_ =	shalt  }
0x42: {  	_ =	shalt  }
0x43: {  	_ =	shalt  }
0x44: {  	_ =	shalt  }
0x45: {  	_ =	shalt  }
0x46: {  	_ =	shalt  }
0x47: {  	_ =	shalt  }
0x48: {  	_ =	shalt  }
0x49: {  	_ =	shalt  }
0x4a: {  	_ =	shalt  }
0x4b: {  	_ =	shalt  }
0x4c: {  	_ =	shalt  }
0x4d: {  	_ =	shalt  }
0x4e: {  	_ =	shalt  }
0x4f: {  	_ =	shalt  }
0x50: {  	_ =	shalt  }
0x51: {  	_ =	shalt  }
0x52: {  	_ =	shalt  }
0x53: {  	_ =	shalt  }
0x54: {  	_ =	shalt  }
0x55: {  	_ =	shalt  }
0x56: {  	_ =	shalt  }
0x57: {  	_ =	shalt  }
0x58: {  	_ =	shalt  }
0x59: {  	_ =	shalt  }
0x5a: {  	_ =	shalt  }
0x5b: {  	_ =	shalt  }
0x5c: {  	_ =	shalt  }
0x5d: {  	_ =	shalt  }
0x5e: {  	_ =	shalt  }
0x5f: {  	_ =	shalt  }
0x60: {  	_ =	shalt  }
0x61: {  	_ =	shalt  }
0x62: {  	_ =	shalt  }
0x63: {  	_ =	shalt  }
0x64: {  	_ =	shalt  }
0x65: {  	_ =	shalt  }
0x66: {  	_ =	shalt  }
0x67: {  	_ =	shalt  }
0x68: {  	_ =	shalt  }
0x69: {  	_ =	shalt  }
0x6a: {  	_ =	shalt  }
0x6b: {  	_ =	shalt  }
0x6c: {  	_ =	shalt  }
0x6d: {  	_ =	shalt  }
0x6e: {  	_ =	shalt  }
0x6f: {  	_ =	shalt  }
0x70: {  	_ =	shalt  }
0x71: {  	_ =	shalt  }
0x72: {  	_ =	shalt  }
0x73: {  	_ =	shalt  }
0x74: {  	_ =	shalt  }
0x75: {  	_ =	shalt  }
0x76: {  	_ =	shalt  }
0x77: {  	_ =	shalt  }
0x78: {  	_ =	shalt  }
0x79: {  	_ =	shalt  }
0x7a: {  	_ =	shalt  }
0x7b: {  	_ =	shalt  }
0x7c: {  	_ =	shalt  }
0x7d: {  	_ =	shalt  }
0x7e: {  	_ =	shalt  }
0x7f: {  	_ =	shalt  }
0x80: {  	_ =	shalt  }
0x81: {  	_ =	shalt  }
0x82: {  	_ =	shalt  }
0x83: {  	_ =	shalt  }
0x84: {  	_ =	shalt  }
0x85: {  	_ =	shalt  }
0x86: {  	_ =	shalt  }
0x87: {  	_ =	shalt  }
.Lfunc_end0:
.L_simem_size_0:
called_computation.3_lowered:
.L_overlay_start_0:
0x88: {  	s2 =	sld [smem:$0x3FD9]  }
0x89: {  	s3 =	sld [smem:$0x3FFE];
	_ =	sdelay $0x1  }
0x8a: {  	s1 =	srdreg.scid  }
0x8b: {  	s0 =	sand.u32 $0x1, s1  }
0x8c: {  	s17 =	sshll.u32 s0, $0xA;
	s2 =	sadd.s32 s3, s2  }
0x8d: {  	s2 =	sadd.s32 s2, s17  }
0x8e: {  	[smem:$0x3FBC] =	sst s2  }
0x8f: {  	_ = 	snop  }
0x90: {  	s2 =	sld [smem:$0x3FD0];
	(tm) =	ssettm $0x1  }
0x91: {  	s18 =	sld [smem:$0x3FFB];
	_ =	sdelay $0x3  }
0x92: {  	_ =	strace s18  }
0x93: {  	s3 =	sld [smem:$0x3FFC];
	_ =	sdelay $0x3  }
0x94: {  	_ =	strace s3  }
0x95: {  	s3 =	sld [smem:$0x3FFD];
	_ =	sdelay $0x3  }
0x96: {  	_ =	strace s3  }
0x97: {  	_ =	strace $0x8FFFFFFF  }
0x98: {  	s19 =	sld [smem:$0x3FDB];
	_ =	sdelay $0x1  }
0x99: {  	s4 =	simm.s32 $_scs_section_size  }
0x9a: {  	s5 =	simm.s32 $_size__tile_overlayer_lowered;
	s6 =	simm.s32 $_tile_overlayer_lowered  }
0x9b: {  	s22 =	simm.s32 $0x1BFF;
	s21 =	sshll.u32 s6, $0x1;
	s3 =	sadd.s32 s4, s19  }
0x9c: {  	s7 =	simm.s32 $0x0;
	s20 =	sshll.u32 s5, $0x1;
	s5 =	sadd.s32 s21, s3  }
0x9d: {  	[timem:s7], [sflag:s22] =	dma.local [hbm:s5], s20  }
0x9e: {  	_ =	swait.ge [sflag:s22], s20  }
0x9f: {  	s4 =	ssub.s32 $0x0, s20;
	[sflag:s22] =	ssyncset.done $0x0  }
0xa0: {  	[sflag:s22] =	ssyncadd.s32 s4;
	_ =	sdelay $0x1  }
0xa1: {  	s23 =	simm.s32 $0x1B8B  }
0xa2: {  	_ =	swait.ge [sflag:s23], $0x1  }
0xa3: {  	[sflag:s23] =	ssyncset.done $0x0  }
0xa4: {  	s25 =	simm.s32 $0x1B8E;
	s24 =	sld [smem:$0x3FFE];
	[sflag:s23] =	ssyncadd.s32 $0xFFFFFFFF  }
0xa5: {  	s26 =	simm.s32 $execute0_lowered;
	[smem:$0x3FD2] =	sst s25  }
0xa6: {  	s5 =	sshll.u32 s26, $0x1;
	_ =	strace $0x8000004F;
	[dreg:$0x1] =	wrdreg $0xFFFFFFFF  }
0xa7: {  	s28 =	simm.s32 $_size_execute0_lowered;
	s3 =	sadd.s32 s3, s5;
	[dreg:$0x0] =	wrdreg $0x0  }
0xa8: {  	s5 =	sshll.u32 s28, $0x1;
	[dreg:$0x2] =	wrdreg s3  }
0xa9: {  	[dreg:$0x3] =	wrdreg s5  }
0xaa: {  	[dreg:$0x4] =	wrdreg $0xC0  }
0xab: {  	_ =	task [dreg:s7], $0x5FFFF  }
0xac: {  	[dreg:$0x1] =	wrdreg $0xFFFFFFFF  }
0xad: {  	[dreg:$0x0] =	wrdreg $0x60  }
0xae: {  	[dreg:$0x2] =	wrdreg s24  }
0xaf: {  	[dreg:$0x3] =	wrdreg s2  }
0xb0: {  	[dreg:$0x4] =	wrdreg $0xD0000  }
0xb1: {  	[dreg:$0x5] =	wrdreg $0x9  }
0xb2: {  	_ =	task.clear_ibuf [dreg:s7], $0x6FFFF;
	_ =	strace $0x9000004F  }
0xb3: {  	s29 =	simm.s32 $0x9;
	_ =	strace $0x80000051  }
0xb4: {  	_ =	swait.ge [sflag:s29], $0x1  }
0xb5: {  	[sflag:s29] =	ssyncadd.s32 $0xFFFFFFFF  }
0xb6: {  	_ =	strace $0x90000051  }
0xb7: {  	_ =	sfence  }
0xb8: {  	s30 =	sld [smem:$0x0];
	_ =	sdelay $0x2  }
0xb9: {  	s31 =	sshll.u32 s1, $0xD;
	s1 =	sshrl.u32 s1, $0x2  }
0xba: {  	s3 =	sand.u32 $0x4000, s31;
	s1 =	sadd.s32 s1, s30  }
0xbb: {  	s0 =	sor.u32 s3, s0;
	s1 =	sshll.u32 s1, $0x11  }
0xbc: {  	s0 =	sor.u32 s1, s0  }
0xbd: {  	s0 =	sadd.s32 $0x8F2B, s0  }
0xbe: {  	[sflag:s0] =	ssyncadd.remote.s32 $0x1  }
0xbf: {  	_ =	sfence.sel $0xFFFF  }
0xc0: {  	[dreg:$0x0] =	wrdreg $0xFFFFFFFF;
	(pc) =	sbr.abs _section_cstart, $3  }
0xc1: {  	[dreg:$0x1] =	wrdreg $0xFFFFFFFF  }
0xc2: {  	_ =	task.clear_ibuf [dreg:s7], $0x2FFFF;
	_ =	strace $0x9FFFFFFF  }
0xc3: {  	(tm) =	ssettm $0x7FFFFFFF  }
tec
execute0_lowered:
.L_overlay_start_1:
0x0: {  	(tag) =	ssettag $0x1  }
0x1: {  	s6 =	rddreg [dreg:$0x0]  }
0x2: {  	s8 =	rddreg [dreg:$0x1]  }
0x3: {  	s2 =	rddreg [dreg:$0x2]  }
0x4: {  	s3 =	srdreg.scid;
	s0 =	stileid.u32  }
0x5: {  	s16 =	simm.s32 $0x80;
	s17 =	simm.s32 $0x5000;
	s18 =	simm.s32 $0x7000  }
0x6: {  	s20 =	simm.s32 $0x9000;
	s21 =	simm.s32 $0x180;
	s22 =	simm.s32 $0xB000  }
0x7: {  	s23 =	simm.s32 $0x1;
	s24 =	simm.s32 $0x2;
	s28 =	simm.s32 $0x0  }
0x8: {  	s7 =	sand.u32 $0x1, s3;
	s9 =	smul.u32 $0x9E00, s0;
	s4 =	sshll.u32 s0, $0x1  }
0x9: {  	s3 =	simm.s32 $0x0;
	s5 =	sadd.s32 $0x3000, s6;
	s14 =	sshll.u32 s0, $0x6  }
0xa: {  	s10 =	smul.u32 $0x9E000, s7;
	s11 =	sor.u32 s7, s4;
	[smem:$0x7FF] =	sst s3  }
0xb: {  	s4 =	sadd.s32 $0x5C600, s6;
	s7 =	ssub.s32 $0x2, s7;
	s12 =	smul.u32 $0x50, s11  }
0xc: {  	s14 =	sor.u32 $0x1C05, s14;
	_ =	strace $0x80000050;
	s13 =	smul.u32 $0x4C, s11  }
0xd: {  	p0 =	slt.u32 s11, $0xF;
	s25 =	sshrl.u32 s7, $0x1;
	s15 =	sadd.s32 s9, s2  }
0xe: {  	s10 =	sadd.s32 s9, s10;
	s15 =	sshrl.u32 s15, $0x3;
	s11 =	sadd.s32 $0xFFFFFFC4, s12  }
0xf: {  	s10 =	sshrl.u32 s10, $0x3;
	s12 =	ssub.s32 s7, s25;
	s25 =	simm.s32 $0x3  }
0x10: {  	s11 =	smov.u32 @p0 s13;
	s10 =	sadd.s32 s10, s6;
	s6 =	simm.s32 $0x4C  }
0x11: {  	s11 =	sshll.u32 s11, $0x7;
	s6 =	simm.s32 @!p0 $0x50;
	s9 =	sadd.s32 $0x70000, s10  }
0x12: {  	s10 =	smax.u32 s12, $0x1;
	s12 =	simm.s32 $0x5;
	s26 =	sadd.s32 $0x4E200, s11  }
0x13: {  	s11 =	sshrl.u32 s11, $0x3;
	s30 =	sshll.u32 s6, $0x9;
	s29 =	sshrl.u32 s26, $0x3  }
0x14: {  	s7 =	sadd.s32 s8, s11;
	s11 =	sadd.s32 $0xFFFFFFF9, s6;
	s31 =	sadd.s32 $0xFFFFF800, s30  }
0x15: {  	s26 =	simm.s32 $0x4;
	s8 =	sadd.s32 s8, s29;
	[dreg:$0x4] =	wrdreg s31  }
.LBB2_1:
0x16: {  	[tilespmem:s3], [sflag:$0x5] =	stream.linear.gather [hbm4b:s7+s3], $0x2800, $0x38;
	[tilespmem:$0x16E00] =	vst v63  }
0x17: {  	_ =	swait.ge [sflag:s12], $0x2800  }
0x18: {  	[sflag:s12] =	ssyncset.done $0x0  }
0x19: {  	s0 =	simm.s32 $0x2800;
	[sflag:s12] =	ssyncadd.s32 $0xFFFFD800  }
0x1a: {  	[tilespmem:s0], [sflag:$0x5] =	stream.linear.gather [hbm4b:s8+s3], $0x2800, $0x38;
	[tilespmem:$0x16E00] =	vst v63  }
0x1b: {  	_ =	swait.ge [sflag:s12], $0x2800  }
0x1c: {  	[sflag:s12] =	ssyncset.done $0x0  }
0x1d: {  	[sflag:s12] =	ssyncadd.s32 $0xFFFFD800  }
0x1e: {  	[spmem:s15], [sflag:s14] =	dma.local [hbm:s5], $0x13C0  }
0x1f: {  	_ =	swait.ge [sflag:s12], $0x13C0  }
0x20: {  	[sflag:s12] =	ssyncset.done $0x0  }
0x21: {  	[sflag:s12] =	ssyncadd.s32 $0xFFFFEC40  }
0x22: {  	[bflag:$0x0] =	sbarrier.arrive $0xFFFF  }
0x23: {  	[tilespmem:s17], [sflag:$0x1] =	stream.indirect.gather [hbm4b:s4+s16], $0x40, s3, s16, $0xb8;
	[tilespmem:$0x16E00] =	vst v63  }
0x24: {  	_ = 	snop  }
0x25: {  	[tilespmem:s18], [sflag:$0x2] =	stream.indirect.gather [hbm4b:s4+s16], $0x40, s16, s16, $0xb8;
	[tilespmem:$0x16E00] =	vst v63  }
0x26: {  	s31 =	simm.s32 $0x100  }
0x27: {  	[tilespmem:s20], [sflag:$0x3] =	stream.indirect.gather [hbm4b:s4+s16], $0x40, s31, s16, $0xb8;
	[tilespmem:$0x16E00] =	vst v63  }
0x28: {  	s1 =	simm.s32 $0x0;
	s30 =	simm.s32 $0x0  }
0x29: {  	[tilespmem:s22], [sflag:$0x4] =	stream.indirect.gather [hbm4b:s4+s16], $0x40, s21, s16, $0xb8;
	[tilespmem:$0x16E00] =	vst v63  }
.LBB2_2:
0x2a: {  	_ =	swait.ge [sflag:s23], $0x2000  }
0x2b: {  	s31 =	sshra.s32 s30, $0x2;
	s29 =	smov.u32 s1;
	[sflag:s23] =	ssyncset.done $0x0  }
0x2c: {  	s1 =	sadd.s32 $0x4, s1;
	s0 =	sadd.s32 $0x2800, s31;
	[sflag:s23] =	ssyncadd.s32 $0xFFFFE000  }
0x2d: {  	[spmem:s2] =	stream.indirect.scatter.add.f32 [tilespmem:s17], [sflag:$0x5], $0x40, s0, s16, $0xb8;
	[tilespmem:$0x16E00] =	vst v63  }
0x2e: {  	p0 =	sge.u32 s1, s6;
	_ =	swait.ge [sflag:s12], $0x2000  }
0x2f: {  	s13 =	simm.s32 @!p0 $0x80;
	s0 =	sshra.s32 @!p0 s30, $0x2;
	[sflag:s12] =	ssyncset.done $0x0  }
0x30: {  	s19 =	simm.s32 @!p0 $0x5000;
	s0 =	sadd.s32 @!p0 $0x200, s0;
	[sflag:s12] =	ssyncadd.s32 $0xFFFFE000  }
0x31: {  	[tilespmem:s19], [sflag:$0x1] =	stream.indirect.gather @!p0 [hbm4b:s4+s13], $0x40, s0, s13, $0xb8;
	[tilespmem:$0x16E00] =	vst v63  }
0x32: {  	_ =	swait.ge [sflag:s24], $0x2000  }
0x33: {  	[sflag:s24] =	ssyncset.done $0x0  }
0x34: {  	s19 =	sadd.s32 $0x2880, s31;
	s13 =	sadd.s32 $0x5, s29;
	[sflag:s24] =	ssyncadd.s32 $0xFFFFE000  }
0x35: {  	[spmem:s2] =	stream.indirect.scatter.add.f32 [tilespmem:s18], [sflag:$0x5], $0x40, s19, s16, $0xb8;
	[tilespmem:$0x16E00] =	vst v63  }
0x36: {  	p0 =	sge.u32 s13, s6;
	_ =	swait.ge [sflag:s12], $0x2000  }
0x37: {  	s0 =	sshra.s32 @!p0 s30, $0x2;
	s13 =	simm.s32 @!p0 $0x80;
	[sflag:s12] =	ssyncset.done $0x0  }
0x38: {  	s0 =	sadd.s32 @!p0 $0x280, s0;
	s19 =	simm.s32 @!p0 $0x7000;
	[sflag:s12] =	ssyncadd.s32 $0xFFFFE000  }
0x39: {  	[tilespmem:s19], [sflag:$0x2] =	stream.indirect.gather @!p0 [hbm4b:s4+s13], $0x40, s0, s13, $0xb8;
	[tilespmem:$0x16E00] =	vst v63  }
0x3a: {  	_ =	swait.ge [sflag:s25], $0x2000  }
0x3b: {  	[sflag:s25] =	ssyncset.done $0x0  }
0x3c: {  	s19 =	sadd.s32 $0x2900, s31;
	s13 =	sadd.s32 $0x6, s29;
	[sflag:s25] =	ssyncadd.s32 $0xFFFFE000  }
0x3d: {  	[spmem:s2] =	stream.indirect.scatter.add.f32 [tilespmem:s20], [sflag:$0x5], $0x40, s19, s16, $0xb8;
	[tilespmem:$0x16E00] =	vst v63  }
0x3e: {  	p0 =	sge.u32 s13, s6;
	_ =	swait.ge [sflag:s12], $0x2000  }
0x3f: {  	s0 =	sshra.s32 @!p0 s30, $0x2;
	s13 =	simm.s32 @!p0 $0x80;
	[sflag:s12] =	ssyncset.done $0x0  }
0x40: {  	s0 =	sadd.s32 @!p0 $0x300, s0;
	s19 =	simm.s32 @!p0 $0x9000;
	[sflag:s12] =	ssyncadd.s32 $0xFFFFE000  }
0x41: {  	[tilespmem:s19], [sflag:$0x3] =	stream.indirect.gather @!p0 [hbm4b:s4+s13], $0x40, s0, s13, $0xb8;
	[tilespmem:$0x16E00] =	vst v63  }
0x42: {  	_ =	swait.ge [sflag:s26], $0x2000  }
0x43: {  	s29 =	sadd.s32 $0x7, s29;
	[sflag:s26] =	ssyncset.done $0x0  }
0x44: {  	s19 =	sadd.s32 $0x2980, s31;
	p0 =	sge.u32 s29, s6;
	[sflag:s26] =	ssyncadd.s32 $0xFFFFE000  }
0x45: {  	[spmem:s2] =	stream.indirect.scatter.add.f32 [tilespmem:s22], [sflag:$0x5], $0x40, s19, s16, $0xb8;
	[tilespmem:$0x16E00] =	vst v63  }
0x46: {  	s0 =	sshra.s32 @!p0 s30, $0x2;
	s13 =	simm.s32 @!p0 $0x80;
	_ =	swait.ge [sflag:s12], $0x2000  }
0x47: {  	s30 =	sadd.s32 $0x800, s30;
	s0 =	sadd.s32 @!p0 $0x380, s0;
	[sflag:s12] =	ssyncset.done $0x0  }
0x48: {  	s19 =	simm.s32 @!p0 $0xB000;
	s31 =	rddreg [dreg:$0x4];
	[sflag:s12] =	ssyncadd.s32 $0xFFFFE000  }
0x49: {  	[tilespmem:s19], [sflag:$0x4] =	stream.indirect.gather @!p0 [hbm4b:s4+s13], $0x40, s0, s13, $0xb8;
	[tilespmem:$0x16E00] =	vst v63  }
0x4a: {  	p0 =	sne.s32 s31, s30  }
.Ltmp0:
0x4b: {  	_ = 	snop;
	(pc) =	sbr.rel @p0 .LBB2_2-.Ltmp0, $1  }
0x4c: {  	_ =	sdelay $0x3  }
0x4d: {  	_ =	swait.ge [sflag:s23], $0x2000  }
0x4e: {  	s0 =	sshra.s32 s30, $0x2;
	[sflag:s23] =	ssyncset.done $0x0  }
0x4f: {  	s29 =	sadd.s32 $0x4, s1;
	s13 =	sadd.s32 $0x2800, s0;
	[sflag:s23] =	ssyncadd.s32 $0xFFFFE000  }
0x50: {  	[spmem:s2] =	stream.indirect.scatter.add.f32 [tilespmem:s17], [sflag:$0x5], $0x40, s13, s16, $0xb8;
	[tilespmem:$0x16E00] =	vst v63  }
0x51: {  	p0 =	sge.u32 s29, s6;
	_ =	swait.ge [sflag:s12], $0x2000  }
0x52: {  	s19 =	simm.s32 @!p0 $0x80;
	s13 =	sshra.s32 @!p0 s30, $0x2;
	[sflag:s12] =	ssyncset.done $0x0  }
0x53: {  	s29 =	simm.s32 @!p0 $0x5000;
	s13 =	sadd.s32 @!p0 $0x200, s13;
	[sflag:s12] =	ssyncadd.s32 $0xFFFFE000  }
0x54: {  	[tilespmem:s29], [sflag:$0x1] =	stream.indirect.gather @!p0 [hbm4b:s4+s19], $0x40, s13, s19, $0xb8;
	[tilespmem:$0x16E00] =	vst v63  }
0x55: {  	_ =	swait.ge [sflag:s24], $0x2000  }
0x56: {  	[sflag:s24] =	ssyncset.done $0x0  }
0x57: {  	s31 =	sadd.s32 $0x2880, s0;
	s19 =	sadd.s32 $0x5, s1;
	[sflag:s24] =	ssyncadd.s32 $0xFFFFE000  }
0x58: {  	[spmem:s2] =	stream.indirect.scatter.add.f32 [tilespmem:s18], [sflag:$0x5], $0x40, s31, s16, $0xb8;
	[tilespmem:$0x16E00] =	vst v63  }
0x59: {  	p0 =	sge.u32 s19, s6;
	_ =	swait.ge [sflag:s12], $0x2000  }
0x5a: {  	s13 =	sshra.s32 @!p0 s30, $0x2;
	s19 =	simm.s32 @!p0 $0x80;
	[sflag:s12] =	ssyncset.done $0x0  }
0x5b: {  	s29 =	simm.s32 @!p0 $0x7000;
	s13 =	sadd.s32 @!p0 $0x280, s13;
	[sflag:s12] =	ssyncadd.s32 $0xFFFFE000  }
0x5c: {  	[tilespmem:s29], [sflag:$0x2] =	stream.indirect.gather @!p0 [hbm4b:s4+s19], $0x40, s13, s19, $0xb8;
	[tilespmem:$0x16E00] =	vst v63  }
0x5d: {  	_ =	swait.ge [sflag:s25], $0x2000  }
0x5e: {  	[sflag:s25] =	ssyncset.done $0x0  }
0x5f: {  	s31 =	sadd.s32 $0x6, s1;
	s29 =	sadd.s32 $0x2900, s0;
	[sflag:s25] =	ssyncadd.s32 $0xFFFFE000  }
0x60: {  	[spmem:s2] =	stream.indirect.scatter.add.f32 [tilespmem:s20], [sflag:$0x5], $0x40, s29, s16, $0xb8;
	[tilespmem:$0x16E00] =	vst v63  }
0x61: {  	p0 =	sge.u32 s31, s6;
	_ =	swait.ge [sflag:s12], $0x2000  }
0x62: {  	s13 =	sshra.s32 @!p0 s30, $0x2;
	s19 =	simm.s32 @!p0 $0x80;
	[sflag:s12] =	ssyncset.done $0x0  }
0x63: {  	s13 =	sadd.s32 @!p0 $0x300, s13;
	s29 =	simm.s32 @!p0 $0x9000;
	[sflag:s12] =	ssyncadd.s32 $0xFFFFE000  }
0x64: {  	[tilespmem:s29], [sflag:$0x3] =	stream.indirect.gather @!p0 [hbm4b:s4+s19], $0x40, s13, s19, $0xb8;
	[tilespmem:$0x16E00] =	vst v63  }
0x65: {  	_ =	swait.ge [sflag:s26], $0x2000  }
0x66: {  	[sflag:s26] =	ssyncset.done $0x0  }
0x67: {  	s0 =	sadd.s32 $0x2980, s0;
	[sflag:s26] =	ssyncadd.s32 $0xFFFFE000  }
0x68: {  	[spmem:s2] =	stream.indirect.scatter.add.f32 [tilespmem:s22], [sflag:$0x5], $0x40, s0, s16, $0xb8;
	[tilespmem:$0x16E00] =	vst v63  }
0x69: {  	p0 =	sge.u32 s1, s11;
	_ =	swait.ge [sflag:s12], $0x2000  }
0x6a: {  	s28 =	sadd.s32 $0x1, s28;
	s1 =	simm.s32 @!p0 $0x2780;
	[sflag:s12] =	ssyncset.done $0x0  }
0x6b: {  	s13 =	simm.s32 @!p0 $0xB000;
	s0 =	simm.s32 @!p0 $0x80;
	[sflag:s12] =	ssyncadd.s32 $0xFFFFE000  }
0x6c: {  	[tilespmem:s13], [sflag:$0x4] =	stream.indirect.gather @!p0 [hbm4b:s4+s0], $0x40, s1, s0, $0xb8;
	[tilespmem:$0x16E00] =	vst v63  }
0x6d: {  	p0 =	sne.s32 s28, s10  }
.Ltmp1:
0x6e: {  	[bflag:$0x0] =	sbarrier.arrive $0xFFFF;
	(pc) =	sbr.rel @p0 .LBB2_1-.Ltmp1, $4  }
0x6f: {  	[hbm:s9], [sflag:s14] =	dma.local [spmem:s15], $0x13C0  }
0x70: {  	_ =	swait.ge [sflag:s12], $0x13C0  }
0x71: {  	[sflag:s12] =	ssyncset.done $0x0  }
0x72: {  	[sflag:s12] =	ssyncadd.s32 $0xFFFFEC40  }
0x73: {  	_ =	sfence.sel $0x180000  }
0x74: {  	[bflag:$0x0] =	sbarrier.arrive $0xFFFF  }
0x75: {  	_ =	strace $0x90000050  }
0x76: {  	s0 =	stileid.u32;
	[bflag:$0x2] =	sbarrier.arrive $0xFFFF  }
0x77: {  	p0 =	sne.s32 s0, $0x0;
	s0 =	rddreg [dreg:$0x3]  }
0x78: {  	s0 =	sadd.s32 @!p0 $0x100000, s0  }
0x79: {  	[sflag:s0] =	ssyncadd.tile.s32 @!p0 $0x1;
	_ =	shalt  }
.Lfunc_end2:
_tile_overlayer_lowered:
.L_overlay_start_2:
0x7a: {  	(tag) =	ssettag $0x2  }
0x7b: {  	s0 =	rddreg [dreg:$0x0];
	s2 =	stileid.u32  }
0x7c: {  	s1 =	rddreg [dreg:$0x1];
	p0 =	sne.s32 s2, $0x0  }
0x7d: {  	s3 =	rddreg [dreg:$0x2];
	[bflag:$0x3] =	sbarrier.arrive $0xFFFF;
	s2 =	simm.s32 @!p0 $0x1C05  }
0x7e: {  	[timem:s3], [sflag:s2] =	dma.local @!p0 [hbm:s0], s1  }
0x7f: {  	s0 =	simm.s32 @!p0 $0x5  }
0x80: {  	_ =	swait.ge @!p0 [sflag:s0], s1  }
0x81: {  	s1 =	ssub.s32 @!p0 $0x0, s1;
	[sflag:s0] =	ssyncset.done @!p0 $0x0  }
0x82: {  	[sflag:s0] =	ssyncadd.s32 @!p0 s1  }
0x83: {  	[bflag:$0x3] =	sbarrier.arrive $0xFFFF  }
0x84: {  	_ =	shalt  }

</sc_bundles>
